<compile_context>
chip_gen: v7x
topology: tpu7x:2x2x1
jax: 0.10.2.dev20260603
libtpu: 0.0.44.dev20260713+nightly
codegen_flags: <defaults>
</compile_context>

<pallas_src>
import dataclasses
import functools

import jax
import jax.numpy as jnp
from jax import lax
from jax.experimental import pallas as pl
from jax.experimental.pallas import tpu as pltpu
from jax.experimental.pallas import tpu_sc as plsc

RES = 100000
NUM_MOVING = 1500000
NUM_STILL = 500000
NUM_TRAIN_SAMPLES = 10000

R_ROWS = 8
R_COLS = 12544
BINS_PAD = R_ROWS * R_COLS

NC = 2
NS = 16
NW = NC * NS
LANES = 16

BLK = 3584

W_MOV = 1.0 / float(NUM_MOVING)
W_STL = 1.0 / float(NUM_STILL)


def _sc_hist_fn(n):
    c0 = (n // (NW * LANES)) * LANES
    tail = n - NW * c0
    nblk_full = c0 // BLK
    part = c0 - nblk_full * BLK

    mesh = plsc.VectorSubcoreMesh(core_axis_name="c", subcore_axis_name="s")

    cp = pltpu.CompilerParams()
    if "needs_layout_passes" in pltpu.CompilerParams.__dataclass_fields__:
        cp = dataclasses.replace(cp, needs_layout_passes=False)

    @functools.partial(
        pl.kernel,
        compiler_params=cp,
        out_type=jax.ShapeDtypeStruct((NW, R_ROWS, R_COLS), jnp.float32),
        mesh=mesh,
        scratch_types=(
            [pltpu.VMEM((BINS_PAD,), jnp.float32)]
            + [pltpu.VMEM((BLK,), jnp.float32) for _ in range(8)]
            + [pltpu.SemaphoreType.DMA, pltpu.SemaphoreType.DMA]
        ),
    )
    def sc_hist(stat_hbm, dyn_hbm, maskf_hbm, score_hbm, out_hbm,
                hist, bs0, bd0, bm0, bq0, bs1, bd1, bm1, bq1, sem0, sem1):
        wid = lax.axis_index("c") * NS + lax.axis_index("s")
        sems = (sem0, sem1)
        srcs = (stat_hbm, dyn_hbm, maskf_hbm, score_hbm)
        bufsets = ((bs0, bd0, bm0, bq0), (bs1, bd1, bm1, bq1))

        def issue(slot, base, cnt):
            return [pltpu.async_copy(src.at[pl.ds(base, cnt)],
                                     (buf if cnt == BLK else buf.at[pl.ds(0, cnt)]),
                                     sems[slot])
                    for src, buf in zip(srcs, bufsets[slot])]

        def compute(slot, cnt):
            bs, bd, bm, bq = bufsets[slot]

            @plsc.parallel_loop(0, cnt, step=LANES, unroll=2)
            def _vecs(i):
                sl = pl.ds(i, LANES)
                diff = bs[sl] - bd[sl]
                w = jnp.where(bm[sl] > 0.5, jnp.float32(W_MOV), jnp.float32(W_STL))
                impr = diff * w
                idx = (bq[sl] * 100000.0).astype(jnp.int32)
                idx = jnp.minimum(idx, RES - 1)
                plsc.addupdate_scatter(hist, [idx], impr)

        items = [(b * BLK, BLK) for b in range(nblk_full)]
        if part > 0:
            items.append((nblk_full * BLK, part))

        base0 = wid * c0
        cps = issue(0, base0 + items[0][0], items[0][1])

        @plsc.parallel_loop(0, BINS_PAD, step=8 * LANES, unroll=2)
        def _zero(i):
            for t in range(8):
                hist[pl.ds(i + t * LANES, LANES)] = jnp.zeros((LANES,), jnp.float32)

        for j in range(len(items)):
            slot = j % 2
            nxt = j + 1
            if nxt < len(items):
                pre = issue(nxt % 2, base0 + items[nxt][0], items[nxt][1])
            for c in cps:
                c.wait()
            compute(slot, items[j][1])
            if nxt < len(items):
                cps = pre

        if tail > 0:
            @pl.when(wid == NW - 1)
            def _tail():
                tcp = issue(0, NW * c0, tail)
                for c in tcp:
                    c.wait()
                compute(0, tail)

        dumps = [pltpu.async_copy(hist.at[pl.ds(r * R_COLS, R_COLS)],
                                  out_hbm.at[wid, r], sem0)
                 for r in range(R_ROWS)]
        for d in dumps:
            d.wait()

    return sc_hist


def _post_body(x_ref, o_ref, *, scale):
    h = jnp.sum(x_ref[...], axis=0)
    m = h * scale

    lane = lax.broadcasted_iota(jnp.int32, (R_ROWS, R_COLS), 1)
    row = lax.broadcasted_iota(jnp.int32, (R_ROWS, R_COLS), 0)

    c = m
    k = 1
    while k < R_COLS:
        shifted = pltpu.roll(c, k, 1)
        c = c + jnp.where(lane >= k, shifted, 0.0)
        k *= 2

    rs = c[:, R_COLS - 1:R_COLS]
    rowi = lax.broadcasted_iota(jnp.int32, (R_ROWS, 1), 0)
    rc = rs
    for k in (1, 2, 4):
        shifted = pltpu.roll(rc, k, 0)
        rc = rc + jnp.where(rowi >= k, shifted, 0.0)

    prefix = c + (rc - rs)

    flat = lane + R_COLS * row
    valid = flat < RES
    pmin = jnp.min(jnp.where(valid, prefix, jnp.inf))
    best = jnp.minimum(pmin, 0.0)

    is_best = jnp.logical_and(valid, prefix == best)
    cnt = jnp.sum(is_best.astype(jnp.float32)) + jnp.where(
        best == 0.0, jnp.float32(1.0), jnp.float32(0.0))
    sidx = jnp.sum(jnp.where(is_best, (flat + 1).astype(jnp.float32), 0.0))
    o_ref[0, 0] = sidx / cnt / 100000.0


def _tc_post(x, scale, interpret=False):
    return pl.pallas_call(
        functools.partial(_post_body, scale=scale),
        out_shape=jax.ShapeDtypeStruct((1, 1), jnp.float32),
        out_specs=pl.BlockSpec(memory_space=pltpu.SMEM),
        interpret=interpret,
    )(x)


def kernel(epes_stat_flow, epes_dyn_flow, moving_mask, dynamicness_scores,
           summaries=0, training=True):
    n = epes_stat_flow.shape[0]
    total = NUM_MOVING + NUM_STILL
    avg_points_per_sample = total / NUM_TRAIN_SAMPLES
    update_weight = 1.0 / min(2.0 * total, 5000.0 * avg_points_per_sample)
    cur_update_weight = (1.0 - update_weight) ** float(n)
    scale = 1.0 - cur_update_weight

    maskf = moving_mask.astype(jnp.float32)
    x = _sc_hist_fn(n)(epes_stat_flow, epes_dyn_flow, maskf,
                       dynamicness_scores)
    out = _tc_post(x, scale)
    return out.reshape((1,))

# --- scband reference (transcript-rebuilt; emitter-appended) ---
"""Pipeline reference for scband-moving-average-threshold-1451698946367 (READ-ONLY COPY).

The authoritative reference and input builder live on the scoring server;
editing this copy changes nothing except your own understanding.
"""

import jax, jax.numpy as jnp
import numpy as np

N = 2000000
RESOLUTION = 100000
NUM_MOVING = 1500000
NUM_STILL = 500000
NUM_TRAIN_SAMPLES = 10000
VR0, VR1 = 0.0, 1.0
START_VALUE = 0.5


def setup_inputs(seed: int = 0) -> dict:
    key = jax.random.key(seed)
    k1, k2, k3, k4 = jax.random.split(key, 4)
    epes_stat_flow = jax.random.uniform(k1, (N,), dtype=jnp.float32)
    epes_dyn_flow = jax.random.uniform(k2, (N,), dtype=jnp.float32)
    dynamicness_scores = jax.random.uniform(k3, (N,), dtype=jnp.float32)
    moving_mask = jax.random.randint(k4, (N,), 0, 2).astype(jnp.bool_)
    return {
        "epes_stat_flow": epes_stat_flow,
        "epes_dyn_flow": epes_dyn_flow,
        "moving_mask": moving_mask,
        "dynamicness_scores": dynamicness_scores,
        "summaries": 0,
        "training": True,
    }


def reference(epes_stat_flow, epes_dyn_flow, moving_mask, dynamicness_scores, summaries=0, training=True):
    # faithful translation of MovingAverageThreshold.update(..., training=True)
    total = NUM_MOVING + NUM_STILL
    avg_points_per_sample = total / NUM_TRAIN_SAMPLES
    update_weight = 1.0 / min(2.0 * total, 5000.0 * avg_points_per_sample)

    # _compute_improvements (supervised branch): per-point weight from class counters
    improvement_weight = 1.0 / jnp.where(
        moving_mask,
        jnp.float32(NUM_MOVING),
        jnp.float32(NUM_STILL),
    )
    improvements = (epes_stat_flow - epes_dyn_flow) * improvement_weight

    # _compute_bin_idxs: int cast truncates (== floor for non-negative scores)
    idxs = (RESOLUTION * (dynamicness_scores - VR0) / VR1).astype(jnp.int32)
    idxs = jnp.minimum(idxs, RESOLUTION - 1)

    # histogram scatter-add of improvements into resolution bins
    cur_result = jnp.zeros((RESOLUTION,), dtype=jnp.float32).at[idxs].add(improvements)

    # _update_values with cur_weight = number of points, starting from zero state
    cur_weight = epes_stat_flow.shape[0]
    cur_update_weight = (1.0 - update_weight) ** float(cur_weight)
    moving_average_importance = (1.0 - cur_update_weight) * cur_result
    bias_counter = jnp.zeros((1,), dtype=jnp.float32) * cur_update_weight + (1.0 - cur_update_weight)

    # _compute_optimal_score_threshold
    improv_over_thresh = jnp.concatenate(
        [jnp.zeros((1,), dtype=jnp.float32), jnp.cumsum(moving_average_importance)], axis=0
    )
    best_improv = jnp.min(improv_over_thresh)
    is_best = (improv_over_thresh == best_improv)
    idx_range = jnp.arange(RESOLUTION + 1, dtype=jnp.float32)
    avg_optimal_idx = jnp.sum(jnp.where(is_best, idx_range, 0.0)) / jnp.sum(is_best).astype(jnp.float32)
    optimal_score_threshold = VR0 + avg_optimal_idx * VR1 / RESOLUTION

    # value(): where(bias_counter > 0, optimal, start_value)
    return jnp.where(bias_counter > 0.0, optimal_score_threshold, jnp.float32(START_VALUE))

if __name__ == "__main__":
    import jax
    _d = setup_inputs()
    print(jax.jit(kernel)(*tuple(_d.values())))

</pallas_src>

<mosaic_0001>
#map = affine_map<(d0, d1) -> (0)>
#map1 = affine_map<(d0, d1) -> (0, 0, 0)>
module attributes {stable_mosaic.version = 14 : i64} {
  func.func @sc_hist(%arg0: i32, %arg1: i32, %arg2: memref<2000000xf32, #tpu.memory_space<hbm>>, %arg3: memref<2000000xf32, #tpu.memory_space<hbm>>, %arg4: memref<2000000xf32, #tpu.memory_space<hbm>>, %arg5: memref<2000000xf32, #tpu.memory_space<hbm>>, %arg6: memref<32x8x12544xf32, #tpu.memory_space<hbm>>, %arg7: memref<100352xf32, #tpu.memory_space<vmem>>, %arg8: memref<3584xf32, #tpu.memory_space<vmem>>, %arg9: memref<3584xf32, #tpu.memory_space<vmem>>, %arg10: memref<3584xf32, #tpu.memory_space<vmem>>, %arg11: memref<3584xf32, #tpu.memory_space<vmem>>, %arg12: memref<3584xf32, #tpu.memory_space<vmem>>, %arg13: memref<3584xf32, #tpu.memory_space<vmem>>, %arg14: memref<3584xf32, #tpu.memory_space<vmem>>, %arg15: memref<3584xf32, #tpu.memory_space<vmem>>, %arg16: memref<!tpu.dma_semaphore, #tpu.memory_space<semaphore_mem>>, %arg17: memref<!tpu.dma_semaphore, #tpu.memory_space<semaphore_mem>>) attributes {dimension_semantics = [#tpu.dimension_semantics<core_parallel>, #tpu.dimension_semantics<subcore_parallel>], iteration_bounds = array<i64: 2, 16>, scalar_prefetch = 0 : i64, scratch_operands = 11 : i64, tpu.core_type = #tpu.core_type<sc_vector_subcore>, window_params = [{transform_indices = #map}, {transform_indices = #map}, {transform_indices = #map}, {transform_indices = #map}, {transform_indices = #map1}]} {
    %mul3A = arith.constant 16 : i32
    %mul3A_0 = arith.muli %arg0, %mul3A : i32
    %add3A = arith.addi %mul3A_0, %arg1 : i32
    %mul3A_1 = arith.constant 62496 : i32
    %mul3A_2 = arith.muli %add3A, %mul3A_1 : i32
    %add3A_3 = arith.constant 0 : i32
    %add3A_4 = arith.addi %mul3A_2, %add3A_3 : i32
    %dma_start3A = tpu.memref_slice %arg2[%add3A_4] : memref<2000000xf32, #tpu.memory_space<hbm>> -> memref<3584xf32, #tpu.memory_space<hbm>>
    %dma_start3A_5 = tpu.memref_slice %arg2[%add3A_4] : memref<2000000xf32, #tpu.memory_space<hbm>> -> memref<3584xf32, #tpu.memory_space<hbm>>
    tpu.enqueue_dma source(%dma_start3A_5 : memref<3584xf32, #tpu.memory_space<hbm>>) target(%arg8 : memref<3584xf32, #tpu.memory_space<vmem>>) target_semaphore(%arg16 : memref<!tpu.dma_semaphore, #tpu.memory_space<semaphore_mem>>)
    %dma_start3A_6 = tpu.memref_slice %arg3[%add3A_4] : memref<2000000xf32, #tpu.memory_space<hbm>> -> memref<3584xf32, #tpu.memory_space<hbm>>
    %dma_start3A_7 = tpu.memref_slice %arg3[%add3A_4] : memref<2000000xf32, #tpu.memory_space<hbm>> -> memref<3584xf32, #tpu.memory_space<hbm>>
    tpu.enqueue_dma source(%dma_start3A_7 : memref<3584xf32, #tpu.memory_space<hbm>>) target(%arg9 : memref<3584xf32, #tpu.memory_space<vmem>>) target_semaphore(%arg16 : memref<!tpu.dma_semaphore, #tpu.memory_space<semaphore_mem>>)
    %dma_start3A_8 = tpu.memref_slice %arg4[%add3A_4] : memref<2000000xf32, #tpu.memory_space<hbm>> -> memref<3584xf32, #tpu.memory_space<hbm>>
    %dma_start3A_9 = tpu.memref_slice %arg4[%add3A_4] : memref<2000000xf32, #tpu.memory_space<hbm>> -> memref<3584xf32, #tpu.memory_space<hbm>>
    tpu.enqueue_dma source(%dma_start3A_9 : memref<3584xf32, #tpu.memory_space<hbm>>) target(%arg10 : memref<3584xf32, #tpu.memory_space<vmem>>) target_semaphore(%arg16 : memref<!tpu.dma_semaphore, #tpu.memory_space<semaphore_mem>>)
    %dma_start3A_10 = tpu.memref_slice %arg5[%add3A_4] : memref<2000000xf32, #tpu.memory_space<hbm>> -> memref<3584xf32, #tpu.memory_space<hbm>>
    %dma_start3A_11 = tpu.memref_slice %arg5[%add3A_4] : memref<2000000xf32, #tpu.memory_space<hbm>> -> memref<3584xf32, #tpu.memory_space<hbm>>
    tpu.enqueue_dma source(%dma_start3A_11 : memref<3584xf32, #tpu.memory_space<hbm>>) target(%arg11 : memref<3584xf32, #tpu.memory_space<vmem>>) target_semaphore(%arg16 : memref<!tpu.dma_semaphore, #tpu.memory_space<semaphore_mem>>)
    %parallel_loop3A = arith.constant 0 : i32
    %parallel_loop3A_12 = arith.constant 100352 : i32
    %parallel_loop3A_13 = arith.constant 128 : i32
    scf.for %parallel_loop3A_591 = %parallel_loop3A to %parallel_loop3A_12 step %parallel_loop3A_13  : i32 {
      %parallel_loop3A_592 = arith.constant 0.000000e+00 : f32
      %parallel_loop3A_593 = vector.broadcast %parallel_loop3A_592 : f32 to vector<16xf32>
      %parallel_loop3A_594 = arith.constant 0 : i32
      %parallel_loop3A_595 = arith.addi %parallel_loop3A_591, %parallel_loop3A_594 : i32
      %parallel_loop3A_596 = arith.index_cast %parallel_loop3A_595 : i32 to index
      %parallel_loop3A_597 = tpu.vector_load %arg7[%parallel_loop3A_596] {strides = array<i32>} : memref<100352xf32, #tpu.memory_space<vmem>>, vector<16xf32>,
      tpu.vector_store %arg7[%parallel_loop3A_596], %parallel_loop3A_593 {strides = array<i32>} : memref<100352xf32, #tpu.memory_space<vmem>>, vector<16xf32>,
      %parallel_loop3A_598 = arith.constant 0.000000e+00 : f32
      %parallel_loop3A_599 = vector.broadcast %parallel_loop3A_598 : f32 to vector<16xf32>
      %parallel_loop3A_600 = arith.constant 16 : i32
      %parallel_loop3A_601 = arith.addi %parallel_loop3A_591, %parallel_loop3A_600 : i32
      %parallel_loop3A_602 = arith.index_cast %parallel_loop3A_601 : i32 to index
      %parallel_loop3A_603 = tpu.vector_load %arg7[%parallel_loop3A_602] {strides = array<i32>} : memref<100352xf32, #tpu.memory_space<vmem>>, vector<16xf32>,
      tpu.vector_store %arg7[%parallel_loop3A_602], %parallel_loop3A_599 {strides = array<i32>} : memref<100352xf32, #tpu.memory_space<vmem>>, vector<16xf32>,
      %parallel_loop3A_604 = arith.constant 0.000000e+00 : f32
      %parallel_loop3A_605 = vector.broadcast %parallel_loop3A_604 : f32 to vector<16xf32>
      %parallel_loop3A_606 = arith.constant 32 : i32
      %parallel_loop3A_607 = arith.addi %parallel_loop3A_591, %parallel_loop3A_606 : i32
      %parallel_loop3A_608 = arith.index_cast %parallel_loop3A_607 : i32 to index
      %parallel_loop3A_609 = tpu.vector_load %arg7[%parallel_loop3A_608] {strides = array<i32>} : memref<100352xf32, #tpu.memory_space<vmem>>, vector<16xf32>,
      tpu.vector_store %arg7[%parallel_loop3A_608], %parallel_loop3A_605 {strides = array<i32>} : memref<100352xf32, #tpu.memory_space<vmem>>, vector<16xf32>,
      %parallel_loop3A_610 = arith.constant 0.000000e+00 : f32
      %parallel_loop3A_611 = vector.broadcast %parallel_loop3A_610 : f32 to vector<16xf32>
      %parallel_loop3A_612 = arith.constant 48 : i32
      %parallel_loop3A_613 = arith.addi %parallel_loop3A_591, %parallel_loop3A_612 : i32
      %parallel_loop3A_614 = arith.index_cast %parallel_loop3A_613 : i32 to index
      %parallel_loop3A_615 = tpu.vector_load %arg7[%parallel_loop3A_614] {strides = array<i32>} : memref<100352xf32, #tpu.memory_space<vmem>>, vector<16xf32>,
      tpu.vector_store %arg7[%parallel_loop3A_614], %parallel_loop3A_611 {strides = array<i32>} : memref<100352xf32, #tpu.memory_space<vmem>>, vector<16xf32>,
      %parallel_loop3A_616 = arith.constant 0.000000e+00 : f32
      %parallel_loop3A_617 = vector.broadcast %parallel_loop3A_616 : f32 to vector<16xf32>
      %parallel_loop3A_618 = arith.constant 64 : i32
      %parallel_loop3A_619 = arith.addi %parallel_loop3A_591, %parallel_loop3A_618 : i32
      %parallel_loop3A_620 = arith.index_cast %parallel_loop3A_619 : i32 to index
      %parallel_loop3A_621 = tpu.vector_load %arg7[%parallel_loop3A_620] {strides = array<i32>} : memref<100352xf32, #tpu.memory_space<vmem>>, vector<16xf32>,
      tpu.vector_store %arg7[%parallel_loop3A_620], %parallel_loop3A_617 {strides = array<i32>} : memref<100352xf32, #tpu.memory_space<vmem>>, vector<16xf32>,
      %parallel_loop3A_622 = arith.constant 0.000000e+00 : f32
      %parallel_loop3A_623 = vector.broadcast %parallel_loop3A_622 : f32 to vector<16xf32>
      %parallel_loop3A_624 = arith.constant 80 : i32
      %parallel_loop3A_625 = arith.addi %parallel_loop3A_591, %parallel_loop3A_624 : i32
      %parallel_loop3A_626 = arith.index_cast %parallel_loop3A_625 : i32 to index
      %parallel_loop3A_627 = tpu.vector_load %arg7[%parallel_loop3A_626] {strides = array<i32>} : memref<100352xf32, #tpu.memory_space<vmem>>, vector<16xf32>,
      tpu.vector_store %arg7[%parallel_loop3A_626], %parallel_loop3A_623 {strides = array<i32>} : memref<100352xf32, #tpu.memory_space<vmem>>, vector<16xf32>,
      %parallel_loop3A_628 = arith.constant 0.000000e+00 : f32
      %parallel_loop3A_629 = vector.broadcast %parallel_loop3A_628 : f32 to vector<16xf32>
      %parallel_loop3A_630 = arith.constant 96 : i32
      %parallel_loop3A_631 = arith.addi %parallel_loop3A_591, %parallel_loop3A_630 : i32
      %parallel_loop3A_632 = arith.index_cast %parallel_loop3A_631 : i32 to index
      %parallel_loop3A_633 = tpu.vector_load %arg7[%parallel_loop3A_632] {strides = array<i32>} : memref<100352xf32, #tpu.memory_space<vmem>>, vector<16xf32>,
      tpu.vector_store %arg7[%parallel_loop3A_632], %parallel_loop3A_629 {strides = array<i32>} : memref<100352xf32, #tpu.memory_space<vmem>>, vector<16xf32>,
      %parallel_loop3A_634 = arith.constant 0.000000e+00 : f32
      %parallel_loop3A_635 = vector.broadcast %parallel_loop3A_634 : f32 to vector<16xf32>
      %parallel_loop3A_636 = arith.constant 112 : i32
      %parallel_loop3A_637 = arith.addi %parallel_loop3A_591, %parallel_loop3A_636 : i32
      %parallel_loop3A_638 = arith.index_cast %parallel_loop3A_637 : i32 to index
      %parallel_loop3A_639 = tpu.vector_load %arg7[%parallel_loop3A_638] {strides = array<i32>} : memref<100352xf32, #tpu.memory_space<vmem>>, vector<16xf32>,
      tpu.vector_store %arg7[%parallel_loop3A_638], %parallel_loop3A_635 {strides = array<i32>} : memref<100352xf32, #tpu.memory_space<vmem>>, vector<16xf32>,
    } {sc.loop_unroll_factor = 2 : i64, sc.parallel_access}
    %add3A_14 = arith.constant 3584 : i32
    %add3A_15 = arith.addi %mul3A_2, %add3A_14 : i32
    %dma_start3A_16 = tpu.memref_slice %arg2[%add3A_15] : memref<2000000xf32, #tpu.memory_space<hbm>> -> memref<3584xf32, #tpu.memory_space<hbm>>
    %dma_start3A_17 = tpu.memref_slice %arg2[%add3A_15] : memref<2000000xf32, #tpu.memory_space<hbm>> -> memref<3584xf32, #tpu.memory_space<hbm>>
    tpu.enqueue_dma source(%dma_start3A_17 : memref<3584xf32, #tpu.memory_space<hbm>>) target(%arg12 : memref<3584xf32, #tpu.memory_space<vmem>>) target_semaphore(%arg17 : memref<!tpu.dma_semaphore, #tpu.memory_space<semaphore_mem>>)
    %dma_start3A_18 = tpu.memref_slice %arg3[%add3A_15] : memref<2000000xf32, #tpu.memory_space<hbm>> -> memref<3584xf32, #tpu.memory_space<hbm>>
    %dma_start3A_19 = tpu.memref_slice %arg3[%add3A_15] : memref<2000000xf32, #tpu.memory_space<hbm>> -> memref<3584xf32, #tpu.memory_space<hbm>>
    tpu.enqueue_dma source(%dma_start3A_19 : memref<3584xf32, #tpu.memory_space<hbm>>) target(%arg13 : memref<3584xf32, #tpu.memory_space<vmem>>) target_semaphore(%arg17 : memref<!tpu.dma_semaphore, #tpu.memory_space<semaphore_mem>>)
    %dma_start3A_20 = tpu.memref_slice %arg4[%add3A_15] : memref<2000000xf32, #tpu.memory_space<hbm>> -> memref<3584xf32, #tpu.memory_space<hbm>>
    %dma_start3A_21 = tpu.memref_slice %arg4[%add3A_15] : memref<2000000xf32, #tpu.memory_space<hbm>> -> memref<3584xf32, #tpu.memory_space<hbm>>
    tpu.enqueue_dma source(%dma_start3A_21 : memref<3584xf32, #tpu.memory_space<hbm>>) target(%arg14 : memref<3584xf32, #tpu.memory_space<vmem>>) target_semaphore(%arg17 : memref<!tpu.dma_semaphore, #tpu.memory_space<semaphore_mem>>)
    %dma_start3A_22 = tpu.memref_slice %arg5[%add3A_15] : memref<2000000xf32, #tpu.memory_space<hbm>> -> memref<3584xf32, #tpu.memory_space<hbm>>
    %dma_start3A_23 = tpu.memref_slice %arg5[%add3A_15] : memref<2000000xf32, #tpu.memory_space<hbm>> -> memref<3584xf32, #tpu.memory_space<hbm>>
    tpu.enqueue_dma source(%dma_start3A_23 : memref<3584xf32, #tpu.memory_space<hbm>>) target(%arg15 : memref<3584xf32, #tpu.memory_space<vmem>>) target_semaphore(%arg17 : memref<!tpu.dma_semaphore, #tpu.memory_space<semaphore_mem>>)
    %dma_wait3A = tpu.memref_slice %arg2[%add3A_4] : memref<2000000xf32, #tpu.memory_space<hbm>> -> memref<3584xf32, #tpu.memory_space<hbm>>
    %dma_wait3A_24 = tpu.memref_slice %arg2[%add3A_4] : memref<2000000xf32, #tpu.memory_space<hbm>> -> memref<3584xf32, #tpu.memory_space<hbm>>
    tpu.wait_dma2 semaphore(%arg16 : memref<!tpu.dma_semaphore, #tpu.memory_space<semaphore_mem>>) src(%dma_wait3A_24 : memref<3584xf32, #tpu.memory_space<hbm>>) dst(%arg8 : memref<3584xf32, #tpu.memory_space<vmem>>)
    %dma_wait3A_25 = tpu.memref_slice %arg3[%add3A_4] : memref<2000000xf32, #tpu.memory_space<hbm>> -> memref<3584xf32, #tpu.memory_space<hbm>>
    %dma_wait3A_26 = tpu.memref_slice %arg3[%add3A_4] : memref<2000000xf32, #tpu.memory_space<hbm>> -> memref<3584xf32, #tpu.memory_space<hbm>>
    tpu.wait_dma2 semaphore(%arg16 : memref<!tpu.dma_semaphore, #tpu.memory_space<semaphore_mem>>) src(%dma_wait3A_26 : memref<3584xf32, #tpu.memory_space<hbm>>) dst(%arg9 : memref<3584xf32, #tpu.memory_space<vmem>>)
    %dma_wait3A_27 = tpu.memref_slice %arg4[%add3A_4] : memref<2000000xf32, #tpu.memory_space<hbm>> -> memref<3584xf32, #tpu.memory_space<hbm>>
    %dma_wait3A_28 = tpu.memref_slice %arg4[%add3A_4] : memref<2000000xf32, #tpu.memory_space<hbm>> -> memref<3584xf32, #tpu.memory_space<hbm>>
    tpu.wait_dma2 semaphore(%arg16 : memref<!tpu.dma_semaphore, #tpu.memory_space<semaphore_mem>>) src(%dma_wait3A_28 : memref<3584xf32, #tpu.memory_space<hbm>>) dst(%arg10 : memref<3584xf32, #tpu.memory_space<vmem>>)
    %dma_wait3A_29 = tpu.memref_slice %arg5[%add3A_4] : memref<2000000xf32, #tpu.memory_space<hbm>> -> memref<3584xf32, #tpu.memory_space<hbm>>
    %dma_wait3A_30 = tpu.memref_slice %arg5[%add3A_4] : memref<2000000xf32, #tpu.memory_space<hbm>> -> memref<3584xf32, #tpu.memory_space<hbm>>
    tpu.wait_dma2 semaphore(%arg16 : memref<!tpu.dma_semaphore, #tpu.memory_space<semaphore_mem>>) src(%dma_wait3A_30 : memref<3584xf32, #tpu.memory_space<hbm>>) dst(%arg11 : memref<3584xf32, #tpu.memory_space<vmem>>)
    %parallel_loop3A_31 = arith.constant 0 : i32
    %parallel_loop3A_32 = arith.constant 3584 : i32
    %parallel_loop3A_33 = arith.constant 16 : i32
    scf.for %parallel_loop3A_591 = %parallel_loop3A_31 to %parallel_loop3A_32 step %parallel_loop3A_33  : i32 {
      %parallel_loop3A_592 = arith.index_cast %parallel_loop3A_591 : i32 to index
      %parallel_loop3A_593 = tpu.vector_load %arg8[%parallel_loop3A_592] {strides = array<i32>} : memref<3584xf32, #tpu.memory_space<vmem>>, vector<16xf32>,
      %parallel_loop3A_594 = arith.index_cast %parallel_loop3A_591 : i32 to index
      %parallel_loop3A_595 = tpu.vector_load %arg9[%parallel_loop3A_594] {strides = array<i32>} : memref<3584xf32, #tpu.memory_space<vmem>>, vector<16xf32>,
      %parallel_loop3A_596 = arith.subf %parallel_loop3A_593, %parallel_loop3A_595 : vector<16xf32>
      %parallel_loop3A_597 = arith.index_cast %parallel_loop3A_591 : i32 to index
      %parallel_loop3A_598 = tpu.vector_load %arg10[%parallel_loop3A_597] {strides = array<i32>} : memref<3584xf32, #tpu.memory_space<vmem>>, vector<16xf32>,
      %parallel_loop3A_599 = arith.constant 5.000000e-01 : f32
      %parallel_loop3A_600 = vector.broadcast %parallel_loop3A_599 : f32 to vector<16xf32>
      %parallel_loop3A_601 = arith.cmpf ogt, %parallel_loop3A_598, %parallel_loop3A_600 : vector<16xf32>
      %parallel_loop3A_602 = arith.constant 6.66666664E-7 : f32
      %parallel_loop3A_603 = arith.constant 2.000000e-06 : f32
      %parallel_loop3A_604 = vector.broadcast %parallel_loop3A_602 : f32 to vector<16xf32>
      %parallel_loop3A_605 = vector.broadcast %parallel_loop3A_603 : f32 to vector<16xf32>
      %parallel_loop3A_606 = arith.select %parallel_loop3A_601, %parallel_loop3A_604, %parallel_loop3A_605 : vector<16xi1>, vector<16xf32>
      %parallel_loop3A_607 = arith.mulf %parallel_loop3A_596, %parallel_loop3A_606 : vector<16xf32>
      %parallel_loop3A_608 = arith.index_cast %parallel_loop3A_591 : i32 to index
      %parallel_loop3A_609 = tpu.vector_load %arg11[%parallel_loop3A_608] {strides = array<i32>} : memref<3584xf32, #tpu.memory_space<vmem>>, vector<16xf32>,
      %parallel_loop3A_610 = arith.constant 1.000000e+05 : f32
      %parallel_loop3A_611 = vector.broadcast %parallel_loop3A_610 : f32 to vector<16xf32>
      %parallel_loop3A_612 = arith.mulf %parallel_loop3A_609, %parallel_loop3A_611 : vector<16xf32>
      %parallel_loop3A_613 = arith.fptosi %parallel_loop3A_612 : vector<16xf32> to vector<16xi32>
      %parallel_loop3A_614 = arith.constant 99999 : i32
      %parallel_loop3A_615 = vector.broadcast %parallel_loop3A_614 : i32 to vector<16xi32>
      %parallel_loop3A_616 = arith.minsi %parallel_loop3A_613, %parallel_loop3A_615 : vector<16xi32>
      tpu.vector_store_idx %arg7[%parallel_loop3A_616], %parallel_loop3A_607 {add = true} : memref<100352xf32, #tpu.memory_space<vmem>>[vector<16xi32>], vector<16xf32>,
    } {sc.loop_unroll_factor = 2 : i64, sc.parallel_access}
    %add3A_34 = arith.constant 7168 : i32
    %add3A_35 = arith.addi %mul3A_2, %add3A_34 : i32
    %dma_start3A_36 = tpu.memref_slice %arg2[%add3A_35] : memref<2000000xf32, #tpu.memory_space<hbm>> -> memref<3584xf32, #tpu.memory_space<hbm>>
    %dma_start3A_37 = tpu.memref_slice %arg2[%add3A_35] : memref<2000000xf32, #tpu.memory_space<hbm>> -> memref<3584xf32, #tpu.memory_space<hbm>>
    tpu.enqueue_dma source(%dma_start3A_37 : memref<3584xf32, #tpu.memory_space<hbm>>) target(%arg8 : memref<3584xf32, #tpu.memory_space<vmem>>) target_semaphore(%arg16 : memref<!tpu.dma_semaphore, #tpu.memory_space<semaphore_mem>>)
    %dma_start3A_38 = tpu.memref_slice %arg3[%add3A_35] : memref<2000000xf32, #tpu.memory_space<hbm>> -> memref<3584xf32, #tpu.memory_space<hbm>>
    %dma_start3A_39 = tpu.memref_slice %arg3[%add3A_35] : memref<2000000xf32, #tpu.memory_space<hbm>> -> memref<3584xf32, #tpu.memory_space<hbm>>
    tpu.enqueue_dma source(%dma_start3A_39 : memref<3584xf32, #tpu.memory_space<hbm>>) target(%arg9 : memref<3584xf32, #tpu.memory_space<vmem>>) target_semaphore(%arg16 : memref<!tpu.dma_semaphore, #tpu.memory_space<semaphore_mem>>)
    %dma_start3A_40 = tpu.memref_slice %arg4[%add3A_35] : memref<2000000xf32, #tpu.memory_space<hbm>> -> memref<3584xf32, #tpu.memory_space<hbm>>
    %dma_start3A_41 = tpu.memref_slice %arg4[%add3A_35] : memref<2000000xf32, #tpu.memory_space<hbm>> -> memref<3584xf32, #tpu.memory_space<hbm>>
    tpu.enqueue_dma source(%dma_start3A_41 : memref<3584xf32, #tpu.memory_space<hbm>>) target(%arg10 : memref<3584xf32, #tpu.memory_space<vmem>>) target_semaphore(%arg16 : memref<!tpu.dma_semaphore, #tpu.memory_space<semaphore_mem>>)
    %dma_start3A_42 = tpu.memref_slice %arg5[%add3A_35] : memref<2000000xf32, #tpu.memory_space<hbm>> -> memref<3584xf32, #tpu.memory_space<hbm>>
    %dma_start3A_43 = tpu.memref_slice %arg5[%add3A_35] : memref<2000000xf32, #tpu.memory_space<hbm>> -> memref<3584xf32, #tpu.memory_space<hbm>>
    tpu.enqueue_dma source(%dma_start3A_43 : memref<3584xf32, #tpu.memory_space<hbm>>) target(%arg11 : memref<3584xf32, #tpu.memory_space<vmem>>) target_semaphore(%arg16 : memref<!tpu.dma_semaphore, #tpu.memory_space<semaphore_mem>>)
    %dma_wait3A_44 = tpu.memref_slice %arg2[%add3A_15] : memref<2000000xf32, #tpu.memory_space<hbm>> -> memref<3584xf32, #tpu.memory_space<hbm>>
    %dma_wait3A_45 = tpu.memref_slice %arg2[%add3A_15] : memref<2000000xf32, #tpu.memory_space<hbm>> -> memref<3584xf32, #tpu.memory_space<hbm>>
    tpu.wait_dma2 semaphore(%arg17 : memref<!tpu.dma_semaphore, #tpu.memory_space<semaphore_mem>>) src(%dma_wait3A_45 : memref<3584xf32, #tpu.memory_space<hbm>>) dst(%arg12 : memref<3584xf32, #tpu.memory_space<vmem>>)
    %dma_wait3A_46 = tpu.memref_slice %arg3[%add3A_15] : memref<2000000xf32, #tpu.memory_space<hbm>> -> memref<3584xf32, #tpu.memory_space<hbm>>
    %dma_wait3A_47 = tpu.memref_slice %arg3[%add3A_15] : memref<2000000xf32, #tpu.memory_space<hbm>> -> memref<3584xf32, #tpu.memory_space<hbm>>
    tpu.wait_dma2 semaphore(%arg17 : memref<!tpu.dma_semaphore, #tpu.memory_space<semaphore_mem>>) src(%dma_wait3A_47 : memref<3584xf32, #tpu.memory_space<hbm>>) dst(%arg13 : memref<3584xf32, #tpu.memory_space<vmem>>)
    %dma_wait3A_48 = tpu.memref_slice %arg4[%add3A_15] : memref<2000000xf32, #tpu.memory_space<hbm>> -> memref<3584xf32, #tpu.memory_space<hbm>>
    %dma_wait3A_49 = tpu.memref_slice %arg4[%add3A_15] : memref<2000000xf32, #tpu.memory_space<hbm>> -> memref<3584xf32, #tpu.memory_space<hbm>>
    tpu.wait_dma2 semaphore(%arg17 : memref<!tpu.dma_semaphore, #tpu.memory_space<semaphore_mem>>) src(%dma_wait3A_49 : memref<3584xf32, #tpu.memory_space<hbm>>) dst(%arg14 : memref<3584xf32, #tpu.memory_space<vmem>>)
    %dma_wait3A_50 = tpu.memref_slice %arg5[%add3A_15] : memref<2000000xf32, #tpu.memory_space<hbm>> -> memref<3584xf32, #tpu.memory_space<hbm>>
    %dma_wait3A_51 = tpu.memref_slice %arg5[%add3A_15] : memref<2000000xf32, #tpu.memory_space<hbm>> -> memref<3584xf32, #tpu.memory_space<hbm>>
    tpu.wait_dma2 semaphore(%arg17 : memref<!tpu.dma_semaphore, #tpu.memory_space<semaphore_mem>>) src(%dma_wait3A_51 : memref<3584xf32, #tpu.memory_space<hbm>>) dst(%arg15 : memref<3584xf32, #tpu.memory_space<vmem>>)
    %parallel_loop3A_52 = arith.constant 0 : i32
    %parallel_loop3A_53 = arith.constant 3584 : i32
    %parallel_loop3A_54 = arith.constant 16 : i32
    scf.for %parallel_loop3A_591 = %parallel_loop3A_52 to %parallel_loop3A_53 step %parallel_loop3A_54  : i32 {
      %parallel_loop3A_592 = arith.index_cast %parallel_loop3A_591 : i32 to index
      %parallel_loop3A_593 = tpu.vector_load %arg12[%parallel_loop3A_592] {strides = array<i32>} : memref<3584xf32, #tpu.memory_space<vmem>>, vector<16xf32>,
      %parallel_loop3A_594 = arith.index_cast %parallel_loop3A_591 : i32 to index
      %parallel_loop3A_595 = tpu.vector_load %arg13[%parallel_loop3A_594] {strides = array<i32>} : memref<3584xf32, #tpu.memory_space<vmem>>, vector<16xf32>,
      %parallel_loop3A_596 = arith.subf %parallel_loop3A_593, %parallel_loop3A_595 : vector<16xf32>
      %parallel_loop3A_597 = arith.index_cast %parallel_loop3A_591 : i32 to index
      %parallel_loop3A_598 = tpu.vector_load %arg14[%parallel_loop3A_597] {strides = array<i32>} : memref<3584xf32, #tpu.memory_space<vmem>>, vector<16xf32>,
      %parallel_loop3A_599 = arith.constant 5.000000e-01 : f32
      %parallel_loop3A_600 = vector.broadcast %parallel_loop3A_599 : f32 to vector<16xf32>
      %parallel_loop3A_601 = arith.cmpf ogt, %parallel_loop3A_598, %parallel_loop3A_600 : vector<16xf32>
      %parallel_loop3A_602 = arith.constant 6.66666664E-7 : f32
      %parallel_loop3A_603 = arith.constant 2.000000e-06 : f32
      %parallel_loop3A_604 = vector.broadcast %parallel_loop3A_602 : f32 to vector<16xf32>
      %parallel_loop3A_605 = vector.broadcast %parallel_loop3A_603 : f32 to vector<16xf32>
      %parallel_loop3A_606 = arith.select %parallel_loop3A_601, %parallel_loop3A_604, %parallel_loop3A_605 : vector<16xi1>, vector<16xf32>
      %parallel_loop3A_607 = arith.mulf %parallel_loop3A_596, %parallel_loop3A_606 : vector<16xf32>
      %parallel_loop3A_608 = arith.index_cast %parallel_loop3A_591 : i32 to index
      %parallel_loop3A_609 = tpu.vector_load %arg15[%parallel_loop3A_608] {strides = array<i32>} : memref<3584xf32, #tpu.memory_space<vmem>>, vector<16xf32>,
      %parallel_loop3A_610 = arith.constant 1.000000e+05 : f32
      %parallel_loop3A_611 = vector.broadcast %parallel_loop3A_610 : f32 to vector<16xf32>
      %parallel_loop3A_612 = arith.mulf %parallel_loop3A_609, %parallel_loop3A_611 : vector<16xf32>
      %parallel_loop3A_613 = arith.fptosi %parallel_loop3A_612 : vector<16xf32> to vector<16xi32>
      %parallel_loop3A_614 = arith.constant 99999 : i32
      %parallel_loop3A_615 = vector.broadcast %parallel_loop3A_614 : i32 to vector<16xi32>
      %parallel_loop3A_616 = arith.minsi %parallel_loop3A_613, %parallel_loop3A_615 : vector<16xi32>
      tpu.vector_store_idx %arg7[%parallel_loop3A_616], %parallel_loop3A_607 {add = true} : memref<100352xf32, #tpu.memory_space<vmem>>[vector<16xi32>], vector<16xf32>,
    } {sc.loop_unroll_factor = 2 : i64, sc.parallel_access}
    %add3A_55 = arith.constant 10752 : i32
    %add3A_56 = arith.addi %mul3A_2, %add3A_55 : i32
    %dma_start3A_57 = tpu.memref_slice %arg2[%add3A_56] : memref<2000000xf32, #tpu.memory_space<hbm>> -> memref<3584xf32, #tpu.memory_space<hbm>>
    %dma_start3A_58 = tpu.memref_slice %arg2[%add3A_56] : memref<2000000xf32, #tpu.memory_space<hbm>> -> memref<3584xf32, #tpu.memory_space<hbm>>
    tpu.enqueue_dma source(%dma_start3A_58 : memref<3584xf32, #tpu.memory_space<hbm>>) target(%arg12 : memref<3584xf32, #tpu.memory_space<vmem>>) target_semaphore(%arg17 : memref<!tpu.dma_semaphore, #tpu.memory_space<semaphore_mem>>)
    %dma_start3A_59 = tpu.memref_slice %arg3[%add3A_56] : memref<2000000xf32, #tpu.memory_space<hbm>> -> memref<3584xf32, #tpu.memory_space<hbm>>
    %dma_start3A_60 = tpu.memref_slice %arg3[%add3A_56] : memref<2000000xf32, #tpu.memory_space<hbm>> -> memref<3584xf32, #tpu.memory_space<hbm>>
    tpu.enqueue_dma source(%dma_start3A_60 : memref<3584xf32, #tpu.memory_space<hbm>>) target(%arg13 : memref<3584xf32, #tpu.memory_space<vmem>>) target_semaphore(%arg17 : memref<!tpu.dma_semaphore, #tpu.memory_space<semaphore_mem>>)
    %dma_start3A_61 = tpu.memref_slice %arg4[%add3A_56] : memref<2000000xf32, #tpu.memory_space<hbm>> -> memref<3584xf32, #tpu.memory_space<hbm>>
    %dma_start3A_62 = tpu.memref_slice %arg4[%add3A_56] : memref<2000000xf32, #tpu.memory_space<hbm>> -> memref<3584xf32, #tpu.memory_space<hbm>>
    tpu.enqueue_dma source(%dma_start3A_62 : memref<3584xf32, #tpu.memory_space<hbm>>) target(%arg14 : memref<3584xf32, #tpu.memory_space<vmem>>) target_semaphore(%arg17 : memref<!tpu.dma_semaphore, #tpu.memory_space<semaphore_mem>>)
    %dma_start3A_63 = tpu.memref_slice %arg5[%add3A_56] : memref<2000000xf32, #tpu.memory_space<hbm>> -> memref<3584xf32, #tpu.memory_space<hbm>>
    %dma_start3A_64 = tpu.memref_slice %arg5[%add3A_56] : memref<2000000xf32, #tpu.memory_space<hbm>> -> memref<3584xf32, #tpu.memory_space<hbm>>
    tpu.enqueue_dma source(%dma_start3A_64 : memref<3584xf32, #tpu.memory_space<hbm>>) target(%arg15 : memref<3584xf32, #tpu.memory_space<vmem>>) target_semaphore(%arg17 : memref<!tpu.dma_semaphore, #tpu.memory_space<semaphore_mem>>)
    %dma_wait3A_65 = tpu.memref_slice %arg2[%add3A_35] : memref<2000000xf32, #tpu.memory_space<hbm>> -> memref<3584xf32, #tpu.memory_space<hbm>>
    %dma_wait3A_66 = tpu.memref_slice %arg2[%add3A_35] : memref<2000000xf32, #tpu.memory_space<hbm>> -> memref<3584xf32, #tpu.memory_space<hbm>>
    tpu.wait_dma2 semaphore(%arg16 : memref<!tpu.dma_semaphore, #tpu.memory_space<semaphore_mem>>) src(%dma_wait3A_66 : memref<3584xf32, #tpu.memory_space<hbm>>) dst(%arg8 : memref<3584xf32, #tpu.memory_space<vmem>>)
    %dma_wait3A_67 = tpu.memref_slice %arg3[%add3A_35] : memref<2000000xf32, #tpu.memory_space<hbm>> -> memref<3584xf32, #tpu.memory_space<hbm>>
    %dma_wait3A_68 = tpu.memref_slice %arg3[%add3A_35] : memref<2000000xf32, #tpu.memory_space<hbm>> -> memref<3584xf32, #tpu.memory_space<hbm>>
    tpu.wait_dma2 semaphore(%arg16 : memref<!tpu.dma_semaphore, #tpu.memory_space<semaphore_mem>>) src(%dma_wait3A_68 : memref<3584xf32, #tpu.memory_space<hbm>>) dst(%arg9 : memref<3584xf32, #tpu.memory_space<vmem>>)
    %dma_wait3A_69 = tpu.memref_slice %arg4[%add3A_35] : memref<2000000xf32, #tpu.memory_space<hbm>> -> memref<3584xf32, #tpu.memory_space<hbm>>
    %dma_wait3A_70 = tpu.memref_slice %arg4[%add3A_35] : memref<2000000xf32, #tpu.memory_space<hbm>> -> memref<3584xf32, #tpu.memory_space<hbm>>
    tpu.wait_dma2 semaphore(%arg16 : memref<!tpu.dma_semaphore, #tpu.memory_space<semaphore_mem>>) src(%dma_wait3A_70 : memref<3584xf32, #tpu.memory_space<hbm>>) dst(%arg10 : memref<3584xf32, #tpu.memory_space<vmem>>)
    %dma_wait3A_71 = tpu.memref_slice %arg5[%add3A_35] : memref<2000000xf32, #tpu.memory_space<hbm>> -> memref<3584xf32, #tpu.memory_space<hbm>>
    %dma_wait3A_72 = tpu.memref_slice %arg5[%add3A_35] : memref<2000000xf32, #tpu.memory_space<hbm>> -> memref<3584xf32, #tpu.memory_space<hbm>>
    tpu.wait_dma2 semaphore(%arg16 : memref<!tpu.dma_semaphore, #tpu.memory_space<semaphore_mem>>) src(%dma_wait3A_72 : memref<3584xf32, #tpu.memory_space<hbm>>) dst(%arg11 : memref<3584xf32, #tpu.memory_space<vmem>>)
    %parallel_loop3A_73 = arith.constant 0 : i32
    %parallel_loop3A_74 = arith.constant 3584 : i32
    %parallel_loop3A_75 = arith.constant 16 : i32
    scf.for %parallel_loop3A_591 = %parallel_loop3A_73 to %parallel_loop3A_74 step %parallel_loop3A_75  : i32 {
      %parallel_loop3A_592 = arith.index_cast %parallel_loop3A_591 : i32 to index
      %parallel_loop3A_593 = tpu.vector_load %arg8[%parallel_loop3A_592] {strides = array<i32>} : memref<3584xf32, #tpu.memory_space<vmem>>, vector<16xf32>,
      %parallel_loop3A_594 = arith.index_cast %parallel_loop3A_591 : i32 to index
      %parallel_loop3A_595 = tpu.vector_load %arg9[%parallel_loop3A_594] {strides = array<i32>} : memref<3584xf32, #tpu.memory_space<vmem>>, vector<16xf32>,
      %parallel_loop3A_596 = arith.subf %parallel_loop3A_593, %parallel_loop3A_595 : vector<16xf32>
      %parallel_loop3A_597 = arith.index_cast %parallel_loop3A_591 : i32 to index
      %parallel_loop3A_598 = tpu.vector_load %arg10[%parallel_loop3A_597] {strides = array<i32>} : memref<3584xf32, #tpu.memory_space<vmem>>, vector<16xf32>,
      %parallel_loop3A_599 = arith.constant 5.000000e-01 : f32
      %parallel_loop3A_600 = vector.broadcast %parallel_loop3A_599 : f32 to vector<16xf32>
      %parallel_loop3A_601 = arith.cmpf ogt, %parallel_loop3A_598, %parallel_loop3A_600 : vector<16xf32>
      %parallel_loop3A_602 = arith.constant 6.66666664E-7 : f32
      %parallel_loop3A_603 = arith.constant 2.000000e-06 : f32
      %parallel_loop3A_604 = vector.broadcast %parallel_loop3A_602 : f32 to vector<16xf32>
      %parallel_loop3A_605 = vector.broadcast %parallel_loop3A_603 : f32 to vector<16xf32>
      %parallel_loop3A_606 = arith.select %parallel_loop3A_601, %parallel_loop3A_604, %parallel_loop3A_605 : vector<16xi1>, vector<16xf32>
      %parallel_loop3A_607 = arith.mulf %parallel_loop3A_596, %parallel_loop3A_606 : vector<16xf32>
      %parallel_loop3A_608 = arith.index_cast %parallel_loop3A_591 : i32 to index
      %parallel_loop3A_609 = tpu.vector_load %arg11[%parallel_loop3A_608] {strides = array<i32>} : memref<3584xf32, #tpu.memory_space<vmem>>, vector<16xf32>,
      %parallel_loop3A_610 = arith.constant 1.000000e+05 : f32
      %parallel_loop3A_611 = vector.broadcast %parallel_loop3A_610 : f32 to vector<16xf32>
      %parallel_loop3A_612 = arith.mulf %parallel_loop3A_609, %parallel_loop3A_611 : vector<16xf32>
      %parallel_loop3A_613 = arith.fptosi %parallel_loop3A_612 : vector<16xf32> to vector<16xi32>
      %parallel_loop3A_614 = arith.constant 99999 : i32
      %parallel_loop3A_615 = vector.broadcast %parallel_loop3A_614 : i32 to vector<16xi32>
      %parallel_loop3A_616 = arith.minsi %parallel_loop3A_613, %parallel_loop3A_615 : vector<16xi32>
      tpu.vector_store_idx %arg7[%parallel_loop3A_616], %parallel_loop3A_607 {add = true} : memref<100352xf32, #tpu.memory_space<vmem>>[vector<16xi32>], vector<16xf32>,
    } {sc.loop_unroll_factor = 2 : i64, sc.parallel_access}
    %add3A_76 = arith.constant 14336 : i32
    %add3A_77 = arith.addi %mul3A_2, %add3A_76 : i32
    %dma_start3A_78 = tpu.memref_slice %arg2[%add3A_77] : memref<2000000xf32, #tpu.memory_space<hbm>> -> memref<3584xf32, #tpu.memory_space<hbm>>
    %dma_start3A_79 = tpu.memref_slice %arg2[%add3A_77] : memref<2000000xf32, #tpu.memory_space<hbm>> -> memref<3584xf32, #tpu.memory_space<hbm>>
    tpu.enqueue_dma source(%dma_start3A_79 : memref<3584xf32, #tpu.memory_space<hbm>>) target(%arg8 : memref<3584xf32, #tpu.memory_space<vmem>>) target_semaphore(%arg16 : memref<!tpu.dma_semaphore, #tpu.memory_space<semaphore_mem>>)
    %dma_start3A_80 = tpu.memref_slice %arg3[%add3A_77] : memref<2000000xf32, #tpu.memory_space<hbm>> -> memref<3584xf32, #tpu.memory_space<hbm>>
    %dma_start3A_81 = tpu.memref_slice %arg3[%add3A_77] : memref<2000000xf32, #tpu.memory_space<hbm>> -> memref<3584xf32, #tpu.memory_space<hbm>>
    tpu.enqueue_dma source(%dma_start3A_81 : memref<3584xf32, #tpu.memory_space<hbm>>) target(%arg9 : memref<3584xf32, #tpu.memory_space<vmem>>) target_semaphore(%arg16 : memref<!tpu.dma_semaphore, #tpu.memory_space<semaphore_mem>>)
    %dma_start3A_82 = tpu.memref_slice %arg4[%add3A_77] : memref<2000000xf32, #tpu.memory_space<hbm>> -> memref<3584xf32, #tpu.memory_space<hbm>>
    %dma_start3A_83 = tpu.memref_slice %arg4[%add3A_77] : memref<2000000xf32, #tpu.memory_space<hbm>> -> memref<3584xf32, #tpu.memory_space<hbm>>
    tpu.enqueue_dma source(%dma_start3A_83 : memref<3584xf32, #tpu.memory_space<hbm>>) target(%arg10 : memref<3584xf32, #tpu.memory_space<vmem>>) target_semaphore(%arg16 : memref<!tpu.dma_semaphore, #tpu.memory_space<semaphore_mem>>)
    %dma_start3A_84 = tpu.memref_slice %arg5[%add3A_77] : memref<2000000xf32, #tpu.memory_space<hbm>> -> memref<3584xf32, #tpu.memory_space<hbm>>
    %dma_start3A_85 = tpu.memref_slice %arg5[%add3A_77] : memref<2000000xf32, #tpu.memory_space<hbm>> -> memref<3584xf32, #tpu.memory_space<hbm>>
    tpu.enqueue_dma source(%dma_start3A_85 : memref<3584xf32, #tpu.memory_space<hbm>>) target(%arg11 : memref<3584xf32, #tpu.memory_space<vmem>>) target_semaphore(%arg16 : memref<!tpu.dma_semaphore, #tpu.memory_space<semaphore_mem>>)
    %dma_wait3A_86 = tpu.memref_slice %arg2[%add3A_56] : memref<2000000xf32, #tpu.memory_space<hbm>> -> memref<3584xf32, #tpu.memory_space<hbm>>
    %dma_wait3A_87 = tpu.memref_slice %arg2[%add3A_56] : memref<2000000xf32, #tpu.memory_space<hbm>> -> memref<3584xf32, #tpu.memory_space<hbm>>
    tpu.wait_dma2 semaphore(%arg17 : memref<!tpu.dma_semaphore, #tpu.memory_space<semaphore_mem>>) src(%dma_wait3A_87 : memref<3584xf32, #tpu.memory_space<hbm>>) dst(%arg12 : memref<3584xf32, #tpu.memory_space<vmem>>)
    %dma_wait3A_88 = tpu.memref_slice %arg3[%add3A_56] : memref<2000000xf32, #tpu.memory_space<hbm>> -> memref<3584xf32, #tpu.memory_space<hbm>>
    %dma_wait3A_89 = tpu.memref_slice %arg3[%add3A_56] : memref<2000000xf32, #tpu.memory_space<hbm>> -> memref<3584xf32, #tpu.memory_space<hbm>>
    tpu.wait_dma2 semaphore(%arg17 : memref<!tpu.dma_semaphore, #tpu.memory_space<semaphore_mem>>) src(%dma_wait3A_89 : memref<3584xf32, #tpu.memory_space<hbm>>) dst(%arg13 : memref<3584xf32, #tpu.memory_space<vmem>>)
    %dma_wait3A_90 = tpu.memref_slice %arg4[%add3A_56] : memref<2000000xf32, #tpu.memory_space<hbm>> -> memref<3584xf32, #tpu.memory_space<hbm>>
    %dma_wait3A_91 = tpu.memref_slice %arg4[%add3A_56] : memref<2000000xf32, #tpu.memory_space<hbm>> -> memref<3584xf32, #tpu.memory_space<hbm>>
    tpu.wait_dma2 semaphore(%arg17 : memref<!tpu.dma_semaphore, #tpu.memory_space<semaphore_mem>>) src(%dma_wait3A_91 : memref<3584xf32, #tpu.memory_space<hbm>>) dst(%arg14 : memref<3584xf32, #tpu.memory_space<vmem>>)
    %dma_wait3A_92 = tpu.memref_slice %arg5[%add3A_56] : memref<2000000xf32, #tpu.memory_space<hbm>> -> memref<3584xf32, #tpu.memory_space<hbm>>
    %dma_wait3A_93 = tpu.memref_slice %arg5[%add3A_56] : memref<2000000xf32, #tpu.memory_space<hbm>> -> memref<3584xf32, #tpu.memory_space<hbm>>
    tpu.wait_dma2 semaphore(%arg17 : memref<!tpu.dma_semaphore, #tpu.memory_space<semaphore_mem>>) src(%dma_wait3A_93 : memref<3584xf32, #tpu.memory_space<hbm>>) dst(%arg15 : memref<3584xf32, #tpu.memory_space<vmem>>)
    %parallel_loop3A_94 = arith.constant 0 : i32
    %parallel_loop3A_95 = arith.constant 3584 : i32
    %parallel_loop3A_96 = arith.constant 16 : i32
    scf.for %parallel_loop3A_591 = %parallel_loop3A_94 to %parallel_loop3A_95 step %parallel_loop3A_96  : i32 {
      %parallel_loop3A_592 = arith.index_cast %parallel_loop3A_591 : i32 to index
      %parallel_loop3A_593 = tpu.vector_load %arg12[%parallel_loop3A_592] {strides = array<i32>} : memref<3584xf32, #tpu.memory_space<vmem>>, vector<16xf32>,
      %parallel_loop3A_594 = arith.index_cast %parallel_loop3A_591 : i32 to index
      %parallel_loop3A_595 = tpu.vector_load %arg13[%parallel_loop3A_594] {strides = array<i32>} : memref<3584xf32, #tpu.memory_space<vmem>>, vector<16xf32>,
      %parallel_loop3A_596 = arith.subf %parallel_loop3A_593, %parallel_loop3A_595 : vector<16xf32>
      %parallel_loop3A_597 = arith.index_cast %parallel_loop3A_591 : i32 to index
      %parallel_loop3A_598 = tpu.vector_load %arg14[%parallel_loop3A_597] {strides = array<i32>} : memref<3584xf32, #tpu.memory_space<vmem>>, vector<16xf32>,
      %parallel_loop3A_599 = arith.constant 5.000000e-01 : f32
      %parallel_loop3A_600 = vector.broadcast %parallel_loop3A_599 : f32 to vector<16xf32>
      %parallel_loop3A_601 = arith.cmpf ogt, %parallel_loop3A_598, %parallel_loop3A_600 : vector<16xf32>
      %parallel_loop3A_602 = arith.constant 6.66666664E-7 : f32
      %parallel_loop3A_603 = arith.constant 2.000000e-06 : f32
      %parallel_loop3A_604 = vector.broadcast %parallel_loop3A_602 : f32 to vector<16xf32>
      %parallel_loop3A_605 = vector.broadcast %parallel_loop3A_603 : f32 to vector<16xf32>
      %parallel_loop3A_606 = arith.select %parallel_loop3A_601, %parallel_loop3A_604, %parallel_loop3A_605 : vector<16xi1>, vector<16xf32>
      %parallel_loop3A_607 = arith.mulf %parallel_loop3A_596, %parallel_loop3A_606 : vector<16xf32>
      %parallel_loop3A_608 = arith.index_cast %parallel_loop3A_591 : i32 to index
      %parallel_loop3A_609 = tpu.vector_load %arg15[%parallel_loop3A_608] {strides = array<i32>} : memref<3584xf32, #tpu.memory_space<vmem>>, vector<16xf32>,
      %parallel_loop3A_610 = arith.constant 1.000000e+05 : f32
      %parallel_loop3A_611 = vector.broadcast %parallel_loop3A_610 : f32 to vector<16xf32>
      %parallel_loop3A_612 = arith.mulf %parallel_loop3A_609, %parallel_loop3A_611 : vector<16xf32>
      %parallel_loop3A_613 = arith.fptosi %parallel_loop3A_612 : vector<16xf32> to vector<16xi32>
      %parallel_loop3A_614 = arith.constant 99999 : i32
      %parallel_loop3A_615 = vector.broadcast %parallel_loop3A_614 : i32 to vector<16xi32>
      %parallel_loop3A_616 = arith.minsi %parallel_loop3A_613, %parallel_loop3A_615 : vector<16xi32>
      tpu.vector_store_idx %arg7[%parallel_loop3A_616], %parallel_loop3A_607 {add = true} : memref<100352xf32, #tpu.memory_space<vmem>>[vector<16xi32>], vector<16xf32>,
    } {sc.loop_unroll_factor = 2 : i64, sc.parallel_access}
    %add3A_97 = arith.constant 17920 : i32
    %add3A_98 = arith.addi %mul3A_2, %add3A_97 : i32
    %dma_start3A_99 = tpu.memref_slice %arg2[%add3A_98] : memref<2000000xf32, #tpu.memory_space<hbm>> -> memref<3584xf32, #tpu.memory_space<hbm>>
    %dma_start3A_100 = tpu.memref_slice %arg2[%add3A_98] : memref<2000000xf32, #tpu.memory_space<hbm>> -> memref<3584xf32, #tpu.memory_space<hbm>>
    tpu.enqueue_dma source(%dma_start3A_100 : memref<3584xf32, #tpu.memory_space<hbm>>) target(%arg12 : memref<3584xf32, #tpu.memory_space<vmem>>) target_semaphore(%arg17 : memref<!tpu.dma_semaphore, #tpu.memory_space<semaphore_mem>>)
    %dma_start3A_101 = tpu.memref_slice %arg3[%add3A_98] : memref<2000000xf32, #tpu.memory_space<hbm>> -> memref<3584xf32, #tpu.memory_space<hbm>>
    %dma_start3A_102 = tpu.memref_slice %arg3[%add3A_98] : memref<2000000xf32, #tpu.memory_space<hbm>> -> memref<3584xf32, #tpu.memory_space<hbm>>
    tpu.enqueue_dma source(%dma_start3A_102 : memref<3584xf32, #tpu.memory_space<hbm>>) target(%arg13 : memref<3584xf32, #tpu.memory_space<vmem>>) target_semaphore(%arg17 : memref<!tpu.dma_semaphore, #tpu.memory_space<semaphore_mem>>)
    %dma_start3A_103 = tpu.memref_slice %arg4[%add3A_98] : memref<2000000xf32, #tpu.memory_space<hbm>> -> memref<3584xf32, #tpu.memory_space<hbm>>
    %dma_start3A_104 = tpu.memref_slice %arg4[%add3A_98] : memref<2000000xf32, #tpu.memory_space<hbm>> -> memref<3584xf32, #tpu.memory_space<hbm>>
    tpu.enqueue_dma source(%dma_start3A_104 : memref<3584xf32, #tpu.memory_space<hbm>>) target(%arg14 : memref<3584xf32, #tpu.memory_space<vmem>>) target_semaphore(%arg17 : memref<!tpu.dma_semaphore, #tpu.memory_space<semaphore_mem>>)
    %dma_start3A_105 = tpu.memref_slice %arg5[%add3A_98] : memref<2000000xf32, #tpu.memory_space<hbm>> -> memref<3584xf32, #tpu.memory_space<hbm>>
    %dma_start3A_106 = tpu.memref_slice %arg5[%add3A_98] : memref<2000000xf32, #tpu.memory_space<hbm>> -> memref<3584xf32, #tpu.memory_space<hbm>>
    tpu.enqueue_dma source(%dma_start3A_106 : memref<3584xf32, #tpu.memory_space<hbm>>) target(%arg15 : memref<3584xf32, #tpu.memory_space<vmem>>) target_semaphore(%arg17 : memref<!tpu.dma_semaphore, #tpu.memory_space<semaphore_mem>>)
    %dma_wait3A_107 = tpu.memref_slice %arg2[%add3A_77] : memref<2000000xf32, #tpu.memory_space<hbm>> -> memref<3584xf32, #tpu.memory_space<hbm>>
    %dma_wait3A_108 = tpu.memref_slice %arg2[%add3A_77] : memref<2000000xf32, #tpu.memory_space<hbm>> -> memref<3584xf32, #tpu.memory_space<hbm>>
    tpu.wait_dma2 semaphore(%arg16 : memref<!tpu.dma_semaphore, #tpu.memory_space<semaphore_mem>>) src(%dma_wait3A_108 : memref<3584xf32, #tpu.memory_space<hbm>>) dst(%arg8 : memref<3584xf32, #tpu.memory_space<vmem>>)
    %dma_wait3A_109 = tpu.memref_slice %arg3[%add3A_77] : memref<2000000xf32, #tpu.memory_space<hbm>> -> memref<3584xf32, #tpu.memory_space<hbm>>
    %dma_wait3A_110 = tpu.memref_slice %arg3[%add3A_77] : memref<2000000xf32, #tpu.memory_space<hbm>> -> memref<3584xf32, #tpu.memory_space<hbm>>
    tpu.wait_dma2 semaphore(%arg16 : memref<!tpu.dma_semaphore, #tpu.memory_space<semaphore_mem>>) src(%dma_wait3A_110 : memref<3584xf32, #tpu.memory_space<hbm>>) dst(%arg9 : memref<3584xf32, #tpu.memory_space<vmem>>)
    %dma_wait3A_111 = tpu.memref_slice %arg4[%add3A_77] : memref<2000000xf32, #tpu.memory_space<hbm>> -> memref<3584xf32, #tpu.memory_space<hbm>>
    %dma_wait3A_112 = tpu.memref_slice %arg4[%add3A_77] : memref<2000000xf32, #tpu.memory_space<hbm>> -> memref<3584xf32, #tpu.memory_space<hbm>>
    tpu.wait_dma2 semaphore(%arg16 : memref<!tpu.dma_semaphore, #tpu.memory_space<semaphore_mem>>) src(%dma_wait3A_112 : memref<3584xf32, #tpu.memory_space<hbm>>) dst(%arg10 : memref<3584xf32, #tpu.memory_space<vmem>>)
    %dma_wait3A_113 = tpu.memref_slice %arg5[%add3A_77] : memref<2000000xf32, #tpu.memory_space<hbm>> -> memref<3584xf32, #tpu.memory_space<hbm>>
    %dma_wait3A_114 = tpu.memref_slice %arg5[%add3A_77] : memref<2000000xf32, #tpu.memory_space<hbm>> -> memref<3584xf32, #tpu.memory_space<hbm>>
    tpu.wait_dma2 semaphore(%arg16 : memref<!tpu.dma_semaphore, #tpu.memory_space<semaphore_mem>>) src(%dma_wait3A_114 : memref<3584xf32, #tpu.memory_space<hbm>>) dst(%arg11 : memref<3584xf32, #tpu.memory_space<vmem>>)
    %parallel_loop3A_115 = arith.constant 0 : i32
    %parallel_loop3A_116 = arith.constant 3584 : i32
    %parallel_loop3A_117 = arith.constant 16 : i32
    scf.for %parallel_loop3A_591 = %parallel_loop3A_115 to %parallel_loop3A_116 step %parallel_loop3A_117  : i32 {
      %parallel_loop3A_592 = arith.index_cast %parallel_loop3A_591 : i32 to index
      %parallel_loop3A_593 = tpu.vector_load %arg8[%parallel_loop3A_592] {strides = array<i32>} : memref<3584xf32, #tpu.memory_space<vmem>>, vector<16xf32>,
      %parallel_loop3A_594 = arith.index_cast %parallel_loop3A_591 : i32 to index
      %parallel_loop3A_595 = tpu.vector_load %arg9[%parallel_loop3A_594] {strides = array<i32>} : memref<3584xf32, #tpu.memory_space<vmem>>, vector<16xf32>,
      %parallel_loop3A_596 = arith.subf %parallel_loop3A_593, %parallel_loop3A_595 : vector<16xf32>
      %parallel_loop3A_597 = arith.index_cast %parallel_loop3A_591 : i32 to index
      %parallel_loop3A_598 = tpu.vector_load %arg10[%parallel_loop3A_597] {strides = array<i32>} : memref<3584xf32, #tpu.memory_space<vmem>>, vector<16xf32>,
      %parallel_loop3A_599 = arith.constant 5.000000e-01 : f32
      %parallel_loop3A_600 = vector.broadcast %parallel_loop3A_599 : f32 to vector<16xf32>
      %parallel_loop3A_601 = arith.cmpf ogt, %parallel_loop3A_598, %parallel_loop3A_600 : vector<16xf32>
      %parallel_loop3A_602 = arith.constant 6.66666664E-7 : f32
      %parallel_loop3A_603 = arith.constant 2.000000e-06 : f32
      %parallel_loop3A_604 = vector.broadcast %parallel_loop3A_602 : f32 to vector<16xf32>
      %parallel_loop3A_605 = vector.broadcast %parallel_loop3A_603 : f32 to vector<16xf32>
      %parallel_loop3A_606 = arith.select %parallel_loop3A_601, %parallel_loop3A_604, %parallel_loop3A_605 : vector<16xi1>, vector<16xf32>
      %parallel_loop3A_607 = arith.mulf %parallel_loop3A_596, %parallel_loop3A_606 : vector<16xf32>
      %parallel_loop3A_608 = arith.index_cast %parallel_loop3A_591 : i32 to index
      %parallel_loop3A_609 = tpu.vector_load %arg11[%parallel_loop3A_608] {strides = array<i32>} : memref<3584xf32, #tpu.memory_space<vmem>>, vector<16xf32>,
      %parallel_loop3A_610 = arith.constant 1.000000e+05 : f32
      %parallel_loop3A_611 = vector.broadcast %parallel_loop3A_610 : f32 to vector<16xf32>
      %parallel_loop3A_612 = arith.mulf %parallel_loop3A_609, %parallel_loop3A_611 : vector<16xf32>
      %parallel_loop3A_613 = arith.fptosi %parallel_loop3A_612 : vector<16xf32> to vector<16xi32>
      %parallel_loop3A_614 = arith.constant 99999 : i32
      %parallel_loop3A_615 = vector.broadcast %parallel_loop3A_614 : i32 to vector<16xi32>
      %parallel_loop3A_616 = arith.minsi %parallel_loop3A_613, %parallel_loop3A_615 : vector<16xi32>
      tpu.vector_store_idx %arg7[%parallel_loop3A_616], %parallel_loop3A_607 {add = true} : memref<100352xf32, #tpu.memory_space<vmem>>[vector<16xi32>], vector<16xf32>,
    } {sc.loop_unroll_factor = 2 : i64, sc.parallel_access}
    %add3A_118 = arith.constant 21504 : i32
    %add3A_119 = arith.addi %mul3A_2, %add3A_118 : i32
    %dma_start3A_120 = tpu.memref_slice %arg2[%add3A_119] : memref<2000000xf32, #tpu.memory_space<hbm>> -> memref<3584xf32, #tpu.memory_space<hbm>>
    %dma_start3A_121 = tpu.memref_slice %arg2[%add3A_119] : memref<2000000xf32, #tpu.memory_space<hbm>> -> memref<3584xf32, #tpu.memory_space<hbm>>
    tpu.enqueue_dma source(%dma_start3A_121 : memref<3584xf32, #tpu.memory_space<hbm>>) target(%arg8 : memref<3584xf32, #tpu.memory_space<vmem>>) target_semaphore(%arg16 : memref<!tpu.dma_semaphore, #tpu.memory_space<semaphore_mem>>)
    %dma_start3A_122 = tpu.memref_slice %arg3[%add3A_119] : memref<2000000xf32, #tpu.memory_space<hbm>> -> memref<3584xf32, #tpu.memory_space<hbm>>
    %dma_start3A_123 = tpu.memref_slice %arg3[%add3A_119] : memref<2000000xf32, #tpu.memory_space<hbm>> -> memref<3584xf32, #tpu.memory_space<hbm>>
    tpu.enqueue_dma source(%dma_start3A_123 : memref<3584xf32, #tpu.memory_space<hbm>>) target(%arg9 : memref<3584xf32, #tpu.memory_space<vmem>>) target_semaphore(%arg16 : memref<!tpu.dma_semaphore, #tpu.memory_space<semaphore_mem>>)
    %dma_start3A_124 = tpu.memref_slice %arg4[%add3A_119] : memref<2000000xf32, #tpu.memory_space<hbm>> -> memref<3584xf32, #tpu.memory_space<hbm>>
    %dma_start3A_125 = tpu.memref_slice %arg4[%add3A_119] : memref<2000000xf32, #tpu.memory_space<hbm>> -> memref<3584xf32, #tpu.memory_space<hbm>>
    tpu.enqueue_dma source(%dma_start3A_125 : memref<3584xf32, #tpu.memory_space<hbm>>) target(%arg10 : memref<3584xf32, #tpu.memory_space<vmem>>) target_semaphore(%arg16 : memref<!tpu.dma_semaphore, #tpu.memory_space<semaphore_mem>>)
    %dma_start3A_126 = tpu.memref_slice %arg5[%add3A_119] : memref<2000000xf32, #tpu.memory_space<hbm>> -> memref<3584xf32, #tpu.memory_space<hbm>>
    %dma_start3A_127 = tpu.memref_slice %arg5[%add3A_119] : memref<2000000xf32, #tpu.memory_space<hbm>> -> memref<3584xf32, #tpu.memory_space<hbm>>
    tpu.enqueue_dma source(%dma_start3A_127 : memref<3584xf32, #tpu.memory_space<hbm>>) target(%arg11 : memref<3584xf32, #tpu.memory_space<vmem>>) target_semaphore(%arg16 : memref<!tpu.dma_semaphore, #tpu.memory_space<semaphore_mem>>)
    %dma_wait3A_128 = tpu.memref_slice %arg2[%add3A_98] : memref<2000000xf32, #tpu.memory_space<hbm>> -> memref<3584xf32, #tpu.memory_space<hbm>>
    %dma_wait3A_129 = tpu.memref_slice %arg2[%add3A_98] : memref<2000000xf32, #tpu.memory_space<hbm>> -> memref<3584xf32, #tpu.memory_space<hbm>>
    tpu.wait_dma2 semaphore(%arg17 : memref<!tpu.dma_semaphore, #tpu.memory_space<semaphore_mem>>) src(%dma_wait3A_129 : memref<3584xf32, #tpu.memory_space<hbm>>) dst(%arg12 : memref<3584xf32, #tpu.memory_space<vmem>>)
    %dma_wait3A_130 = tpu.memref_slice %arg3[%add3A_98] : memref<2000000xf32, #tpu.memory_space<hbm>> -> memref<3584xf32, #tpu.memory_space<hbm>>
    %dma_wait3A_131 = tpu.memref_slice %arg3[%add3A_98] : memref<2000000xf32, #tpu.memory_space<hbm>> -> memref<3584xf32, #tpu.memory_space<hbm>>
    tpu.wait_dma2 semaphore(%arg17 : memref<!tpu.dma_semaphore, #tpu.memory_space<semaphore_mem>>) src(%dma_wait3A_131 : memref<3584xf32, #tpu.memory_space<hbm>>) dst(%arg13 : memref<3584xf32, #tpu.memory_space<vmem>>)
    %dma_wait3A_132 = tpu.memref_slice %arg4[%add3A_98] : memref<2000000xf32, #tpu.memory_space<hbm>> -> memref<3584xf32, #tpu.memory_space<hbm>>
    %dma_wait3A_133 = tpu.memref_slice %arg4[%add3A_98] : memref<2000000xf32, #tpu.memory_space<hbm>> -> memref<3584xf32, #tpu.memory_space<hbm>>
    tpu.wait_dma2 semaphore(%arg17 : memref<!tpu.dma_semaphore, #tpu.memory_space<semaphore_mem>>) src(%dma_wait3A_133 : memref<3584xf32, #tpu.memory_space<hbm>>) dst(%arg14 : memref<3584xf32, #tpu.memory_space<vmem>>)
    %dma_wait3A_134 = tpu.memref_slice %arg5[%add3A_98] : memref<2000000xf32, #tpu.memory_space<hbm>> -> memref<3584xf32, #tpu.memory_space<hbm>>
    %dma_wait3A_135 = tpu.memref_slice %arg5[%add3A_98] : memref<2000000xf32, #tpu.memory_space<hbm>> -> memref<3584xf32, #tpu.memory_space<hbm>>
    tpu.wait_dma2 semaphore(%arg17 : memref<!tpu.dma_semaphore, #tpu.memory_space<semaphore_mem>>) src(%dma_wait3A_135 : memref<3584xf32, #tpu.memory_space<hbm>>) dst(%arg15 : memref<3584xf32, #tpu.memory_space<vmem>>)
    %parallel_loop3A_136 = arith.constant 0 : i32
    %parallel_loop3A_137 = arith.constant 3584 : i32
    %parallel_loop3A_138 = arith.constant 16 : i32
    scf.for %parallel_loop3A_591 = %parallel_loop3A_136 to %parallel_loop3A_137 step %parallel_loop3A_138  : i32 {
      %parallel_loop3A_592 = arith.index_cast %parallel_loop3A_591 : i32 to index
      %parallel_loop3A_593 = tpu.vector_load %arg12[%parallel_loop3A_592] {strides = array<i32>} : memref<3584xf32, #tpu.memory_space<vmem>>, vector<16xf32>,
      %parallel_loop3A_594 = arith.index_cast %parallel_loop3A_591 : i32 to index
      %parallel_loop3A_595 = tpu.vector_load %arg13[%parallel_loop3A_594] {strides = array<i32>} : memref<3584xf32, #tpu.memory_space<vmem>>, vector<16xf32>,
      %parallel_loop3A_596 = arith.subf %parallel_loop3A_593, %parallel_loop3A_595 : vector<16xf32>
      %parallel_loop3A_597 = arith.index_cast %parallel_loop3A_591 : i32 to index
      %parallel_loop3A_598 = tpu.vector_load %arg14[%parallel_loop3A_597] {strides = array<i32>} : memref<3584xf32, #tpu.memory_space<vmem>>, vector<16xf32>,
      %parallel_loop3A_599 = arith.constant 5.000000e-01 : f32
      %parallel_loop3A_600 = vector.broadcast %parallel_loop3A_599 : f32 to vector<16xf32>
      %parallel_loop3A_601 = arith.cmpf ogt, %parallel_loop3A_598, %parallel_loop3A_600 : vector<16xf32>
      %parallel_loop3A_602 = arith.constant 6.66666664E-7 : f32
      %parallel_loop3A_603 = arith.constant 2.000000e-06 : f32
      %parallel_loop3A_604 = vector.broadcast %parallel_loop3A_602 : f32 to vector<16xf32>
      %parallel_loop3A_605 = vector.broadcast %parallel_loop3A_603 : f32 to vector<16xf32>
      %parallel_loop3A_606 = arith.select %parallel_loop3A_601, %parallel_loop3A_604, %parallel_loop3A_605 : vector<16xi1>, vector<16xf32>
      %parallel_loop3A_607 = arith.mulf %parallel_loop3A_596, %parallel_loop3A_606 : vector<16xf32>
      %parallel_loop3A_608 = arith.index_cast %parallel_loop3A_591 : i32 to index
      %parallel_loop3A_609 = tpu.vector_load %arg15[%parallel_loop3A_608] {strides = array<i32>} : memref<3584xf32, #tpu.memory_space<vmem>>, vector<16xf32>,
      %parallel_loop3A_610 = arith.constant 1.000000e+05 : f32
      %parallel_loop3A_611 = vector.broadcast %parallel_loop3A_610 : f32 to vector<16xf32>
      %parallel_loop3A_612 = arith.mulf %parallel_loop3A_609, %parallel_loop3A_611 : vector<16xf32>
      %parallel_loop3A_613 = arith.fptosi %parallel_loop3A_612 : vector<16xf32> to vector<16xi32>
      %parallel_loop3A_614 = arith.constant 99999 : i32
      %parallel_loop3A_615 = vector.broadcast %parallel_loop3A_614 : i32 to vector<16xi32>
      %parallel_loop3A_616 = arith.minsi %parallel_loop3A_613, %parallel_loop3A_615 : vector<16xi32>
      tpu.vector_store_idx %arg7[%parallel_loop3A_616], %parallel_loop3A_607 {add = true} : memref<100352xf32, #tpu.memory_space<vmem>>[vector<16xi32>], vector<16xf32>,
    } {sc.loop_unroll_factor = 2 : i64, sc.parallel_access}
    %add3A_139 = arith.constant 25088 : i32
    %add3A_140 = arith.addi %mul3A_2, %add3A_139 : i32
    %dma_start3A_141 = tpu.memref_slice %arg2[%add3A_140] : memref<2000000xf32, #tpu.memory_space<hbm>> -> memref<3584xf32, #tpu.memory_space<hbm>>
    %dma_start3A_142 = tpu.memref_slice %arg2[%add3A_140] : memref<2000000xf32, #tpu.memory_space<hbm>> -> memref<3584xf32, #tpu.memory_space<hbm>>
    tpu.enqueue_dma source(%dma_start3A_142 : memref<3584xf32, #tpu.memory_space<hbm>>) target(%arg12 : memref<3584xf32, #tpu.memory_space<vmem>>) target_semaphore(%arg17 : memref<!tpu.dma_semaphore, #tpu.memory_space<semaphore_mem>>)
    %dma_start3A_143 = tpu.memref_slice %arg3[%add3A_140] : memref<2000000xf32, #tpu.memory_space<hbm>> -> memref<3584xf32, #tpu.memory_space<hbm>>
    %dma_start3A_144 = tpu.memref_slice %arg3[%add3A_140] : memref<2000000xf32, #tpu.memory_space<hbm>> -> memref<3584xf32, #tpu.memory_space<hbm>>
    tpu.enqueue_dma source(%dma_start3A_144 : memref<3584xf32, #tpu.memory_space<hbm>>) target(%arg13 : memref<3584xf32, #tpu.memory_space<vmem>>) target_semaphore(%arg17 : memref<!tpu.dma_semaphore, #tpu.memory_space<semaphore_mem>>)
    %dma_start3A_145 = tpu.memref_slice %arg4[%add3A_140] : memref<2000000xf32, #tpu.memory_space<hbm>> -> memref<3584xf32, #tpu.memory_space<hbm>>
    %dma_start3A_146 = tpu.memref_slice %arg4[%add3A_140] : memref<2000000xf32, #tpu.memory_space<hbm>> -> memref<3584xf32, #tpu.memory_space<hbm>>
    tpu.enqueue_dma source(%dma_start3A_146 : memref<3584xf32, #tpu.memory_space<hbm>>) target(%arg14 : memref<3584xf32, #tpu.memory_space<vmem>>) target_semaphore(%arg17 : memref<!tpu.dma_semaphore, #tpu.memory_space<semaphore_mem>>)
    %dma_start3A_147 = tpu.memref_slice %arg5[%add3A_140] : memref<2000000xf32, #tpu.memory_space<hbm>> -> memref<3584xf32, #tpu.memory_space<hbm>>
    %dma_start3A_148 = tpu.memref_slice %arg5[%add3A_140] : memref<2000000xf32, #tpu.memory_space<hbm>> -> memref<3584xf32, #tpu.memory_space<hbm>>
    tpu.enqueue_dma source(%dma_start3A_148 : memref<3584xf32, #tpu.memory_space<hbm>>) target(%arg15 : memref<3584xf32, #tpu.memory_space<vmem>>) target_semaphore(%arg17 : memref<!tpu.dma_semaphore, #tpu.memory_space<semaphore_mem>>)
    %dma_wait3A_149 = tpu.memref_slice %arg2[%add3A_119] : memref<2000000xf32, #tpu.memory_space<hbm>> -> memref<3584xf32, #tpu.memory_space<hbm>>
    %dma_wait3A_150 = tpu.memref_slice %arg2[%add3A_119] : memref<2000000xf32, #tpu.memory_space<hbm>> -> memref<3584xf32, #tpu.memory_space<hbm>>
    tpu.wait_dma2 semaphore(%arg16 : memref<!tpu.dma_semaphore, #tpu.memory_space<semaphore_mem>>) src(%dma_wait3A_150 : memref<3584xf32, #tpu.memory_space<hbm>>) dst(%arg8 : memref<3584xf32, #tpu.memory_space<vmem>>)
    %dma_wait3A_151 = tpu.memref_slice %arg3[%add3A_119] : memref<2000000xf32, #tpu.memory_space<hbm>> -> memref<3584xf32, #tpu.memory_space<hbm>>
    %dma_wait3A_152 = tpu.memref_slice %arg3[%add3A_119] : memref<2000000xf32, #tpu.memory_space<hbm>> -> memref<3584xf32, #tpu.memory_space<hbm>>
    tpu.wait_dma2 semaphore(%arg16 : memref<!tpu.dma_semaphore, #tpu.memory_space<semaphore_mem>>) src(%dma_wait3A_152 : memref<3584xf32, #tpu.memory_space<hbm>>) dst(%arg9 : memref<3584xf32, #tpu.memory_space<vmem>>)
    %dma_wait3A_153 = tpu.memref_slice %arg4[%add3A_119] : memref<2000000xf32, #tpu.memory_space<hbm>> -> memref<3584xf32, #tpu.memory_space<hbm>>
    %dma_wait3A_154 = tpu.memref_slice %arg4[%add3A_119] : memref<2000000xf32, #tpu.memory_space<hbm>> -> memref<3584xf32, #tpu.memory_space<hbm>>
    tpu.wait_dma2 semaphore(%arg16 : memref<!tpu.dma_semaphore, #tpu.memory_space<semaphore_mem>>) src(%dma_wait3A_154 : memref<3584xf32, #tpu.memory_space<hbm>>) dst(%arg10 : memref<3584xf32, #tpu.memory_space<vmem>>)
    %dma_wait3A_155 = tpu.memref_slice %arg5[%add3A_119] : memref<2000000xf32, #tpu.memory_space<hbm>> -> memref<3584xf32, #tpu.memory_space<hbm>>
    %dma_wait3A_156 = tpu.memref_slice %arg5[%add3A_119] : memref<2000000xf32, #tpu.memory_space<hbm>> -> memref<3584xf32, #tpu.memory_space<hbm>>
    tpu.wait_dma2 semaphore(%arg16 : memref<!tpu.dma_semaphore, #tpu.memory_space<semaphore_mem>>) src(%dma_wait3A_156 : memref<3584xf32, #tpu.memory_space<hbm>>) dst(%arg11 : memref<3584xf32, #tpu.memory_space<vmem>>)
    %parallel_loop3A_157 = arith.constant 0 : i32
    %parallel_loop3A_158 = arith.constant 3584 : i32
    %parallel_loop3A_159 = arith.constant 16 : i32
    scf.for %parallel_loop3A_591 = %parallel_loop3A_157 to %parallel_loop3A_158 step %parallel_loop3A_159  : i32 {
      %parallel_loop3A_592 = arith.index_cast %parallel_loop3A_591 : i32 to index
      %parallel_loop3A_593 = tpu.vector_load %arg8[%parallel_loop3A_592] {strides = array<i32>} : memref<3584xf32, #tpu.memory_space<vmem>>, vector<16xf32>,
      %parallel_loop3A_594 = arith.index_cast %parallel_loop3A_591 : i32 to index
      %parallel_loop3A_595 = tpu.vector_load %arg9[%parallel_loop3A_594] {strides = array<i32>} : memref<3584xf32, #tpu.memory_space<vmem>>, vector<16xf32>,
      %parallel_loop3A_596 = arith.subf %parallel_loop3A_593, %parallel_loop3A_595 : vector<16xf32>
      %parallel_loop3A_597 = arith.index_cast %parallel_loop3A_591 : i32 to index
      %parallel_loop3A_598 = tpu.vector_load %arg10[%parallel_loop3A_597] {strides = array<i32>} : memref<3584xf32, #tpu.memory_space<vmem>>, vector<16xf32>,
      %parallel_loop3A_599 = arith.constant 5.000000e-01 : f32
      %parallel_loop3A_600 = vector.broadcast %parallel_loop3A_599 : f32 to vector<16xf32>
      %parallel_loop3A_601 = arith.cmpf ogt, %parallel_loop3A_598, %parallel_loop3A_600 : vector<16xf32>
      %parallel_loop3A_602 = arith.constant 6.66666664E-7 : f32
      %parallel_loop3A_603 = arith.constant 2.000000e-06 : f32
      %parallel_loop3A_604 = vector.broadcast %parallel_loop3A_602 : f32 to vector<16xf32>
      %parallel_loop3A_605 = vector.broadcast %parallel_loop3A_603 : f32 to vector<16xf32>
      %parallel_loop3A_606 = arith.select %parallel_loop3A_601, %parallel_loop3A_604, %parallel_loop3A_605 : vector<16xi1>, vector<16xf32>
      %parallel_loop3A_607 = arith.mulf %parallel_loop3A_596, %parallel_loop3A_606 : vector<16xf32>
      %parallel_loop3A_608 = arith.index_cast %parallel_loop3A_591 : i32 to index
      %parallel_loop3A_609 = tpu.vector_load %arg11[%parallel_loop3A_608] {strides = array<i32>} : memref<3584xf32, #tpu.memory_space<vmem>>, vector<16xf32>,
      %parallel_loop3A_610 = arith.constant 1.000000e+05 : f32
      %parallel_loop3A_611 = vector.broadcast %parallel_loop3A_610 : f32 to vector<16xf32>
      %parallel_loop3A_612 = arith.mulf %parallel_loop3A_609, %parallel_loop3A_611 : vector<16xf32>
      %parallel_loop3A_613 = arith.fptosi %parallel_loop3A_612 : vector<16xf32> to vector<16xi32>
      %parallel_loop3A_614 = arith.constant 99999 : i32
      %parallel_loop3A_615 = vector.broadcast %parallel_loop3A_614 : i32 to vector<16xi32>
      %parallel_loop3A_616 = arith.minsi %parallel_loop3A_613, %parallel_loop3A_615 : vector<16xi32>
      tpu.vector_store_idx %arg7[%parallel_loop3A_616], %parallel_loop3A_607 {add = true} : memref<100352xf32, #tpu.memory_space<vmem>>[vector<16xi32>], vector<16xf32>,
    } {sc.loop_unroll_factor = 2 : i64, sc.parallel_access}
    %add3A_160 = arith.constant 28672 : i32
    %add3A_161 = arith.addi %mul3A_2, %add3A_160 : i32
    %dma_start3A_162 = tpu.memref_slice %arg2[%add3A_161] : memref<2000000xf32, #tpu.memory_space<hbm>> -> memref<3584xf32, #tpu.memory_space<hbm>>
    %dma_start3A_163 = tpu.memref_slice %arg2[%add3A_161] : memref<2000000xf32, #tpu.memory_space<hbm>> -> memref<3584xf32, #tpu.memory_space<hbm>>
    tpu.enqueue_dma source(%dma_start3A_163 : memref<3584xf32, #tpu.memory_space<hbm>>) target(%arg8 : memref<3584xf32, #tpu.memory_space<vmem>>) target_semaphore(%arg16 : memref<!tpu.dma_semaphore, #tpu.memory_space<semaphore_mem>>)
    %dma_start3A_164 = tpu.memref_slice %arg3[%add3A_161] : memref<2000000xf32, #tpu.memory_space<hbm>> -> memref<3584xf32, #tpu.memory_space<hbm>>
    %dma_start3A_165 = tpu.memref_slice %arg3[%add3A_161] : memref<2000000xf32, #tpu.memory_space<hbm>> -> memref<3584xf32, #tpu.memory_space<hbm>>
    tpu.enqueue_dma source(%dma_start3A_165 : memref<3584xf32, #tpu.memory_space<hbm>>) target(%arg9 : memref<3584xf32, #tpu.memory_space<vmem>>) target_semaphore(%arg16 : memref<!tpu.dma_semaphore, #tpu.memory_space<semaphore_mem>>)
    %dma_start3A_166 = tpu.memref_slice %arg4[%add3A_161] : memref<2000000xf32, #tpu.memory_space<hbm>> -> memref<3584xf32, #tpu.memory_space<hbm>>
    %dma_start3A_167 = tpu.memref_slice %arg4[%add3A_161] : memref<2000000xf32, #tpu.memory_space<hbm>> -> memref<3584xf32, #tpu.memory_space<hbm>>
    tpu.enqueue_dma source(%dma_start3A_167 : memref<3584xf32, #tpu.memory_space<hbm>>) target(%arg10 : memref<3584xf32, #tpu.memory_space<vmem>>) target_semaphore(%arg16 : memref<!tpu.dma_semaphore, #tpu.memory_space<semaphore_mem>>)
    %dma_start3A_168 = tpu.memref_slice %arg5[%add3A_161] : memref<2000000xf32, #tpu.memory_space<hbm>> -> memref<3584xf32, #tpu.memory_space<hbm>>
    %dma_start3A_169 = tpu.memref_slice %arg5[%add3A_161] : memref<2000000xf32, #tpu.memory_space<hbm>> -> memref<3584xf32, #tpu.memory_space<hbm>>
    tpu.enqueue_dma source(%dma_start3A_169 : memref<3584xf32, #tpu.memory_space<hbm>>) target(%arg11 : memref<3584xf32, #tpu.memory_space<vmem>>) target_semaphore(%arg16 : memref<!tpu.dma_semaphore, #tpu.memory_space<semaphore_mem>>)
    %dma_wait3A_170 = tpu.memref_slice %arg2[%add3A_140] : memref<2000000xf32, #tpu.memory_space<hbm>> -> memref<3584xf32, #tpu.memory_space<hbm>>
    %dma_wait3A_171 = tpu.memref_slice %arg2[%add3A_140] : memref<2000000xf32, #tpu.memory_space<hbm>> -> memref<3584xf32, #tpu.memory_space<hbm>>
    tpu.wait_dma2 semaphore(%arg17 : memref<!tpu.dma_semaphore, #tpu.memory_space<semaphore_mem>>) src(%dma_wait3A_171 : memref<3584xf32, #tpu.memory_space<hbm>>) dst(%arg12 : memref<3584xf32, #tpu.memory_space<vmem>>)
    %dma_wait3A_172 = tpu.memref_slice %arg3[%add3A_140] : memref<2000000xf32, #tpu.memory_space<hbm>> -> memref<3584xf32, #tpu.memory_space<hbm>>
    %dma_wait3A_173 = tpu.memref_slice %arg3[%add3A_140] : memref<2000000xf32, #tpu.memory_space<hbm>> -> memref<3584xf32, #tpu.memory_space<hbm>>
    tpu.wait_dma2 semaphore(%arg17 : memref<!tpu.dma_semaphore, #tpu.memory_space<semaphore_mem>>) src(%dma_wait3A_173 : memref<3584xf32, #tpu.memory_space<hbm>>) dst(%arg13 : memref<3584xf32, #tpu.memory_space<vmem>>)
    %dma_wait3A_174 = tpu.memref_slice %arg4[%add3A_140] : memref<2000000xf32, #tpu.memory_space<hbm>> -> memref<3584xf32, #tpu.memory_space<hbm>>
    %dma_wait3A_175 = tpu.memref_slice %arg4[%add3A_140] : memref<2000000xf32, #tpu.memory_space<hbm>> -> memref<3584xf32, #tpu.memory_space<hbm>>
    tpu.wait_dma2 semaphore(%arg17 : memref<!tpu.dma_semaphore, #tpu.memory_space<semaphore_mem>>) src(%dma_wait3A_175 : memref<3584xf32, #tpu.memory_space<hbm>>) dst(%arg14 : memref<3584xf32, #tpu.memory_space<vmem>>)
    %dma_wait3A_176 = tpu.memref_slice %arg5[%add3A_140] : memref<2000000xf32, #tpu.memory_space<hbm>> -> memref<3584xf32, #tpu.memory_space<hbm>>
    %dma_wait3A_177 = tpu.memref_slice %arg5[%add3A_140] : memref<2000000xf32, #tpu.memory_space<hbm>> -> memref<3584xf32, #tpu.memory_space<hbm>>
    tpu.wait_dma2 semaphore(%arg17 : memref<!tpu.dma_semaphore, #tpu.memory_space<semaphore_mem>>) src(%dma_wait3A_177 : memref<3584xf32, #tpu.memory_space<hbm>>) dst(%arg15 : memref<3584xf32, #tpu.memory_space<vmem>>)
    %parallel_loop3A_178 = arith.constant 0 : i32
    %parallel_loop3A_179 = arith.constant 3584 : i32
    %parallel_loop3A_180 = arith.constant 16 : i32
    scf.for %parallel_loop3A_591 = %parallel_loop3A_178 to %parallel_loop3A_179 step %parallel_loop3A_180  : i32 {
      %parallel_loop3A_592 = arith.index_cast %parallel_loop3A_591 : i32 to index
      %parallel_loop3A_593 = tpu.vector_load %arg12[%parallel_loop3A_592] {strides = array<i32>} : memref<3584xf32, #tpu.memory_space<vmem>>, vector<16xf32>,
      %parallel_loop3A_594 = arith.index_cast %parallel_loop3A_591 : i32 to index
      %parallel_loop3A_595 = tpu.vector_load %arg13[%parallel_loop3A_594] {strides = array<i32>} : memref<3584xf32, #tpu.memory_space<vmem>>, vector<16xf32>,
      %parallel_loop3A_596 = arith.subf %parallel_loop3A_593, %parallel_loop3A_595 : vector<16xf32>
      %parallel_loop3A_597 = arith.index_cast %parallel_loop3A_591 : i32 to index
      %parallel_loop3A_598 = tpu.vector_load %arg14[%parallel_loop3A_597] {strides = array<i32>} : memref<3584xf32, #tpu.memory_space<vmem>>, vector<16xf32>,
      %parallel_loop3A_599 = arith.constant 5.000000e-01 : f32
      %parallel_loop3A_600 = vector.broadcast %parallel_loop3A_599 : f32 to vector<16xf32>
      %parallel_loop3A_601 = arith.cmpf ogt, %parallel_loop3A_598, %parallel_loop3A_600 : vector<16xf32>
      %parallel_loop3A_602 = arith.constant 6.66666664E-7 : f32
      %parallel_loop3A_603 = arith.constant 2.000000e-06 : f32
      %parallel_loop3A_604 = vector.broadcast %parallel_loop3A_602 : f32 to vector<16xf32>
      %parallel_loop3A_605 = vector.broadcast %parallel_loop3A_603 : f32 to vector<16xf32>
      %parallel_loop3A_606 = arith.select %parallel_loop3A_601, %parallel_loop3A_604, %parallel_loop3A_605 : vector<16xi1>, vector<16xf32>
      %parallel_loop3A_607 = arith.mulf %parallel_loop3A_596, %parallel_loop3A_606 : vector<16xf32>
      %parallel_loop3A_608 = arith.index_cast %parallel_loop3A_591 : i32 to index
      %parallel_loop3A_609 = tpu.vector_load %arg15[%parallel_loop3A_608] {strides = array<i32>} : memref<3584xf32, #tpu.memory_space<vmem>>, vector<16xf32>,
      %parallel_loop3A_610 = arith.constant 1.000000e+05 : f32
      %parallel_loop3A_611 = vector.broadcast %parallel_loop3A_610 : f32 to vector<16xf32>
      %parallel_loop3A_612 = arith.mulf %parallel_loop3A_609, %parallel_loop3A_611 : vector<16xf32>
      %parallel_loop3A_613 = arith.fptosi %parallel_loop3A_612 : vector<16xf32> to vector<16xi32>
      %parallel_loop3A_614 = arith.constant 99999 : i32
      %parallel_loop3A_615 = vector.broadcast %parallel_loop3A_614 : i32 to vector<16xi32>
      %parallel_loop3A_616 = arith.minsi %parallel_loop3A_613, %parallel_loop3A_615 : vector<16xi32>
      tpu.vector_store_idx %arg7[%parallel_loop3A_616], %parallel_loop3A_607 {add = true} : memref<100352xf32, #tpu.memory_space<vmem>>[vector<16xi32>], vector<16xf32>,
    } {sc.loop_unroll_factor = 2 : i64, sc.parallel_access}
    %add3A_181 = arith.constant 32256 : i32
    %add3A_182 = arith.addi %mul3A_2, %add3A_181 : i32
    %dma_start3A_183 = tpu.memref_slice %arg2[%add3A_182] : memref<2000000xf32, #tpu.memory_space<hbm>> -> memref<3584xf32, #tpu.memory_space<hbm>>
    %dma_start3A_184 = tpu.memref_slice %arg2[%add3A_182] : memref<2000000xf32, #tpu.memory_space<hbm>> -> memref<3584xf32, #tpu.memory_space<hbm>>
    tpu.enqueue_dma source(%dma_start3A_184 : memref<3584xf32, #tpu.memory_space<hbm>>) target(%arg12 : memref<3584xf32, #tpu.memory_space<vmem>>) target_semaphore(%arg17 : memref<!tpu.dma_semaphore, #tpu.memory_space<semaphore_mem>>)
    %dma_start3A_185 = tpu.memref_slice %arg3[%add3A_182] : memref<2000000xf32, #tpu.memory_space<hbm>> -> memref<3584xf32, #tpu.memory_space<hbm>>
    %dma_start3A_186 = tpu.memref_slice %arg3[%add3A_182] : memref<2000000xf32, #tpu.memory_space<hbm>> -> memref<3584xf32, #tpu.memory_space<hbm>>
    tpu.enqueue_dma source(%dma_start3A_186 : memref<3584xf32, #tpu.memory_space<hbm>>) target(%arg13 : memref<3584xf32, #tpu.memory_space<vmem>>) target_semaphore(%arg17 : memref<!tpu.dma_semaphore, #tpu.memory_space<semaphore_mem>>)
    %dma_start3A_187 = tpu.memref_slice %arg4[%add3A_182] : memref<2000000xf32, #tpu.memory_space<hbm>> -> memref<3584xf32, #tpu.memory_space<hbm>>
    %dma_start3A_188 = tpu.memref_slice %arg4[%add3A_182] : memref<2000000xf32, #tpu.memory_space<hbm>> -> memref<3584xf32, #tpu.memory_space<hbm>>
    tpu.enqueue_dma source(%dma_start3A_188 : memref<3584xf32, #tpu.memory_space<hbm>>) target(%arg14 : memref<3584xf32, #tpu.memory_space<vmem>>) target_semaphore(%arg17 : memref<!tpu.dma_semaphore, #tpu.memory_space<semaphore_mem>>)
    %dma_start3A_189 = tpu.memref_slice %arg5[%add3A_182] : memref<2000000xf32, #tpu.memory_space<hbm>> -> memref<3584xf32, #tpu.memory_space<hbm>>
    %dma_start3A_190 = tpu.memref_slice %arg5[%add3A_182] : memref<2000000xf32, #tpu.memory_space<hbm>> -> memref<3584xf32, #tpu.memory_space<hbm>>
    tpu.enqueue_dma source(%dma_start3A_190 : memref<3584xf32, #tpu.memory_space<hbm>>) target(%arg15 : memref<3584xf32, #tpu.memory_space<vmem>>) target_semaphore(%arg17 : memref<!tpu.dma_semaphore, #tpu.memory_space<semaphore_mem>>)
    %dma_wait3A_191 = tpu.memref_slice %arg2[%add3A_161] : memref<2000000xf32, #tpu.memory_space<hbm>> -> memref<3584xf32, #tpu.memory_space<hbm>>
    %dma_wait3A_192 = tpu.memref_slice %arg2[%add3A_161] : memref<2000000xf32, #tpu.memory_space<hbm>> -> memref<3584xf32, #tpu.memory_space<hbm>>
    tpu.wait_dma2 semaphore(%arg16 : memref<!tpu.dma_semaphore, #tpu.memory_space<semaphore_mem>>) src(%dma_wait3A_192 : memref<3584xf32, #tpu.memory_space<hbm>>) dst(%arg8 : memref<3584xf32, #tpu.memory_space<vmem>>)
    %dma_wait3A_193 = tpu.memref_slice %arg3[%add3A_161] : memref<2000000xf32, #tpu.memory_space<hbm>> -> memref<3584xf32, #tpu.memory_space<hbm>>
    %dma_wait3A_194 = tpu.memref_slice %arg3[%add3A_161] : memref<2000000xf32, #tpu.memory_space<hbm>> -> memref<3584xf32, #tpu.memory_space<hbm>>
    tpu.wait_dma2 semaphore(%arg16 : memref<!tpu.dma_semaphore, #tpu.memory_space<semaphore_mem>>) src(%dma_wait3A_194 : memref<3584xf32, #tpu.memory_space<hbm>>) dst(%arg9 : memref<3584xf32, #tpu.memory_space<vmem>>)
    %dma_wait3A_195 = tpu.memref_slice %arg4[%add3A_161] : memref<2000000xf32, #tpu.memory_space<hbm>> -> memref<3584xf32, #tpu.memory_space<hbm>>
    %dma_wait3A_196 = tpu.memref_slice %arg4[%add3A_161] : memref<2000000xf32, #tpu.memory_space<hbm>> -> memref<3584xf32, #tpu.memory_space<hbm>>
    tpu.wait_dma2 semaphore(%arg16 : memref<!tpu.dma_semaphore, #tpu.memory_space<semaphore_mem>>) src(%dma_wait3A_196 : memref<3584xf32, #tpu.memory_space<hbm>>) dst(%arg10 : memref<3584xf32, #tpu.memory_space<vmem>>)
    %dma_wait3A_197 = tpu.memref_slice %arg5[%add3A_161] : memref<2000000xf32, #tpu.memory_space<hbm>> -> memref<3584xf32, #tpu.memory_space<hbm>>
    %dma_wait3A_198 = tpu.memref_slice %arg5[%add3A_161] : memref<2000000xf32, #tpu.memory_space<hbm>> -> memref<3584xf32, #tpu.memory_space<hbm>>
    tpu.wait_dma2 semaphore(%arg16 : memref<!tpu.dma_semaphore, #tpu.memory_space<semaphore_mem>>) src(%dma_wait3A_198 : memref<3584xf32, #tpu.memory_space<hbm>>) dst(%arg11 : memref<3584xf32, #tpu.memory_space<vmem>>)
    %parallel_loop3A_199 = arith.constant 0 : i32
    %parallel_loop3A_200 = arith.constant 3584 : i32
    %parallel_loop3A_201 = arith.constant 16 : i32
    scf.for %parallel_loop3A_591 = %parallel_loop3A_199 to %parallel_loop3A_200 step %parallel_loop3A_201  : i32 {
      %parallel_loop3A_592 = arith.index_cast %parallel_loop3A_591 : i32 to index
      %parallel_loop3A_593 = tpu.vector_load %arg8[%parallel_loop3A_592] {strides = array<i32>} : memref<3584xf32, #tpu.memory_space<vmem>>, vector<16xf32>,
      %parallel_loop3A_594 = arith.index_cast %parallel_loop3A_591 : i32 to index
      %parallel_loop3A_595 = tpu.vector_load %arg9[%parallel_loop3A_594] {strides = array<i32>} : memref<3584xf32, #tpu.memory_space<vmem>>, vector<16xf32>,
      %parallel_loop3A_596 = arith.subf %parallel_loop3A_593, %parallel_loop3A_595 : vector<16xf32>
      %parallel_loop3A_597 = arith.index_cast %parallel_loop3A_591 : i32 to index
      %parallel_loop3A_598 = tpu.vector_load %arg10[%parallel_loop3A_597] {strides = array<i32>} : memref<3584xf32, #tpu.memory_space<vmem>>, vector<16xf32>,
      %parallel_loop3A_599 = arith.constant 5.000000e-01 : f32
      %parallel_loop3A_600 = vector.broadcast %parallel_loop3A_599 : f32 to vector<16xf32>
      %parallel_loop3A_601 = arith.cmpf ogt, %parallel_loop3A_598, %parallel_loop3A_600 : vector<16xf32>
      %parallel_loop3A_602 = arith.constant 6.66666664E-7 : f32
      %parallel_loop3A_603 = arith.constant 2.000000e-06 : f32
      %parallel_loop3A_604 = vector.broadcast %parallel_loop3A_602 : f32 to vector<16xf32>
      %parallel_loop3A_605 = vector.broadcast %parallel_loop3A_603 : f32 to vector<16xf32>
      %parallel_loop3A_606 = arith.select %parallel_loop3A_601, %parallel_loop3A_604, %parallel_loop3A_605 : vector<16xi1>, vector<16xf32>
      %parallel_loop3A_607 = arith.mulf %parallel_loop3A_596, %parallel_loop3A_606 : vector<16xf32>
      %parallel_loop3A_608 = arith.index_cast %parallel_loop3A_591 : i32 to index
      %parallel_loop3A_609 = tpu.vector_load %arg11[%parallel_loop3A_608] {strides = array<i32>} : memref<3584xf32, #tpu.memory_space<vmem>>, vector<16xf32>,
      %parallel_loop3A_610 = arith.constant 1.000000e+05 : f32
      %parallel_loop3A_611 = vector.broadcast %parallel_loop3A_610 : f32 to vector<16xf32>
      %parallel_loop3A_612 = arith.mulf %parallel_loop3A_609, %parallel_loop3A_611 : vector<16xf32>
      %parallel_loop3A_613 = arith.fptosi %parallel_loop3A_612 : vector<16xf32> to vector<16xi32>
      %parallel_loop3A_614 = arith.constant 99999 : i32
      %parallel_loop3A_615 = vector.broadcast %parallel_loop3A_614 : i32 to vector<16xi32>
      %parallel_loop3A_616 = arith.minsi %parallel_loop3A_613, %parallel_loop3A_615 : vector<16xi32>
      tpu.vector_store_idx %arg7[%parallel_loop3A_616], %parallel_loop3A_607 {add = true} : memref<100352xf32, #tpu.memory_space<vmem>>[vector<16xi32>], vector<16xf32>,
    } {sc.loop_unroll_factor = 2 : i64, sc.parallel_access}
    %add3A_202 = arith.constant 35840 : i32
    %add3A_203 = arith.addi %mul3A_2, %add3A_202 : i32
    %dma_start3A_204 = tpu.memref_slice %arg2[%add3A_203] : memref<2000000xf32, #tpu.memory_space<hbm>> -> memref<3584xf32, #tpu.memory_space<hbm>>
    %dma_start3A_205 = tpu.memref_slice %arg2[%add3A_203] : memref<2000000xf32, #tpu.memory_space<hbm>> -> memref<3584xf32, #tpu.memory_space<hbm>>
    tpu.enqueue_dma source(%dma_start3A_205 : memref<3584xf32, #tpu.memory_space<hbm>>) target(%arg8 : memref<3584xf32, #tpu.memory_space<vmem>>) target_semaphore(%arg16 : memref<!tpu.dma_semaphore, #tpu.memory_space<semaphore_mem>>)
    %dma_start3A_206 = tpu.memref_slice %arg3[%add3A_203] : memref<2000000xf32, #tpu.memory_space<hbm>> -> memref<3584xf32, #tpu.memory_space<hbm>>
    %dma_start3A_207 = tpu.memref_slice %arg3[%add3A_203] : memref<2000000xf32, #tpu.memory_space<hbm>> -> memref<3584xf32, #tpu.memory_space<hbm>>
    tpu.enqueue_dma source(%dma_start3A_207 : memref<3584xf32, #tpu.memory_space<hbm>>) target(%arg9 : memref<3584xf32, #tpu.memory_space<vmem>>) target_semaphore(%arg16 : memref<!tpu.dma_semaphore, #tpu.memory_space<semaphore_mem>>)
    %dma_start3A_208 = tpu.memref_slice %arg4[%add3A_203] : memref<2000000xf32, #tpu.memory_space<hbm>> -> memref<3584xf32, #tpu.memory_space<hbm>>
    %dma_start3A_209 = tpu.memref_slice %arg4[%add3A_203] : memref<2000000xf32, #tpu.memory_space<hbm>> -> memref<3584xf32, #tpu.memory_space<hbm>>
    tpu.enqueue_dma source(%dma_start3A_209 : memref<3584xf32, #tpu.memory_space<hbm>>) target(%arg10 : memref<3584xf32, #tpu.memory_space<vmem>>) target_semaphore(%arg16 : memref<!tpu.dma_semaphore, #tpu.memory_space<semaphore_mem>>)
    %dma_start3A_210 = tpu.memref_slice %arg5[%add3A_203] : memref<2000000xf32, #tpu.memory_space<hbm>> -> memref<3584xf32, #tpu.memory_space<hbm>>
    %dma_start3A_211 = tpu.memref_slice %arg5[%add3A_203] : memref<2000000xf32, #tpu.memory_space<hbm>> -> memref<3584xf32, #tpu.memory_space<hbm>>
    tpu.enqueue_dma source(%dma_start3A_211 : memref<3584xf32, #tpu.memory_space<hbm>>) target(%arg11 : memref<3584xf32, #tpu.memory_space<vmem>>) target_semaphore(%arg16 : memref<!tpu.dma_semaphore, #tpu.memory_space<semaphore_mem>>)
    %dma_wait3A_212 = tpu.memref_slice %arg2[%add3A_182] : memref<2000000xf32, #tpu.memory_space<hbm>> -> memref<3584xf32, #tpu.memory_space<hbm>>
    %dma_wait3A_213 = tpu.memref_slice %arg2[%add3A_182] : memref<2000000xf32, #tpu.memory_space<hbm>> -> memref<3584xf32, #tpu.memory_space<hbm>>
    tpu.wait_dma2 semaphore(%arg17 : memref<!tpu.dma_semaphore, #tpu.memory_space<semaphore_mem>>) src(%dma_wait3A_213 : memref<3584xf32, #tpu.memory_space<hbm>>) dst(%arg12 : memref<3584xf32, #tpu.memory_space<vmem>>)
    %dma_wait3A_214 = tpu.memref_slice %arg3[%add3A_182] : memref<2000000xf32, #tpu.memory_space<hbm>> -> memref<3584xf32, #tpu.memory_space<hbm>>
    %dma_wait3A_215 = tpu.memref_slice %arg3[%add3A_182] : memref<2000000xf32, #tpu.memory_space<hbm>> -> memref<3584xf32, #tpu.memory_space<hbm>>
    tpu.wait_dma2 semaphore(%arg17 : memref<!tpu.dma_semaphore, #tpu.memory_space<semaphore_mem>>) src(%dma_wait3A_215 : memref<3584xf32, #tpu.memory_space<hbm>>) dst(%arg13 : memref<3584xf32, #tpu.memory_space<vmem>>)
    %dma_wait3A_216 = tpu.memref_slice %arg4[%add3A_182] : memref<2000000xf32, #tpu.memory_space<hbm>> -> memref<3584xf32, #tpu.memory_space<hbm>>
    %dma_wait3A_217 = tpu.memref_slice %arg4[%add3A_182] : memref<2000000xf32, #tpu.memory_space<hbm>> -> memref<3584xf32, #tpu.memory_space<hbm>>
    tpu.wait_dma2 semaphore(%arg17 : memref<!tpu.dma_semaphore, #tpu.memory_space<semaphore_mem>>) src(%dma_wait3A_217 : memref<3584xf32, #tpu.memory_space<hbm>>) dst(%arg14 : memref<3584xf32, #tpu.memory_space<vmem>>)
    %dma_wait3A_218 = tpu.memref_slice %arg5[%add3A_182] : memref<2000000xf32, #tpu.memory_space<hbm>> -> memref<3584xf32, #tpu.memory_space<hbm>>
    %dma_wait3A_219 = tpu.memref_slice %arg5[%add3A_182] : memref<2000000xf32, #tpu.memory_space<hbm>> -> memref<3584xf32, #tpu.memory_space<hbm>>
    tpu.wait_dma2 semaphore(%arg17 : memref<!tpu.dma_semaphore, #tpu.memory_space<semaphore_mem>>) src(%dma_wait3A_219 : memref<3584xf32, #tpu.memory_space<hbm>>) dst(%arg15 : memref<3584xf32, #tpu.memory_space<vmem>>)
    %parallel_loop3A_220 = arith.constant 0 : i32
    %parallel_loop3A_221 = arith.constant 3584 : i32
    %parallel_loop3A_222 = arith.constant 16 : i32
    scf.for %parallel_loop3A_591 = %parallel_loop3A_220 to %parallel_loop3A_221 step %parallel_loop3A_222  : i32 {
      %parallel_loop3A_592 = arith.index_cast %parallel_loop3A_591 : i32 to index
      %parallel_loop3A_593 = tpu.vector_load %arg12[%parallel_loop3A_592] {strides = array<i32>} : memref<3584xf32, #tpu.memory_space<vmem>>, vector<16xf32>,
      %parallel_loop3A_594 = arith.index_cast %parallel_loop3A_591 : i32 to index
      %parallel_loop3A_595 = tpu.vector_load %arg13[%parallel_loop3A_594] {strides = array<i32>} : memref<3584xf32, #tpu.memory_space<vmem>>, vector<16xf32>,
      %parallel_loop3A_596 = arith.subf %parallel_loop3A_593, %parallel_loop3A_595 : vector<16xf32>
      %parallel_loop3A_597 = arith.index_cast %parallel_loop3A_591 : i32 to index
      %parallel_loop3A_598 = tpu.vector_load %arg14[%parallel_loop3A_597] {strides = array<i32>} : memref<3584xf32, #tpu.memory_space<vmem>>, vector<16xf32>,
      %parallel_loop3A_599 = arith.constant 5.000000e-01 : f32
      %parallel_loop3A_600 = vector.broadcast %parallel_loop3A_599 : f32 to vector<16xf32>
      %parallel_loop3A_601 = arith.cmpf ogt, %parallel_loop3A_598, %parallel_loop3A_600 : vector<16xf32>
      %parallel_loop3A_602 = arith.constant 6.66666664E-7 : f32
      %parallel_loop3A_603 = arith.constant 2.000000e-06 : f32
      %parallel_loop3A_604 = vector.broadcast %parallel_loop3A_602 : f32 to vector<16xf32>
      %parallel_loop3A_605 = vector.broadcast %parallel_loop3A_603 : f32 to vector<16xf32>
      %parallel_loop3A_606 = arith.select %parallel_loop3A_601, %parallel_loop3A_604, %parallel_loop3A_605 : vector<16xi1>, vector<16xf32>
      %parallel_loop3A_607 = arith.mulf %parallel_loop3A_596, %parallel_loop3A_606 : vector<16xf32>
      %parallel_loop3A_608 = arith.index_cast %parallel_loop3A_591 : i32 to index
      %parallel_loop3A_609 = tpu.vector_load %arg15[%parallel_loop3A_608] {strides = array<i32>} : memref<3584xf32, #tpu.memory_space<vmem>>, vector<16xf32>,
      %parallel_loop3A_610 = arith.constant 1.000000e+05 : f32
      %parallel_loop3A_611 = vector.broadcast %parallel_loop3A_610 : f32 to vector<16xf32>
      %parallel_loop3A_612 = arith.mulf %parallel_loop3A_609, %parallel_loop3A_611 : vector<16xf32>
      %parallel_loop3A_613 = arith.fptosi %parallel_loop3A_612 : vector<16xf32> to vector<16xi32>
      %parallel_loop3A_614 = arith.constant 99999 : i32
      %parallel_loop3A_615 = vector.broadcast %parallel_loop3A_614 : i32 to vector<16xi32>
      %parallel_loop3A_616 = arith.minsi %parallel_loop3A_613, %parallel_loop3A_615 : vector<16xi32>
      tpu.vector_store_idx %arg7[%parallel_loop3A_616], %parallel_loop3A_607 {add = true} : memref<100352xf32, #tpu.memory_space<vmem>>[vector<16xi32>], vector<16xf32>,
    } {sc.loop_unroll_factor = 2 : i64, sc.parallel_access}
    %add3A_223 = arith.constant 39424 : i32
    %add3A_224 = arith.addi %mul3A_2, %add3A_223 : i32
    %dma_start3A_225 = tpu.memref_slice %arg2[%add3A_224] : memref<2000000xf32, #tpu.memory_space<hbm>> -> memref<3584xf32, #tpu.memory_space<hbm>>
    %dma_start3A_226 = tpu.memref_slice %arg2[%add3A_224] : memref<2000000xf32, #tpu.memory_space<hbm>> -> memref<3584xf32, #tpu.memory_space<hbm>>
    tpu.enqueue_dma source(%dma_start3A_226 : memref<3584xf32, #tpu.memory_space<hbm>>) target(%arg12 : memref<3584xf32, #tpu.memory_space<vmem>>) target_semaphore(%arg17 : memref<!tpu.dma_semaphore, #tpu.memory_space<semaphore_mem>>)
    %dma_start3A_227 = tpu.memref_slice %arg3[%add3A_224] : memref<2000000xf32, #tpu.memory_space<hbm>> -> memref<3584xf32, #tpu.memory_space<hbm>>
    %dma_start3A_228 = tpu.memref_slice %arg3[%add3A_224] : memref<2000000xf32, #tpu.memory_space<hbm>> -> memref<3584xf32, #tpu.memory_space<hbm>>
    tpu.enqueue_dma source(%dma_start3A_228 : memref<3584xf32, #tpu.memory_space<hbm>>) target(%arg13 : memref<3584xf32, #tpu.memory_space<vmem>>) target_semaphore(%arg17 : memref<!tpu.dma_semaphore, #tpu.memory_space<semaphore_mem>>)
    %dma_start3A_229 = tpu.memref_slice %arg4[%add3A_224] : memref<2000000xf32, #tpu.memory_space<hbm>> -> memref<3584xf32, #tpu.memory_space<hbm>>
    %dma_start3A_230 = tpu.memref_slice %arg4[%add3A_224] : memref<2000000xf32, #tpu.memory_space<hbm>> -> memref<3584xf32, #tpu.memory_space<hbm>>
    tpu.enqueue_dma source(%dma_start3A_230 : memref<3584xf32, #tpu.memory_space<hbm>>) target(%arg14 : memref<3584xf32, #tpu.memory_space<vmem>>) target_semaphore(%arg17 : memref<!tpu.dma_semaphore, #tpu.memory_space<semaphore_mem>>)
    %dma_start3A_231 = tpu.memref_slice %arg5[%add3A_224] : memref<2000000xf32, #tpu.memory_space<hbm>> -> memref<3584xf32, #tpu.memory_space<hbm>>
    %dma_start3A_232 = tpu.memref_slice %arg5[%add3A_224] : memref<2000000xf32, #tpu.memory_space<hbm>> -> memref<3584xf32, #tpu.memory_space<hbm>>
    tpu.enqueue_dma source(%dma_start3A_232 : memref<3584xf32, #tpu.memory_space<hbm>>) target(%arg15 : memref<3584xf32, #tpu.memory_space<vmem>>) target_semaphore(%arg17 : memref<!tpu.dma_semaphore, #tpu.memory_space<semaphore_mem>>)
    %dma_wait3A_233 = tpu.memref_slice %arg2[%add3A_203] : memref<2000000xf32, #tpu.memory_space<hbm>> -> memref<3584xf32, #tpu.memory_space<hbm>>
    %dma_wait3A_234 = tpu.memref_slice %arg2[%add3A_203] : memref<2000000xf32, #tpu.memory_space<hbm>> -> memref<3584xf32, #tpu.memory_space<hbm>>
    tpu.wait_dma2 semaphore(%arg16 : memref<!tpu.dma_semaphore, #tpu.memory_space<semaphore_mem>>) src(%dma_wait3A_234 : memref<3584xf32, #tpu.memory_space<hbm>>) dst(%arg8 : memref<3584xf32, #tpu.memory_space<vmem>>)
    %dma_wait3A_235 = tpu.memref_slice %arg3[%add3A_203] : memref<2000000xf32, #tpu.memory_space<hbm>> -> memref<3584xf32, #tpu.memory_space<hbm>>
    %dma_wait3A_236 = tpu.memref_slice %arg3[%add3A_203] : memref<2000000xf32, #tpu.memory_space<hbm>> -> memref<3584xf32, #tpu.memory_space<hbm>>
    tpu.wait_dma2 semaphore(%arg16 : memref<!tpu.dma_semaphore, #tpu.memory_space<semaphore_mem>>) src(%dma_wait3A_236 : memref<3584xf32, #tpu.memory_space<hbm>>) dst(%arg9 : memref<3584xf32, #tpu.memory_space<vmem>>)
    %dma_wait3A_237 = tpu.memref_slice %arg4[%add3A_203] : memref<2000000xf32, #tpu.memory_space<hbm>> -> memref<3584xf32, #tpu.memory_space<hbm>>
    %dma_wait3A_238 = tpu.memref_slice %arg4[%add3A_203] : memref<2000000xf32, #tpu.memory_space<hbm>> -> memref<3584xf32, #tpu.memory_space<hbm>>
    tpu.wait_dma2 semaphore(%arg16 : memref<!tpu.dma_semaphore, #tpu.memory_space<semaphore_mem>>) src(%dma_wait3A_238 : memref<3584xf32, #tpu.memory_space<hbm>>) dst(%arg10 : memref<3584xf32, #tpu.memory_space<vmem>>)
    %dma_wait3A_239 = tpu.memref_slice %arg5[%add3A_203] : memref<2000000xf32, #tpu.memory_space<hbm>> -> memref<3584xf32, #tpu.memory_space<hbm>>
    %dma_wait3A_240 = tpu.memref_slice %arg5[%add3A_203] : memref<2000000xf32, #tpu.memory_space<hbm>> -> memref<3584xf32, #tpu.memory_space<hbm>>
    tpu.wait_dma2 semaphore(%arg16 : memref<!tpu.dma_semaphore, #tpu.memory_space<semaphore_mem>>) src(%dma_wait3A_240 : memref<3584xf32, #tpu.memory_space<hbm>>) dst(%arg11 : memref<3584xf32, #tpu.memory_space<vmem>>)
    %parallel_loop3A_241 = arith.constant 0 : i32
    %parallel_loop3A_242 = arith.constant 3584 : i32
    %parallel_loop3A_243 = arith.constant 16 : i32
    scf.for %parallel_loop3A_591 = %parallel_loop3A_241 to %parallel_loop3A_242 step %parallel_loop3A_243  : i32 {
      %parallel_loop3A_592 = arith.index_cast %parallel_loop3A_591 : i32 to index
      %parallel_loop3A_593 = tpu.vector_load %arg8[%parallel_loop3A_592] {strides = array<i32>} : memref<3584xf32, #tpu.memory_space<vmem>>, vector<16xf32>,
      %parallel_loop3A_594 = arith.index_cast %parallel_loop3A_591 : i32 to index
      %parallel_loop3A_595 = tpu.vector_load %arg9[%parallel_loop3A_594] {strides = array<i32>} : memref<3584xf32, #tpu.memory_space<vmem>>, vector<16xf32>,
      %parallel_loop3A_596 = arith.subf %parallel_loop3A_593, %parallel_loop3A_595 : vector<16xf32>
      %parallel_loop3A_597 = arith.index_cast %parallel_loop3A_591 : i32 to index
      %parallel_loop3A_598 = tpu.vector_load %arg10[%parallel_loop3A_597] {strides = array<i32>} : memref<3584xf32, #tpu.memory_space<vmem>>, vector<16xf32>,
      %parallel_loop3A_599 = arith.constant 5.000000e-01 : f32
      %parallel_loop3A_600 = vector.broadcast %parallel_loop3A_599 : f32 to vector<16xf32>
      %parallel_loop3A_601 = arith.cmpf ogt, %parallel_loop3A_598, %parallel_loop3A_600 : vector<16xf32>
      %parallel_loop3A_602 = arith.constant 6.66666664E-7 : f32
      %parallel_loop3A_603 = arith.constant 2.000000e-06 : f32
      %parallel_loop3A_604 = vector.broadcast %parallel_loop3A_602 : f32 to vector<16xf32>
      %parallel_loop3A_605 = vector.broadcast %parallel_loop3A_603 : f32 to vector<16xf32>
      %parallel_loop3A_606 = arith.select %parallel_loop3A_601, %parallel_loop3A_604, %parallel_loop3A_605 : vector<16xi1>, vector<16xf32>
      %parallel_loop3A_607 = arith.mulf %parallel_loop3A_596, %parallel_loop3A_606 : vector<16xf32>
      %parallel_loop3A_608 = arith.index_cast %parallel_loop3A_591 : i32 to index
      %parallel_loop3A_609 = tpu.vector_load %arg11[%parallel_loop3A_608] {strides = array<i32>} : memref<3584xf32, #tpu.memory_space<vmem>>, vector<16xf32>,
      %parallel_loop3A_610 = arith.constant 1.000000e+05 : f32
      %parallel_loop3A_611 = vector.broadcast %parallel_loop3A_610 : f32 to vector<16xf32>
      %parallel_loop3A_612 = arith.mulf %parallel_loop3A_609, %parallel_loop3A_611 : vector<16xf32>
      %parallel_loop3A_613 = arith.fptosi %parallel_loop3A_612 : vector<16xf32> to vector<16xi32>
      %parallel_loop3A_614 = arith.constant 99999 : i32
      %parallel_loop3A_615 = vector.broadcast %parallel_loop3A_614 : i32 to vector<16xi32>
      %parallel_loop3A_616 = arith.minsi %parallel_loop3A_613, %parallel_loop3A_615 : vector<16xi32>
      tpu.vector_store_idx %arg7[%parallel_loop3A_616], %parallel_loop3A_607 {add = true} : memref<100352xf32, #tpu.memory_space<vmem>>[vector<16xi32>], vector<16xf32>,
    } {sc.loop_unroll_factor = 2 : i64, sc.parallel_access}
    %add3A_244 = arith.constant 43008 : i32
    %add3A_245 = arith.addi %mul3A_2, %add3A_244 : i32
    %dma_start3A_246 = tpu.memref_slice %arg2[%add3A_245] : memref<2000000xf32, #tpu.memory_space<hbm>> -> memref<3584xf32, #tpu.memory_space<hbm>>
    %dma_start3A_247 = tpu.memref_slice %arg2[%add3A_245] : memref<2000000xf32, #tpu.memory_space<hbm>> -> memref<3584xf32, #tpu.memory_space<hbm>>
    tpu.enqueue_dma source(%dma_start3A_247 : memref<3584xf32, #tpu.memory_space<hbm>>) target(%arg8 : memref<3584xf32, #tpu.memory_space<vmem>>) target_semaphore(%arg16 : memref<!tpu.dma_semaphore, #tpu.memory_space<semaphore_mem>>)
    %dma_start3A_248 = tpu.memref_slice %arg3[%add3A_245] : memref<2000000xf32, #tpu.memory_space<hbm>> -> memref<3584xf32, #tpu.memory_space<hbm>>
    %dma_start3A_249 = tpu.memref_slice %arg3[%add3A_245] : memref<2000000xf32, #tpu.memory_space<hbm>> -> memref<3584xf32, #tpu.memory_space<hbm>>
    tpu.enqueue_dma source(%dma_start3A_249 : memref<3584xf32, #tpu.memory_space<hbm>>) target(%arg9 : memref<3584xf32, #tpu.memory_space<vmem>>) target_semaphore(%arg16 : memref<!tpu.dma_semaphore, #tpu.memory_space<semaphore_mem>>)
    %dma_start3A_250 = tpu.memref_slice %arg4[%add3A_245] : memref<2000000xf32, #tpu.memory_space<hbm>> -> memref<3584xf32, #tpu.memory_space<hbm>>
    %dma_start3A_251 = tpu.memref_slice %arg4[%add3A_245] : memref<2000000xf32, #tpu.memory_space<hbm>> -> memref<3584xf32, #tpu.memory_space<hbm>>
    tpu.enqueue_dma source(%dma_start3A_251 : memref<3584xf32, #tpu.memory_space<hbm>>) target(%arg10 : memref<3584xf32, #tpu.memory_space<vmem>>) target_semaphore(%arg16 : memref<!tpu.dma_semaphore, #tpu.memory_space<semaphore_mem>>)
    %dma_start3A_252 = tpu.memref_slice %arg5[%add3A_245] : memref<2000000xf32, #tpu.memory_space<hbm>> -> memref<3584xf32, #tpu.memory_space<hbm>>
    %dma_start3A_253 = tpu.memref_slice %arg5[%add3A_245] : memref<2000000xf32, #tpu.memory_space<hbm>> -> memref<3584xf32, #tpu.memory_space<hbm>>
    tpu.enqueue_dma source(%dma_start3A_253 : memref<3584xf32, #tpu.memory_space<hbm>>) target(%arg11 : memref<3584xf32, #tpu.memory_space<vmem>>) target_semaphore(%arg16 : memref<!tpu.dma_semaphore, #tpu.memory_space<semaphore_mem>>)
    %dma_wait3A_254 = tpu.memref_slice %arg2[%add3A_224] : memref<2000000xf32, #tpu.memory_space<hbm>> -> memref<3584xf32, #tpu.memory_space<hbm>>
    %dma_wait3A_255 = tpu.memref_slice %arg2[%add3A_224] : memref<2000000xf32, #tpu.memory_space<hbm>> -> memref<3584xf32, #tpu.memory_space<hbm>>
    tpu.wait_dma2 semaphore(%arg17 : memref<!tpu.dma_semaphore, #tpu.memory_space<semaphore_mem>>) src(%dma_wait3A_255 : memref<3584xf32, #tpu.memory_space<hbm>>) dst(%arg12 : memref<3584xf32, #tpu.memory_space<vmem>>)
    %dma_wait3A_256 = tpu.memref_slice %arg3[%add3A_224] : memref<2000000xf32, #tpu.memory_space<hbm>> -> memref<3584xf32, #tpu.memory_space<hbm>>
    %dma_wait3A_257 = tpu.memref_slice %arg3[%add3A_224] : memref<2000000xf32, #tpu.memory_space<hbm>> -> memref<3584xf32, #tpu.memory_space<hbm>>
    tpu.wait_dma2 semaphore(%arg17 : memref<!tpu.dma_semaphore, #tpu.memory_space<semaphore_mem>>) src(%dma_wait3A_257 : memref<3584xf32, #tpu.memory_space<hbm>>) dst(%arg13 : memref<3584xf32, #tpu.memory_space<vmem>>)
    %dma_wait3A_258 = tpu.memref_slice %arg4[%add3A_224] : memref<2000000xf32, #tpu.memory_space<hbm>> -> memref<3584xf32, #tpu.memory_space<hbm>>
    %dma_wait3A_259 = tpu.memref_slice %arg4[%add3A_224] : memref<2000000xf32, #tpu.memory_space<hbm>> -> memref<3584xf32, #tpu.memory_space<hbm>>
    tpu.wait_dma2 semaphore(%arg17 : memref<!tpu.dma_semaphore, #tpu.memory_space<semaphore_mem>>) src(%dma_wait3A_259 : memref<3584xf32, #tpu.memory_space<hbm>>) dst(%arg14 : memref<3584xf32, #tpu.memory_space<vmem>>)
    %dma_wait3A_260 = tpu.memref_slice %arg5[%add3A_224] : memref<2000000xf32, #tpu.memory_space<hbm>> -> memref<3584xf32, #tpu.memory_space<hbm>>
    %dma_wait3A_261 = tpu.memref_slice %arg5[%add3A_224] : memref<2000000xf32, #tpu.memory_space<hbm>> -> memref<3584xf32, #tpu.memory_space<hbm>>
    tpu.wait_dma2 semaphore(%arg17 : memref<!tpu.dma_semaphore, #tpu.memory_space<semaphore_mem>>) src(%dma_wait3A_261 : memref<3584xf32, #tpu.memory_space<hbm>>) dst(%arg15 : memref<3584xf32, #tpu.memory_space<vmem>>)
    %parallel_loop3A_262 = arith.constant 0 : i32
    %parallel_loop3A_263 = arith.constant 3584 : i32
    %parallel_loop3A_264 = arith.constant 16 : i32
    scf.for %parallel_loop3A_591 = %parallel_loop3A_262 to %parallel_loop3A_263 step %parallel_loop3A_264  : i32 {
      %parallel_loop3A_592 = arith.index_cast %parallel_loop3A_591 : i32 to index
      %parallel_loop3A_593 = tpu.vector_load %arg12[%parallel_loop3A_592] {strides = array<i32>} : memref<3584xf32, #tpu.memory_space<vmem>>, vector<16xf32>,
      %parallel_loop3A_594 = arith.index_cast %parallel_loop3A_591 : i32 to index
      %parallel_loop3A_595 = tpu.vector_load %arg13[%parallel_loop3A_594] {strides = array<i32>} : memref<3584xf32, #tpu.memory_space<vmem>>, vector<16xf32>,
      %parallel_loop3A_596 = arith.subf %parallel_loop3A_593, %parallel_loop3A_595 : vector<16xf32>
      %parallel_loop3A_597 = arith.index_cast %parallel_loop3A_591 : i32 to index
      %parallel_loop3A_598 = tpu.vector_load %arg14[%parallel_loop3A_597] {strides = array<i32>} : memref<3584xf32, #tpu.memory_space<vmem>>, vector<16xf32>,
      %parallel_loop3A_599 = arith.constant 5.000000e-01 : f32
      %parallel_loop3A_600 = vector.broadcast %parallel_loop3A_599 : f32 to vector<16xf32>
      %parallel_loop3A_601 = arith.cmpf ogt, %parallel_loop3A_598, %parallel_loop3A_600 : vector<16xf32>
      %parallel_loop3A_602 = arith.constant 6.66666664E-7 : f32
      %parallel_loop3A_603 = arith.constant 2.000000e-06 : f32
      %parallel_loop3A_604 = vector.broadcast %parallel_loop3A_602 : f32 to vector<16xf32>
      %parallel_loop3A_605 = vector.broadcast %parallel_loop3A_603 : f32 to vector<16xf32>
      %parallel_loop3A_606 = arith.select %parallel_loop3A_601, %parallel_loop3A_604, %parallel_loop3A_605 : vector<16xi1>, vector<16xf32>
      %parallel_loop3A_607 = arith.mulf %parallel_loop3A_596, %parallel_loop3A_606 : vector<16xf32>
      %parallel_loop3A_608 = arith.index_cast %parallel_loop3A_591 : i32 to index
      %parallel_loop3A_609 = tpu.vector_load %arg15[%parallel_loop3A_608] {strides = array<i32>} : memref<3584xf32, #tpu.memory_space<vmem>>, vector<16xf32>,
      %parallel_loop3A_610 = arith.constant 1.000000e+05 : f32
      %parallel_loop3A_611 = vector.broadcast %parallel_loop3A_610 : f32 to vector<16xf32>
      %parallel_loop3A_612 = arith.mulf %parallel_loop3A_609, %parallel_loop3A_611 : vector<16xf32>
      %parallel_loop3A_613 = arith.fptosi %parallel_loop3A_612 : vector<16xf32> to vector<16xi32>
      %parallel_loop3A_614 = arith.constant 99999 : i32
      %parallel_loop3A_615 = vector.broadcast %parallel_loop3A_614 : i32 to vector<16xi32>
      %parallel_loop3A_616 = arith.minsi %parallel_loop3A_613, %parallel_loop3A_615 : vector<16xi32>
      tpu.vector_store_idx %arg7[%parallel_loop3A_616], %parallel_loop3A_607 {add = true} : memref<100352xf32, #tpu.memory_space<vmem>>[vector<16xi32>], vector<16xf32>,
    } {sc.loop_unroll_factor = 2 : i64, sc.parallel_access}
    %add3A_265 = arith.constant 46592 : i32
    %add3A_266 = arith.addi %mul3A_2, %add3A_265 : i32
    %dma_start3A_267 = tpu.memref_slice %arg2[%add3A_266] : memref<2000000xf32, #tpu.memory_space<hbm>> -> memref<3584xf32, #tpu.memory_space<hbm>>
    %dma_start3A_268 = tpu.memref_slice %arg2[%add3A_266] : memref<2000000xf32, #tpu.memory_space<hbm>> -> memref<3584xf32, #tpu.memory_space<hbm>>
    tpu.enqueue_dma source(%dma_start3A_268 : memref<3584xf32, #tpu.memory_space<hbm>>) target(%arg12 : memref<3584xf32, #tpu.memory_space<vmem>>) target_semaphore(%arg17 : memref<!tpu.dma_semaphore, #tpu.memory_space<semaphore_mem>>)
    %dma_start3A_269 = tpu.memref_slice %arg3[%add3A_266] : memref<2000000xf32, #tpu.memory_space<hbm>> -> memref<3584xf32, #tpu.memory_space<hbm>>
    %dma_start3A_270 = tpu.memref_slice %arg3[%add3A_266] : memref<2000000xf32, #tpu.memory_space<hbm>> -> memref<3584xf32, #tpu.memory_space<hbm>>
    tpu.enqueue_dma source(%dma_start3A_270 : memref<3584xf32, #tpu.memory_space<hbm>>) target(%arg13 : memref<3584xf32, #tpu.memory_space<vmem>>) target_semaphore(%arg17 : memref<!tpu.dma_semaphore, #tpu.memory_space<semaphore_mem>>)
    %dma_start3A_271 = tpu.memref_slice %arg4[%add3A_266] : memref<2000000xf32, #tpu.memory_space<hbm>> -> memref<3584xf32, #tpu.memory_space<hbm>>
    %dma_start3A_272 = tpu.memref_slice %arg4[%add3A_266] : memref<2000000xf32, #tpu.memory_space<hbm>> -> memref<3584xf32, #tpu.memory_space<hbm>>
    tpu.enqueue_dma source(%dma_start3A_272 : memref<3584xf32, #tpu.memory_space<hbm>>) target(%arg14 : memref<3584xf32, #tpu.memory_space<vmem>>) target_semaphore(%arg17 : memref<!tpu.dma_semaphore, #tpu.memory_space<semaphore_mem>>)
    %dma_start3A_273 = tpu.memref_slice %arg5[%add3A_266] : memref<2000000xf32, #tpu.memory_space<hbm>> -> memref<3584xf32, #tpu.memory_space<hbm>>
    %dma_start3A_274 = tpu.memref_slice %arg5[%add3A_266] : memref<2000000xf32, #tpu.memory_space<hbm>> -> memref<3584xf32, #tpu.memory_space<hbm>>
    tpu.enqueue_dma source(%dma_start3A_274 : memref<3584xf32, #tpu.memory_space<hbm>>) target(%arg15 : memref<3584xf32, #tpu.memory_space<vmem>>) target_semaphore(%arg17 : memref<!tpu.dma_semaphore, #tpu.memory_space<semaphore_mem>>)
    %dma_wait3A_275 = tpu.memref_slice %arg2[%add3A_245] : memref<2000000xf32, #tpu.memory_space<hbm>> -> memref<3584xf32, #tpu.memory_space<hbm>>
    %dma_wait3A_276 = tpu.memref_slice %arg2[%add3A_245] : memref<2000000xf32, #tpu.memory_space<hbm>> -> memref<3584xf32, #tpu.memory_space<hbm>>
    tpu.wait_dma2 semaphore(%arg16 : memref<!tpu.dma_semaphore, #tpu.memory_space<semaphore_mem>>) src(%dma_wait3A_276 : memref<3584xf32, #tpu.memory_space<hbm>>) dst(%arg8 : memref<3584xf32, #tpu.memory_space<vmem>>)
    %dma_wait3A_277 = tpu.memref_slice %arg3[%add3A_245] : memref<2000000xf32, #tpu.memory_space<hbm>> -> memref<3584xf32, #tpu.memory_space<hbm>>
    %dma_wait3A_278 = tpu.memref_slice %arg3[%add3A_245] : memref<2000000xf32, #tpu.memory_space<hbm>> -> memref<3584xf32, #tpu.memory_space<hbm>>
    tpu.wait_dma2 semaphore(%arg16 : memref<!tpu.dma_semaphore, #tpu.memory_space<semaphore_mem>>) src(%dma_wait3A_278 : memref<3584xf32, #tpu.memory_space<hbm>>) dst(%arg9 : memref<3584xf32, #tpu.memory_space<vmem>>)
    %dma_wait3A_279 = tpu.memref_slice %arg4[%add3A_245] : memref<2000000xf32, #tpu.memory_space<hbm>> -> memref<3584xf32, #tpu.memory_space<hbm>>
    %dma_wait3A_280 = tpu.memref_slice %arg4[%add3A_245] : memref<2000000xf32, #tpu.memory_space<hbm>> -> memref<3584xf32, #tpu.memory_space<hbm>>
    tpu.wait_dma2 semaphore(%arg16 : memref<!tpu.dma_semaphore, #tpu.memory_space<semaphore_mem>>) src(%dma_wait3A_280 : memref<3584xf32, #tpu.memory_space<hbm>>) dst(%arg10 : memref<3584xf32, #tpu.memory_space<vmem>>)
    %dma_wait3A_281 = tpu.memref_slice %arg5[%add3A_245] : memref<2000000xf32, #tpu.memory_space<hbm>> -> memref<3584xf32, #tpu.memory_space<hbm>>
    %dma_wait3A_282 = tpu.memref_slice %arg5[%add3A_245] : memref<2000000xf32, #tpu.memory_space<hbm>> -> memref<3584xf32, #tpu.memory_space<hbm>>
    tpu.wait_dma2 semaphore(%arg16 : memref<!tpu.dma_semaphore, #tpu.memory_space<semaphore_mem>>) src(%dma_wait3A_282 : memref<3584xf32, #tpu.memory_space<hbm>>) dst(%arg11 : memref<3584xf32, #tpu.memory_space<vmem>>)
    %parallel_loop3A_283 = arith.constant 0 : i32
    %parallel_loop3A_284 = arith.constant 3584 : i32
    %parallel_loop3A_285 = arith.constant 16 : i32
    scf.for %parallel_loop3A_591 = %parallel_loop3A_283 to %parallel_loop3A_284 step %parallel_loop3A_285  : i32 {
      %parallel_loop3A_592 = arith.index_cast %parallel_loop3A_591 : i32 to index
      %parallel_loop3A_593 = tpu.vector_load %arg8[%parallel_loop3A_592] {strides = array<i32>} : memref<3584xf32, #tpu.memory_space<vmem>>, vector<16xf32>,
      %parallel_loop3A_594 = arith.index_cast %parallel_loop3A_591 : i32 to index
      %parallel_loop3A_595 = tpu.vector_load %arg9[%parallel_loop3A_594] {strides = array<i32>} : memref<3584xf32, #tpu.memory_space<vmem>>, vector<16xf32>,
      %parallel_loop3A_596 = arith.subf %parallel_loop3A_593, %parallel_loop3A_595 : vector<16xf32>
      %parallel_loop3A_597 = arith.index_cast %parallel_loop3A_591 : i32 to index
      %parallel_loop3A_598 = tpu.vector_load %arg10[%parallel_loop3A_597] {strides = array<i32>} : memref<3584xf32, #tpu.memory_space<vmem>>, vector<16xf32>,
      %parallel_loop3A_599 = arith.constant 5.000000e-01 : f32
      %parallel_loop3A_600 = vector.broadcast %parallel_loop3A_599 : f32 to vector<16xf32>
      %parallel_loop3A_601 = arith.cmpf ogt, %parallel_loop3A_598, %parallel_loop3A_600 : vector<16xf32>
      %parallel_loop3A_602 = arith.constant 6.66666664E-7 : f32
      %parallel_loop3A_603 = arith.constant 2.000000e-06 : f32
      %parallel_loop3A_604 = vector.broadcast %parallel_loop3A_602 : f32 to vector<16xf32>
      %parallel_loop3A_605 = vector.broadcast %parallel_loop3A_603 : f32 to vector<16xf32>
      %parallel_loop3A_606 = arith.select %parallel_loop3A_601, %parallel_loop3A_604, %parallel_loop3A_605 : vector<16xi1>, vector<16xf32>
      %parallel_loop3A_607 = arith.mulf %parallel_loop3A_596, %parallel_loop3A_606 : vector<16xf32>
      %parallel_loop3A_608 = arith.index_cast %parallel_loop3A_591 : i32 to index
      %parallel_loop3A_609 = tpu.vector_load %arg11[%parallel_loop3A_608] {strides = array<i32>} : memref<3584xf32, #tpu.memory_space<vmem>>, vector<16xf32>,
      %parallel_loop3A_610 = arith.constant 1.000000e+05 : f32
      %parallel_loop3A_611 = vector.broadcast %parallel_loop3A_610 : f32 to vector<16xf32>
      %parallel_loop3A_612 = arith.mulf %parallel_loop3A_609, %parallel_loop3A_611 : vector<16xf32>
      %parallel_loop3A_613 = arith.fptosi %parallel_loop3A_612 : vector<16xf32> to vector<16xi32>
      %parallel_loop3A_614 = arith.constant 99999 : i32
      %parallel_loop3A_615 = vector.broadcast %parallel_loop3A_614 : i32 to vector<16xi32>
      %parallel_loop3A_616 = arith.minsi %parallel_loop3A_613, %parallel_loop3A_615 : vector<16xi32>
      tpu.vector_store_idx %arg7[%parallel_loop3A_616], %parallel_loop3A_607 {add = true} : memref<100352xf32, #tpu.memory_space<vmem>>[vector<16xi32>], vector<16xf32>,
    } {sc.loop_unroll_factor = 2 : i64, sc.parallel_access}
    %add3A_286 = arith.constant 50176 : i32
    %add3A_287 = arith.addi %mul3A_2, %add3A_286 : i32
    %dma_start3A_288 = tpu.memref_slice %arg2[%add3A_287] : memref<2000000xf32, #tpu.memory_space<hbm>> -> memref<3584xf32, #tpu.memory_space<hbm>>
    %dma_start3A_289 = tpu.memref_slice %arg2[%add3A_287] : memref<2000000xf32, #tpu.memory_space<hbm>> -> memref<3584xf32, #tpu.memory_space<hbm>>
    tpu.enqueue_dma source(%dma_start3A_289 : memref<3584xf32, #tpu.memory_space<hbm>>) target(%arg8 : memref<3584xf32, #tpu.memory_space<vmem>>) target_semaphore(%arg16 : memref<!tpu.dma_semaphore, #tpu.memory_space<semaphore_mem>>)
    %dma_start3A_290 = tpu.memref_slice %arg3[%add3A_287] : memref<2000000xf32, #tpu.memory_space<hbm>> -> memref<3584xf32, #tpu.memory_space<hbm>>
    %dma_start3A_291 = tpu.memref_slice %arg3[%add3A_287] : memref<2000000xf32, #tpu.memory_space<hbm>> -> memref<3584xf32, #tpu.memory_space<hbm>>
    tpu.enqueue_dma source(%dma_start3A_291 : memref<3584xf32, #tpu.memory_space<hbm>>) target(%arg9 : memref<3584xf32, #tpu.memory_space<vmem>>) target_semaphore(%arg16 : memref<!tpu.dma_semaphore, #tpu.memory_space<semaphore_mem>>)
    %dma_start3A_292 = tpu.memref_slice %arg4[%add3A_287] : memref<2000000xf32, #tpu.memory_space<hbm>> -> memref<3584xf32, #tpu.memory_space<hbm>>
    %dma_start3A_293 = tpu.memref_slice %arg4[%add3A_287] : memref<2000000xf32, #tpu.memory_space<hbm>> -> memref<3584xf32, #tpu.memory_space<hbm>>
    tpu.enqueue_dma source(%dma_start3A_293 : memref<3584xf32, #tpu.memory_space<hbm>>) target(%arg10 : memref<3584xf32, #tpu.memory_space<vmem>>) target_semaphore(%arg16 : memref<!tpu.dma_semaphore, #tpu.memory_space<semaphore_mem>>)
    %dma_start3A_294 = tpu.memref_slice %arg5[%add3A_287] : memref<2000000xf32, #tpu.memory_space<hbm>> -> memref<3584xf32, #tpu.memory_space<hbm>>
    %dma_start3A_295 = tpu.memref_slice %arg5[%add3A_287] : memref<2000000xf32, #tpu.memory_space<hbm>> -> memref<3584xf32, #tpu.memory_space<hbm>>
    tpu.enqueue_dma source(%dma_start3A_295 : memref<3584xf32, #tpu.memory_space<hbm>>) target(%arg11 : memref<3584xf32, #tpu.memory_space<vmem>>) target_semaphore(%arg16 : memref<!tpu.dma_semaphore, #tpu.memory_space<semaphore_mem>>)
    %dma_wait3A_296 = tpu.memref_slice %arg2[%add3A_266] : memref<2000000xf32, #tpu.memory_space<hbm>> -> memref<3584xf32, #tpu.memory_space<hbm>>
    %dma_wait3A_297 = tpu.memref_slice %arg2[%add3A_266] : memref<2000000xf32, #tpu.memory_space<hbm>> -> memref<3584xf32, #tpu.memory_space<hbm>>
    tpu.wait_dma2 semaphore(%arg17 : memref<!tpu.dma_semaphore, #tpu.memory_space<semaphore_mem>>) src(%dma_wait3A_297 : memref<3584xf32, #tpu.memory_space<hbm>>) dst(%arg12 : memref<3584xf32, #tpu.memory_space<vmem>>)
    %dma_wait3A_298 = tpu.memref_slice %arg3[%add3A_266] : memref<2000000xf32, #tpu.memory_space<hbm>> -> memref<3584xf32, #tpu.memory_space<hbm>>
    %dma_wait3A_299 = tpu.memref_slice %arg3[%add3A_266] : memref<2000000xf32, #tpu.memory_space<hbm>> -> memref<3584xf32, #tpu.memory_space<hbm>>
    tpu.wait_dma2 semaphore(%arg17 : memref<!tpu.dma_semaphore, #tpu.memory_space<semaphore_mem>>) src(%dma_wait3A_299 : memref<3584xf32, #tpu.memory_space<hbm>>) dst(%arg13 : memref<3584xf32, #tpu.memory_space<vmem>>)
    %dma_wait3A_300 = tpu.memref_slice %arg4[%add3A_266] : memref<2000000xf32, #tpu.memory_space<hbm>> -> memref<3584xf32, #tpu.memory_space<hbm>>
    %dma_wait3A_301 = tpu.memref_slice %arg4[%add3A_266] : memref<2000000xf32, #tpu.memory_space<hbm>> -> memref<3584xf32, #tpu.memory_space<hbm>>
    tpu.wait_dma2 semaphore(%arg17 : memref<!tpu.dma_semaphore, #tpu.memory_space<semaphore_mem>>) src(%dma_wait3A_301 : memref<3584xf32, #tpu.memory_space<hbm>>) dst(%arg14 : memref<3584xf32, #tpu.memory_space<vmem>>)
    %dma_wait3A_302 = tpu.memref_slice %arg5[%add3A_266] : memref<2000000xf32, #tpu.memory_space<hbm>> -> memref<3584xf32, #tpu.memory_space<hbm>>
    %dma_wait3A_303 = tpu.memref_slice %arg5[%add3A_266] : memref<2000000xf32, #tpu.memory_space<hbm>> -> memref<3584xf32, #tpu.memory_space<hbm>>
    tpu.wait_dma2 semaphore(%arg17 : memref<!tpu.dma_semaphore, #tpu.memory_space<semaphore_mem>>) src(%dma_wait3A_303 : memref<3584xf32, #tpu.memory_space<hbm>>) dst(%arg15 : memref<3584xf32, #tpu.memory_space<vmem>>)
    %parallel_loop3A_304 = arith.constant 0 : i32
    %parallel_loop3A_305 = arith.constant 3584 : i32
    %parallel_loop3A_306 = arith.constant 16 : i32
    scf.for %parallel_loop3A_591 = %parallel_loop3A_304 to %parallel_loop3A_305 step %parallel_loop3A_306  : i32 {
      %parallel_loop3A_592 = arith.index_cast %parallel_loop3A_591 : i32 to index
      %parallel_loop3A_593 = tpu.vector_load %arg12[%parallel_loop3A_592] {strides = array<i32>} : memref<3584xf32, #tpu.memory_space<vmem>>, vector<16xf32>,
      %parallel_loop3A_594 = arith.index_cast %parallel_loop3A_591 : i32 to index
      %parallel_loop3A_595 = tpu.vector_load %arg13[%parallel_loop3A_594] {strides = array<i32>} : memref<3584xf32, #tpu.memory_space<vmem>>, vector<16xf32>,
      %parallel_loop3A_596 = arith.subf %parallel_loop3A_593, %parallel_loop3A_595 : vector<16xf32>
      %parallel_loop3A_597 = arith.index_cast %parallel_loop3A_591 : i32 to index
      %parallel_loop3A_598 = tpu.vector_load %arg14[%parallel_loop3A_597] {strides = array<i32>} : memref<3584xf32, #tpu.memory_space<vmem>>, vector<16xf32>,
      %parallel_loop3A_599 = arith.constant 5.000000e-01 : f32
      %parallel_loop3A_600 = vector.broadcast %parallel_loop3A_599 : f32 to vector<16xf32>
      %parallel_loop3A_601 = arith.cmpf ogt, %parallel_loop3A_598, %parallel_loop3A_600 : vector<16xf32>
      %parallel_loop3A_602 = arith.constant 6.66666664E-7 : f32
      %parallel_loop3A_603 = arith.constant 2.000000e-06 : f32
      %parallel_loop3A_604 = vector.broadcast %parallel_loop3A_602 : f32 to vector<16xf32>
      %parallel_loop3A_605 = vector.broadcast %parallel_loop3A_603 : f32 to vector<16xf32>
      %parallel_loop3A_606 = arith.select %parallel_loop3A_601, %parallel_loop3A_604, %parallel_loop3A_605 : vector<16xi1>, vector<16xf32>
      %parallel_loop3A_607 = arith.mulf %parallel_loop3A_596, %parallel_loop3A_606 : vector<16xf32>
      %parallel_loop3A_608 = arith.index_cast %parallel_loop3A_591 : i32 to index
      %parallel_loop3A_609 = tpu.vector_load %arg15[%parallel_loop3A_608] {strides = array<i32>} : memref<3584xf32, #tpu.memory_space<vmem>>, vector<16xf32>,
      %parallel_loop3A_610 = arith.constant 1.000000e+05 : f32
      %parallel_loop3A_611 = vector.broadcast %parallel_loop3A_610 : f32 to vector<16xf32>
      %parallel_loop3A_612 = arith.mulf %parallel_loop3A_609, %parallel_loop3A_611 : vector<16xf32>
      %parallel_loop3A_613 = arith.fptosi %parallel_loop3A_612 : vector<16xf32> to vector<16xi32>
      %parallel_loop3A_614 = arith.constant 99999 : i32
      %parallel_loop3A_615 = vector.broadcast %parallel_loop3A_614 : i32 to vector<16xi32>
      %parallel_loop3A_616 = arith.minsi %parallel_loop3A_613, %parallel_loop3A_615 : vector<16xi32>
      tpu.vector_store_idx %arg7[%parallel_loop3A_616], %parallel_loop3A_607 {add = true} : memref<100352xf32, #tpu.memory_space<vmem>>[vector<16xi32>], vector<16xf32>,
    } {sc.loop_unroll_factor = 2 : i64, sc.parallel_access}
    %add3A_307 = arith.constant 53760 : i32
    %add3A_308 = arith.addi %mul3A_2, %add3A_307 : i32
    %dma_start3A_309 = tpu.memref_slice %arg2[%add3A_308] : memref<2000000xf32, #tpu.memory_space<hbm>> -> memref<3584xf32, #tpu.memory_space<hbm>>
    %dma_start3A_310 = tpu.memref_slice %arg2[%add3A_308] : memref<2000000xf32, #tpu.memory_space<hbm>> -> memref<3584xf32, #tpu.memory_space<hbm>>
    tpu.enqueue_dma source(%dma_start3A_310 : memref<3584xf32, #tpu.memory_space<hbm>>) target(%arg12 : memref<3584xf32, #tpu.memory_space<vmem>>) target_semaphore(%arg17 : memref<!tpu.dma_semaphore, #tpu.memory_space<semaphore_mem>>)
    %dma_start3A_311 = tpu.memref_slice %arg3[%add3A_308] : memref<2000000xf32, #tpu.memory_space<hbm>> -> memref<3584xf32, #tpu.memory_space<hbm>>
    %dma_start3A_312 = tpu.memref_slice %arg3[%add3A_308] : memref<2000000xf32, #tpu.memory_space<hbm>> -> memref<3584xf32, #tpu.memory_space<hbm>>
    tpu.enqueue_dma source(%dma_start3A_312 : memref<3584xf32, #tpu.memory_space<hbm>>) target(%arg13 : memref<3584xf32, #tpu.memory_space<vmem>>) target_semaphore(%arg17 : memref<!tpu.dma_semaphore, #tpu.memory_space<semaphore_mem>>)
    %dma_start3A_313 = tpu.memref_slice %arg4[%add3A_308] : memref<2000000xf32, #tpu.memory_space<hbm>> -> memref<3584xf32, #tpu.memory_space<hbm>>
    %dma_start3A_314 = tpu.memref_slice %arg4[%add3A_308] : memref<2000000xf32, #tpu.memory_space<hbm>> -> memref<3584xf32, #tpu.memory_space<hbm>>
    tpu.enqueue_dma source(%dma_start3A_314 : memref<3584xf32, #tpu.memory_space<hbm>>) target(%arg14 : memref<3584xf32, #tpu.memory_space<vmem>>) target_semaphore(%arg17 : memref<!tpu.dma_semaphore, #tpu.memory_space<semaphore_mem>>)
    %dma_start3A_315 = tpu.memref_slice %arg5[%add3A_308] : memref<2000000xf32, #tpu.memory_space<hbm>> -> memref<3584xf32, #tpu.memory_space<hbm>>
    %dma_start3A_316 = tpu.memref_slice %arg5[%add3A_308] : memref<2000000xf32, #tpu.memory_space<hbm>> -> memref<3584xf32, #tpu.memory_space<hbm>>
    tpu.enqueue_dma source(%dma_start3A_316 : memref<3584xf32, #tpu.memory_space<hbm>>) target(%arg15 : memref<3584xf32, #tpu.memory_space<vmem>>) target_semaphore(%arg17 : memref<!tpu.dma_semaphore, #tpu.memory_space<semaphore_mem>>)
    %dma_wait3A_317 = tpu.memref_slice %arg2[%add3A_287] : memref<2000000xf32, #tpu.memory_space<hbm>> -> memref<3584xf32, #tpu.memory_space<hbm>>
    %dma_wait3A_318 = tpu.memref_slice %arg2[%add3A_287] : memref<2000000xf32, #tpu.memory_space<hbm>> -> memref<3584xf32, #tpu.memory_space<hbm>>
    tpu.wait_dma2 semaphore(%arg16 : memref<!tpu.dma_semaphore, #tpu.memory_space<semaphore_mem>>) src(%dma_wait3A_318 : memref<3584xf32, #tpu.memory_space<hbm>>) dst(%arg8 : memref<3584xf32, #tpu.memory_space<vmem>>)
    %dma_wait3A_319 = tpu.memref_slice %arg3[%add3A_287] : memref<2000000xf32, #tpu.memory_space<hbm>> -> memref<3584xf32, #tpu.memory_space<hbm>>
    %dma_wait3A_320 = tpu.memref_slice %arg3[%add3A_287] : memref<2000000xf32, #tpu.memory_space<hbm>> -> memref<3584xf32, #tpu.memory_space<hbm>>
    tpu.wait_dma2 semaphore(%arg16 : memref<!tpu.dma_semaphore, #tpu.memory_space<semaphore_mem>>) src(%dma_wait3A_320 : memref<3584xf32, #tpu.memory_space<hbm>>) dst(%arg9 : memref<3584xf32, #tpu.memory_space<vmem>>)
    %dma_wait3A_321 = tpu.memref_slice %arg4[%add3A_287] : memref<2000000xf32, #tpu.memory_space<hbm>> -> memref<3584xf32, #tpu.memory_space<hbm>>
    %dma_wait3A_322 = tpu.memref_slice %arg4[%add3A_287] : memref<2000000xf32, #tpu.memory_space<hbm>> -> memref<3584xf32, #tpu.memory_space<hbm>>
    tpu.wait_dma2 semaphore(%arg16 : memref<!tpu.dma_semaphore, #tpu.memory_space<semaphore_mem>>) src(%dma_wait3A_322 : memref<3584xf32, #tpu.memory_space<hbm>>) dst(%arg10 : memref<3584xf32, #tpu.memory_space<vmem>>)
    %dma_wait3A_323 = tpu.memref_slice %arg5[%add3A_287] : memref<2000000xf32, #tpu.memory_space<hbm>> -> memref<3584xf32, #tpu.memory_space<hbm>>
    %dma_wait3A_324 = tpu.memref_slice %arg5[%add3A_287] : memref<2000000xf32, #tpu.memory_space<hbm>> -> memref<3584xf32, #tpu.memory_space<hbm>>
    tpu.wait_dma2 semaphore(%arg16 : memref<!tpu.dma_semaphore, #tpu.memory_space<semaphore_mem>>) src(%dma_wait3A_324 : memref<3584xf32, #tpu.memory_space<hbm>>) dst(%arg11 : memref<3584xf32, #tpu.memory_space<vmem>>)
    %parallel_loop3A_325 = arith.constant 0 : i32
    %parallel_loop3A_326 = arith.constant 3584 : i32
    %parallel_loop3A_327 = arith.constant 16 : i32
    scf.for %parallel_loop3A_591 = %parallel_loop3A_325 to %parallel_loop3A_326 step %parallel_loop3A_327  : i32 {
      %parallel_loop3A_592 = arith.index_cast %parallel_loop3A_591 : i32 to index
      %parallel_loop3A_593 = tpu.vector_load %arg8[%parallel_loop3A_592] {strides = array<i32>} : memref<3584xf32, #tpu.memory_space<vmem>>, vector<16xf32>,
      %parallel_loop3A_594 = arith.index_cast %parallel_loop3A_591 : i32 to index
      %parallel_loop3A_595 = tpu.vector_load %arg9[%parallel_loop3A_594] {strides = array<i32>} : memref<3584xf32, #tpu.memory_space<vmem>>, vector<16xf32>,
      %parallel_loop3A_596 = arith.subf %parallel_loop3A_593, %parallel_loop3A_595 : vector<16xf32>
      %parallel_loop3A_597 = arith.index_cast %parallel_loop3A_591 : i32 to index
      %parallel_loop3A_598 = tpu.vector_load %arg10[%parallel_loop3A_597] {strides = array<i32>} : memref<3584xf32, #tpu.memory_space<vmem>>, vector<16xf32>,
      %parallel_loop3A_599 = arith.constant 5.000000e-01 : f32
      %parallel_loop3A_600 = vector.broadcast %parallel_loop3A_599 : f32 to vector<16xf32>
      %parallel_loop3A_601 = arith.cmpf ogt, %parallel_loop3A_598, %parallel_loop3A_600 : vector<16xf32>
      %parallel_loop3A_602 = arith.constant 6.66666664E-7 : f32
      %parallel_loop3A_603 = arith.constant 2.000000e-06 : f32
      %parallel_loop3A_604 = vector.broadcast %parallel_loop3A_602 : f32 to vector<16xf32>
      %parallel_loop3A_605 = vector.broadcast %parallel_loop3A_603 : f32 to vector<16xf32>
      %parallel_loop3A_606 = arith.select %parallel_loop3A_601, %parallel_loop3A_604, %parallel_loop3A_605 : vector<16xi1>, vector<16xf32>
      %parallel_loop3A_607 = arith.mulf %parallel_loop3A_596, %parallel_loop3A_606 : vector<16xf32>
      %parallel_loop3A_608 = arith.index_cast %parallel_loop3A_591 : i32 to index
      %parallel_loop3A_609 = tpu.vector_load %arg11[%parallel_loop3A_608] {strides = array<i32>} : memref<3584xf32, #tpu.memory_space<vmem>>, vector<16xf32>,
      %parallel_loop3A_610 = arith.constant 1.000000e+05 : f32
      %parallel_loop3A_611 = vector.broadcast %parallel_loop3A_610 : f32 to vector<16xf32>
      %parallel_loop3A_612 = arith.mulf %parallel_loop3A_609, %parallel_loop3A_611 : vector<16xf32>
      %parallel_loop3A_613 = arith.fptosi %parallel_loop3A_612 : vector<16xf32> to vector<16xi32>
      %parallel_loop3A_614 = arith.constant 99999 : i32
      %parallel_loop3A_615 = vector.broadcast %parallel_loop3A_614 : i32 to vector<16xi32>
      %parallel_loop3A_616 = arith.minsi %parallel_loop3A_613, %parallel_loop3A_615 : vector<16xi32>
      tpu.vector_store_idx %arg7[%parallel_loop3A_616], %parallel_loop3A_607 {add = true} : memref<100352xf32, #tpu.memory_space<vmem>>[vector<16xi32>], vector<16xf32>,
    } {sc.loop_unroll_factor = 2 : i64, sc.parallel_access}
    %add3A_328 = arith.constant 57344 : i32
    %add3A_329 = arith.addi %mul3A_2, %add3A_328 : i32
    %dma_start3A_330 = tpu.memref_slice %arg2[%add3A_329] : memref<2000000xf32, #tpu.memory_space<hbm>> -> memref<3584xf32, #tpu.memory_space<hbm>>
    %dma_start3A_331 = tpu.memref_slice %arg2[%add3A_329] : memref<2000000xf32, #tpu.memory_space<hbm>> -> memref<3584xf32, #tpu.memory_space<hbm>>
    tpu.enqueue_dma source(%dma_start3A_331 : memref<3584xf32, #tpu.memory_space<hbm>>) target(%arg8 : memref<3584xf32, #tpu.memory_space<vmem>>) target_semaphore(%arg16 : memref<!tpu.dma_semaphore, #tpu.memory_space<semaphore_mem>>)
    %dma_start3A_332 = tpu.memref_slice %arg3[%add3A_329] : memref<2000000xf32, #tpu.memory_space<hbm>> -> memref<3584xf32, #tpu.memory_space<hbm>>
    %dma_start3A_333 = tpu.memref_slice %arg3[%add3A_329] : memref<2000000xf32, #tpu.memory_space<hbm>> -> memref<3584xf32, #tpu.memory_space<hbm>>
    tpu.enqueue_dma source(%dma_start3A_333 : memref<3584xf32, #tpu.memory_space<hbm>>) target(%arg9 : memref<3584xf32, #tpu.memory_space<vmem>>) target_semaphore(%arg16 : memref<!tpu.dma_semaphore, #tpu.memory_space<semaphore_mem>>)
    %dma_start3A_334 = tpu.memref_slice %arg4[%add3A_329] : memref<2000000xf32, #tpu.memory_space<hbm>> -> memref<3584xf32, #tpu.memory_space<hbm>>
    %dma_start3A_335 = tpu.memref_slice %arg4[%add3A_329] : memref<2000000xf32, #tpu.memory_space<hbm>> -> memref<3584xf32, #tpu.memory_space<hbm>>
    tpu.enqueue_dma source(%dma_start3A_335 : memref<3584xf32, #tpu.memory_space<hbm>>) target(%arg10 : memref<3584xf32, #tpu.memory_space<vmem>>) target_semaphore(%arg16 : memref<!tpu.dma_semaphore, #tpu.memory_space<semaphore_mem>>)
    %dma_start3A_336 = tpu.memref_slice %arg5[%add3A_329] : memref<2000000xf32, #tpu.memory_space<hbm>> -> memref<3584xf32, #tpu.memory_space<hbm>>
    %dma_start3A_337 = tpu.memref_slice %arg5[%add3A_329] : memref<2000000xf32, #tpu.memory_space<hbm>> -> memref<3584xf32, #tpu.memory_space<hbm>>
    tpu.enqueue_dma source(%dma_start3A_337 : memref<3584xf32, #tpu.memory_space<hbm>>) target(%arg11 : memref<3584xf32, #tpu.memory_space<vmem>>) target_semaphore(%arg16 : memref<!tpu.dma_semaphore, #tpu.memory_space<semaphore_mem>>)
    %dma_wait3A_338 = tpu.memref_slice %arg2[%add3A_308] : memref<2000000xf32, #tpu.memory_space<hbm>> -> memref<3584xf32, #tpu.memory_space<hbm>>
    %dma_wait3A_339 = tpu.memref_slice %arg2[%add3A_308] : memref<2000000xf32, #tpu.memory_space<hbm>> -> memref<3584xf32, #tpu.memory_space<hbm>>
    tpu.wait_dma2 semaphore(%arg17 : memref<!tpu.dma_semaphore, #tpu.memory_space<semaphore_mem>>) src(%dma_wait3A_339 : memref<3584xf32, #tpu.memory_space<hbm>>) dst(%arg12 : memref<3584xf32, #tpu.memory_space<vmem>>)
    %dma_wait3A_340 = tpu.memref_slice %arg3[%add3A_308] : memref<2000000xf32, #tpu.memory_space<hbm>> -> memref<3584xf32, #tpu.memory_space<hbm>>
    %dma_wait3A_341 = tpu.memref_slice %arg3[%add3A_308] : memref<2000000xf32, #tpu.memory_space<hbm>> -> memref<3584xf32, #tpu.memory_space<hbm>>
    tpu.wait_dma2 semaphore(%arg17 : memref<!tpu.dma_semaphore, #tpu.memory_space<semaphore_mem>>) src(%dma_wait3A_341 : memref<3584xf32, #tpu.memory_space<hbm>>) dst(%arg13 : memref<3584xf32, #tpu.memory_space<vmem>>)
    %dma_wait3A_342 = tpu.memref_slice %arg4[%add3A_308] : memref<2000000xf32, #tpu.memory_space<hbm>> -> memref<3584xf32, #tpu.memory_space<hbm>>
    %dma_wait3A_343 = tpu.memref_slice %arg4[%add3A_308] : memref<2000000xf32, #tpu.memory_space<hbm>> -> memref<3584xf32, #tpu.memory_space<hbm>>
    tpu.wait_dma2 semaphore(%arg17 : memref<!tpu.dma_semaphore, #tpu.memory_space<semaphore_mem>>) src(%dma_wait3A_343 : memref<3584xf32, #tpu.memory_space<hbm>>) dst(%arg14 : memref<3584xf32, #tpu.memory_space<vmem>>)
    %dma_wait3A_344 = tpu.memref_slice %arg5[%add3A_308] : memref<2000000xf32, #tpu.memory_space<hbm>> -> memref<3584xf32, #tpu.memory_space<hbm>>
    %dma_wait3A_345 = tpu.memref_slice %arg5[%add3A_308] : memref<2000000xf32, #tpu.memory_space<hbm>> -> memref<3584xf32, #tpu.memory_space<hbm>>
    tpu.wait_dma2 semaphore(%arg17 : memref<!tpu.dma_semaphore, #tpu.memory_space<semaphore_mem>>) src(%dma_wait3A_345 : memref<3584xf32, #tpu.memory_space<hbm>>) dst(%arg15 : memref<3584xf32, #tpu.memory_space<vmem>>)
    %parallel_loop3A_346 = arith.constant 0 : i32
    %parallel_loop3A_347 = arith.constant 3584 : i32
    %parallel_loop3A_348 = arith.constant 16 : i32
    scf.for %parallel_loop3A_591 = %parallel_loop3A_346 to %parallel_loop3A_347 step %parallel_loop3A_348  : i32 {
      %parallel_loop3A_592 = arith.index_cast %parallel_loop3A_591 : i32 to index
      %parallel_loop3A_593 = tpu.vector_load %arg12[%parallel_loop3A_592] {strides = array<i32>} : memref<3584xf32, #tpu.memory_space<vmem>>, vector<16xf32>,
      %parallel_loop3A_594 = arith.index_cast %parallel_loop3A_591 : i32 to index
      %parallel_loop3A_595 = tpu.vector_load %arg13[%parallel_loop3A_594] {strides = array<i32>} : memref<3584xf32, #tpu.memory_space<vmem>>, vector<16xf32>,
      %parallel_loop3A_596 = arith.subf %parallel_loop3A_593, %parallel_loop3A_595 : vector<16xf32>
      %parallel_loop3A_597 = arith.index_cast %parallel_loop3A_591 : i32 to index
      %parallel_loop3A_598 = tpu.vector_load %arg14[%parallel_loop3A_597] {strides = array<i32>} : memref<3584xf32, #tpu.memory_space<vmem>>, vector<16xf32>,
      %parallel_loop3A_599 = arith.constant 5.000000e-01 : f32
      %parallel_loop3A_600 = vector.broadcast %parallel_loop3A_599 : f32 to vector<16xf32>
      %parallel_loop3A_601 = arith.cmpf ogt, %parallel_loop3A_598, %parallel_loop3A_600 : vector<16xf32>
      %parallel_loop3A_602 = arith.constant 6.66666664E-7 : f32
      %parallel_loop3A_603 = arith.constant 2.000000e-06 : f32
      %parallel_loop3A_604 = vector.broadcast %parallel_loop3A_602 : f32 to vector<16xf32>
      %parallel_loop3A_605 = vector.broadcast %parallel_loop3A_603 : f32 to vector<16xf32>
      %parallel_loop3A_606 = arith.select %parallel_loop3A_601, %parallel_loop3A_604, %parallel_loop3A_605 : vector<16xi1>, vector<16xf32>
      %parallel_loop3A_607 = arith.mulf %parallel_loop3A_596, %parallel_loop3A_606 : vector<16xf32>
      %parallel_loop3A_608 = arith.index_cast %parallel_loop3A_591 : i32 to index
      %parallel_loop3A_609 = tpu.vector_load %arg15[%parallel_loop3A_608] {strides = array<i32>} : memref<3584xf32, #tpu.memory_space<vmem>>, vector<16xf32>,
      %parallel_loop3A_610 = arith.constant 1.000000e+05 : f32
      %parallel_loop3A_611 = vector.broadcast %parallel_loop3A_610 : f32 to vector<16xf32>
      %parallel_loop3A_612 = arith.mulf %parallel_loop3A_609, %parallel_loop3A_611 : vector<16xf32>
      %parallel_loop3A_613 = arith.fptosi %parallel_loop3A_612 : vector<16xf32> to vector<16xi32>
      %parallel_loop3A_614 = arith.constant 99999 : i32
      %parallel_loop3A_615 = vector.broadcast %parallel_loop3A_614 : i32 to vector<16xi32>
      %parallel_loop3A_616 = arith.minsi %parallel_loop3A_613, %parallel_loop3A_615 : vector<16xi32>
      tpu.vector_store_idx %arg7[%parallel_loop3A_616], %parallel_loop3A_607 {add = true} : memref<100352xf32, #tpu.memory_space<vmem>>[vector<16xi32>], vector<16xf32>,
    } {sc.loop_unroll_factor = 2 : i64, sc.parallel_access}
    %add3A_349 = arith.constant 60928 : i32
    %add3A_350 = arith.addi %mul3A_2, %add3A_349 : i32
    %dma_start3A_351 = arith.constant 0 : i32
    %dma_start3A_352 = tpu.memref_slice %arg12[%dma_start3A_351] : memref<3584xf32, #tpu.memory_space<vmem>> -> memref<1568xf32, #tpu.memory_space<vmem>>
    %dma_start3A_353 = tpu.memref_slice %arg2[%add3A_350] : memref<2000000xf32, #tpu.memory_space<hbm>> -> memref<1568xf32, #tpu.memory_space<hbm>>
    %dma_start3A_354 = arith.constant 0 : i32
    %dma_start3A_355 = tpu.memref_slice %arg12[%dma_start3A_354] : memref<3584xf32, #tpu.memory_space<vmem>> -> memref<1568xf32, #tpu.memory_space<vmem>>
    %dma_start3A_356 = tpu.memref_slice %arg2[%add3A_350] : memref<2000000xf32, #tpu.memory_space<hbm>> -> memref<1568xf32, #tpu.memory_space<hbm>>
    tpu.enqueue_dma source(%dma_start3A_356 : memref<1568xf32, #tpu.memory_space<hbm>>) target(%dma_start3A_355 : memref<1568xf32, #tpu.memory_space<vmem>>) target_semaphore(%arg17 : memref<!tpu.dma_semaphore, #tpu.memory_space<semaphore_mem>>)
    %dma_start3A_357 = arith.constant 0 : i32
    %dma_start3A_358 = tpu.memref_slice %arg13[%dma_start3A_357] : memref<3584xf32, #tpu.memory_space<vmem>> -> memref<1568xf32, #tpu.memory_space<vmem>>
    %dma_start3A_359 = tpu.memref_slice %arg3[%add3A_350] : memref<2000000xf32, #tpu.memory_space<hbm>> -> memref<1568xf32, #tpu.memory_space<hbm>>
    %dma_start3A_360 = arith.constant 0 : i32
    %dma_start3A_361 = tpu.memref_slice %arg13[%dma_start3A_360] : memref<3584xf32, #tpu.memory_space<vmem>> -> memref<1568xf32, #tpu.memory_space<vmem>>
    %dma_start3A_362 = tpu.memref_slice %arg3[%add3A_350] : memref<2000000xf32, #tpu.memory_space<hbm>> -> memref<1568xf32, #tpu.memory_space<hbm>>
    tpu.enqueue_dma source(%dma_start3A_362 : memref<1568xf32, #tpu.memory_space<hbm>>) target(%dma_start3A_361 : memref<1568xf32, #tpu.memory_space<vmem>>) target_semaphore(%arg17 : memref<!tpu.dma_semaphore, #tpu.memory_space<semaphore_mem>>)
    %dma_start3A_363 = arith.constant 0 : i32
    %dma_start3A_364 = tpu.memref_slice %arg14[%dma_start3A_363] : memref<3584xf32, #tpu.memory_space<vmem>> -> memref<1568xf32, #tpu.memory_space<vmem>>
    %dma_start3A_365 = tpu.memref_slice %arg4[%add3A_350] : memref<2000000xf32, #tpu.memory_space<hbm>> -> memref<1568xf32, #tpu.memory_space<hbm>>
    %dma_start3A_366 = arith.constant 0 : i32
    %dma_start3A_367 = tpu.memref_slice %arg14[%dma_start3A_366] : memref<3584xf32, #tpu.memory_space<vmem>> -> memref<1568xf32, #tpu.memory_space<vmem>>
    %dma_start3A_368 = tpu.memref_slice %arg4[%add3A_350] : memref<2000000xf32, #tpu.memory_space<hbm>> -> memref<1568xf32, #tpu.memory_space<hbm>>
    tpu.enqueue_dma source(%dma_start3A_368 : memref<1568xf32, #tpu.memory_space<hbm>>) target(%dma_start3A_367 : memref<1568xf32, #tpu.memory_space<vmem>>) target_semaphore(%arg17 : memref<!tpu.dma_semaphore, #tpu.memory_space<semaphore_mem>>)
    %dma_start3A_369 = arith.constant 0 : i32
    %dma_start3A_370 = tpu.memref_slice %arg15[%dma_start3A_369] : memref<3584xf32, #tpu.memory_space<vmem>> -> memref<1568xf32, #tpu.memory_space<vmem>>
    %dma_start3A_371 = tpu.memref_slice %arg5[%add3A_350] : memref<2000000xf32, #tpu.memory_space<hbm>> -> memref<1568xf32, #tpu.memory_space<hbm>>
    %dma_start3A_372 = arith.constant 0 : i32
    %dma_start3A_373 = tpu.memref_slice %arg15[%dma_start3A_372] : memref<3584xf32, #tpu.memory_space<vmem>> -> memref<1568xf32, #tpu.memory_space<vmem>>
    %dma_start3A_374 = tpu.memref_slice %arg5[%add3A_350] : memref<2000000xf32, #tpu.memory_space<hbm>> -> memref<1568xf32, #tpu.memory_space<hbm>>
    tpu.enqueue_dma source(%dma_start3A_374 : memref<1568xf32, #tpu.memory_space<hbm>>) target(%dma_start3A_373 : memref<1568xf32, #tpu.memory_space<vmem>>) target_semaphore(%arg17 : memref<!tpu.dma_semaphore, #tpu.memory_space<semaphore_mem>>)
    %dma_wait3A_375 = tpu.memref_slice %arg2[%add3A_329] : memref<2000000xf32, #tpu.memory_space<hbm>> -> memref<3584xf32, #tpu.memory_space<hbm>>
    %dma_wait3A_376 = tpu.memref_slice %arg2[%add3A_329] : memref<2000000xf32, #tpu.memory_space<hbm>> -> memref<3584xf32, #tpu.memory_space<hbm>>
    tpu.wait_dma2 semaphore(%arg16 : memref<!tpu.dma_semaphore, #tpu.memory_space<semaphore_mem>>) src(%dma_wait3A_376 : memref<3584xf32, #tpu.memory_space<hbm>>) dst(%arg8 : memref<3584xf32, #tpu.memory_space<vmem>>)
    %dma_wait3A_377 = tpu.memref_slice %arg3[%add3A_329] : memref<2000000xf32, #tpu.memory_space<hbm>> -> memref<3584xf32, #tpu.memory_space<hbm>>
    %dma_wait3A_378 = tpu.memref_slice %arg3[%add3A_329] : memref<2000000xf32, #tpu.memory_space<hbm>> -> memref<3584xf32, #tpu.memory_space<hbm>>
    tpu.wait_dma2 semaphore(%arg16 : memref<!tpu.dma_semaphore, #tpu.memory_space<semaphore_mem>>) src(%dma_wait3A_378 : memref<3584xf32, #tpu.memory_space<hbm>>) dst(%arg9 : memref<3584xf32, #tpu.memory_space<vmem>>)
    %dma_wait3A_379 = tpu.memref_slice %arg4[%add3A_329] : memref<2000000xf32, #tpu.memory_space<hbm>> -> memref<3584xf32, #tpu.memory_space<hbm>>
    %dma_wait3A_380 = tpu.memref_slice %arg4[%add3A_329] : memref<2000000xf32, #tpu.memory_space<hbm>> -> memref<3584xf32, #tpu.memory_space<hbm>>
    tpu.wait_dma2 semaphore(%arg16 : memref<!tpu.dma_semaphore, #tpu.memory_space<semaphore_mem>>) src(%dma_wait3A_380 : memref<3584xf32, #tpu.memory_space<hbm>>) dst(%arg10 : memref<3584xf32, #tpu.memory_space<vmem>>)
    %dma_wait3A_381 = tpu.memref_slice %arg5[%add3A_329] : memref<2000000xf32, #tpu.memory_space<hbm>> -> memref<3584xf32, #tpu.memory_space<hbm>>
    %dma_wait3A_382 = tpu.memref_slice %arg5[%add3A_329] : memref<2000000xf32, #tpu.memory_space<hbm>> -> memref<3584xf32, #tpu.memory_space<hbm>>
    tpu.wait_dma2 semaphore(%arg16 : memref<!tpu.dma_semaphore, #tpu.memory_space<semaphore_mem>>) src(%dma_wait3A_382 : memref<3584xf32, #tpu.memory_space<hbm>>) dst(%arg11 : memref<3584xf32, #tpu.memory_space<vmem>>)
    %parallel_loop3A_383 = arith.constant 0 : i32
    %parallel_loop3A_384 = arith.constant 3584 : i32
    %parallel_loop3A_385 = arith.constant 16 : i32
    scf.for %parallel_loop3A_591 = %parallel_loop3A_383 to %parallel_loop3A_384 step %parallel_loop3A_385  : i32 {
      %parallel_loop3A_592 = arith.index_cast %parallel_loop3A_591 : i32 to index
      %parallel_loop3A_593 = tpu.vector_load %arg8[%parallel_loop3A_592] {strides = array<i32>} : memref<3584xf32, #tpu.memory_space<vmem>>, vector<16xf32>,
      %parallel_loop3A_594 = arith.index_cast %parallel_loop3A_591 : i32 to index
      %parallel_loop3A_595 = tpu.vector_load %arg9[%parallel_loop3A_594] {strides = array<i32>} : memref<3584xf32, #tpu.memory_space<vmem>>, vector<16xf32>,
      %parallel_loop3A_596 = arith.subf %parallel_loop3A_593, %parallel_loop3A_595 : vector<16xf32>
      %parallel_loop3A_597 = arith.index_cast %parallel_loop3A_591 : i32 to index
      %parallel_loop3A_598 = tpu.vector_load %arg10[%parallel_loop3A_597] {strides = array<i32>} : memref<3584xf32, #tpu.memory_space<vmem>>, vector<16xf32>,
      %parallel_loop3A_599 = arith.constant 5.000000e-01 : f32
      %parallel_loop3A_600 = vector.broadcast %parallel_loop3A_599 : f32 to vector<16xf32>
      %parallel_loop3A_601 = arith.cmpf ogt, %parallel_loop3A_598, %parallel_loop3A_600 : vector<16xf32>
      %parallel_loop3A_602 = arith.constant 6.66666664E-7 : f32
      %parallel_loop3A_603 = arith.constant 2.000000e-06 : f32
      %parallel_loop3A_604 = vector.broadcast %parallel_loop3A_602 : f32 to vector<16xf32>
      %parallel_loop3A_605 = vector.broadcast %parallel_loop3A_603 : f32 to vector<16xf32>
      %parallel_loop3A_606 = arith.select %parallel_loop3A_601, %parallel_loop3A_604, %parallel_loop3A_605 : vector<16xi1>, vector<16xf32>
      %parallel_loop3A_607 = arith.mulf %parallel_loop3A_596, %parallel_loop3A_606 : vector<16xf32>
      %parallel_loop3A_608 = arith.index_cast %parallel_loop3A_591 : i32 to index
      %parallel_loop3A_609 = tpu.vector_load %arg11[%parallel_loop3A_608] {strides = array<i32>} : memref<3584xf32, #tpu.memory_space<vmem>>, vector<16xf32>,
      %parallel_loop3A_610 = arith.constant 1.000000e+05 : f32
      %parallel_loop3A_611 = vector.broadcast %parallel_loop3A_610 : f32 to vector<16xf32>
      %parallel_loop3A_612 = arith.mulf %parallel_loop3A_609, %parallel_loop3A_611 : vector<16xf32>
      %parallel_loop3A_613 = arith.fptosi %parallel_loop3A_612 : vector<16xf32> to vector<16xi32>
      %parallel_loop3A_614 = arith.constant 99999 : i32
      %parallel_loop3A_615 = vector.broadcast %parallel_loop3A_614 : i32 to vector<16xi32>
      %parallel_loop3A_616 = arith.minsi %parallel_loop3A_613, %parallel_loop3A_615 : vector<16xi32>
      tpu.vector_store_idx %arg7[%parallel_loop3A_616], %parallel_loop3A_607 {add = true} : memref<100352xf32, #tpu.memory_space<vmem>>[vector<16xi32>], vector<16xf32>,
    } {sc.loop_unroll_factor = 2 : i64, sc.parallel_access}
    %dma_wait3A_386 = arith.constant 0 : i32
    %dma_wait3A_387 = tpu.memref_slice %arg12[%dma_wait3A_386] : memref<3584xf32, #tpu.memory_space<vmem>> -> memref<1568xf32, #tpu.memory_space<vmem>>
    %dma_wait3A_388 = tpu.memref_slice %arg2[%add3A_350] : memref<2000000xf32, #tpu.memory_space<hbm>> -> memref<1568xf32, #tpu.memory_space<hbm>>
    %dma_wait3A_389 = arith.constant 0 : i32
    %dma_wait3A_390 = tpu.memref_slice %arg12[%dma_wait3A_389] : memref<3584xf32, #tpu.memory_space<vmem>> -> memref<1568xf32, #tpu.memory_space<vmem>>
    %dma_wait3A_391 = tpu.memref_slice %arg2[%add3A_350] : memref<2000000xf32, #tpu.memory_space<hbm>> -> memref<1568xf32, #tpu.memory_space<hbm>>
    tpu.wait_dma2 semaphore(%arg17 : memref<!tpu.dma_semaphore, #tpu.memory_space<semaphore_mem>>) src(%dma_wait3A_391 : memref<1568xf32, #tpu.memory_space<hbm>>) dst(%dma_wait3A_390 : memref<1568xf32, #tpu.memory_space<vmem>>)
    %dma_wait3A_392 = arith.constant 0 : i32
    %dma_wait3A_393 = tpu.memref_slice %arg13[%dma_wait3A_392] : memref<3584xf32, #tpu.memory_space<vmem>> -> memref<1568xf32, #tpu.memory_space<vmem>>
    %dma_wait3A_394 = tpu.memref_slice %arg3[%add3A_350] : memref<2000000xf32, #tpu.memory_space<hbm>> -> memref<1568xf32, #tpu.memory_space<hbm>>
    %dma_wait3A_395 = arith.constant 0 : i32
    %dma_wait3A_396 = tpu.memref_slice %arg13[%dma_wait3A_395] : memref<3584xf32, #tpu.memory_space<vmem>> -> memref<1568xf32, #tpu.memory_space<vmem>>
    %dma_wait3A_397 = tpu.memref_slice %arg3[%add3A_350] : memref<2000000xf32, #tpu.memory_space<hbm>> -> memref<1568xf32, #tpu.memory_space<hbm>>
    tpu.wait_dma2 semaphore(%arg17 : memref<!tpu.dma_semaphore, #tpu.memory_space<semaphore_mem>>) src(%dma_wait3A_397 : memref<1568xf32, #tpu.memory_space<hbm>>) dst(%dma_wait3A_396 : memref<1568xf32, #tpu.memory_space<vmem>>)
    %dma_wait3A_398 = arith.constant 0 : i32
    %dma_wait3A_399 = tpu.memref_slice %arg14[%dma_wait3A_398] : memref<3584xf32, #tpu.memory_space<vmem>> -> memref<1568xf32, #tpu.memory_space<vmem>>
    %dma_wait3A_400 = tpu.memref_slice %arg4[%add3A_350] : memref<2000000xf32, #tpu.memory_space<hbm>> -> memref<1568xf32, #tpu.memory_space<hbm>>
    %dma_wait3A_401 = arith.constant 0 : i32
    %dma_wait3A_402 = tpu.memref_slice %arg14[%dma_wait3A_401] : memref<3584xf32, #tpu.memory_space<vmem>> -> memref<1568xf32, #tpu.memory_space<vmem>>
    %dma_wait3A_403 = tpu.memref_slice %arg4[%add3A_350] : memref<2000000xf32, #tpu.memory_space<hbm>> -> memref<1568xf32, #tpu.memory_space<hbm>>
    tpu.wait_dma2 semaphore(%arg17 : memref<!tpu.dma_semaphore, #tpu.memory_space<semaphore_mem>>) src(%dma_wait3A_403 : memref<1568xf32, #tpu.memory_space<hbm>>) dst(%dma_wait3A_402 : memref<1568xf32, #tpu.memory_space<vmem>>)
    %dma_wait3A_404 = arith.constant 0 : i32
    %dma_wait3A_405 = tpu.memref_slice %arg15[%dma_wait3A_404] : memref<3584xf32, #tpu.memory_space<vmem>> -> memref<1568xf32, #tpu.memory_space<vmem>>
    %dma_wait3A_406 = tpu.memref_slice %arg5[%add3A_350] : memref<2000000xf32, #tpu.memory_space<hbm>> -> memref<1568xf32, #tpu.memory_space<hbm>>
    %dma_wait3A_407 = arith.constant 0 : i32
    %dma_wait3A_408 = tpu.memref_slice %arg15[%dma_wait3A_407] : memref<3584xf32, #tpu.memory_space<vmem>> -> memref<1568xf32, #tpu.memory_space<vmem>>
    %dma_wait3A_409 = tpu.memref_slice %arg5[%add3A_350] : memref<2000000xf32, #tpu.memory_space<hbm>> -> memref<1568xf32, #tpu.memory_space<hbm>>
    tpu.wait_dma2 semaphore(%arg17 : memref<!tpu.dma_semaphore, #tpu.memory_space<semaphore_mem>>) src(%dma_wait3A_409 : memref<1568xf32, #tpu.memory_space<hbm>>) dst(%dma_wait3A_408 : memref<1568xf32, #tpu.memory_space<vmem>>)
    %parallel_loop3A_410 = arith.constant 0 : i32
    %parallel_loop3A_411 = arith.constant 1568 : i32
    %parallel_loop3A_412 = arith.constant 16 : i32
    scf.for %parallel_loop3A_591 = %parallel_loop3A_410 to %parallel_loop3A_411 step %parallel_loop3A_412  : i32 {
      %parallel_loop3A_592 = arith.index_cast %parallel_loop3A_591 : i32 to index
      %parallel_loop3A_593 = tpu.vector_load %arg12[%parallel_loop3A_592] {strides = array<i32>} : memref<3584xf32, #tpu.memory_space<vmem>>, vector<16xf32>,
      %parallel_loop3A_594 = arith.index_cast %parallel_loop3A_591 : i32 to index
      %parallel_loop3A_595 = tpu.vector_load %arg13[%parallel_loop3A_594] {strides = array<i32>} : memref<3584xf32, #tpu.memory_space<vmem>>, vector<16xf32>,
      %parallel_loop3A_596 = arith.subf %parallel_loop3A_593, %parallel_loop3A_595 : vector<16xf32>
      %parallel_loop3A_597 = arith.index_cast %parallel_loop3A_591 : i32 to index
      %parallel_loop3A_598 = tpu.vector_load %arg14[%parallel_loop3A_597] {strides = array<i32>} : memref<3584xf32, #tpu.memory_space<vmem>>, vector<16xf32>,
      %parallel_loop3A_599 = arith.constant 5.000000e-01 : f32
      %parallel_loop3A_600 = vector.broadcast %parallel_loop3A_599 : f32 to vector<16xf32>
      %parallel_loop3A_601 = arith.cmpf ogt, %parallel_loop3A_598, %parallel_loop3A_600 : vector<16xf32>
      %parallel_loop3A_602 = arith.constant 6.66666664E-7 : f32
      %parallel_loop3A_603 = arith.constant 2.000000e-06 : f32
      %parallel_loop3A_604 = vector.broadcast %parallel_loop3A_602 : f32 to vector<16xf32>
      %parallel_loop3A_605 = vector.broadcast %parallel_loop3A_603 : f32 to vector<16xf32>
      %parallel_loop3A_606 = arith.select %parallel_loop3A_601, %parallel_loop3A_604, %parallel_loop3A_605 : vector<16xi1>, vector<16xf32>
      %parallel_loop3A_607 = arith.mulf %parallel_loop3A_596, %parallel_loop3A_606 : vector<16xf32>
      %parallel_loop3A_608 = arith.index_cast %parallel_loop3A_591 : i32 to index
      %parallel_loop3A_609 = tpu.vector_load %arg15[%parallel_loop3A_608] {strides = array<i32>} : memref<3584xf32, #tpu.memory_space<vmem>>, vector<16xf32>,
      %parallel_loop3A_610 = arith.constant 1.000000e+05 : f32
      %parallel_loop3A_611 = vector.broadcast %parallel_loop3A_610 : f32 to vector<16xf32>
      %parallel_loop3A_612 = arith.mulf %parallel_loop3A_609, %parallel_loop3A_611 : vector<16xf32>
      %parallel_loop3A_613 = arith.fptosi %parallel_loop3A_612 : vector<16xf32> to vector<16xi32>
      %parallel_loop3A_614 = arith.constant 99999 : i32
      %parallel_loop3A_615 = vector.broadcast %parallel_loop3A_614 : i32 to vector<16xi32>
      %parallel_loop3A_616 = arith.minsi %parallel_loop3A_613, %parallel_loop3A_615 : vector<16xi32>
      tpu.vector_store_idx %arg7[%parallel_loop3A_616], %parallel_loop3A_607 {add = true} : memref<100352xf32, #tpu.memory_space<vmem>>[vector<16xi32>], vector<16xf32>,
    } {sc.loop_unroll_factor = 2 : i64, sc.parallel_access}
    %eq3A = arith.constant 31 : i32
    %eq3A_413 = arith.cmpi eq, %add3A, %eq3A : i32
    %convert_element_type3A = arith.extui %eq3A_413 : i1 to i32
    %cond3A = arith.constant 0 : i32
    %cond3A_414 = arith.cmpi ne, %convert_element_type3A, %cond3A : i32
    scf.if %cond3A_414 {
      %dma_start3A_591 = arith.constant 0 : i32
      %dma_start3A_592 = tpu.memref_slice %arg8[%dma_start3A_591] : memref<3584xf32, #tpu.memory_space<vmem>> -> memref<128xf32, #tpu.memory_space<vmem>>
      %dma_start3A_593 = arith.constant 1999872 : i32
      %dma_start3A_594 = tpu.memref_slice %arg2[%dma_start3A_593] : memref<2000000xf32, #tpu.memory_space<hbm>> -> memref<128xf32, #tpu.memory_space<hbm>>
      %dma_start3A_595 = arith.constant 0 : i32
      %dma_start3A_596 = tpu.memref_slice %arg8[%dma_start3A_595] : memref<3584xf32, #tpu.memory_space<vmem>> -> memref<128xf32, #tpu.memory_space<vmem>>
      %dma_start3A_597 = arith.constant 1999872 : i32
      %dma_start3A_598 = tpu.memref_slice %arg2[%dma_start3A_597] : memref<2000000xf32, #tpu.memory_space<hbm>> -> memref<128xf32, #tpu.memory_space<hbm>>
      tpu.enqueue_dma source(%dma_start3A_598 : memref<128xf32, #tpu.memory_space<hbm>>) target(%dma_start3A_596 : memref<128xf32, #tpu.memory_space<vmem>>) target_semaphore(%arg16 : memref<!tpu.dma_semaphore, #tpu.memory_space<semaphore_mem>>)
      %dma_start3A_599 = arith.constant 0 : i32
      %dma_start3A_600 = tpu.memref_slice %arg9[%dma_start3A_599] : memref<3584xf32, #tpu.memory_space<vmem>> -> memref<128xf32, #tpu.memory_space<vmem>>
      %dma_start3A_601 = arith.constant 1999872 : i32
      %dma_start3A_602 = tpu.memref_slice %arg3[%dma_start3A_601] : memref<2000000xf32, #tpu.memory_space<hbm>> -> memref<128xf32, #tpu.memory_space<hbm>>
      %dma_start3A_603 = arith.constant 0 : i32
      %dma_start3A_604 = tpu.memref_slice %arg9[%dma_start3A_603] : memref<3584xf32, #tpu.memory_space<vmem>> -> memref<128xf32, #tpu.memory_space<vmem>>
      %dma_start3A_605 = arith.constant 1999872 : i32
      %dma_start3A_606 = tpu.memref_slice %arg3[%dma_start3A_605] : memref<2000000xf32, #tpu.memory_space<hbm>> -> memref<128xf32, #tpu.memory_space<hbm>>
      tpu.enqueue_dma source(%dma_start3A_606 : memref<128xf32, #tpu.memory_space<hbm>>) target(%dma_start3A_604 : memref<128xf32, #tpu.memory_space<vmem>>) target_semaphore(%arg16 : memref<!tpu.dma_semaphore, #tpu.memory_space<semaphore_mem>>)
      %dma_start3A_607 = arith.constant 0 : i32
      %dma_start3A_608 = tpu.memref_slice %arg10[%dma_start3A_607] : memref<3584xf32, #tpu.memory_space<vmem>> -> memref<128xf32, #tpu.memory_space<vmem>>
      %dma_start3A_609 = arith.constant 1999872 : i32
      %dma_start3A_610 = tpu.memref_slice %arg4[%dma_start3A_609] : memref<2000000xf32, #tpu.memory_space<hbm>> -> memref<128xf32, #tpu.memory_space<hbm>>
      %dma_start3A_611 = arith.constant 0 : i32
      %dma_start3A_612 = tpu.memref_slice %arg10[%dma_start3A_611] : memref<3584xf32, #tpu.memory_space<vmem>> -> memref<128xf32, #tpu.memory_space<vmem>>
      %dma_start3A_613 = arith.constant 1999872 : i32
      %dma_start3A_614 = tpu.memref_slice %arg4[%dma_start3A_613] : memref<2000000xf32, #tpu.memory_space<hbm>> -> memref<128xf32, #tpu.memory_space<hbm>>
      tpu.enqueue_dma source(%dma_start3A_614 : memref<128xf32, #tpu.memory_space<hbm>>) target(%dma_start3A_612 : memref<128xf32, #tpu.memory_space<vmem>>) target_semaphore(%arg16 : memref<!tpu.dma_semaphore, #tpu.memory_space<semaphore_mem>>)
      %dma_start3A_615 = arith.constant 0 : i32
      %dma_start3A_616 = tpu.memref_slice %arg11[%dma_start3A_615] : memref<3584xf32, #tpu.memory_space<vmem>> -> memref<128xf32, #tpu.memory_space<vmem>>
      %dma_start3A_617 = arith.constant 1999872 : i32
      %dma_start3A_618 = tpu.memref_slice %arg5[%dma_start3A_617] : memref<2000000xf32, #tpu.memory_space<hbm>> -> memref<128xf32, #tpu.memory_space<hbm>>
      %dma_start3A_619 = arith.constant 0 : i32
      %dma_start3A_620 = tpu.memref_slice %arg11[%dma_start3A_619] : memref<3584xf32, #tpu.memory_space<vmem>> -> memref<128xf32, #tpu.memory_space<vmem>>
      %dma_start3A_621 = arith.constant 1999872 : i32
      %dma_start3A_622 = tpu.memref_slice %arg5[%dma_start3A_621] : memref<2000000xf32, #tpu.memory_space<hbm>> -> memref<128xf32, #tpu.memory_space<hbm>>
      tpu.enqueue_dma source(%dma_start3A_622 : memref<128xf32, #tpu.memory_space<hbm>>) target(%dma_start3A_620 : memref<128xf32, #tpu.memory_space<vmem>>) target_semaphore(%arg16 : memref<!tpu.dma_semaphore, #tpu.memory_space<semaphore_mem>>)
      %dma_wait3A_623 = arith.constant 0 : i32
      %dma_wait3A_624 = tpu.memref_slice %arg8[%dma_wait3A_623] : memref<3584xf32, #tpu.memory_space<vmem>> -> memref<128xf32, #tpu.memory_space<vmem>>
      %dma_wait3A_625 = arith.constant 1999872 : i32
      %dma_wait3A_626 = tpu.memref_slice %arg2[%dma_wait3A_625] : memref<2000000xf32, #tpu.memory_space<hbm>> -> memref<128xf32, #tpu.memory_space<hbm>>
      %dma_wait3A_627 = arith.constant 0 : i32
      %dma_wait3A_628 = tpu.memref_slice %arg8[%dma_wait3A_627] : memref<3584xf32, #tpu.memory_space<vmem>> -> memref<128xf32, #tpu.memory_space<vmem>>
      %dma_wait3A_629 = arith.constant 1999872 : i32
      %dma_wait3A_630 = tpu.memref_slice %arg2[%dma_wait3A_629] : memref<2000000xf32, #tpu.memory_space<hbm>> -> memref<128xf32, #tpu.memory_space<hbm>>
      tpu.wait_dma2 semaphore(%arg16 : memref<!tpu.dma_semaphore, #tpu.memory_space<semaphore_mem>>) src(%dma_wait3A_630 : memref<128xf32, #tpu.memory_space<hbm>>) dst(%dma_wait3A_628 : memref<128xf32, #tpu.memory_space<vmem>>)
      %dma_wait3A_631 = arith.constant 0 : i32
      %dma_wait3A_632 = tpu.memref_slice %arg9[%dma_wait3A_631] : memref<3584xf32, #tpu.memory_space<vmem>> -> memref<128xf32, #tpu.memory_space<vmem>>
      %dma_wait3A_633 = arith.constant 1999872 : i32
      %dma_wait3A_634 = tpu.memref_slice %arg3[%dma_wait3A_633] : memref<2000000xf32, #tpu.memory_space<hbm>> -> memref<128xf32, #tpu.memory_space<hbm>>
      %dma_wait3A_635 = arith.constant 0 : i32
      %dma_wait3A_636 = tpu.memref_slice %arg9[%dma_wait3A_635] : memref<3584xf32, #tpu.memory_space<vmem>> -> memref<128xf32, #tpu.memory_space<vmem>>
      %dma_wait3A_637 = arith.constant 1999872 : i32
      %dma_wait3A_638 = tpu.memref_slice %arg3[%dma_wait3A_637] : memref<2000000xf32, #tpu.memory_space<hbm>> -> memref<128xf32, #tpu.memory_space<hbm>>
      tpu.wait_dma2 semaphore(%arg16 : memref<!tpu.dma_semaphore, #tpu.memory_space<semaphore_mem>>) src(%dma_wait3A_638 : memref<128xf32, #tpu.memory_space<hbm>>) dst(%dma_wait3A_636 : memref<128xf32, #tpu.memory_space<vmem>>)
      %dma_wait3A_639 = arith.constant 0 : i32
      %dma_wait3A_640 = tpu.memref_slice %arg10[%dma_wait3A_639] : memref<3584xf32, #tpu.memory_space<vmem>> -> memref<128xf32, #tpu.memory_space<vmem>>
      %dma_wait3A_641 = arith.constant 1999872 : i32
      %dma_wait3A_642 = tpu.memref_slice %arg4[%dma_wait3A_641] : memref<2000000xf32, #tpu.memory_space<hbm>> -> memref<128xf32, #tpu.memory_space<hbm>>
      %dma_wait3A_643 = arith.constant 0 : i32
      %dma_wait3A_644 = tpu.memref_slice %arg10[%dma_wait3A_643] : memref<3584xf32, #tpu.memory_space<vmem>> -> memref<128xf32, #tpu.memory_space<vmem>>
      %dma_wait3A_645 = arith.constant 1999872 : i32
      %dma_wait3A_646 = tpu.memref_slice %arg4[%dma_wait3A_645] : memref<2000000xf32, #tpu.memory_space<hbm>> -> memref<128xf32, #tpu.memory_space<hbm>>
      tpu.wait_dma2 semaphore(%arg16 : memref<!tpu.dma_semaphore, #tpu.memory_space<semaphore_mem>>) src(%dma_wait3A_646 : memref<128xf32, #tpu.memory_space<hbm>>) dst(%dma_wait3A_644 : memref<128xf32, #tpu.memory_space<vmem>>)
      %dma_wait3A_647 = arith.constant 0 : i32
      %dma_wait3A_648 = tpu.memref_slice %arg11[%dma_wait3A_647] : memref<3584xf32, #tpu.memory_space<vmem>> -> memref<128xf32, #tpu.memory_space<vmem>>
      %dma_wait3A_649 = arith.constant 1999872 : i32
      %dma_wait3A_650 = tpu.memref_slice %arg5[%dma_wait3A_649] : memref<2000000xf32, #tpu.memory_space<hbm>> -> memref<128xf32, #tpu.memory_space<hbm>>
      %dma_wait3A_651 = arith.constant 0 : i32
      %dma_wait3A_652 = tpu.memref_slice %arg11[%dma_wait3A_651] : memref<3584xf32, #tpu.memory_space<vmem>> -> memref<128xf32, #tpu.memory_space<vmem>>
      %dma_wait3A_653 = arith.constant 1999872 : i32
      %dma_wait3A_654 = tpu.memref_slice %arg5[%dma_wait3A_653] : memref<2000000xf32, #tpu.memory_space<hbm>> -> memref<128xf32, #tpu.memory_space<hbm>>
      tpu.wait_dma2 semaphore(%arg16 : memref<!tpu.dma_semaphore, #tpu.memory_space<semaphore_mem>>) src(%dma_wait3A_654 : memref<128xf32, #tpu.memory_space<hbm>>) dst(%dma_wait3A_652 : memref<128xf32, #tpu.memory_space<vmem>>)
      %parallel_loop3A_655 = arith.constant 0 : i32
      %parallel_loop3A_656 = arith.constant 128 : i32
      %parallel_loop3A_657 = arith.constant 16 : i32
      scf.for %parallel_loop3A_658 = %parallel_loop3A_655 to %parallel_loop3A_656 step %parallel_loop3A_657  : i32 {
        %parallel_loop3A_659 = arith.index_cast %parallel_loop3A_658 : i32 to index
        %parallel_loop3A_660 = tpu.vector_load %arg8[%parallel_loop3A_659] {strides = array<i32>} : memref<3584xf32, #tpu.memory_space<vmem>>, vector<16xf32>,
        %parallel_loop3A_661 = arith.index_cast %parallel_loop3A_658 : i32 to index
        %parallel_loop3A_662 = tpu.vector_load %arg9[%parallel_loop3A_661] {strides = array<i32>} : memref<3584xf32, #tpu.memory_space<vmem>>, vector<16xf32>,
        %parallel_loop3A_663 = arith.subf %parallel_loop3A_660, %parallel_loop3A_662 : vector<16xf32>
        %parallel_loop3A_664 = arith.index_cast %parallel_loop3A_658 : i32 to index
        %parallel_loop3A_665 = tpu.vector_load %arg10[%parallel_loop3A_664] {strides = array<i32>} : memref<3584xf32, #tpu.memory_space<vmem>>, vector<16xf32>,
        %parallel_loop3A_666 = arith.constant 5.000000e-01 : f32
        %parallel_loop3A_667 = vector.broadcast %parallel_loop3A_666 : f32 to vector<16xf32>
        %parallel_loop3A_668 = arith.cmpf ogt, %parallel_loop3A_665, %parallel_loop3A_667 : vector<16xf32>
        %parallel_loop3A_669 = arith.constant 6.66666664E-7 : f32
        %parallel_loop3A_670 = arith.constant 2.000000e-06 : f32
        %parallel_loop3A_671 = vector.broadcast %parallel_loop3A_669 : f32 to vector<16xf32>
        %parallel_loop3A_672 = vector.broadcast %parallel_loop3A_670 : f32 to vector<16xf32>
        %parallel_loop3A_673 = arith.select %parallel_loop3A_668, %parallel_loop3A_671, %parallel_loop3A_672 : vector<16xi1>, vector<16xf32>
        %parallel_loop3A_674 = arith.mulf %parallel_loop3A_663, %parallel_loop3A_673 : vector<16xf32>
        %parallel_loop3A_675 = arith.index_cast %parallel_loop3A_658 : i32 to index
        %parallel_loop3A_676 = tpu.vector_load %arg11[%parallel_loop3A_675] {strides = array<i32>} : memref<3584xf32, #tpu.memory_space<vmem>>, vector<16xf32>,
        %parallel_loop3A_677 = arith.constant 1.000000e+05 : f32
        %parallel_loop3A_678 = vector.broadcast %parallel_loop3A_677 : f32 to vector<16xf32>
        %parallel_loop3A_679 = arith.mulf %parallel_loop3A_676, %parallel_loop3A_678 : vector<16xf32>
        %parallel_loop3A_680 = arith.fptosi %parallel_loop3A_679 : vector<16xf32> to vector<16xi32>
        %parallel_loop3A_681 = arith.constant 99999 : i32
        %parallel_loop3A_682 = vector.broadcast %parallel_loop3A_681 : i32 to vector<16xi32>
        %parallel_loop3A_683 = arith.minsi %parallel_loop3A_680, %parallel_loop3A_682 : vector<16xi32>
        tpu.vector_store_idx %arg7[%parallel_loop3A_683], %parallel_loop3A_674 {add = true} : memref<100352xf32, #tpu.memory_space<vmem>>[vector<16xi32>], vector<16xf32>,
      } {sc.loop_unroll_factor = 2 : i64, sc.parallel_access}
    } else {
    }
    %dma_start3A_415 = arith.constant 0 : i32
    %dma_start3A_416 = arith.constant 0 : i32
    %dma_start3A_417 = tpu.memref_slice %arg7[%dma_start3A_416] : memref<100352xf32, #tpu.memory_space<vmem>> -> memref<12544xf32, #tpu.memory_space<vmem>>
    %dma_start3A_418 = arith.constant 0 : i32
    %dma_start3A_419 = tpu.memref_slice %arg6[%add3A, %dma_start3A_415, %dma_start3A_418] : memref<32x8x12544xf32, #tpu.memory_space<hbm>> -> memref<1x1x12544xf32, #tpu.memory_space<hbm>>
    %dma_start3A_420 = tpu.memref_squeeze %dma_start3A_419 : memref<1x1x12544xf32, #tpu.memory_space<hbm>> -> memref<12544xf32, #tpu.memory_space<hbm>>
    %dma_start3A_421 = arith.constant 0 : i32
    %dma_start3A_422 = tpu.memref_slice %arg6[%add3A, %dma_start3A_415, %dma_start3A_421] : memref<32x8x12544xf32, #tpu.memory_space<hbm>> -> memref<1x1x12544xf32, #tpu.memory_space<hbm>>
    %dma_start3A_423 = tpu.memref_squeeze %dma_start3A_422 : memref<1x1x12544xf32, #tpu.memory_space<hbm>> -> memref<12544xf32, #tpu.memory_space<hbm>>
    %dma_start3A_424 = arith.constant 0 : i32
    %dma_start3A_425 = tpu.memref_slice %arg7[%dma_start3A_424] : memref<100352xf32, #tpu.memory_space<vmem>> -> memref<12544xf32, #tpu.memory_space<vmem>>
    tpu.enqueue_dma source(%dma_start3A_425 : memref<12544xf32, #tpu.memory_space<vmem>>) target(%dma_start3A_423 : memref<12544xf32, #tpu.memory_space<hbm>>) target_semaphore(%arg16 : memref<!tpu.dma_semaphore, #tpu.memory_space<semaphore_mem>>)
    %dma_start3A_426 = arith.constant 1 : i32
    %dma_start3A_427 = arith.constant 12544 : i32
    %dma_start3A_428 = tpu.memref_slice %arg7[%dma_start3A_427] : memref<100352xf32, #tpu.memory_space<vmem>> -> memref<12544xf32, #tpu.memory_space<vmem>>
    %dma_start3A_429 = arith.constant 0 : i32
    %dma_start3A_430 = tpu.memref_slice %arg6[%add3A, %dma_start3A_426, %dma_start3A_429] : memref<32x8x12544xf32, #tpu.memory_space<hbm>> -> memref<1x1x12544xf32, #tpu.memory_space<hbm>>
    %dma_start3A_431 = tpu.memref_squeeze %dma_start3A_430 : memref<1x1x12544xf32, #tpu.memory_space<hbm>> -> memref<12544xf32, #tpu.memory_space<hbm>>
    %dma_start3A_432 = arith.constant 0 : i32
    %dma_start3A_433 = tpu.memref_slice %arg6[%add3A, %dma_start3A_426, %dma_start3A_432] : memref<32x8x12544xf32, #tpu.memory_space<hbm>> -> memref<1x1x12544xf32, #tpu.memory_space<hbm>>
    %dma_start3A_434 = tpu.memref_squeeze %dma_start3A_433 : memref<1x1x12544xf32, #tpu.memory_space<hbm>> -> memref<12544xf32, #tpu.memory_space<hbm>>
    %dma_start3A_435 = arith.constant 12544 : i32
    %dma_start3A_436 = tpu.memref_slice %arg7[%dma_start3A_435] : memref<100352xf32, #tpu.memory_space<vmem>> -> memref<12544xf32, #tpu.memory_space<vmem>>
    tpu.enqueue_dma source(%dma_start3A_436 : memref<12544xf32, #tpu.memory_space<vmem>>) target(%dma_start3A_434 : memref<12544xf32, #tpu.memory_space<hbm>>) target_semaphore(%arg16 : memref<!tpu.dma_semaphore, #tpu.memory_space<semaphore_mem>>)
    %dma_start3A_437 = arith.constant 2 : i32
    %dma_start3A_438 = arith.constant 25088 : i32
    %dma_start3A_439 = tpu.memref_slice %arg7[%dma_start3A_438] : memref<100352xf32, #tpu.memory_space<vmem>> -> memref<12544xf32, #tpu.memory_space<vmem>>
    %dma_start3A_440 = arith.constant 0 : i32
    %dma_start3A_441 = tpu.memref_slice %arg6[%add3A, %dma_start3A_437, %dma_start3A_440] : memref<32x8x12544xf32, #tpu.memory_space<hbm>> -> memref<1x1x12544xf32, #tpu.memory_space<hbm>>
    %dma_start3A_442 = tpu.memref_squeeze %dma_start3A_441 : memref<1x1x12544xf32, #tpu.memory_space<hbm>> -> memref<12544xf32, #tpu.memory_space<hbm>>
    %dma_start3A_443 = arith.constant 0 : i32
    %dma_start3A_444 = tpu.memref_slice %arg6[%add3A, %dma_start3A_437, %dma_start3A_443] : memref<32x8x12544xf32, #tpu.memory_space<hbm>> -> memref<1x1x12544xf32, #tpu.memory_space<hbm>>
    %dma_start3A_445 = tpu.memref_squeeze %dma_start3A_444 : memref<1x1x12544xf32, #tpu.memory_space<hbm>> -> memref<12544xf32, #tpu.memory_space<hbm>>
    %dma_start3A_446 = arith.constant 25088 : i32
    %dma_start3A_447 = tpu.memref_slice %arg7[%dma_start3A_446] : memref<100352xf32, #tpu.memory_space<vmem>> -> memref<12544xf32, #tpu.memory_space<vmem>>
    tpu.enqueue_dma source(%dma_start3A_447 : memref<12544xf32, #tpu.memory_space<vmem>>) target(%dma_start3A_445 : memref<12544xf32, #tpu.memory_space<hbm>>) target_semaphore(%arg16 : memref<!tpu.dma_semaphore, #tpu.memory_space<semaphore_mem>>)
    %dma_start3A_448 = arith.constant 3 : i32
    %dma_start3A_449 = arith.constant 37632 : i32
    %dma_start3A_450 = tpu.memref_slice %arg7[%dma_start3A_449] : memref<100352xf32, #tpu.memory_space<vmem>> -> memref<12544xf32, #tpu.memory_space<vmem>>
    %dma_start3A_451 = arith.constant 0 : i32
    %dma_start3A_452 = tpu.memref_slice %arg6[%add3A, %dma_start3A_448, %dma_start3A_451] : memref<32x8x12544xf32, #tpu.memory_space<hbm>> -> memref<1x1x12544xf32, #tpu.memory_space<hbm>>
    %dma_start3A_453 = tpu.memref_squeeze %dma_start3A_452 : memref<1x1x12544xf32, #tpu.memory_space<hbm>> -> memref<12544xf32, #tpu.memory_space<hbm>>
    %dma_start3A_454 = arith.constant 0 : i32
    %dma_start3A_455 = tpu.memref_slice %arg6[%add3A, %dma_start3A_448, %dma_start3A_454] : memref<32x8x12544xf32, #tpu.memory_space<hbm>> -> memref<1x1x12544xf32, #tpu.memory_space<hbm>>
    %dma_start3A_456 = tpu.memref_squeeze %dma_start3A_455 : memref<1x1x12544xf32, #tpu.memory_space<hbm>> -> memref<12544xf32, #tpu.memory_space<hbm>>
    %dma_start3A_457 = arith.constant 37632 : i32
    %dma_start3A_458 = tpu.memref_slice %arg7[%dma_start3A_457] : memref<100352xf32, #tpu.memory_space<vmem>> -> memref<12544xf32, #tpu.memory_space<vmem>>
    tpu.enqueue_dma source(%dma_start3A_458 : memref<12544xf32, #tpu.memory_space<vmem>>) target(%dma_start3A_456 : memref<12544xf32, #tpu.memory_space<hbm>>) target_semaphore(%arg16 : memref<!tpu.dma_semaphore, #tpu.memory_space<semaphore_mem>>)
    %dma_start3A_459 = arith.constant 4 : i32
    %dma_start3A_460 = arith.constant 50176 : i32
    %dma_start3A_461 = tpu.memref_slice %arg7[%dma_start3A_460] : memref<100352xf32, #tpu.memory_space<vmem>> -> memref<12544xf32, #tpu.memory_space<vmem>>
    %dma_start3A_462 = arith.constant 0 : i32
    %dma_start3A_463 = tpu.memref_slice %arg6[%add3A, %dma_start3A_459, %dma_start3A_462] : memref<32x8x12544xf32, #tpu.memory_space<hbm>> -> memref<1x1x12544xf32, #tpu.memory_space<hbm>>
    %dma_start3A_464 = tpu.memref_squeeze %dma_start3A_463 : memref<1x1x12544xf32, #tpu.memory_space<hbm>> -> memref<12544xf32, #tpu.memory_space<hbm>>
    %dma_start3A_465 = arith.constant 0 : i32
    %dma_start3A_466 = tpu.memref_slice %arg6[%add3A, %dma_start3A_459, %dma_start3A_465] : memref<32x8x12544xf32, #tpu.memory_space<hbm>> -> memref<1x1x12544xf32, #tpu.memory_space<hbm>>
    %dma_start3A_467 = tpu.memref_squeeze %dma_start3A_466 : memref<1x1x12544xf32, #tpu.memory_space<hbm>> -> memref<12544xf32, #tpu.memory_space<hbm>>
    %dma_start3A_468 = arith.constant 50176 : i32
    %dma_start3A_469 = tpu.memref_slice %arg7[%dma_start3A_468] : memref<100352xf32, #tpu.memory_space<vmem>> -> memref<12544xf32, #tpu.memory_space<vmem>>
    tpu.enqueue_dma source(%dma_start3A_469 : memref<12544xf32, #tpu.memory_space<vmem>>) target(%dma_start3A_467 : memref<12544xf32, #tpu.memory_space<hbm>>) target_semaphore(%arg16 : memref<!tpu.dma_semaphore, #tpu.memory_space<semaphore_mem>>)
    %dma_start3A_470 = arith.constant 5 : i32
    %dma_start3A_471 = arith.constant 62720 : i32
    %dma_start3A_472 = tpu.memref_slice %arg7[%dma_start3A_471] : memref<100352xf32, #tpu.memory_space<vmem>> -> memref<12544xf32, #tpu.memory_space<vmem>>
    %dma_start3A_473 = arith.constant 0 : i32
    %dma_start3A_474 = tpu.memref_slice %arg6[%add3A, %dma_start3A_470, %dma_start3A_473] : memref<32x8x12544xf32, #tpu.memory_space<hbm>> -> memref<1x1x12544xf32, #tpu.memory_space<hbm>>
    %dma_start3A_475 = tpu.memref_squeeze %dma_start3A_474 : memref<1x1x12544xf32, #tpu.memory_space<hbm>> -> memref<12544xf32, #tpu.memory_space<hbm>>
    %dma_start3A_476 = arith.constant 0 : i32
    %dma_start3A_477 = tpu.memref_slice %arg6[%add3A, %dma_start3A_470, %dma_start3A_476] : memref<32x8x12544xf32, #tpu.memory_space<hbm>> -> memref<1x1x12544xf32, #tpu.memory_space<hbm>>
    %dma_start3A_478 = tpu.memref_squeeze %dma_start3A_477 : memref<1x1x12544xf32, #tpu.memory_space<hbm>> -> memref<12544xf32, #tpu.memory_space<hbm>>
    %dma_start3A_479 = arith.constant 62720 : i32
    %dma_start3A_480 = tpu.memref_slice %arg7[%dma_start3A_479] : memref<100352xf32, #tpu.memory_space<vmem>> -> memref<12544xf32, #tpu.memory_space<vmem>>
    tpu.enqueue_dma source(%dma_start3A_480 : memref<12544xf32, #tpu.memory_space<vmem>>) target(%dma_start3A_478 : memref<12544xf32, #tpu.memory_space<hbm>>) target_semaphore(%arg16 : memref<!tpu.dma_semaphore, #tpu.memory_space<semaphore_mem>>)
    %dma_start3A_481 = arith.constant 6 : i32
    %dma_start3A_482 = arith.constant 75264 : i32
    %dma_start3A_483 = tpu.memref_slice %arg7[%dma_start3A_482] : memref<100352xf32, #tpu.memory_space<vmem>> -> memref<12544xf32, #tpu.memory_space<vmem>>
    %dma_start3A_484 = arith.constant 0 : i32
    %dma_start3A_485 = tpu.memref_slice %arg6[%add3A, %dma_start3A_481, %dma_start3A_484] : memref<32x8x12544xf32, #tpu.memory_space<hbm>> -> memref<1x1x12544xf32, #tpu.memory_space<hbm>>
    %dma_start3A_486 = tpu.memref_squeeze %dma_start3A_485 : memref<1x1x12544xf32, #tpu.memory_space<hbm>> -> memref<12544xf32, #tpu.memory_space<hbm>>
    %dma_start3A_487 = arith.constant 0 : i32
    %dma_start3A_488 = tpu.memref_slice %arg6[%add3A, %dma_start3A_481, %dma_start3A_487] : memref<32x8x12544xf32, #tpu.memory_space<hbm>> -> memref<1x1x12544xf32, #tpu.memory_space<hbm>>
    %dma_start3A_489 = tpu.memref_squeeze %dma_start3A_488 : memref<1x1x12544xf32, #tpu.memory_space<hbm>> -> memref<12544xf32, #tpu.memory_space<hbm>>
    %dma_start3A_490 = arith.constant 75264 : i32
    %dma_start3A_491 = tpu.memref_slice %arg7[%dma_start3A_490] : memref<100352xf32, #tpu.memory_space<vmem>> -> memref<12544xf32, #tpu.memory_space<vmem>>
    tpu.enqueue_dma source(%dma_start3A_491 : memref<12544xf32, #tpu.memory_space<vmem>>) target(%dma_start3A_489 : memref<12544xf32, #tpu.memory_space<hbm>>) target_semaphore(%arg16 : memref<!tpu.dma_semaphore, #tpu.memory_space<semaphore_mem>>)
    %dma_start3A_492 = arith.constant 7 : i32
    %dma_start3A_493 = arith.constant 87808 : i32
    %dma_start3A_494 = tpu.memref_slice %arg7[%dma_start3A_493] : memref<100352xf32, #tpu.memory_space<vmem>> -> memref<12544xf32, #tpu.memory_space<vmem>>
    %dma_start3A_495 = arith.constant 0 : i32
    %dma_start3A_496 = tpu.memref_slice %arg6[%add3A, %dma_start3A_492, %dma_start3A_495] : memref<32x8x12544xf32, #tpu.memory_space<hbm>> -> memref<1x1x12544xf32, #tpu.memory_space<hbm>>
    %dma_start3A_497 = tpu.memref_squeeze %dma_start3A_496 : memref<1x1x12544xf32, #tpu.memory_space<hbm>> -> memref<12544xf32, #tpu.memory_space<hbm>>
    %dma_start3A_498 = arith.constant 0 : i32
    %dma_start3A_499 = tpu.memref_slice %arg6[%add3A, %dma_start3A_492, %dma_start3A_498] : memref<32x8x12544xf32, #tpu.memory_space<hbm>> -> memref<1x1x12544xf32, #tpu.memory_space<hbm>>
    %dma_start3A_500 = tpu.memref_squeeze %dma_start3A_499 : memref<1x1x12544xf32, #tpu.memory_space<hbm>> -> memref<12544xf32, #tpu.memory_space<hbm>>
    %dma_start3A_501 = arith.constant 87808 : i32
    %dma_start3A_502 = tpu.memref_slice %arg7[%dma_start3A_501] : memref<100352xf32, #tpu.memory_space<vmem>> -> memref<12544xf32, #tpu.memory_space<vmem>>
    tpu.enqueue_dma source(%dma_start3A_502 : memref<12544xf32, #tpu.memory_space<vmem>>) target(%dma_start3A_500 : memref<12544xf32, #tpu.memory_space<hbm>>) target_semaphore(%arg16 : memref<!tpu.dma_semaphore, #tpu.memory_space<semaphore_mem>>)
    %dma_wait3A_503 = arith.constant 0 : i32
    %dma_wait3A_504 = arith.constant 0 : i32
    %dma_wait3A_505 = tpu.memref_slice %arg7[%dma_wait3A_504] : memref<100352xf32, #tpu.memory_space<vmem>> -> memref<12544xf32, #tpu.memory_space<vmem>>
    %dma_wait3A_506 = arith.constant 0 : i32
    %dma_wait3A_507 = tpu.memref_slice %arg6[%add3A, %dma_wait3A_503, %dma_wait3A_506] : memref<32x8x12544xf32, #tpu.memory_space<hbm>> -> memref<1x1x12544xf32, #tpu.memory_space<hbm>>
    %dma_wait3A_508 = tpu.memref_squeeze %dma_wait3A_507 : memref<1x1x12544xf32, #tpu.memory_space<hbm>> -> memref<12544xf32, #tpu.memory_space<hbm>>
    %dma_wait3A_509 = arith.constant 0 : i32
    %dma_wait3A_510 = tpu.memref_slice %arg6[%add3A, %dma_wait3A_503, %dma_wait3A_509] : memref<32x8x12544xf32, #tpu.memory_space<hbm>> -> memref<1x1x12544xf32, #tpu.memory_space<hbm>>
    %dma_wait3A_511 = tpu.memref_squeeze %dma_wait3A_510 : memref<1x1x12544xf32, #tpu.memory_space<hbm>> -> memref<12544xf32, #tpu.memory_space<hbm>>
    %dma_wait3A_512 = arith.constant 0 : i32
    %dma_wait3A_513 = tpu.memref_slice %arg7[%dma_wait3A_512] : memref<100352xf32, #tpu.memory_space<vmem>> -> memref<12544xf32, #tpu.memory_space<vmem>>
    tpu.wait_dma2 semaphore(%arg16 : memref<!tpu.dma_semaphore, #tpu.memory_space<semaphore_mem>>) src(%dma_wait3A_513 : memref<12544xf32, #tpu.memory_space<vmem>>) dst(%dma_wait3A_511 : memref<12544xf32, #tpu.memory_space<hbm>>)
    %dma_wait3A_514 = arith.constant 1 : i32
    %dma_wait3A_515 = arith.constant 12544 : i32
    %dma_wait3A_516 = tpu.memref_slice %arg7[%dma_wait3A_515] : memref<100352xf32, #tpu.memory_space<vmem>> -> memref<12544xf32, #tpu.memory_space<vmem>>
    %dma_wait3A_517 = arith.constant 0 : i32
    %dma_wait3A_518 = tpu.memref_slice %arg6[%add3A, %dma_wait3A_514, %dma_wait3A_517] : memref<32x8x12544xf32, #tpu.memory_space<hbm>> -> memref<1x1x12544xf32, #tpu.memory_space<hbm>>
    %dma_wait3A_519 = tpu.memref_squeeze %dma_wait3A_518 : memref<1x1x12544xf32, #tpu.memory_space<hbm>> -> memref<12544xf32, #tpu.memory_space<hbm>>
    %dma_wait3A_520 = arith.constant 0 : i32
    %dma_wait3A_521 = tpu.memref_slice %arg6[%add3A, %dma_wait3A_514, %dma_wait3A_520] : memref<32x8x12544xf32, #tpu.memory_space<hbm>> -> memref<1x1x12544xf32, #tpu.memory_space<hbm>>
    %dma_wait3A_522 = tpu.memref_squeeze %dma_wait3A_521 : memref<1x1x12544xf32, #tpu.memory_space<hbm>> -> memref<12544xf32, #tpu.memory_space<hbm>>
    %dma_wait3A_523 = arith.constant 12544 : i32
    %dma_wait3A_524 = tpu.memref_slice %arg7[%dma_wait3A_523] : memref<100352xf32, #tpu.memory_space<vmem>> -> memref<12544xf32, #tpu.memory_space<vmem>>
    tpu.wait_dma2 semaphore(%arg16 : memref<!tpu.dma_semaphore, #tpu.memory_space<semaphore_mem>>) src(%dma_wait3A_524 : memref<12544xf32, #tpu.memory_space<vmem>>) dst(%dma_wait3A_522 : memref<12544xf32, #tpu.memory_space<hbm>>)
    %dma_wait3A_525 = arith.constant 2 : i32
    %dma_wait3A_526 = arith.constant 25088 : i32
    %dma_wait3A_527 = tpu.memref_slice %arg7[%dma_wait3A_526] : memref<100352xf32, #tpu.memory_space<vmem>> -> memref<12544xf32, #tpu.memory_space<vmem>>
    %dma_wait3A_528 = arith.constant 0 : i32
    %dma_wait3A_529 = tpu.memref_slice %arg6[%add3A, %dma_wait3A_525, %dma_wait3A_528] : memref<32x8x12544xf32, #tpu.memory_space<hbm>> -> memref<1x1x12544xf32, #tpu.memory_space<hbm>>
    %dma_wait3A_530 = tpu.memref_squeeze %dma_wait3A_529 : memref<1x1x12544xf32, #tpu.memory_space<hbm>> -> memref<12544xf32, #tpu.memory_space<hbm>>
    %dma_wait3A_531 = arith.constant 0 : i32
    %dma_wait3A_532 = tpu.memref_slice %arg6[%add3A, %dma_wait3A_525, %dma_wait3A_531] : memref<32x8x12544xf32, #tpu.memory_space<hbm>> -> memref<1x1x12544xf32, #tpu.memory_space<hbm>>
    %dma_wait3A_533 = tpu.memref_squeeze %dma_wait3A_532 : memref<1x1x12544xf32, #tpu.memory_space<hbm>> -> memref<12544xf32, #tpu.memory_space<hbm>>
    %dma_wait3A_534 = arith.constant 25088 : i32
    %dma_wait3A_535 = tpu.memref_slice %arg7[%dma_wait3A_534] : memref<100352xf32, #tpu.memory_space<vmem>> -> memref<12544xf32, #tpu.memory_space<vmem>>
    tpu.wait_dma2 semaphore(%arg16 : memref<!tpu.dma_semaphore, #tpu.memory_space<semaphore_mem>>) src(%dma_wait3A_535 : memref<12544xf32, #tpu.memory_space<vmem>>) dst(%dma_wait3A_533 : memref<12544xf32, #tpu.memory_space<hbm>>)
    %dma_wait3A_536 = arith.constant 3 : i32
    %dma_wait3A_537 = arith.constant 37632 : i32
    %dma_wait3A_538 = tpu.memref_slice %arg7[%dma_wait3A_537] : memref<100352xf32, #tpu.memory_space<vmem>> -> memref<12544xf32, #tpu.memory_space<vmem>>
    %dma_wait3A_539 = arith.constant 0 : i32
    %dma_wait3A_540 = tpu.memref_slice %arg6[%add3A, %dma_wait3A_536, %dma_wait3A_539] : memref<32x8x12544xf32, #tpu.memory_space<hbm>> -> memref<1x1x12544xf32, #tpu.memory_space<hbm>>
    %dma_wait3A_541 = tpu.memref_squeeze %dma_wait3A_540 : memref<1x1x12544xf32, #tpu.memory_space<hbm>> -> memref<12544xf32, #tpu.memory_space<hbm>>
    %dma_wait3A_542 = arith.constant 0 : i32
    %dma_wait3A_543 = tpu.memref_slice %arg6[%add3A, %dma_wait3A_536, %dma_wait3A_542] : memref<32x8x12544xf32, #tpu.memory_space<hbm>> -> memref<1x1x12544xf32, #tpu.memory_space<hbm>>
    %dma_wait3A_544 = tpu.memref_squeeze %dma_wait3A_543 : memref<1x1x12544xf32, #tpu.memory_space<hbm>> -> memref<12544xf32, #tpu.memory_space<hbm>>
    %dma_wait3A_545 = arith.constant 37632 : i32
    %dma_wait3A_546 = tpu.memref_slice %arg7[%dma_wait3A_545] : memref<100352xf32, #tpu.memory_space<vmem>> -> memref<12544xf32, #tpu.memory_space<vmem>>
    tpu.wait_dma2 semaphore(%arg16 : memref<!tpu.dma_semaphore, #tpu.memory_space<semaphore_mem>>) src(%dma_wait3A_546 : memref<12544xf32, #tpu.memory_space<vmem>>) dst(%dma_wait3A_544 : memref<12544xf32, #tpu.memory_space<hbm>>)
    %dma_wait3A_547 = arith.constant 4 : i32
    %dma_wait3A_548 = arith.constant 50176 : i32
    %dma_wait3A_549 = tpu.memref_slice %arg7[%dma_wait3A_548] : memref<100352xf32, #tpu.memory_space<vmem>> -> memref<12544xf32, #tpu.memory_space<vmem>>
    %dma_wait3A_550 = arith.constant 0 : i32
    %dma_wait3A_551 = tpu.memref_slice %arg6[%add3A, %dma_wait3A_547, %dma_wait3A_550] : memref<32x8x12544xf32, #tpu.memory_space<hbm>> -> memref<1x1x12544xf32, #tpu.memory_space<hbm>>
    %dma_wait3A_552 = tpu.memref_squeeze %dma_wait3A_551 : memref<1x1x12544xf32, #tpu.memory_space<hbm>> -> memref<12544xf32, #tpu.memory_space<hbm>>
    %dma_wait3A_553 = arith.constant 0 : i32
    %dma_wait3A_554 = tpu.memref_slice %arg6[%add3A, %dma_wait3A_547, %dma_wait3A_553] : memref<32x8x12544xf32, #tpu.memory_space<hbm>> -> memref<1x1x12544xf32, #tpu.memory_space<hbm>>
    %dma_wait3A_555 = tpu.memref_squeeze %dma_wait3A_554 : memref<1x1x12544xf32, #tpu.memory_space<hbm>> -> memref<12544xf32, #tpu.memory_space<hbm>>
    %dma_wait3A_556 = arith.constant 50176 : i32
    %dma_wait3A_557 = tpu.memref_slice %arg7[%dma_wait3A_556] : memref<100352xf32, #tpu.memory_space<vmem>> -> memref<12544xf32, #tpu.memory_space<vmem>>
    tpu.wait_dma2 semaphore(%arg16 : memref<!tpu.dma_semaphore, #tpu.memory_space<semaphore_mem>>) src(%dma_wait3A_557 : memref<12544xf32, #tpu.memory_space<vmem>>) dst(%dma_wait3A_555 : memref<12544xf32, #tpu.memory_space<hbm>>)
    %dma_wait3A_558 = arith.constant 5 : i32
    %dma_wait3A_559 = arith.constant 62720 : i32
    %dma_wait3A_560 = tpu.memref_slice %arg7[%dma_wait3A_559] : memref<100352xf32, #tpu.memory_space<vmem>> -> memref<12544xf32, #tpu.memory_space<vmem>>
    %dma_wait3A_561 = arith.constant 0 : i32
    %dma_wait3A_562 = tpu.memref_slice %arg6[%add3A, %dma_wait3A_558, %dma_wait3A_561] : memref<32x8x12544xf32, #tpu.memory_space<hbm>> -> memref<1x1x12544xf32, #tpu.memory_space<hbm>>
    %dma_wait3A_563 = tpu.memref_squeeze %dma_wait3A_562 : memref<1x1x12544xf32, #tpu.memory_space<hbm>> -> memref<12544xf32, #tpu.memory_space<hbm>>
    %dma_wait3A_564 = arith.constant 0 : i32
    %dma_wait3A_565 = tpu.memref_slice %arg6[%add3A, %dma_wait3A_558, %dma_wait3A_564] : memref<32x8x12544xf32, #tpu.memory_space<hbm>> -> memref<1x1x12544xf32, #tpu.memory_space<hbm>>
    %dma_wait3A_566 = tpu.memref_squeeze %dma_wait3A_565 : memref<1x1x12544xf32, #tpu.memory_space<hbm>> -> memref<12544xf32, #tpu.memory_space<hbm>>
    %dma_wait3A_567 = arith.constant 62720 : i32
    %dma_wait3A_568 = tpu.memref_slice %arg7[%dma_wait3A_567] : memref<100352xf32, #tpu.memory_space<vmem>> -> memref<12544xf32, #tpu.memory_space<vmem>>
    tpu.wait_dma2 semaphore(%arg16 : memref<!tpu.dma_semaphore, #tpu.memory_space<semaphore_mem>>) src(%dma_wait3A_568 : memref<12544xf32, #tpu.memory_space<vmem>>) dst(%dma_wait3A_566 : memref<12544xf32, #tpu.memory_space<hbm>>)
    %dma_wait3A_569 = arith.constant 6 : i32
    %dma_wait3A_570 = arith.constant 75264 : i32
    %dma_wait3A_571 = tpu.memref_slice %arg7[%dma_wait3A_570] : memref<100352xf32, #tpu.memory_space<vmem>> -> memref<12544xf32, #tpu.memory_space<vmem>>
    %dma_wait3A_572 = arith.constant 0 : i32
    %dma_wait3A_573 = tpu.memref_slice %arg6[%add3A, %dma_wait3A_569, %dma_wait3A_572] : memref<32x8x12544xf32, #tpu.memory_space<hbm>> -> memref<1x1x12544xf32, #tpu.memory_space<hbm>>
    %dma_wait3A_574 = tpu.memref_squeeze %dma_wait3A_573 : memref<1x1x12544xf32, #tpu.memory_space<hbm>> -> memref<12544xf32, #tpu.memory_space<hbm>>
    %dma_wait3A_575 = arith.constant 0 : i32
    %dma_wait3A_576 = tpu.memref_slice %arg6[%add3A, %dma_wait3A_569, %dma_wait3A_575] : memref<32x8x12544xf32, #tpu.memory_space<hbm>> -> memref<1x1x12544xf32, #tpu.memory_space<hbm>>
    %dma_wait3A_577 = tpu.memref_squeeze %dma_wait3A_576 : memref<1x1x12544xf32, #tpu.memory_space<hbm>> -> memref<12544xf32, #tpu.memory_space<hbm>>
    %dma_wait3A_578 = arith.constant 75264 : i32
    %dma_wait3A_579 = tpu.memref_slice %arg7[%dma_wait3A_578] : memref<100352xf32, #tpu.memory_space<vmem>> -> memref<12544xf32, #tpu.memory_space<vmem>>
    tpu.wait_dma2 semaphore(%arg16 : memref<!tpu.dma_semaphore, #tpu.memory_space<semaphore_mem>>) src(%dma_wait3A_579 : memref<12544xf32, #tpu.memory_space<vmem>>) dst(%dma_wait3A_577 : memref<12544xf32, #tpu.memory_space<hbm>>)
    %dma_wait3A_580 = arith.constant 7 : i32
    %dma_wait3A_581 = arith.constant 87808 : i32
    %dma_wait3A_582 = tpu.memref_slice %arg7[%dma_wait3A_581] : memref<100352xf32, #tpu.memory_space<vmem>> -> memref<12544xf32, #tpu.memory_space<vmem>>
    %dma_wait3A_583 = arith.constant 0 : i32
    %dma_wait3A_584 = tpu.memref_slice %arg6[%add3A, %dma_wait3A_580, %dma_wait3A_583] : memref<32x8x12544xf32, #tpu.memory_space<hbm>> -> memref<1x1x12544xf32, #tpu.memory_space<hbm>>
    %dma_wait3A_585 = tpu.memref_squeeze %dma_wait3A_584 : memref<1x1x12544xf32, #tpu.memory_space<hbm>> -> memref<12544xf32, #tpu.memory_space<hbm>>
    %dma_wait3A_586 = arith.constant 0 : i32
    %dma_wait3A_587 = tpu.memref_slice %arg6[%add3A, %dma_wait3A_580, %dma_wait3A_586] : memref<32x8x12544xf32, #tpu.memory_space<hbm>> -> memref<1x1x12544xf32, #tpu.memory_space<hbm>>
    %dma_wait3A_588 = tpu.memref_squeeze %dma_wait3A_587 : memref<1x1x12544xf32, #tpu.memory_space<hbm>> -> memref<12544xf32, #tpu.memory_space<hbm>>
    %dma_wait3A_589 = arith.constant 87808 : i32
    %dma_wait3A_590 = tpu.memref_slice %arg7[%dma_wait3A_589] : memref<100352xf32, #tpu.memory_space<vmem>> -> memref<12544xf32, #tpu.memory_space<vmem>>
    tpu.wait_dma2 semaphore(%arg16 : memref<!tpu.dma_semaphore, #tpu.memory_space<semaphore_mem>>) src(%dma_wait3A_590 : memref<12544xf32, #tpu.memory_space<vmem>>) dst(%dma_wait3A_588 : memref<12544xf32, #tpu.memory_space<hbm>>)
    return
  }
}

module attributes {stable_mosaic.version = 14 : i64} {
  func.func @_post_body(%arg0: memref<32x8x12544xf32, #tpu.memory_space<vmem>>, %arg1: memref<1x1xf32, #tpu.memory_space<smem>>) attributes {dimension_semantics = [], scalar_prefetch = 0 : i64, scratch_operands = 0 : i64, tpu.core_type = #tpu.core_type<tc>} {
    %get3A = arith.constant 0 : index
    %get3A_0 = arith.constant 0 : index
    %get3A_1 = arith.constant 0 : index
    %get3A_2 = vector.load %arg0[%get3A, %get3A_0, %get3A_1] : memref<32x8x12544xf32, #tpu.memory_space<vmem>>, vector<32x8x12544xf32>
    %reduce_sum3A = arith.constant dense<0.000000e+00> : vector<8x12544xf32>
    %reduce_sum3A_3 = vector.multi_reduction <add>, %get3A_2, %reduce_sum3A [0] : vector<32x8x12544xf32> to vector<8x12544xf32>
    %mul3A = arith.constant 0.864664852 : f32
    %mul3A_4 = vector.broadcast %mul3A : f32 to vector<8x12544xf32>
    %mul3A_5 = arith.mulf %reduce_sum3A_3, %mul3A_4 : vector<8x12544xf32>
    %iota3A = tpu.iota {dimensions = array<i32: 1>} : vector<8x12544xi32>
    %iota3A_6 = tpu.iota {dimensions = array<i32: 0>} : vector<8x12544xi32>
    %roll3A = arith.constant 1 : i32
    %roll3A_7 = tpu.dynamic_rotate %mul3A_5 by %roll3A dim 1 : vector<8x12544xf32>, i32 -> vector<8x12544xf32>
    %ge3A = arith.constant 1 : i32
    %ge3A_8 = vector.broadcast %ge3A : i32 to vector<8x12544xi32>
    %ge3A_9 = arith.cmpi sge, %iota3A, %ge3A_8 : vector<8x12544xi32>
    %jit3A = arith.constant 0.000000e+00 : f32
    %broadcast_in_dim3A = vector.broadcast %jit3A : f32 to vector<8x12544xf32>
    %select_n3A = arith.select %ge3A_9, %roll3A_7, %broadcast_in_dim3A : vector<8x12544xi1>, vector<8x12544xf32>
    %add3A = arith.addf %mul3A_5, %select_n3A : vector<8x12544xf32>
    %roll3A_10 = arith.constant 2 : i32
    %roll3A_11 = tpu.dynamic_rotate %add3A by %roll3A_10 dim 1 : vector<8x12544xf32>, i32 -> vector<8x12544xf32>
    %ge3A_12 = arith.constant 2 : i32
    %ge3A_13 = vector.broadcast %ge3A_12 : i32 to vector<8x12544xi32>
    %ge3A_14 = arith.cmpi sge, %iota3A, %ge3A_13 : vector<8x12544xi32>
    %jit3A_15 = arith.constant 0.000000e+00 : f32
    %broadcast_in_dim3A_16 = vector.broadcast %jit3A_15 : f32 to vector<8x12544xf32>
    %select_n3A_17 = arith.select %ge3A_14, %roll3A_11, %broadcast_in_dim3A_16 : vector<8x12544xi1>, vector<8x12544xf32>
    %add3A_18 = arith.addf %add3A, %select_n3A_17 : vector<8x12544xf32>
    %roll3A_19 = arith.constant 4 : i32
    %roll3A_20 = tpu.dynamic_rotate %add3A_18 by %roll3A_19 dim 1 : vector<8x12544xf32>, i32 -> vector<8x12544xf32>
    %ge3A_21 = arith.constant 4 : i32
    %ge3A_22 = vector.broadcast %ge3A_21 : i32 to vector<8x12544xi32>
    %ge3A_23 = arith.cmpi sge, %iota3A, %ge3A_22 : vector<8x12544xi32>
    %jit3A_24 = arith.constant 0.000000e+00 : f32
    %broadcast_in_dim3A_25 = vector.broadcast %jit3A_24 : f32 to vector<8x12544xf32>
    %select_n3A_26 = arith.select %ge3A_23, %roll3A_20, %broadcast_in_dim3A_25 : vector<8x12544xi1>, vector<8x12544xf32>
    %add3A_27 = arith.addf %add3A_18, %select_n3A_26 : vector<8x12544xf32>
    %roll3A_28 = arith.constant 8 : i32
    %roll3A_29 = tpu.dynamic_rotate %add3A_27 by %roll3A_28 dim 1 : vector<8x12544xf32>, i32 -> vector<8x12544xf32>
    %ge3A_30 = arith.constant 8 : i32
    %ge3A_31 = vector.broadcast %ge3A_30 : i32 to vector<8x12544xi32>
    %ge3A_32 = arith.cmpi sge, %iota3A, %ge3A_31 : vector<8x12544xi32>
    %jit3A_33 = arith.constant 0.000000e+00 : f32
    %broadcast_in_dim3A_34 = vector.broadcast %jit3A_33 : f32 to vector<8x12544xf32>
    %select_n3A_35 = arith.select %ge3A_32, %roll3A_29, %broadcast_in_dim3A_34 : vector<8x12544xi1>, vector<8x12544xf32>
    %add3A_36 = arith.addf %add3A_27, %select_n3A_35 : vector<8x12544xf32>
    %roll3A_37 = arith.constant 16 : i32
    %roll3A_38 = tpu.dynamic_rotate %add3A_36 by %roll3A_37 dim 1 : vector<8x12544xf32>, i32 -> vector<8x12544xf32>
    %ge3A_39 = arith.constant 16 : i32
    %ge3A_40 = vector.broadcast %ge3A_39 : i32 to vector<8x12544xi32>
    %ge3A_41 = arith.cmpi sge, %iota3A, %ge3A_40 : vector<8x12544xi32>
    %jit3A_42 = arith.constant 0.000000e+00 : f32
    %broadcast_in_dim3A_43 = vector.broadcast %jit3A_42 : f32 to vector<8x12544xf32>
    %select_n3A_44 = arith.select %ge3A_41, %roll3A_38, %broadcast_in_dim3A_43 : vector<8x12544xi1>, vector<8x12544xf32>
    %add3A_45 = arith.addf %add3A_36, %select_n3A_44 : vector<8x12544xf32>
    %roll3A_46 = arith.constant 32 : i32
    %roll3A_47 = tpu.dynamic_rotate %add3A_45 by %roll3A_46 dim 1 : vector<8x12544xf32>, i32 -> vector<8x12544xf32>
    %ge3A_48 = arith.constant 32 : i32
    %ge3A_49 = vector.broadcast %ge3A_48 : i32 to vector<8x12544xi32>
    %ge3A_50 = arith.cmpi sge, %iota3A, %ge3A_49 : vector<8x12544xi32>
    %jit3A_51 = arith.constant 0.000000e+00 : f32
    %broadcast_in_dim3A_52 = vector.broadcast %jit3A_51 : f32 to vector<8x12544xf32>
    %select_n3A_53 = arith.select %ge3A_50, %roll3A_47, %broadcast_in_dim3A_52 : vector<8x12544xi1>, vector<8x12544xf32>
    %add3A_54 = arith.addf %add3A_45, %select_n3A_53 : vector<8x12544xf32>
    %roll3A_55 = arith.constant 64 : i32
    %roll3A_56 = tpu.dynamic_rotate %add3A_54 by %roll3A_55 dim 1 : vector<8x12544xf32>, i32 -> vector<8x12544xf32>
    %ge3A_57 = arith.constant 64 : i32
    %ge3A_58 = vector.broadcast %ge3A_57 : i32 to vector<8x12544xi32>
    %ge3A_59 = arith.cmpi sge, %iota3A, %ge3A_58 : vector<8x12544xi32>
    %jit3A_60 = arith.constant 0.000000e+00 : f32
    %broadcast_in_dim3A_61 = vector.broadcast %jit3A_60 : f32 to vector<8x12544xf32>
    %select_n3A_62 = arith.select %ge3A_59, %roll3A_56, %broadcast_in_dim3A_61 : vector<8x12544xi1>, vector<8x12544xf32>
    %add3A_63 = arith.addf %add3A_54, %select_n3A_62 : vector<8x12544xf32>
    %roll3A_64 = arith.constant 128 : i32
    %roll3A_65 = tpu.dynamic_rotate %add3A_63 by %roll3A_64 dim 1 : vector<8x12544xf32>, i32 -> vector<8x12544xf32>
    %ge3A_66 = arith.constant 128 : i32
    %ge3A_67 = vector.broadcast %ge3A_66 : i32 to vector<8x12544xi32>
    %ge3A_68 = arith.cmpi sge, %iota3A, %ge3A_67 : vector<8x12544xi32>
    %jit3A_69 = arith.constant 0.000000e+00 : f32
    %broadcast_in_dim3A_70 = vector.broadcast %jit3A_69 : f32 to vector<8x12544xf32>
    %select_n3A_71 = arith.select %ge3A_68, %roll3A_65, %broadcast_in_dim3A_70 : vector<8x12544xi1>, vector<8x12544xf32>
    %add3A_72 = arith.addf %add3A_63, %select_n3A_71 : vector<8x12544xf32>
    %roll3A_73 = arith.constant 256 : i32
    %roll3A_74 = tpu.dynamic_rotate %add3A_72 by %roll3A_73 dim 1 : vector<8x12544xf32>, i32 -> vector<8x12544xf32>
    %ge3A_75 = arith.constant 256 : i32
    %ge3A_76 = vector.broadcast %ge3A_75 : i32 to vector<8x12544xi32>
    %ge3A_77 = arith.cmpi sge, %iota3A, %ge3A_76 : vector<8x12544xi32>
    %jit3A_78 = arith.constant 0.000000e+00 : f32
    %broadcast_in_dim3A_79 = vector.broadcast %jit3A_78 : f32 to vector<8x12544xf32>
    %select_n3A_80 = arith.select %ge3A_77, %roll3A_74, %broadcast_in_dim3A_79 : vector<8x12544xi1>, vector<8x12544xf32>
    %add3A_81 = arith.addf %add3A_72, %select_n3A_80 : vector<8x12544xf32>
    %roll3A_82 = arith.constant 512 : i32
    %roll3A_83 = tpu.dynamic_rotate %add3A_81 by %roll3A_82 dim 1 : vector<8x12544xf32>, i32 -> vector<8x12544xf32>
    %ge3A_84 = arith.constant 512 : i32
    %ge3A_85 = vector.broadcast %ge3A_84 : i32 to vector<8x12544xi32>
    %ge3A_86 = arith.cmpi sge, %iota3A, %ge3A_85 : vector<8x12544xi32>
    %jit3A_87 = arith.constant 0.000000e+00 : f32
    %broadcast_in_dim3A_88 = vector.broadcast %jit3A_87 : f32 to vector<8x12544xf32>
    %select_n3A_89 = arith.select %ge3A_86, %roll3A_83, %broadcast_in_dim3A_88 : vector<8x12544xi1>, vector<8x12544xf32>
    %add3A_90 = arith.addf %add3A_81, %select_n3A_89 : vector<8x12544xf32>
    %roll3A_91 = arith.constant 1024 : i32
    %roll3A_92 = tpu.dynamic_rotate %add3A_90 by %roll3A_91 dim 1 : vector<8x12544xf32>, i32 -> vector<8x12544xf32>
    %ge3A_93 = arith.constant 1024 : i32
    %ge3A_94 = vector.broadcast %ge3A_93 : i32 to vector<8x12544xi32>
    %ge3A_95 = arith.cmpi sge, %iota3A, %ge3A_94 : vector<8x12544xi32>
    %jit3A_96 = arith.constant 0.000000e+00 : f32
    %broadcast_in_dim3A_97 = vector.broadcast %jit3A_96 : f32 to vector<8x12544xf32>
    %select_n3A_98 = arith.select %ge3A_95, %roll3A_92, %broadcast_in_dim3A_97 : vector<8x12544xi1>, vector<8x12544xf32>
    %add3A_99 = arith.addf %add3A_90, %select_n3A_98 : vector<8x12544xf32>
    %roll3A_100 = arith.constant 2048 : i32
    %roll3A_101 = tpu.dynamic_rotate %add3A_99 by %roll3A_100 dim 1 : vector<8x12544xf32>, i32 -> vector<8x12544xf32>
    %ge3A_102 = arith.constant 2048 : i32
    %ge3A_103 = vector.broadcast %ge3A_102 : i32 to vector<8x12544xi32>
    %ge3A_104 = arith.cmpi sge, %iota3A, %ge3A_103 : vector<8x12544xi32>
    %jit3A_105 = arith.constant 0.000000e+00 : f32
    %broadcast_in_dim3A_106 = vector.broadcast %jit3A_105 : f32 to vector<8x12544xf32>
    %select_n3A_107 = arith.select %ge3A_104, %roll3A_101, %broadcast_in_dim3A_106 : vector<8x12544xi1>, vector<8x12544xf32>
    %add3A_108 = arith.addf %add3A_99, %select_n3A_107 : vector<8x12544xf32>
    %roll3A_109 = arith.constant 4096 : i32
    %roll3A_110 = tpu.dynamic_rotate %add3A_108 by %roll3A_109 dim 1 : vector<8x12544xf32>, i32 -> vector<8x12544xf32>
    %ge3A_111 = arith.constant 4096 : i32
    %ge3A_112 = vector.broadcast %ge3A_111 : i32 to vector<8x12544xi32>
    %ge3A_113 = arith.cmpi sge, %iota3A, %ge3A_112 : vector<8x12544xi32>
    %jit3A_114 = arith.constant 0.000000e+00 : f32
    %broadcast_in_dim3A_115 = vector.broadcast %jit3A_114 : f32 to vector<8x12544xf32>
    %select_n3A_116 = arith.select %ge3A_113, %roll3A_110, %broadcast_in_dim3A_115 : vector<8x12544xi1>, vector<8x12544xf32>
    %add3A_117 = arith.addf %add3A_108, %select_n3A_116 : vector<8x12544xf32>
    %roll3A_118 = arith.constant 8192 : i32
    %roll3A_119 = tpu.dynamic_rotate %add3A_117 by %roll3A_118 dim 1 : vector<8x12544xf32>, i32 -> vector<8x12544xf32>
    %ge3A_120 = arith.constant 8192 : i32
    %ge3A_121 = vector.broadcast %ge3A_120 : i32 to vector<8x12544xi32>
    %ge3A_122 = arith.cmpi sge, %iota3A, %ge3A_121 : vector<8x12544xi32>
    %jit3A_123 = arith.constant 0.000000e+00 : f32
    %broadcast_in_dim3A_124 = vector.broadcast %jit3A_123 : f32 to vector<8x12544xf32>
    %select_n3A_125 = arith.select %ge3A_122, %roll3A_119, %broadcast_in_dim3A_124 : vector<8x12544xi1>, vector<8x12544xf32>
    %add3A_126 = arith.addf %add3A_117, %select_n3A_125 : vector<8x12544xf32>
    %slice3A = vector.extract_strided_slice %add3A_126 {offsets = [0, 12543], sizes = [8, 1], strides = [1, 1]} : vector<8x12544xf32> to vector<8x1xf32>
    %iota3A_127 = tpu.iota {dimensions = array<i32: 0>} : vector<8x1xi32>
    %roll3A_128 = arith.constant 1 : i32
    %roll3A_129 = tpu.dynamic_rotate %slice3A by %roll3A_128 dim 0 : vector<8x1xf32>, i32 -> vector<8x1xf32>
    %ge3A_130 = arith.constant 1 : i32
    %ge3A_131 = vector.broadcast %ge3A_130 : i32 to vector<8x1xi32>
    %ge3A_132 = arith.cmpi sge, %iota3A_127, %ge3A_131 : vector<8x1xi32>
    %jit3A_133 = arith.constant 0.000000e+00 : f32
    %broadcast_in_dim3A_134 = vector.broadcast %jit3A_133 : f32 to vector<8x1xf32>
    %select_n3A_135 = arith.select %ge3A_132, %roll3A_129, %broadcast_in_dim3A_134 : vector<8x1xi1>, vector<8x1xf32>
    %add3A_136 = arith.addf %slice3A, %select_n3A_135 : vector<8x1xf32>
    %roll3A_137 = arith.constant 2 : i32
    %roll3A_138 = tpu.dynamic_rotate %add3A_136 by %roll3A_137 dim 0 : vector<8x1xf32>, i32 -> vector<8x1xf32>
    %ge3A_139 = arith.constant 2 : i32
    %ge3A_140 = vector.broadcast %ge3A_139 : i32 to vector<8x1xi32>
    %ge3A_141 = arith.cmpi sge, %iota3A_127, %ge3A_140 : vector<8x1xi32>
    %jit3A_142 = arith.constant 0.000000e+00 : f32
    %broadcast_in_dim3A_143 = vector.broadcast %jit3A_142 : f32 to vector<8x1xf32>
    %select_n3A_144 = arith.select %ge3A_141, %roll3A_138, %broadcast_in_dim3A_143 : vector<8x1xi1>, vector<8x1xf32>
    %add3A_145 = arith.addf %add3A_136, %select_n3A_144 : vector<8x1xf32>
    %roll3A_146 = arith.constant 4 : i32
    %roll3A_147 = tpu.dynamic_rotate %add3A_145 by %roll3A_146 dim 0 : vector<8x1xf32>, i32 -> vector<8x1xf32>
    %ge3A_148 = arith.constant 4 : i32
    %ge3A_149 = vector.broadcast %ge3A_148 : i32 to vector<8x1xi32>
    %ge3A_150 = arith.cmpi sge, %iota3A_127, %ge3A_149 : vector<8x1xi32>
    %jit3A_151 = arith.constant 0.000000e+00 : f32
    %broadcast_in_dim3A_152 = vector.broadcast %jit3A_151 : f32 to vector<8x1xf32>
    %select_n3A_153 = arith.select %ge3A_150, %roll3A_147, %broadcast_in_dim3A_152 : vector<8x1xi1>, vector<8x1xf32>
    %add3A_154 = arith.addf %add3A_145, %select_n3A_153 : vector<8x1xf32>
    %sub3A = arith.subf %add3A_154, %slice3A : vector<8x1xf32>
    %add3A_155 = vector.broadcast %sub3A : vector<8x1xf32> to vector<8x12544xf32>
    %add3A_156 = arith.addf %add3A_126, %add3A_155 : vector<8x12544xf32>
    %mul3A_157 = arith.constant 12544 : i32
    %mul3A_158 = vector.broadcast %mul3A_157 : i32 to vector<8x12544xi32>
    %mul3A_159 = arith.muli %mul3A_158, %iota3A_6 : vector<8x12544xi32>
    %add3A_160 = arith.addi %iota3A, %mul3A_159 : vector<8x12544xi32>
    %lt3A = arith.constant 100000 : i32
    %lt3A_161 = vector.broadcast %lt3A : i32 to vector<8x12544xi32>
    %lt3A_162 = arith.cmpi slt, %add3A_160, %lt3A_161 : vector<8x12544xi32>
    %jit3A_163 = arith.constant 0x7F800000 : f32
    %broadcast_in_dim3A_164 = vector.broadcast %jit3A_163 : f32 to vector<8x12544xf32>
    %select_n3A_165 = arith.select %lt3A_162, %add3A_156, %broadcast_in_dim3A_164 : vector<8x12544xi1>, vector<8x12544xf32>
    %reduce_min3A = vector.shape_cast %select_n3A_165 : vector<8x12544xf32> to vector<1x8x12544xf32>
    %reduce_min3A_166 = arith.constant dense<0x7F800000> : vector<1xf32>
    %reduce_min3A_167 = vector.multi_reduction <minimumf>, %reduce_min3A, %reduce_min3A_166 [1, 2] : vector<1x8x12544xf32> to vector<1xf32>
    %reduce_min3A_168 = vector.shape_cast %reduce_min3A_167 : vector<1xf32> to vector<1x1x1xf32>
    %reduce_min3A_169 = vector.extract %reduce_min3A_168[0, 0, 0] : f32 from vector<1x1x1xf32>
    %min3A = arith.constant 0.000000e+00 : f32
    %min3A_170 = arith.minimumf %reduce_min3A_169, %min3A : f32
    %eq3A = vector.broadcast %min3A_170 : f32 to vector<8x12544xf32>
    %eq3A_171 = arith.cmpf oeq, %add3A_156, %eq3A : vector<8x12544xf32>
    %and3A = arith.andi %lt3A_162, %eq3A_171 : vector<8x12544xi1>
    %convert_element_type3A = arith.extui %and3A : vector<8x12544xi1> to vector<8x12544xi32>
    %convert_element_type3A_172 = arith.sitofp %convert_element_type3A : vector<8x12544xi32> to vector<8x12544xf32>
    %reduce_sum3A_173 = vector.shape_cast %convert_element_type3A_172 : vector<8x12544xf32> to vector<1x8x12544xf32>
    %reduce_sum3A_174 = arith.constant dense<0.000000e+00> : vector<1xf32>
    %reduce_sum3A_175 = vector.multi_reduction <add>, %reduce_sum3A_173, %reduce_sum3A_174 [1, 2] : vector<1x8x12544xf32> to vector<1xf32>
    %reduce_sum3A_176 = vector.shape_cast %reduce_sum3A_175 : vector<1xf32> to vector<1x1x1xf32>
    %reduce_sum3A_177 = vector.extract %reduce_sum3A_176[0, 0, 0] : f32 from vector<1x1x1xf32>
    %eq3A_178 = arith.constant 0.000000e+00 : f32
    %eq3A_179 = arith.cmpf oeq, %min3A_170, %eq3A_178 : f32
    %jit3A_180 = arith.constant 1.000000e+00 : f32
    %jit3A_181 = arith.constant 0.000000e+00 : f32
    %select_n3A_182 = arith.select %eq3A_179, %jit3A_180, %jit3A_181 : f32
    %add3A_183 = arith.addf %reduce_sum3A_177, %select_n3A_182 : f32
    %add3A_184 = arith.constant 1 : i32
    %add3A_185 = vector.broadcast %add3A_184 : i32 to vector<8x12544xi32>
    %add3A_186 = arith.addi %add3A_160, %add3A_185 : vector<8x12544xi32>
    %convert_element_type3A_187 = arith.sitofp %add3A_186 : vector<8x12544xi32> to vector<8x12544xf32>
    %jit3A_188 = arith.constant 0.000000e+00 : f32
    %broadcast_in_dim3A_189 = vector.broadcast %jit3A_188 : f32 to vector<8x12544xf32>
    %select_n3A_190 = arith.select %and3A, %convert_element_type3A_187, %broadcast_in_dim3A_189 : vector<8x12544xi1>, vector<8x12544xf32>
    %reduce_sum3A_191 = vector.shape_cast %select_n3A_190 : vector<8x12544xf32> to vector<1x8x12544xf32>
    %reduce_sum3A_192 = arith.constant dense<0.000000e+00> : vector<1xf32>
    %reduce_sum3A_193 = vector.multi_reduction <add>, %reduce_sum3A_191, %reduce_sum3A_192 [1, 2] : vector<1x8x12544xf32> to vector<1xf32>
    %reduce_sum3A_194 = vector.shape_cast %reduce_sum3A_193 : vector<1xf32> to vector<1x1x1xf32>
    %reduce_sum3A_195 = vector.extract %reduce_sum3A_194[0, 0, 0] : f32 from vector<1x1x1xf32>
    %div3A = arith.divf %reduce_sum3A_195, %add3A_183 : f32
    %div3A_196 = arith.constant 1.000000e+05 : f32
    %div3A_197 = arith.divf %div3A, %div3A_196 : f32
    %swap3A = arith.constant 0 : index
    %swap3A_198 = arith.constant 0 : index
    %swap3A_199 = memref.load %arg1[%swap3A, %swap3A_198] : memref<1x1xf32, #tpu.memory_space<smem>>
    memref.store %div3A_197, %arg1[%swap3A, %swap3A_198] : memref<1x1xf32, #tpu.memory_space<smem>>
    return
  }
}

</mosaic_0001>

<sc_bundles>
// kernel: kernel.4.cloned.1.call-start
scs
__scs_entry_jumppad:
0x0: {  	(pc) =	sbr.rel $0x88, $3  }
0x1: {  	(tag) =	ssettag $0x0;
	lr =	simm.s32 $0x1  }
0x2: {  	[smem:$0x3F9D] =	sst lr;
	_ =	strace $0xD0000000  }
0x3: {  	_ = 	snop  }
0x4: {  	_ = 	snop  }
0x5: {  	_ = 	snop  }
0x6: {  	_ = 	snop  }
0x7: {  	_ = 	snop  }
__scs_overlays_trampoline_lowered:
0x8: {  	[smem:$0x3FAC] =	sst s0  }
0x9: {  	[smem:$0x3FAD] =	sst s1  }
0xa: {  	[smem:$0x3FAE] =	sst s2  }
0xb: {  	[smem:$0x3FAF] =	sst s3  }
0xc: {  	[smem:$0x3FB0] =	sst s4  }
0xd: {  	[smem:$0x3FB1] =	sst s5  }
0xe: {  	[smem:$0x3FB2] =	sst s6  }
0xf: {  	[smem:$0x3FB3] =	sst s7  }
0x10: {  	[smem:$0x3FB4] =	sst s8  }
0x11: {  	[smem:$0x3FB5] =	sst s9;
	s0 =	simm.s32 @!p0 $0x0  }
0x12: {  	s1 =	sld [smem:$0x3F9B];
	s0 =	simm.s32 @p0 $0x1  }
0x13: {  	[smem:$0x3FB6] =	sst s0;
	s0 =	simm.s32 @!p1 $0x0  }
0x14: {  	s2 =	sld [smem:$0x3F9A];
	s0 =	simm.s32 @p1 $0x1  }
0x15: {  	[smem:$0x3FB7] =	sst s0;
	s0 =	simm.s32 @!p2 $0x0  }
0x16: {  	s3 =	sld [smem:$0x3FDB];
	s0 =	simm.s32 @p2 $0x1  }
0x17: {  	s4 =	simm.s32 $0x1BF5;
	[smem:$0x3FB9] =	sst s0  }
0x18: {  	s0 =	sld [smem:$0x3F9C];
	_ =	swait.ge [sflag:s4], $0x0  }
0x19: {  	s7 =	sld [smem:$0x3F9D]  }
0x1a: {  	s8 =	sadd.s32 $0xFFFFE003, lr  }
0x1b: {  	s9 =	sadd.s32 $0xFFFFFEF7, lr;
	s5 =	simm.s32 $0xFFFFFFFF;
	p2 =	slt.u32 s8, $0xFFFFF086  }
0x1c: {  	p1 =	slt.u32 s9, $0xF7A;
	s5 =	simm.s32 @!p2 $0x0  }
0x1d: {  	s5 =	simm.s32 @p1 $0x1;
	p0 =	seq.s32 s7, s2  }
0x1e: {  	s7 =	smul.u32 @!p0 $0xF7A, s2;
	p2 =	seq.s32 @!p0 s5, $0x0  }
0x1f: {  	s9 =	smul.u32 $0xF7A, s1;
	s8 =	simm.s32 @!p0 $0x1BF5;
	p2 =	por !p2, p0  }
0x20: {  	[sflag:s8] =	ssyncset.s32 @!p0 $0xFFFFF086;
	s6 =	sadd.s32 @!p0 s3, s7;
	s7 =	simm.s32 @!p0 $0x108  }
0x21: {  	s3 =	sadd.s32 s3, s9;
	s6 =	sadd.s32 @!p0 $0x88, s6;
	s7 =	simm.s32 @p2 $0x1082  }
0x22: {  	[simem:s7], [sflag:s8] =	dma.local @!p0 [hbm:s6], $0xF7A  }
0x23: {  	s9 =	sor.u32 $0xD0000000, s2;
	s6 =	simm.s32 $0x108;
	_ =	swait.ge @!p0 [sflag:s8], $0x0  }
0x24: {  	s3 =	sadd.s32 $0x88, s3;
	s6 =	simm.s32 @!p1 $0x1082;
	[sflag:s4] =	ssyncset.s32 $0xFFFFF086  }
0x25: {  	[simem:s6], [sflag:s4] =	dma.local [hbm:s3], $0xF7A  }
0x26: {  	[smem:$0x3F9D] =	sst s1;
	(tag) =	ssettag s2;
	_ =	strace s9  }
0x27: {  	s1 =	sld [smem:$0x3FAD]  }
0x28: {  	s2 =	sld [smem:$0x3FAE]  }
0x29: {  	s4 =	sld [smem:$0x3FB0]  }
0x2a: {  	p0 =	seq.s32 s5, $0x0;
	s5 =	sld [smem:$0x3FB1]  }
0x2b: {  	s6 =	sld [smem:$0x3FB2]  }
0x2c: {  	s7 =	sld [smem:$0x3FB3]  }
0x2d: {  	s3 =	simm.s32 $0x108;
	s8 =	sld [smem:$0x3FB4]  }
0x2e: {  	s3 =	simm.s32 @!p0 $0x1082;
	s9 =	sld [smem:$0x3FB5]  }
0x2f: {  	lr =	sadd.s32 s0, s3;
	s0 =	sld [smem:$0x3FAC]  }
0x30: {  	s3 =	sld [smem:$0x3FAF]  }
0x31: {  	[smem:$0x3FB8] =	sst s10  }
0x32: {  	s10 =	sld [smem:$0x3FB6];
	_ =	sdelay $0x3  }
0x33: {  	p0 =	seq.s32 s10, $0x1;
	s10 =	sld [smem:$0x3FB8];
	_ =	sdelay $0x3  }
0x34: {  	[smem:$0x3FB8] =	sst s10  }
0x35: {  	s10 =	sld [smem:$0x3FB7];
	_ =	sdelay $0x3  }
0x36: {  	p1 =	seq.s32 s10, $0x1;
	s10 =	sld [smem:$0x3FB8];
	_ =	sdelay $0x3  }
0x37: {  	[smem:$0x3FB8] =	sst s10  }
0x38: {  	s10 =	sld [smem:$0x3FB9]  }
0x39: {  	_ = 	snop;
	(pc) =	sbr.ind lr, $3  }
0x3a: {  	_ = 	snop  }
0x3b: {  	_ = 	snop  }
0x3c: {  	p2 =	seq.s32 s10, $0x1;
	s10 =	sld [smem:$0x3FB8]  }
0x3d: {  	_ =	shalt  }
0x3e: {  	_ =	shalt  }
0x3f: {  	_ =	shalt  }
0x40: {  	_ =	shalt  }
0x41: {  	_ =	shalt  }
0x42: {  	_ =	shalt  }
0x43: {  	_ =	shalt  }
0x44: {  	_ =	shalt  }
0x45: {  	_ =	shalt  }
0x46: {  	_ =	shalt  }
0x47: {  	_ =	shalt  }
0x48: {  	_ =	shalt  }
0x49: {  	_ =	shalt  }
0x4a: {  	_ =	shalt  }
0x4b: {  	_ =	shalt  }
0x4c: {  	_ =	shalt  }
0x4d: {  	_ =	shalt  }
0x4e: {  	_ =	shalt  }
0x4f: {  	_ =	shalt  }
0x50: {  	_ =	shalt  }
0x51: {  	_ =	shalt  }
0x52: {  	_ =	shalt  }
0x53: {  	_ =	shalt  }
0x54: {  	_ =	shalt  }
0x55: {  	_ =	shalt  }
0x56: {  	_ =	shalt  }
0x57: {  	_ =	shalt  }
0x58: {  	_ =	shalt  }
0x59: {  	_ =	shalt  }
0x5a: {  	_ =	shalt  }
0x5b: {  	_ =	shalt  }
0x5c: {  	_ =	shalt  }
0x5d: {  	_ =	shalt  }
0x5e: {  	_ =	shalt  }
0x5f: {  	_ =	shalt  }
0x60: {  	_ =	shalt  }
0x61: {  	_ =	shalt  }
0x62: {  	_ =	shalt  }
0x63: {  	_ =	shalt  }
0x64: {  	_ =	shalt  }
0x65: {  	_ =	shalt  }
0x66: {  	_ =	shalt  }
0x67: {  	_ =	shalt  }
0x68: {  	_ =	shalt  }
0x69: {  	_ =	shalt  }
0x6a: {  	_ =	shalt  }
0x6b: {  	_ =	shalt  }
0x6c: {  	_ =	shalt  }
0x6d: {  	_ =	shalt  }
0x6e: {  	_ =	shalt  }
0x6f: {  	_ =	shalt  }
0x70: {  	_ =	shalt  }
0x71: {  	_ =	shalt  }
0x72: {  	_ =	shalt  }
0x73: {  	_ =	shalt  }
0x74: {  	_ =	shalt  }
0x75: {  	_ =	shalt  }
0x76: {  	_ =	shalt  }
0x77: {  	_ =	shalt  }
0x78: {  	_ =	shalt  }
0x79: {  	_ =	shalt  }
0x7a: {  	_ =	shalt  }
0x7b: {  	_ =	shalt  }
0x7c: {  	_ =	shalt  }
0x7d: {  	_ =	shalt  }
0x7e: {  	_ =	shalt  }
0x7f: {  	_ =	shalt  }
0x80: {  	_ =	shalt  }
0x81: {  	_ =	shalt  }
0x82: {  	_ =	shalt  }
0x83: {  	_ =	shalt  }
0x84: {  	_ =	shalt  }
0x85: {  	_ =	shalt  }
0x86: {  	_ =	shalt  }
0x87: {  	_ =	shalt  }
.Lfunc_end0:
.L_simem_size_0:
called_computation_lowered:
.L_overlay_start_0:
0x88: {  	s2 =	sld [smem:$0x3FD9]  }
0x89: {  	s3 =	sld [smem:$0x3FFE];
	_ =	sdelay $0x1  }
0x8a: {  	s1 =	srdreg.scid  }
0x8b: {  	s0 =	sand.u32 $0x1, s1  }
0x8c: {  	s17 =	sshll.u32 s0, $0xA;
	s2 =	sadd.s32 s3, s2  }
0x8d: {  	s2 =	sadd.s32 s2, s17  }
0x8e: {  	[smem:$0x3FC4] =	sst s2  }
0x8f: {  	_ = 	snop  }
0x90: {  	s2 =	sld [smem:$0x3FC9]  }
0x91: {  	s18 =	sld [smem:$0x3FC8]  }
0x92: {  	s4 =	sld [smem:$0x3FC6];
	(tm) =	ssettm $0x1  }
0x93: {  	s5 =	sld [smem:$0x3FFB];
	_ =	sdelay $0x3  }
0x94: {  	_ =	strace s5  }
0x95: {  	s5 =	sld [smem:$0x3FFC];
	_ =	sdelay $0x3  }
0x96: {  	_ =	strace s5  }
0x97: {  	s5 =	sld [smem:$0x3FFD];
	_ =	sdelay $0x3  }
0x98: {  	_ =	strace s5  }
0x99: {  	_ =	strace $0x8FFFFFFF  }
0x9a: {  	s19 =	sld [smem:$0x3FDB];
	_ =	sdelay $0x1  }
0x9b: {  	s6 =	simm.s32 $_scs_section_size  }
0x9c: {  	s7 =	simm.s32 $_size__tile_overlayer_lowered;
	s8 =	simm.s32 $_tile_overlayer_lowered  }
0x9d: {  	s22 =	simm.s32 $0x1BFF;
	s21 =	sshll.u32 s8, $0x1;
	s5 =	sadd.s32 s6, s19  }
0x9e: {  	s9 =	simm.s32 $0x0;
	s20 =	sshll.u32 s7, $0x1;
	s7 =	sadd.s32 s21, s5  }
0x9f: {  	[timem:s9], [sflag:s22] =	dma.local [hbm:s7], s20  }
0xa0: {  	_ =	swait.ge [sflag:s22], s20  }
0xa1: {  	s6 =	ssub.s32 $0x0, s20;
	[sflag:s22] =	ssyncset.done $0x0  }
0xa2: {  	[sflag:s22] =	ssyncadd.s32 s6;
	_ =	sdelay $0x1  }
0xa3: {  	s23 =	simm.s32 $0x1B8B  }
0xa4: {  	_ =	swait.ge [sflag:s23], $0x1  }
0xa5: {  	[sflag:s23] =	ssyncset.done $0x0  }
0xa6: {  	s25 =	simm.s32 $0x1B8E;
	s24 =	sld [smem:$0x3FFE];
	[sflag:s23] =	ssyncadd.s32 $0xFFFFFFFF  }
0xa7: {  	s26 =	simm.s32 $execute0_lowered;
	[smem:$0x3FD2] =	sst s25  }
0xa8: {  	s7 =	sshll.u32 s26, $0x1;
	_ =	strace $0x80000046;
	[dreg:$0x1] =	wrdreg $0xFFFFFFFF  }
0xa9: {  	s28 =	simm.s32 $_size_execute0_lowered;
	s5 =	sadd.s32 s5, s7;
	[dreg:$0x0] =	wrdreg $0x0  }
0xaa: {  	s7 =	sshll.u32 s28, $0x1;
	[dreg:$0x2] =	wrdreg s5  }
0xab: {  	[dreg:$0x3] =	wrdreg s7  }
0xac: {  	[dreg:$0x4] =	wrdreg $0xC0  }
0xad: {  	_ =	task [dreg:s9], $0x5FFFF  }
0xae: {  	[dreg:$0x1] =	wrdreg $0xFFFFFFFF  }
0xaf: {  	[dreg:$0x0] =	wrdreg $0x60  }
0xb0: {  	[dreg:$0x2] =	wrdreg s2  }
0xb1: {  	[dreg:$0x3] =	wrdreg s18  }
0xb2: {  	[dreg:$0x4] =	wrdreg s24  }
0xb3: {  	[dreg:$0x5] =	wrdreg s4  }
0xb4: {  	[dreg:$0x6] =	wrdreg $0x9  }
0xb5: {  	_ =	task.clear_ibuf [dreg:s9], $0x7FFFF;
	_ =	strace $0x90000046  }
0xb6: {  	s29 =	simm.s32 $0x9;
	_ =	strace $0x80000048  }
0xb7: {  	_ =	swait.ge [sflag:s29], $0x1  }
0xb8: {  	[sflag:s29] =	ssyncadd.s32 $0xFFFFFFFF  }
0xb9: {  	_ =	strace $0x90000048  }
0xba: {  	_ =	sfence  }
0xbb: {  	s30 =	sld [smem:$0x0];
	_ =	sdelay $0x2  }
0xbc: {  	s31 =	sshll.u32 s1, $0xD;
	s1 =	sshrl.u32 s1, $0x2  }
0xbd: {  	s3 =	sand.u32 $0x4000, s31;
	s1 =	sadd.s32 s1, s30  }
0xbe: {  	s0 =	sor.u32 s3, s0;
	s1 =	sshll.u32 s1, $0x11  }
0xbf: {  	s0 =	sor.u32 s1, s0  }
0xc0: {  	s0 =	sadd.s32 $0x8F2B, s0  }
0xc1: {  	[sflag:s0] =	ssyncadd.remote.s32 $0x1  }
0xc2: {  	_ =	sfence.sel $0xFFFF  }
0xc3: {  	[dreg:$0x0] =	wrdreg $0xFFFFFFFF;
	(pc) =	sbr.abs _section_cstart, $3  }
0xc4: {  	[dreg:$0x1] =	wrdreg $0xFFFFFFFF  }
0xc5: {  	_ =	task.clear_ibuf [dreg:s9], $0x2FFFF;
	_ =	strace $0x9FFFFFFF  }
0xc6: {  	(tm) =	ssettm $0x7FFFFFFF  }
0xc7: {  	_ =	shalt  }
tec
execute0_lowered:
.L_overlay_start_1:
0x0: {  	(tag) =	ssettag $0x1  }
0x1: {  	s2 =	srdreg.scid  }
0x2: {  	s5 =	sand.u32 $0x1, s2  }
0x3: {  	s7 =	stileid.u32;
	s6 =	sshll.u32 s5, $0x4  }
0x4: {  	s0 =	rddreg [dreg:$0x0];
	s8 =	sor.u32 s7, s6  }
0x5: {  	s1 =	rddreg [dreg:$0x1];
	s6 =	smul.u32 $0xF420, s8  }
0x6: {  	s3 =	rddreg [dreg:$0x2]  }
0x7: {  	s4 =	rddreg [dreg:$0x3];
	s2 =	simm.s32 $0x0;
	s7 =	sshrl.u32 s6, $0x3  }
0x8: {  	s11 =	sadd.s32 $0x600, s3;
	[smem:$0x7FF] =	sst s2;
	s18 =	sadd.s32 $0x1C0, s7  }
0x9: {  	s10 =	ssub.s32 $0x2, s5;
	s9 =	smul.u32 $0x3100, s8;
	s19 =	sadd.s32 s0, s18  }
0xa: {  	_ =	strace $0x80000047;
	s20 =	sadd.s32 s1, s18;
	[dreg:$0x5] =	wrdreg s19  }
0xb: {  	s5 =	sadd.s32 s9, s3;
	s21 =	sadd.s32 s11, s18;
	[dreg:$0x6] =	wrdreg s20  }
0xc: {  	s22 =	sadd.s32 $0x380, s7;
	s9 =	sadd.s32 s4, s18;
	[dreg:$0x7] =	wrdreg s21  }
0xd: {  	s23 =	sadd.s32 s0, s22;
	[dreg:$0x8] =	wrdreg s9  }
0xe: {  	s24 =	sadd.s32 s1, s22;
	[dreg:$0x9] =	wrdreg s23  }
0xf: {  	s25 =	sadd.s32 $0x540, s7;
	s12 =	sadd.s32 s11, s22;
	[dreg:$0xa] =	wrdreg s24  }
0x10: {  	s17 =	sshrl.u32 s10, $0x1;
	s26 =	sadd.s32 s0, s25;
	[dreg:$0xb] =	wrdreg s12  }
0x11: {  	s6 =	ssub.s32 s10, s17;
	s13 =	sadd.s32 s11, s25;
	[dreg:$0xd] =	wrdreg s26  }
0x12: {  	s14 =	sadd.s32 $0x700, s7;
	s10 =	sadd.s32 s4, s25;
	[dreg:$0xf] =	wrdreg s13  }
0x13: {  	s15 =	sadd.s32 s0, s14;
	[dreg:$0x10] =	wrdreg s10  }
0x14: {  	s16 =	sadd.s32 s1, s14;
	[dreg:$0x11] =	wrdreg s15  }
0x15: {  	s17 =	sadd.s32 s11, s14;
	[dreg:$0x12] =	wrdreg s16  }
0x16: {  	s9 =	sadd.s32 s4, s22;
	[dreg:$0x13] =	wrdreg s17  }
0x17: {  	s18 =	sadd.s32 $0x8C0, s7;
	s12 =	sadd.s32 s1, s25;
	[dreg:$0xc] =	wrdreg s9  }
0x18: {  	s19 =	sadd.s32 s0, s18;
	[dreg:$0xe] =	wrdreg s12  }
0x19: {  	s20 =	sadd.s32 s1, s18;
	[dreg:$0x15] =	wrdreg s19  }
0x1a: {  	s21 =	sadd.s32 s11, s18;
	[dreg:$0x16] =	wrdreg s20  }
0x1b: {  	p0 =	sne.s32 s8, $0x1F;
	s8 =	sadd.s32 s4, s18;
	[dreg:$0x17] =	wrdreg s21  }
0x1c: {  	s22 =	sadd.s32 $0xA80, s7;
	s9 =	sadd.s32 s4, s14;
	[dreg:$0x18] =	wrdreg s8  }
0x1d: {  	s23 =	sadd.s32 s0, s22;
	[dreg:$0x14] =	wrdreg s9  }
0x1e: {  	s24 =	sadd.s32 s1, s22;
	[dreg:$0x19] =	wrdreg s23  }
0x1f: {  	s26 =	sadd.s32 s11, s22;
	[dreg:$0x1a] =	wrdreg s24  }
0x20: {  	s25 =	sadd.s32 $0xC40, s7;
	s8 =	sadd.s32 s4, s22;
	[dreg:$0x1b] =	wrdreg s26  }
0x21: {  	s12 =	sadd.s32 s0, s25;
	[dreg:$0x1c] =	wrdreg s8  }
0x22: {  	s13 =	sadd.s32 s1, s25;
	[dreg:$0x1d] =	wrdreg s12  }
0x23: {  	s15 =	sadd.s32 $0xE00, s7;
	s14 =	sadd.s32 s11, s25;
	[dreg:$0x1e] =	wrdreg s13  }
0x24: {  	s16 =	sadd.s32 s0, s15;
	[dreg:$0x1f] =	wrdreg s14  }
0x25: {  	s17 =	sadd.s32 s1, s15;
	[smem:$0x7D1] =	sst s16  }
0x26: {  	s18 =	sadd.s32 s11, s15;
	[smem:$0x7D2] =	sst s17  }
0x27: {  	s9 =	sadd.s32 s4, s25;
	[smem:$0x7D3] =	sst s18  }
0x28: {  	s19 =	sadd.s32 $0xFC0, s7;
	s8 =	sadd.s32 s4, s15;
	[smem:$0x7D0] =	sst s9  }
0x29: {  	s20 =	sadd.s32 s0, s19;
	[smem:$0x7D4] =	sst s8  }
0x2a: {  	s21 =	sadd.s32 s1, s19;
	[smem:$0x7D5] =	sst s20  }
0x2b: {  	s22 =	sadd.s32 $0x1180, s7;
	s23 =	sadd.s32 s11, s19;
	[smem:$0x7D6] =	sst s21  }
0x2c: {  	s24 =	sadd.s32 s0, s22;
	[smem:$0x7D7] =	sst s23  }
0x2d: {  	s25 =	sadd.s32 s1, s22;
	[smem:$0x7D9] =	sst s24  }
0x2e: {  	s10 =	sadd.s32 $0x1340, s7;
	s26 =	sadd.s32 s11, s22;
	[smem:$0x7DA] =	sst s25  }
0x2f: {  	s12 =	sadd.s32 s0, s10;
	[smem:$0x7DB] =	sst s26  }
0x30: {  	s13 =	sadd.s32 s1, s10;
	[smem:$0x7DD] =	sst s12  }
0x31: {  	s14 =	sadd.s32 s11, s10;
	[smem:$0x7DE] =	sst s13  }
0x32: {  	s8 =	sadd.s32 s4, s19;
	[smem:$0x7DF] =	sst s14  }
0x33: {  	s15 =	sadd.s32 $0x1500, s7;
	s9 =	sadd.s32 s4, s22;
	[smem:$0x7D8] =	sst s8  }
0x34: {  	s16 =	sadd.s32 s0, s15;
	[smem:$0x7DC] =	sst s9  }
0x35: {  	s17 =	sadd.s32 s1, s15;
	[smem:$0x7E1] =	sst s16  }
0x36: {  	s18 =	sadd.s32 $0x16C0, s7;
	s19 =	sadd.s32 s11, s15;
	[smem:$0x7E2] =	sst s17  }
0x37: {  	s20 =	sadd.s32 s0, s18;
	[smem:$0x7E3] =	sst s19  }
0x38: {  	s21 =	sadd.s32 s1, s18;
	[smem:$0x7E5] =	sst s20  }
0x39: {  	s22 =	sadd.s32 s11, s18;
	[smem:$0x7E6] =	sst s21  }
0x3a: {  	s8 =	sadd.s32 s4, s10;
	[smem:$0x7E7] =	sst s22  }
0x3b: {  	s23 =	sadd.s32 $0x1880, s7;
	s9 =	sadd.s32 s4, s18;
	[smem:$0x7E0] =	sst s8  }
0x3c: {  	s24 =	sadd.s32 s0, s23;
	[smem:$0x7E8] =	sst s9  }
0x3d: {  	s28 =	simm.s32 $0x1B200;
	s25 =	sadd.s32 s1, s23;
	[smem:$0x7E9] =	sst s24  }
0x3e: {  	s29 =	simm.s32 $0x1C000;
	s26 =	sadd.s32 s11, s23;
	[smem:$0x7EA] =	sst s25  }
0x3f: {  	s30 =	simm.s32 $0x1CE00;
	s16 =	sadd.s32 s1, s7;
	[smem:$0x7EB] =	sst s26  }
0x40: {  	s31 =	simm.s32 $0x1DC00;
	s17 =	sadd.s32 s11, s7;
	[smem:$0x7F2] =	sst s16  }
0x41: {  	s10 =	sadd.s32 $0x1A40, s7;
	s18 =	sadd.s32 s4, s7;
	[smem:$0x7F3] =	sst s17  }
0x42: {  	s19 =	sadd.s32 $0x1C00, s7;
	s8 =	sadd.s32 s4, s15;
	[smem:$0x7F4] =	sst s18  }
0x43: {  	s12 =	sadd.s32 s0, s10;
	s13 =	sadd.s32 s1, s10;
	[smem:$0x7E4] =	sst s8  }
0x44: {  	s14 =	sadd.s32 s11, s10;
	s15 =	sadd.s32 s0, s7;
	[smem:$0x7ED] =	sst s12  }
0x45: {  	s7 =	sadd.s32 $0x1DC0, s7;
	s20 =	sadd.s32 s0, s19;
	[smem:$0x7EE] =	sst s13  }
0x46: {  	s21 =	sadd.s32 s1, s19;
	s22 =	sadd.s32 s11, s19;
	[smem:$0x7EF] =	sst s14  }
0x47: {  	s24 =	sadd.s32 $0x3D080, s1;
	s25 =	sadd.s32 $0x3D680, s3;
	[smem:$0x7F1] =	sst s15  }
0x48: {  	s26 =	sadd.s32 $0x3D080, s4;
	s16 =	sadd.s32 $0x3D810, s5;
	[smem:$0x7F5] =	sst s20  }
0x49: {  	s17 =	sadd.s32 $0x3D820, s5;
	s18 =	sadd.s32 $0x3D830, s5;
	[smem:$0x7F6] =	sst s21  }
0x4a: {  	s3 =	simm.s32 $0x2;
	s8 =	sadd.s32 s4, s23;
	[smem:$0x7F7] =	sst s22  }
0x4b: {  	s23 =	sadd.s32 s11, s7;
	s12 =	sadd.s32 s0, s7;
	[smem:$0x7FB] =	sst s24  }
0x4c: {  	s13 =	sadd.s32 s1, s7;
	s14 =	sadd.s32 s4, s7;
	[smem:$0x7FC] =	sst s25  }
0x4d: {  	s0 =	sadd.s32 $0x3D080, s0;
	[smem:$0x7FD] =	sst s26;
	s15 =	sadd.s32 $0x3D800, s5  }
0x4e: {  	s20 =	sadd.s32 $0x3D850, s5;
	s21 =	sadd.s32 $0x3D860, s5;
	s22 =	sadd.s32 $0x3D870, s5  }
0x4f: {  	s24 =	simm.s32 $0x18800;
	s25 =	simm.s32 $0x19600;
	[smem:$0x7EC] =	sst s8  }
.Ltmp0:
0x50: {  	s26 =	simm.s32 $0x1A400;
	[smem:$0x7F9] =	sst s23;
	(pc) =	sbr.rel .LBB2_1-.Ltmp0, $4  }
0x51: {  	s1 =	simm.s32 $0x1;
	s8 =	sadd.s32 s4, s10;
	[smem:$0x7FA] =	sst s0  }
0x52: {  	s23 =	smax.u32 s6, $0x1;
	s0 =	simm.s32 $0x1EA00;
	s6 =	simm.s32 $0x0  }
0x53: {  	[smem:$0x7F0] =	sst s8;
	s8 =	sadd.s32 s4, s19;
	s19 =	sadd.s32 $0x3D840, s5  }
0x54: {  	v0 =	vimm.f32 $0.0e+00;
	v1 =	vimm.f32 $1.999999990e-06;
	s4 =	simm.s32 $0x80;
	s5 =	simm.s32 $0x400;
	[smem:$0x7F8] =	sst s8  }
.LBB2_42:
0x55: {  	v11 =	vld [tilespmem:s7+$0xFFFFFFF0];
	_ =	sdelay $0x1  }
0x56: {  	vm0 =	vlt.s32 v9, $0x1869F  }
0x57: {  	vm13 =	vlt.s32 v10, $0x1869F;
	v9 =	vnsel vm0, $0x1869F, v9  }
0x58: {  	v2 =	vsub.f32 v2, v5;
	vm14 =	vgt.f32 v6, $5.000000000e-01;
	v10 =	vnsel vm13, $0x1869F, v10  }
0x59: {  	vm15 =	vgt.f32 v7, $5.000000000e-01;
	v62 =	vsel vm14, $0x3532F4FC, v1;
	v4 =	vsub.f32 v11, v4  }
0x5a: {  	v63 =	vsel vm15, $0x3532F4FC, v1;
	v2 =	vmul.f32 v62, v2  }
0x5b: {  	[tilespmem:v3+s2+$0x0] =	vst.idx.add.f32.msk $0xffff, v8;
	v3 =	vmul.f32 v63, v4  }
0x5c: {  	[tilespmem:v9+s2+$0x0] =	vst.idx.add.f32.msk $0xffff, v2  }
0x5d: {  	[tilespmem:v10+s2+$0x0] =	vst.idx.add.f32.msk $0xffff, v3  }
.LBB2_43:
0x5e: {  	[hbm4b:s15+s4] =	stream.strided.scatter [tilespmem:s2], [sflag:$0x1], $0x3100, s5, s4, $0x38;
	[tilespmem:$0x1F800] =	vst v63  }
0x5f: {  	s7 =	simm.s32 $0x3100  }
0x60: {  	[hbm4b:s16+s4] =	stream.strided.scatter [tilespmem:s7], [sflag:$0x1], $0x3100, s5, s4, $0x38;
	[tilespmem:$0x1F800] =	vst v63  }
0x61: {  	s10 =	simm.s32 $0x6200  }
0x62: {  	[hbm4b:s17+s4] =	stream.strided.scatter [tilespmem:s10], [sflag:$0x1], $0x3100, s5, s4, $0x38;
	[tilespmem:$0x1F800] =	vst v63  }
0x63: {  	s11 =	simm.s32 $0x9300  }
0x64: {  	[hbm4b:s18+s4] =	stream.strided.scatter [tilespmem:s11], [sflag:$0x1], $0x3100, s5, s4, $0x38;
	[tilespmem:$0x1F800] =	vst v63  }
0x65: {  	s8 =	simm.s32 $0xC400  }
0x66: {  	[hbm4b:s19+s4] =	stream.strided.scatter [tilespmem:s8], [sflag:$0x1], $0x3100, s5, s4, $0x38;
	[tilespmem:$0x1F800] =	vst v63  }
0x67: {  	s9 =	simm.s32 $0xF500  }
0x68: {  	[hbm4b:s20+s4] =	stream.strided.scatter [tilespmem:s9], [sflag:$0x1], $0x3100, s5, s4, $0x38;
	[tilespmem:$0x1F800] =	vst v63  }
0x69: {  	s10 =	simm.s32 $0x12600  }
0x6a: {  	[hbm4b:s21+s4] =	stream.strided.scatter [tilespmem:s10], [sflag:$0x1], $0x3100, s5, s4, $0x38;
	[tilespmem:$0x1F800] =	vst v63  }
0x6b: {  	s11 =	simm.s32 $0x15700  }
0x6c: {  	[hbm4b:s22+s4] =	stream.strided.scatter [tilespmem:s11], [sflag:$0x1], $0x3100, s5, s4, $0x38;
	[tilespmem:$0x1F800] =	vst v63  }
0x6d: {  	_ =	swait.ge [sflag:s1], $0x3100  }
0x6e: {  	[sflag:s1] =	ssyncset.done $0x0  }
0x6f: {  	[sflag:s1] =	ssyncadd.s32 $0xFFFFCF00  }
0x70: {  	_ =	swait.ge [sflag:s1], $0x3100  }
0x71: {  	[sflag:s1] =	ssyncset.done $0x0  }
0x72: {  	[sflag:s1] =	ssyncadd.s32 $0xFFFFCF00  }
0x73: {  	_ =	swait.ge [sflag:s1], $0x3100  }
0x74: {  	[sflag:s1] =	ssyncset.done $0x0  }
0x75: {  	[sflag:s1] =	ssyncadd.s32 $0xFFFFCF00  }
0x76: {  	_ =	swait.ge [sflag:s1], $0x3100  }
0x77: {  	[sflag:s1] =	ssyncset.done $0x0  }
0x78: {  	[sflag:s1] =	ssyncadd.s32 $0xFFFFCF00  }
0x79: {  	_ =	swait.ge [sflag:s1], $0x3100  }
0x7a: {  	[sflag:s1] =	ssyncset.done $0x0  }
0x7b: {  	[sflag:s1] =	ssyncadd.s32 $0xFFFFCF00  }
0x7c: {  	_ =	swait.ge [sflag:s1], $0x3100  }
0x7d: {  	[sflag:s1] =	ssyncset.done $0x0  }
0x7e: {  	s6 =	sadd.s32 $0x1, s6;
	[sflag:s1] =	ssyncadd.s32 $0xFFFFCF00  }
0x7f: {  	p1 =	sne.s32 s6, s23;
	_ =	swait.ge [sflag:s1], $0x3100  }
.Ltmp1:
0x80: {  	[sflag:s1] =	ssyncset.done $0x0;
	(pc) =	sbr.rel @!p1 .LBB2_44-.Ltmp1, $4  }
0x81: {  	[sflag:s1] =	ssyncadd.s32 $0xFFFFCF00  }
0x82: {  	_ =	swait.ge [sflag:s1], $0x3100  }
0x83: {  	[sflag:s1] =	ssyncset.done $0x0  }
0x84: {  	[sflag:s1] =	ssyncadd.s32 $0xFFFFCF00  }
.LBB2_1:
0x85: {  	s7 =	sld [smem:$0x7F1];
	_ =	sdelay $0x1  }
0x86: {  	s9 =	sld [smem:$0x7F2]  }
0x87: {  	[tilespmem:s24], [sflag:$0x1] =	stream.linear.gather [hbm4b:s7+s2], $0xE00, $0x38;
	[tilespmem:$0x1F800] =	vst v63  }
0x88: {  	s10 =	sld [smem:$0x7F3]  }
0x89: {  	[tilespmem:s25], [sflag:$0x1] =	stream.linear.gather [hbm4b:s9+s2], $0xE00, $0x38;
	[tilespmem:$0x1F800] =	vst v63  }
0x8a: {  	s11 =	sld [smem:$0x7F4]  }
0x8b: {  	[tilespmem:s26], [sflag:$0x1] =	stream.linear.gather [hbm4b:s10+s2], $0xE00, $0x38;
	[tilespmem:$0x1F800] =	vst v63  }
0x8c: {  	_ = 	snop  }
0x8d: {  	[tilespmem:s28], [sflag:$0x1] =	stream.linear.gather [hbm4b:s11+s2], $0xE00, $0x38;
	[tilespmem:$0x1F800] =	vst v63  }
0x8e: {  	[tilespmem:s4+$0xFFFFFF80] =	vst v0  }
0x8f: {  	[tilespmem:s4+$0x70] =	vst v0  }
0x90: {  	[tilespmem:s4+$0x60] =	vst v0  }
0x91: {  	[tilespmem:s4+$0x50] =	vst v0  }
0x92: {  	[tilespmem:s4+$0x40] =	vst v0  }
0x93: {  	[tilespmem:s4+$0x30] =	vst v0  }
0x94: {  	[tilespmem:s4+$0x20] =	vst v0  }
0x95: {  	[tilespmem:s4+$0x10] =	vst v0  }
0x96: {  	[tilespmem:s4+$0x0] =	vst v0  }
0x97: {  	[tilespmem:s4+$0xFFFFFFF0] =	vst v0  }
0x98: {  	[tilespmem:s4+$0xFFFFFFE0] =	vst v0  }
0x99: {  	[tilespmem:s4+$0xFFFFFFD0] =	vst v0  }
0x9a: {  	[tilespmem:s4+$0xFFFFFFC0] =	vst v0  }
0x9b: {  	[tilespmem:s4+$0xFFFFFFB0] =	vst v0  }
0x9c: {  	s8 =	simm.s32 $0x80;
	s7 =	simm.s32 $0x0;
	[tilespmem:s4+$0xFFFFFFA0] =	vst v0  }
.LBB2_2:
0x9d: {  	s7 =	sadd.s32 $0x100, s7;
	[tilespmem:s8+$0xFFFFFF90] =	vst v0;
	s8 =	sadd.s32 $0x100, s8  }
0x9e: {  	[tilespmem:s8+$0xFFFFFF80] =	vst v0;
	p1 =	slt.u32 s7, $0x18700  }
0x9f: {  	[tilespmem:s8+$0x70] =	vst v0  }
0xa0: {  	[tilespmem:s8+$0x60] =	vst v0  }
0xa1: {  	[tilespmem:s8+$0x50] =	vst v0  }
0xa2: {  	[tilespmem:s8+$0x40] =	vst v0  }
0xa3: {  	[tilespmem:s8+$0x30] =	vst v0  }
0xa4: {  	[tilespmem:s8+$0x20] =	vst v0  }
0xa5: {  	[tilespmem:s8+$0x10] =	vst v0  }
0xa6: {  	[tilespmem:s8+$0x0] =	vst v0  }
0xa7: {  	[tilespmem:s8+$0xFFFFFFF0] =	vst v0  }
.Ltmp2:
0xa8: {  	[tilespmem:s8+$0xFFFFFFE0] =	vst v0;
	(pc) =	sbr.rel @p1 .LBB2_2-.Ltmp2, $4  }
0xa9: {  	[tilespmem:s8+$0xFFFFFFD0] =	vst v0  }
0xaa: {  	[tilespmem:s8+$0xFFFFFFC0] =	vst v0  }
0xab: {  	[tilespmem:s8+$0xFFFFFFB0] =	vst v0  }
0xac: {  	[tilespmem:s8+$0xFFFFFFA0] =	vst v0  }
0xad: {  	[tilespmem:s8+$0xFFFFFF90] =	vst v0  }
0xae: {  	s7 =	rddreg [dreg:$0x5]  }
0xaf: {  	[tilespmem:s29], [sflag:$0x2] =	stream.linear.gather [hbm4b:s7+s2], $0xE00, $0x38;
	[tilespmem:$0x1F800] =	vst v63  }
0xb0: {  	s10 =	rddreg [dreg:$0x6]  }
0xb1: {  	[tilespmem:s30], [sflag:$0x2] =	stream.linear.gather [hbm4b:s10+s2], $0xE00, $0x38;
	[tilespmem:$0x1F800] =	vst v63  }
0xb2: {  	s11 =	rddreg [dreg:$0x7]  }
0xb3: {  	[tilespmem:s31], [sflag:$0x2] =	stream.linear.gather [hbm4b:s11+s2], $0xE00, $0x38;
	[tilespmem:$0x1F800] =	vst v63  }
0xb4: {  	s8 =	rddreg [dreg:$0x8]  }
0xb5: {  	[tilespmem:s0], [sflag:$0x2] =	stream.linear.gather [hbm4b:s8+s2], $0xE00, $0x38;
	[tilespmem:$0x1F800] =	vst v63  }
0xb6: {  	_ =	swait.ge [sflag:s1], $0xE00  }
0xb7: {  	[sflag:s1] =	ssyncset.done $0x0  }
0xb8: {  	[sflag:s1] =	ssyncadd.s32 $0xFFFFF200  }
0xb9: {  	_ =	swait.ge [sflag:s1], $0xE00  }
0xba: {  	[sflag:s1] =	ssyncset.done $0x0  }
0xbb: {  	[sflag:s1] =	ssyncadd.s32 $0xFFFFF200  }
0xbc: {  	_ =	swait.ge [sflag:s1], $0xE00  }
0xbd: {  	[sflag:s1] =	ssyncset.done $0x0  }
0xbe: {  	[sflag:s1] =	ssyncadd.s32 $0xFFFFF200  }
0xbf: {  	_ =	swait.ge [sflag:s1], $0xE00  }
0xc0: {  	[sflag:s1] =	ssyncset.done $0x0  }
0xc1: {  	s9 =	simm.s32 $0x1B210;
	[sflag:s1] =	ssyncadd.s32 $0xFFFFF200  }
0xc2: {  	v2 =	vld [tilespmem:s9+$0x0];
	_ =	sdelay $0x1  }
0xc3: {  	s8 =	simm.s32 $0x18810;
	v3 =	vld [tilespmem:s9+$0xFFFFFFF0]  }
0xc4: {  	s10 =	simm.s32 $0x19610;
	v4 =	vld [tilespmem:s8+$0x0]  }
0xc5: {  	v5 =	vld [tilespmem:s10+$0x0]  }
0xc6: {  	s9 =	simm.s32 $0x1A410;
	v7 =	vld [tilespmem:s10+$0xFFFFFFF0];
	v2 =	vmul.f32 $1.000000000e+05, v2  }
0xc7: {  	s11 =	simm.s32 $0x1B230;
	v6 =	vld [tilespmem:s9+$0x0]  }
0xc8: {  	v9 =	vld [tilespmem:s11+$0x0];
	v2 =	vtrunc.f32 v2  }
0xc9: {  	v10 =	vld [tilespmem:s11+$0xFFFFFFF0];
	v2 =	vcvt.f32.s32 v2  }
0xca: {  	v12 =	vld [tilespmem:s8+$0xFFFFFFF0]  }
0xcb: {  	v8 =	vld [tilespmem:s9+$0xFFFFFFF0];
	v3 =	vmul.f32 $1.000000000e+05, v3;
	vm0 =	vlt.s32 v2, $0x1869F  }
0xcc: {  	v4 =	vsub.f32 v4, v5;
	vm14 =	vgt.f32 v6, $5.000000000e-01;
	v11 =	vnsel vm0, $0x1869F, v2  }
0xcd: {  	s8 =	simm.s32 $0x19630;
	v2 =	vtrunc.f32 v3;
	v3 =	vsel vm14, $0x3532F4FC, v1  }
0xce: {  	s9 =	simm.s32 $0x1A430;
	v5 =	vld [tilespmem:s8+$0x0];
	v13 =	vcvt.f32.s32 v2;
	v3 =	vmul.f32 v3, v4  }
0xcf: {  	s7 =	simm.s32 $0x18830;
	v6 =	vld [tilespmem:s9+$0x0];
	v4 =	vmul.f32 $1.000000000e+05, v9;
	v9 =	vmul.f32 $1.000000000e+05, v10  }
0xd0: {  	vm1 =	vgt.f32 v8, $5.000000000e-01;
	v8 =	vsub.f32 v12, v7;
	v2 =	vld [tilespmem:s7+$0x0]  }
0xd1: {  	vm15 =	vlt.s32 v13, $0x1869F;
	v10 =	vtrunc.f32 v9;
	[tilespmem:v11+s2+$0x0] =	vst.idx.add.f32.msk $0xffff, v3;
	v3 =	vtrunc.f32 v4  }
0xd2: {  	v7 =	vld [tilespmem:s9+$0xFFFFFFF0];
	v11 =	vsel vm1, $0x3532F4FC, v1;
	v9 =	vcvt.f32.s32 v3;
	v3 =	vnsel vm15, $0x1869F, v13  }
0xd3: {  	s10 =	simm.s32 $0x20;
	s11 =	simm.s32 $0x1B250;
	v10 =	vcvt.f32.s32 v10;
	v4 =	vld [tilespmem:s8+$0xFFFFFFF0];
	v8 =	vmul.f32 v11, v8  }
.LBB2_4:
0xd4: {  	v11 =	vld [tilespmem:s11+$0x0];
	s10 =	sadd.s32 $0x20, s10;
	vm0 =	vlt.s32 v9, $0x1869F  }
0xd5: {  	v12 =	vld [tilespmem:s11+$0xFFFFFFF0];
	p1 =	slt.u32 s10, $0xDE0;
	vm1 =	vlt.s32 v10, $0x1869F;
	v9 =	vnsel vm0, $0x1869F, v9  }
0xd6: {  	v5 =	vsub.f32 v2, v5;
	v13 =	vld [tilespmem:s7+$0xFFFFFFF0];
	v10 =	vnsel vm1, $0x1869F, v10;
	vm0 =	vgt.f32 v6, $5.000000000e-01  }
0xd7: {  	s7 =	sadd.s32 $0x20, s7;
	v6 =	vsel vm0, $0x3532F4FC, v1;
	[tilespmem:v3+s2+$0x0] =	vst.idx.add.f32.msk $0xffff, v8;
	v3 =	vmov v10  }
0xd8: {  	s8 =	sadd.s32 $0x20, s8;
	v2 =	vld [tilespmem:s7+$0x0];
	vm0 =	vgt.f32 v7, $5.000000000e-01;
	v6 =	vmul.f32 v6, v5  }
.Ltmp3:
0xd9: {  	v5 =	vld [tilespmem:s8+$0x0];
	v7 =	vmul.f32 $1.000000000e+05, v11;
	v8 =	vsel vm0, $0x3532F4FC, v1;
	(pc) =	sbr.rel @p1 .LBB2_4-.Ltmp3, $4  }
0xda: {  	s9 =	sadd.s32 $0x20, s9;
	v10 =	vmul.f32 $1.000000000e+05, v12;
	[tilespmem:v9+s2+$0x0] =	vst.idx.add.f32.msk $0xffff, v6  }
0xdb: {  	v6 =	vld [tilespmem:s9+$0x0];
	v7 =	vtrunc.f32 v7;
	v11 =	vsub.f32 v13, v4  }
0xdc: {  	v4 =	vld [tilespmem:s8+$0xFFFFFFF0];
	v10 =	vtrunc.f32 v10;
	v9 =	vcvt.f32.s32 v7  }
0xdd: {  	s11 =	sadd.s32 $0x20, s11;
	v7 =	vld [tilespmem:s9+$0xFFFFFFF0];
	v10 =	vcvt.f32.s32 v10;
	v8 =	vmul.f32 v8, v11  }
0xde: {  	v11 =	vld [tilespmem:s7+$0xFFFFFFF0];
	_ =	sdelay $0x1  }
0xdf: {  	vm0 =	vlt.s32 v9, $0x1869F  }
0xe0: {  	v9 =	vnsel vm0, $0x1869F, v9;
	vm10 =	vlt.s32 v10, $0x1869F  }
0xe1: {  	v2 =	vsub.f32 v2, v5;
	v10 =	vnsel vm10, $0x1869F, v10;
	vm11 =	vgt.f32 v6, $5.000000000e-01  }
0xe2: {  	v5 =	vsel vm11, $0x3532F4FC, v1;
	vm12 =	vgt.f32 v7, $5.000000000e-01;
	v4 =	vsub.f32 v11, v4  }
0xe3: {  	v2 =	vmul.f32 v5, v2;
	v5 =	vsel vm12, $0x3532F4FC, v1  }
0xe4: {  	[tilespmem:v3+s2+$0x0] =	vst.idx.add.f32.msk $0xffff, v8;
	v3 =	vmul.f32 v5, v4  }
0xe5: {  	[tilespmem:v9+s2+$0x0] =	vst.idx.add.f32.msk $0xffff, v2  }
0xe6: {  	[tilespmem:v10+s2+$0x0] =	vst.idx.add.f32.msk $0xffff, v3  }
0xe7: {  	s9 =	rddreg [dreg:$0x9]  }
0xe8: {  	[tilespmem:s24], [sflag:$0x1] =	stream.linear.gather [hbm4b:s9+s2], $0xE00, $0x38;
	[tilespmem:$0x1F800] =	vst v63  }
0xe9: {  	s10 =	rddreg [dreg:$0xa]  }
0xea: {  	[tilespmem:s25], [sflag:$0x1] =	stream.linear.gather [hbm4b:s10+s2], $0xE00, $0x38;
	[tilespmem:$0x1F800] =	vst v63  }
0xeb: {  	s11 =	rddreg [dreg:$0xb]  }
0xec: {  	[tilespmem:s26], [sflag:$0x1] =	stream.linear.gather [hbm4b:s11+s2], $0xE00, $0x38;
	[tilespmem:$0x1F800] =	vst v63  }
0xed: {  	s8 =	rddreg [dreg:$0xc]  }
0xee: {  	[tilespmem:s28], [sflag:$0x1] =	stream.linear.gather [hbm4b:s8+s2], $0xE00, $0x38;
	[tilespmem:$0x1F800] =	vst v63  }
0xef: {  	_ =	swait.ge [sflag:s3], $0xE00  }
0xf0: {  	[sflag:s3] =	ssyncset.done $0x0  }
0xf1: {  	[sflag:s3] =	ssyncadd.s32 $0xFFFFF200  }
0xf2: {  	_ =	swait.ge [sflag:s3], $0xE00  }
0xf3: {  	[sflag:s3] =	ssyncset.done $0x0  }
0xf4: {  	[sflag:s3] =	ssyncadd.s32 $0xFFFFF200  }
0xf5: {  	_ =	swait.ge [sflag:s3], $0xE00  }
0xf6: {  	[sflag:s3] =	ssyncset.done $0x0  }
0xf7: {  	[sflag:s3] =	ssyncadd.s32 $0xFFFFF200  }
0xf8: {  	_ =	swait.ge [sflag:s3], $0xE00  }
0xf9: {  	[sflag:s3] =	ssyncset.done $0x0  }
0xfa: {  	s9 =	simm.s32 $0x1EA10;
	[sflag:s3] =	ssyncadd.s32 $0xFFFFF200  }
0xfb: {  	v2 =	vld [tilespmem:s9+$0x0];
	_ =	sdelay $0x1  }
0xfc: {  	s8 =	simm.s32 $0x1C010;
	v3 =	vld [tilespmem:s9+$0xFFFFFFF0]  }
0xfd: {  	s10 =	simm.s32 $0x1CE10;
	v4 =	vld [tilespmem:s8+$0x0]  }
0xfe: {  	v5 =	vld [tilespmem:s10+$0x0]  }
0xff: {  	s9 =	simm.s32 $0x1DC10;
	v7 =	vld [tilespmem:s10+$0xFFFFFFF0];
	v2 =	vmul.f32 $1.000000000e+05, v2  }
0x100: {  	s11 =	simm.s32 $0x1EA30;
	v6 =	vld [tilespmem:s9+$0x0]  }
0x101: {  	v9 =	vld [tilespmem:s11+$0x0];
	v2 =	vtrunc.f32 v2  }
0x102: {  	v10 =	vld [tilespmem:s11+$0xFFFFFFF0];
	v2 =	vcvt.f32.s32 v2  }
0x103: {  	v12 =	vld [tilespmem:s8+$0xFFFFFFF0]  }
0x104: {  	v8 =	vld [tilespmem:s9+$0xFFFFFFF0];
	v3 =	vmul.f32 $1.000000000e+05, v3;
	vm13 =	vlt.s32 v2, $0x1869F  }
0x105: {  	v4 =	vsub.f32 v4, v5;
	vm14 =	vgt.f32 v6, $5.000000000e-01;
	v11 =	vnsel vm13, $0x1869F, v2  }
0x106: {  	s8 =	simm.s32 $0x1CE30;
	v2 =	vtrunc.f32 v3;
	v3 =	vsel vm14, $0x3532F4FC, v1  }
0x107: {  	s9 =	simm.s32 $0x1DC30;
	v5 =	vld [tilespmem:s8+$0x0];
	v13 =	vcvt.f32.s32 v2;
	v3 =	vmul.f32 v3, v4  }
0x108: {  	s7 =	simm.s32 $0x1C030;
	v6 =	vld [tilespmem:s9+$0x0];
	v4 =	vmul.f32 $1.000000000e+05, v9;
	v9 =	vmul.f32 $1.000000000e+05, v10  }
0x109: {  	vm1 =	vgt.f32 v8, $5.000000000e-01;
	v8 =	vsub.f32 v12, v7;
	v2 =	vld [tilespmem:s7+$0x0]  }
0x10a: {  	vm15 =	vlt.s32 v13, $0x1869F;
	v10 =	vtrunc.f32 v9;
	[tilespmem:v11+s2+$0x0] =	vst.idx.add.f32.msk $0xffff, v3;
	v3 =	vtrunc.f32 v4  }
0x10b: {  	v7 =	vld [tilespmem:s9+$0xFFFFFFF0];
	v11 =	vsel vm1, $0x3532F4FC, v1;
	v9 =	vcvt.f32.s32 v3;
	v3 =	vnsel vm15, $0x1869F, v13  }
0x10c: {  	s10 =	simm.s32 $0x20;
	s11 =	simm.s32 $0x1EA50;
	v10 =	vcvt.f32.s32 v10;
	v4 =	vld [tilespmem:s8+$0xFFFFFFF0];
	v8 =	vmul.f32 v11, v8  }
.LBB2_6:
0x10d: {  	v11 =	vld [tilespmem:s11+$0x0];
	s10 =	sadd.s32 $0x20, s10;
	vm0 =	vlt.s32 v9, $0x1869F  }
0x10e: {  	v12 =	vld [tilespmem:s11+$0xFFFFFFF0];
	p1 =	slt.u32 s10, $0xDE0;
	vm1 =	vlt.s32 v10, $0x1869F;
	v9 =	vnsel vm0, $0x1869F, v9  }
0x10f: {  	v5 =	vsub.f32 v2, v5;
	v13 =	vld [tilespmem:s7+$0xFFFFFFF0];
	v10 =	vnsel vm1, $0x1869F, v10;
	vm0 =	vgt.f32 v6, $5.000000000e-01  }
0x110: {  	s7 =	sadd.s32 $0x20, s7;
	v6 =	vsel vm0, $0x3532F4FC, v1;
	[tilespmem:v3+s2+$0x0] =	vst.idx.add.f32.msk $0xffff, v8;
	v3 =	vmov v10  }
0x111: {  	s8 =	sadd.s32 $0x20, s8;
	v2 =	vld [tilespmem:s7+$0x0];
	vm0 =	vgt.f32 v7, $5.000000000e-01;
	v6 =	vmul.f32 v6, v5  }
.Ltmp4:
0x112: {  	v5 =	vld [tilespmem:s8+$0x0];
	v7 =	vmul.f32 $1.000000000e+05, v11;
	v8 =	vsel vm0, $0x3532F4FC, v1;
	(pc) =	sbr.rel @p1 .LBB2_6-.Ltmp4, $4  }
0x113: {  	s9 =	sadd.s32 $0x20, s9;
	v10 =	vmul.f32 $1.000000000e+05, v12;
	[tilespmem:v9+s2+$0x0] =	vst.idx.add.f32.msk $0xffff, v6  }
0x114: {  	v6 =	vld [tilespmem:s9+$0x0];
	v7 =	vtrunc.f32 v7;
	v11 =	vsub.f32 v13, v4  }
0x115: {  	v4 =	vld [tilespmem:s8+$0xFFFFFFF0];
	v10 =	vtrunc.f32 v10;
	v9 =	vcvt.f32.s32 v7  }
0x116: {  	s11 =	sadd.s32 $0x20, s11;
	v7 =	vld [tilespmem:s9+$0xFFFFFFF0];
	v10 =	vcvt.f32.s32 v10;
	v8 =	vmul.f32 v8, v11  }
0x117: {  	v11 =	vld [tilespmem:s7+$0xFFFFFFF0];
	_ =	sdelay $0x1  }
0x118: {  	vm0 =	vlt.s32 v9, $0x1869F  }
0x119: {  	v9 =	vnsel vm0, $0x1869F, v9;
	vm10 =	vlt.s32 v10, $0x1869F  }
0x11a: {  	v2 =	vsub.f32 v2, v5;
	v10 =	vnsel vm10, $0x1869F, v10;
	vm11 =	vgt.f32 v6, $5.000000000e-01  }
0x11b: {  	v5 =	vsel vm11, $0x3532F4FC, v1;
	vm12 =	vgt.f32 v7, $5.000000000e-01;
	v4 =	vsub.f32 v11, v4  }
0x11c: {  	v2 =	vmul.f32 v5, v2;
	v5 =	vsel vm12, $0x3532F4FC, v1  }
0x11d: {  	[tilespmem:v3+s2+$0x0] =	vst.idx.add.f32.msk $0xffff, v8;
	v3 =	vmul.f32 v5, v4  }
0x11e: {  	[tilespmem:v9+s2+$0x0] =	vst.idx.add.f32.msk $0xffff, v2  }
0x11f: {  	[tilespmem:v10+s2+$0x0] =	vst.idx.add.f32.msk $0xffff, v3  }
0x120: {  	s9 =	rddreg [dreg:$0xd]  }
0x121: {  	[tilespmem:s29], [sflag:$0x2] =	stream.linear.gather [hbm4b:s9+s2], $0xE00, $0x38;
	[tilespmem:$0x1F800] =	vst v63  }
0x122: {  	s10 =	rddreg [dreg:$0xe]  }
0x123: {  	[tilespmem:s30], [sflag:$0x2] =	stream.linear.gather [hbm4b:s10+s2], $0xE00, $0x38;
	[tilespmem:$0x1F800] =	vst v63  }
0x124: {  	s11 =	rddreg [dreg:$0xf]  }
0x125: {  	[tilespmem:s31], [sflag:$0x2] =	stream.linear.gather [hbm4b:s11+s2], $0xE00, $0x38;
	[tilespmem:$0x1F800] =	vst v63  }
0x126: {  	s8 =	rddreg [dreg:$0x10]  }
0x127: {  	[tilespmem:s0], [sflag:$0x2] =	stream.linear.gather [hbm4b:s8+s2], $0xE00, $0x38;
	[tilespmem:$0x1F800] =	vst v63  }
0x128: {  	_ =	swait.ge [sflag:s1], $0xE00  }
0x129: {  	[sflag:s1] =	ssyncset.done $0x0  }
0x12a: {  	[sflag:s1] =	ssyncadd.s32 $0xFFFFF200  }
0x12b: {  	_ =	swait.ge [sflag:s1], $0xE00  }
0x12c: {  	[sflag:s1] =	ssyncset.done $0x0  }
0x12d: {  	[sflag:s1] =	ssyncadd.s32 $0xFFFFF200  }
0x12e: {  	_ =	swait.ge [sflag:s1], $0xE00  }
0x12f: {  	[sflag:s1] =	ssyncset.done $0x0  }
0x130: {  	[sflag:s1] =	ssyncadd.s32 $0xFFFFF200  }
0x131: {  	_ =	swait.ge [sflag:s1], $0xE00  }
0x132: {  	[sflag:s1] =	ssyncset.done $0x0  }
0x133: {  	s9 =	simm.s32 $0x1B210;
	[sflag:s1] =	ssyncadd.s32 $0xFFFFF200  }
0x134: {  	v2 =	vld [tilespmem:s9+$0x0];
	_ =	sdelay $0x1  }
0x135: {  	s8 =	simm.s32 $0x18810;
	v3 =	vld [tilespmem:s9+$0xFFFFFFF0]  }
0x136: {  	s10 =	simm.s32 $0x19610;
	v4 =	vld [tilespmem:s8+$0x0]  }
0x137: {  	v5 =	vld [tilespmem:s10+$0x0]  }
0x138: {  	s9 =	simm.s32 $0x1A410;
	v7 =	vld [tilespmem:s10+$0xFFFFFFF0];
	v2 =	vmul.f32 $1.000000000e+05, v2  }
0x139: {  	s11 =	simm.s32 $0x1B230;
	v6 =	vld [tilespmem:s9+$0x0]  }
0x13a: {  	v9 =	vld [tilespmem:s11+$0x0];
	v2 =	vtrunc.f32 v2  }
0x13b: {  	v10 =	vld [tilespmem:s11+$0xFFFFFFF0];
	v2 =	vcvt.f32.s32 v2  }
0x13c: {  	v12 =	vld [tilespmem:s8+$0xFFFFFFF0]  }
0x13d: {  	v8 =	vld [tilespmem:s9+$0xFFFFFFF0];
	v3 =	vmul.f32 $1.000000000e+05, v3;
	vm13 =	vlt.s32 v2, $0x1869F  }
0x13e: {  	v4 =	vsub.f32 v4, v5;
	vm14 =	vgt.f32 v6, $5.000000000e-01;
	v11 =	vnsel vm13, $0x1869F, v2  }
0x13f: {  	s8 =	simm.s32 $0x19630;
	v2 =	vtrunc.f32 v3;
	v3 =	vsel vm14, $0x3532F4FC, v1  }
0x140: {  	s9 =	simm.s32 $0x1A430;
	v5 =	vld [tilespmem:s8+$0x0];
	v13 =	vcvt.f32.s32 v2;
	v3 =	vmul.f32 v3, v4  }
0x141: {  	s7 =	simm.s32 $0x18830;
	v6 =	vld [tilespmem:s9+$0x0];
	v4 =	vmul.f32 $1.000000000e+05, v9;
	v9 =	vmul.f32 $1.000000000e+05, v10  }
0x142: {  	vm1 =	vgt.f32 v8, $5.000000000e-01;
	v8 =	vsub.f32 v12, v7;
	v2 =	vld [tilespmem:s7+$0x0]  }
0x143: {  	vm15 =	vlt.s32 v13, $0x1869F;
	v10 =	vtrunc.f32 v9;
	[tilespmem:v11+s2+$0x0] =	vst.idx.add.f32.msk $0xffff, v3;
	v3 =	vtrunc.f32 v4  }
0x144: {  	v7 =	vld [tilespmem:s9+$0xFFFFFFF0];
	v11 =	vsel vm1, $0x3532F4FC, v1;
	v9 =	vcvt.f32.s32 v3;
	v3 =	vnsel vm15, $0x1869F, v13  }
0x145: {  	s10 =	simm.s32 $0x20;
	s11 =	simm.s32 $0x1B250;
	v10 =	vcvt.f32.s32 v10;
	v4 =	vld [tilespmem:s8+$0xFFFFFFF0];
	v8 =	vmul.f32 v11, v8  }
.LBB2_8:
0x146: {  	v11 =	vld [tilespmem:s11+$0x0];
	s10 =	sadd.s32 $0x20, s10;
	vm0 =	vlt.s32 v9, $0x1869F  }
0x147: {  	v12 =	vld [tilespmem:s11+$0xFFFFFFF0];
	p1 =	slt.u32 s10, $0xDE0;
	vm1 =	vlt.s32 v10, $0x1869F;
	v9 =	vnsel vm0, $0x1869F, v9  }
0x148: {  	v5 =	vsub.f32 v2, v5;
	v13 =	vld [tilespmem:s7+$0xFFFFFFF0];
	v10 =	vnsel vm1, $0x1869F, v10;
	vm0 =	vgt.f32 v6, $5.000000000e-01  }
0x149: {  	s7 =	sadd.s32 $0x20, s7;
	v6 =	vsel vm0, $0x3532F4FC, v1;
	[tilespmem:v3+s2+$0x0] =	vst.idx.add.f32.msk $0xffff, v8;
	v3 =	vmov v10  }
0x14a: {  	s8 =	sadd.s32 $0x20, s8;
	v2 =	vld [tilespmem:s7+$0x0];
	vm0 =	vgt.f32 v7, $5.000000000e-01;
	v6 =	vmul.f32 v6, v5  }
.Ltmp5:
0x14b: {  	v5 =	vld [tilespmem:s8+$0x0];
	v7 =	vmul.f32 $1.000000000e+05, v11;
	v8 =	vsel vm0, $0x3532F4FC, v1;
	(pc) =	sbr.rel @p1 .LBB2_8-.Ltmp5, $4  }
0x14c: {  	s9 =	sadd.s32 $0x20, s9;
	v10 =	vmul.f32 $1.000000000e+05, v12;
	[tilespmem:v9+s2+$0x0] =	vst.idx.add.f32.msk $0xffff, v6  }
0x14d: {  	v6 =	vld [tilespmem:s9+$0x0];
	v7 =	vtrunc.f32 v7;
	v11 =	vsub.f32 v13, v4  }
0x14e: {  	v4 =	vld [tilespmem:s8+$0xFFFFFFF0];
	v10 =	vtrunc.f32 v10;
	v9 =	vcvt.f32.s32 v7  }
0x14f: {  	s11 =	sadd.s32 $0x20, s11;
	v7 =	vld [tilespmem:s9+$0xFFFFFFF0];
	v10 =	vcvt.f32.s32 v10;
	v8 =	vmul.f32 v8, v11  }
0x150: {  	v11 =	vld [tilespmem:s7+$0xFFFFFFF0];
	_ =	sdelay $0x1  }
0x151: {  	vm0 =	vlt.s32 v9, $0x1869F  }
0x152: {  	v9 =	vnsel vm0, $0x1869F, v9;
	vm10 =	vlt.s32 v10, $0x1869F  }
0x153: {  	v2 =	vsub.f32 v2, v5;
	v10 =	vnsel vm10, $0x1869F, v10;
	vm11 =	vgt.f32 v6, $5.000000000e-01  }
0x154: {  	v5 =	vsel vm11, $0x3532F4FC, v1;
	vm12 =	vgt.f32 v7, $5.000000000e-01;
	v4 =	vsub.f32 v11, v4  }
0x155: {  	v2 =	vmul.f32 v5, v2;
	v5 =	vsel vm12, $0x3532F4FC, v1  }
0x156: {  	[tilespmem:v3+s2+$0x0] =	vst.idx.add.f32.msk $0xffff, v8;
	v3 =	vmul.f32 v5, v4  }
0x157: {  	[tilespmem:v9+s2+$0x0] =	vst.idx.add.f32.msk $0xffff, v2  }
0x158: {  	[tilespmem:v10+s2+$0x0] =	vst.idx.add.f32.msk $0xffff, v3  }
0x159: {  	s9 =	rddreg [dreg:$0x11]  }
0x15a: {  	[tilespmem:s24], [sflag:$0x1] =	stream.linear.gather [hbm4b:s9+s2], $0xE00, $0x38;
	[tilespmem:$0x1F800] =	vst v63  }
0x15b: {  	s10 =	rddreg [dreg:$0x12]  }
0x15c: {  	[tilespmem:s25], [sflag:$0x1] =	stream.linear.gather [hbm4b:s10+s2], $0xE00, $0x38;
	[tilespmem:$0x1F800] =	vst v63  }
0x15d: {  	s11 =	rddreg [dreg:$0x13]  }
0x15e: {  	[tilespmem:s26], [sflag:$0x1] =	stream.linear.gather [hbm4b:s11+s2], $0xE00, $0x38;
	[tilespmem:$0x1F800] =	vst v63  }
0x15f: {  	s8 =	rddreg [dreg:$0x14]  }
0x160: {  	[tilespmem:s28], [sflag:$0x1] =	stream.linear.gather [hbm4b:s8+s2], $0xE00, $0x38;
	[tilespmem:$0x1F800] =	vst v63  }
0x161: {  	_ =	swait.ge [sflag:s3], $0xE00  }
0x162: {  	[sflag:s3] =	ssyncset.done $0x0  }
0x163: {  	[sflag:s3] =	ssyncadd.s32 $0xFFFFF200  }
0x164: {  	_ =	swait.ge [sflag:s3], $0xE00  }
0x165: {  	[sflag:s3] =	ssyncset.done $0x0  }
0x166: {  	[sflag:s3] =	ssyncadd.s32 $0xFFFFF200  }
0x167: {  	_ =	swait.ge [sflag:s3], $0xE00  }
0x168: {  	[sflag:s3] =	ssyncset.done $0x0  }
0x169: {  	[sflag:s3] =	ssyncadd.s32 $0xFFFFF200  }
0x16a: {  	_ =	swait.ge [sflag:s3], $0xE00  }
0x16b: {  	[sflag:s3] =	ssyncset.done $0x0  }
0x16c: {  	s9 =	simm.s32 $0x1EA10;
	[sflag:s3] =	ssyncadd.s32 $0xFFFFF200  }
0x16d: {  	v2 =	vld [tilespmem:s9+$0x0];
	_ =	sdelay $0x1  }
0x16e: {  	s8 =	simm.s32 $0x1C010;
	v3 =	vld [tilespmem:s9+$0xFFFFFFF0]  }
0x16f: {  	s10 =	simm.s32 $0x1CE10;
	v4 =	vld [tilespmem:s8+$0x0]  }
0x170: {  	v5 =	vld [tilespmem:s10+$0x0]  }
0x171: {  	s9 =	simm.s32 $0x1DC10;
	v7 =	vld [tilespmem:s10+$0xFFFFFFF0];
	v2 =	vmul.f32 $1.000000000e+05, v2  }
0x172: {  	s11 =	simm.s32 $0x1EA30;
	v6 =	vld [tilespmem:s9+$0x0]  }
0x173: {  	v9 =	vld [tilespmem:s11+$0x0];
	v2 =	vtrunc.f32 v2  }
0x174: {  	v10 =	vld [tilespmem:s11+$0xFFFFFFF0];
	v2 =	vcvt.f32.s32 v2  }
0x175: {  	v12 =	vld [tilespmem:s8+$0xFFFFFFF0]  }
0x176: {  	v8 =	vld [tilespmem:s9+$0xFFFFFFF0];
	v3 =	vmul.f32 $1.000000000e+05, v3;
	vm13 =	vlt.s32 v2, $0x1869F  }
0x177: {  	v4 =	vsub.f32 v4, v5;
	vm14 =	vgt.f32 v6, $5.000000000e-01;
	v11 =	vnsel vm13, $0x1869F, v2  }
0x178: {  	s8 =	simm.s32 $0x1CE30;
	v2 =	vtrunc.f32 v3;
	v3 =	vsel vm14, $0x3532F4FC, v1  }
0x179: {  	s9 =	simm.s32 $0x1DC30;
	v5 =	vld [tilespmem:s8+$0x0];
	v13 =	vcvt.f32.s32 v2;
	v3 =	vmul.f32 v3, v4  }
0x17a: {  	s7 =	simm.s32 $0x1C030;
	v6 =	vld [tilespmem:s9+$0x0];
	v4 =	vmul.f32 $1.000000000e+05, v9;
	v9 =	vmul.f32 $1.000000000e+05, v10  }
0x17b: {  	vm1 =	vgt.f32 v8, $5.000000000e-01;
	v8 =	vsub.f32 v12, v7;
	v2 =	vld [tilespmem:s7+$0x0]  }
0x17c: {  	vm15 =	vlt.s32 v13, $0x1869F;
	v10 =	vtrunc.f32 v9;
	[tilespmem:v11+s2+$0x0] =	vst.idx.add.f32.msk $0xffff, v3;
	v3 =	vtrunc.f32 v4  }
0x17d: {  	v7 =	vld [tilespmem:s9+$0xFFFFFFF0];
	v11 =	vsel vm1, $0x3532F4FC, v1;
	v9 =	vcvt.f32.s32 v3;
	v3 =	vnsel vm15, $0x1869F, v13  }
0x17e: {  	s10 =	simm.s32 $0x20;
	s11 =	simm.s32 $0x1EA50;
	v10 =	vcvt.f32.s32 v10;
	v4 =	vld [tilespmem:s8+$0xFFFFFFF0];
	v8 =	vmul.f32 v11, v8  }
.LBB2_10:
0x17f: {  	v11 =	vld [tilespmem:s11+$0x0];
	s10 =	sadd.s32 $0x20, s10;
	vm0 =	vlt.s32 v9, $0x1869F  }
0x180: {  	v12 =	vld [tilespmem:s11+$0xFFFFFFF0];
	p1 =	slt.u32 s10, $0xDE0;
	vm1 =	vlt.s32 v10, $0x1869F;
	v9 =	vnsel vm0, $0x1869F, v9  }
0x181: {  	v5 =	vsub.f32 v2, v5;
	v13 =	vld [tilespmem:s7+$0xFFFFFFF0];
	v10 =	vnsel vm1, $0x1869F, v10;
	vm0 =	vgt.f32 v6, $5.000000000e-01  }
0x182: {  	s7 =	sadd.s32 $0x20, s7;
	v6 =	vsel vm0, $0x3532F4FC, v1;
	[tilespmem:v3+s2+$0x0] =	vst.idx.add.f32.msk $0xffff, v8;
	v3 =	vmov v10  }
0x183: {  	s8 =	sadd.s32 $0x20, s8;
	v2 =	vld [tilespmem:s7+$0x0];
	vm0 =	vgt.f32 v7, $5.000000000e-01;
	v6 =	vmul.f32 v6, v5  }
.Ltmp6:
0x184: {  	v5 =	vld [tilespmem:s8+$0x0];
	v7 =	vmul.f32 $1.000000000e+05, v11;
	v8 =	vsel vm0, $0x3532F4FC, v1;
	(pc) =	sbr.rel @p1 .LBB2_10-.Ltmp6, $4  }
0x185: {  	s9 =	sadd.s32 $0x20, s9;
	v10 =	vmul.f32 $1.000000000e+05, v12;
	[tilespmem:v9+s2+$0x0] =	vst.idx.add.f32.msk $0xffff, v6  }
0x186: {  	v6 =	vld [tilespmem:s9+$0x0];
	v7 =	vtrunc.f32 v7;
	v11 =	vsub.f32 v13, v4  }
0x187: {  	v4 =	vld [tilespmem:s8+$0xFFFFFFF0];
	v10 =	vtrunc.f32 v10;
	v9 =	vcvt.f32.s32 v7  }
0x188: {  	s11 =	sadd.s32 $0x20, s11;
	v7 =	vld [tilespmem:s9+$0xFFFFFFF0];
	v10 =	vcvt.f32.s32 v10;
	v8 =	vmul.f32 v8, v11  }
0x189: {  	v11 =	vld [tilespmem:s7+$0xFFFFFFF0];
	_ =	sdelay $0x1  }
0x18a: {  	vm0 =	vlt.s32 v9, $0x1869F  }
0x18b: {  	v9 =	vnsel vm0, $0x1869F, v9;
	vm10 =	vlt.s32 v10, $0x1869F  }
0x18c: {  	v2 =	vsub.f32 v2, v5;
	v10 =	vnsel vm10, $0x1869F, v10;
	vm11 =	vgt.f32 v6, $5.000000000e-01  }
0x18d: {  	v5 =	vsel vm11, $0x3532F4FC, v1;
	vm12 =	vgt.f32 v7, $5.000000000e-01;
	v4 =	vsub.f32 v11, v4  }
0x18e: {  	v2 =	vmul.f32 v5, v2;
	v5 =	vsel vm12, $0x3532F4FC, v1  }
0x18f: {  	[tilespmem:v3+s2+$0x0] =	vst.idx.add.f32.msk $0xffff, v8;
	v3 =	vmul.f32 v5, v4  }
0x190: {  	[tilespmem:v9+s2+$0x0] =	vst.idx.add.f32.msk $0xffff, v2  }
0x191: {  	[tilespmem:v10+s2+$0x0] =	vst.idx.add.f32.msk $0xffff, v3  }
0x192: {  	s9 =	rddreg [dreg:$0x15]  }
0x193: {  	[tilespmem:s29], [sflag:$0x2] =	stream.linear.gather [hbm4b:s9+s2], $0xE00, $0x38;
	[tilespmem:$0x1F800] =	vst v63  }
0x194: {  	s10 =	rddreg [dreg:$0x16]  }
0x195: {  	[tilespmem:s30], [sflag:$0x2] =	stream.linear.gather [hbm4b:s10+s2], $0xE00, $0x38;
	[tilespmem:$0x1F800] =	vst v63  }
0x196: {  	s11 =	rddreg [dreg:$0x17]  }
0x197: {  	[tilespmem:s31], [sflag:$0x2] =	stream.linear.gather [hbm4b:s11+s2], $0xE00, $0x38;
	[tilespmem:$0x1F800] =	vst v63  }
0x198: {  	s8 =	rddreg [dreg:$0x18]  }
0x199: {  	[tilespmem:s0], [sflag:$0x2] =	stream.linear.gather [hbm4b:s8+s2], $0xE00, $0x38;
	[tilespmem:$0x1F800] =	vst v63  }
0x19a: {  	_ =	swait.ge [sflag:s1], $0xE00  }
0x19b: {  	[sflag:s1] =	ssyncset.done $0x0  }
0x19c: {  	[sflag:s1] =	ssyncadd.s32 $0xFFFFF200  }
0x19d: {  	_ =	swait.ge [sflag:s1], $0xE00  }
0x19e: {  	[sflag:s1] =	ssyncset.done $0x0  }
0x19f: {  	[sflag:s1] =	ssyncadd.s32 $0xFFFFF200  }
0x1a0: {  	_ =	swait.ge [sflag:s1], $0xE00  }
0x1a1: {  	[sflag:s1] =	ssyncset.done $0x0  }
0x1a2: {  	[sflag:s1] =	ssyncadd.s32 $0xFFFFF200  }
0x1a3: {  	_ =	swait.ge [sflag:s1], $0xE00  }
0x1a4: {  	[sflag:s1] =	ssyncset.done $0x0  }
0x1a5: {  	s9 =	simm.s32 $0x1B210;
	[sflag:s1] =	ssyncadd.s32 $0xFFFFF200  }
0x1a6: {  	v2 =	vld [tilespmem:s9+$0x0];
	_ =	sdelay $0x1  }
0x1a7: {  	s8 =	simm.s32 $0x18810;
	v3 =	vld [tilespmem:s9+$0xFFFFFFF0]  }
0x1a8: {  	s10 =	simm.s32 $0x19610;
	v4 =	vld [tilespmem:s8+$0x0]  }
0x1a9: {  	v5 =	vld [tilespmem:s10+$0x0]  }
0x1aa: {  	s9 =	simm.s32 $0x1A410;
	v7 =	vld [tilespmem:s10+$0xFFFFFFF0];
	v2 =	vmul.f32 $1.000000000e+05, v2  }
0x1ab: {  	s11 =	simm.s32 $0x1B230;
	v6 =	vld [tilespmem:s9+$0x0]  }
0x1ac: {  	v9 =	vld [tilespmem:s11+$0x0];
	v2 =	vtrunc.f32 v2  }
0x1ad: {  	v10 =	vld [tilespmem:s11+$0xFFFFFFF0];
	v2 =	vcvt.f32.s32 v2  }
0x1ae: {  	v12 =	vld [tilespmem:s8+$0xFFFFFFF0]  }
0x1af: {  	v8 =	vld [tilespmem:s9+$0xFFFFFFF0];
	v3 =	vmul.f32 $1.000000000e+05, v3;
	vm13 =	vlt.s32 v2, $0x1869F  }
0x1b0: {  	v4 =	vsub.f32 v4, v5;
	vm14 =	vgt.f32 v6, $5.000000000e-01;
	v11 =	vnsel vm13, $0x1869F, v2  }
0x1b1: {  	s8 =	simm.s32 $0x19630;
	v2 =	vtrunc.f32 v3;
	v3 =	vsel vm14, $0x3532F4FC, v1  }
0x1b2: {  	s9 =	simm.s32 $0x1A430;
	v5 =	vld [tilespmem:s8+$0x0];
	v13 =	vcvt.f32.s32 v2;
	v3 =	vmul.f32 v3, v4  }
0x1b3: {  	s7 =	simm.s32 $0x18830;
	v6 =	vld [tilespmem:s9+$0x0];
	v4 =	vmul.f32 $1.000000000e+05, v9;
	v9 =	vmul.f32 $1.000000000e+05, v10  }
0x1b4: {  	vm1 =	vgt.f32 v8, $5.000000000e-01;
	v8 =	vsub.f32 v12, v7;
	v2 =	vld [tilespmem:s7+$0x0]  }
0x1b5: {  	vm15 =	vlt.s32 v13, $0x1869F;
	v10 =	vtrunc.f32 v9;
	[tilespmem:v11+s2+$0x0] =	vst.idx.add.f32.msk $0xffff, v3;
	v3 =	vtrunc.f32 v4  }
0x1b6: {  	v7 =	vld [tilespmem:s9+$0xFFFFFFF0];
	v11 =	vsel vm1, $0x3532F4FC, v1;
	v9 =	vcvt.f32.s32 v3;
	v3 =	vnsel vm15, $0x1869F, v13  }
0x1b7: {  	s10 =	simm.s32 $0x20;
	s11 =	simm.s32 $0x1B250;
	v10 =	vcvt.f32.s32 v10;
	v4 =	vld [tilespmem:s8+$0xFFFFFFF0];
	v8 =	vmul.f32 v11, v8  }
.LBB2_12:
0x1b8: {  	v11 =	vld [tilespmem:s11+$0x0];
	s10 =	sadd.s32 $0x20, s10;
	vm0 =	vlt.s32 v9, $0x1869F  }
0x1b9: {  	v12 =	vld [tilespmem:s11+$0xFFFFFFF0];
	p1 =	slt.u32 s10, $0xDE0;
	vm1 =	vlt.s32 v10, $0x1869F;
	v9 =	vnsel vm0, $0x1869F, v9  }
0x1ba: {  	v5 =	vsub.f32 v2, v5;
	v13 =	vld [tilespmem:s7+$0xFFFFFFF0];
	v10 =	vnsel vm1, $0x1869F, v10;
	vm0 =	vgt.f32 v6, $5.000000000e-01  }
0x1bb: {  	s7 =	sadd.s32 $0x20, s7;
	v6 =	vsel vm0, $0x3532F4FC, v1;
	[tilespmem:v3+s2+$0x0] =	vst.idx.add.f32.msk $0xffff, v8;
	v3 =	vmov v10  }
0x1bc: {  	s8 =	sadd.s32 $0x20, s8;
	v2 =	vld [tilespmem:s7+$0x0];
	vm0 =	vgt.f32 v7, $5.000000000e-01;
	v6 =	vmul.f32 v6, v5  }
.Ltmp7:
0x1bd: {  	v5 =	vld [tilespmem:s8+$0x0];
	v7 =	vmul.f32 $1.000000000e+05, v11;
	v8 =	vsel vm0, $0x3532F4FC, v1;
	(pc) =	sbr.rel @p1 .LBB2_12-.Ltmp7, $4  }
0x1be: {  	s9 =	sadd.s32 $0x20, s9;
	v10 =	vmul.f32 $1.000000000e+05, v12;
	[tilespmem:v9+s2+$0x0] =	vst.idx.add.f32.msk $0xffff, v6  }
0x1bf: {  	v6 =	vld [tilespmem:s9+$0x0];
	v7 =	vtrunc.f32 v7;
	v11 =	vsub.f32 v13, v4  }
0x1c0: {  	v4 =	vld [tilespmem:s8+$0xFFFFFFF0];
	v10 =	vtrunc.f32 v10;
	v9 =	vcvt.f32.s32 v7  }
0x1c1: {  	s11 =	sadd.s32 $0x20, s11;
	v7 =	vld [tilespmem:s9+$0xFFFFFFF0];
	v10 =	vcvt.f32.s32 v10;
	v8 =	vmul.f32 v8, v11  }
0x1c2: {  	v11 =	vld [tilespmem:s7+$0xFFFFFFF0];
	_ =	sdelay $0x1  }
0x1c3: {  	vm0 =	vlt.s32 v9, $0x1869F  }
0x1c4: {  	v9 =	vnsel vm0, $0x1869F, v9;
	vm10 =	vlt.s32 v10, $0x1869F  }
0x1c5: {  	v2 =	vsub.f32 v2, v5;
	v10 =	vnsel vm10, $0x1869F, v10;
	vm11 =	vgt.f32 v6, $5.000000000e-01  }
0x1c6: {  	v5 =	vsel vm11, $0x3532F4FC, v1;
	vm12 =	vgt.f32 v7, $5.000000000e-01;
	v4 =	vsub.f32 v11, v4  }
0x1c7: {  	v2 =	vmul.f32 v5, v2;
	v5 =	vsel vm12, $0x3532F4FC, v1  }
0x1c8: {  	[tilespmem:v3+s2+$0x0] =	vst.idx.add.f32.msk $0xffff, v8;
	v3 =	vmul.f32 v5, v4  }
0x1c9: {  	[tilespmem:v9+s2+$0x0] =	vst.idx.add.f32.msk $0xffff, v2  }
0x1ca: {  	[tilespmem:v10+s2+$0x0] =	vst.idx.add.f32.msk $0xffff, v3  }
0x1cb: {  	s9 =	rddreg [dreg:$0x19]  }
0x1cc: {  	[tilespmem:s24], [sflag:$0x1] =	stream.linear.gather [hbm4b:s9+s2], $0xE00, $0x38;
	[tilespmem:$0x1F800] =	vst v63  }
0x1cd: {  	s10 =	rddreg [dreg:$0x1a]  }
0x1ce: {  	[tilespmem:s25], [sflag:$0x1] =	stream.linear.gather [hbm4b:s10+s2], $0xE00, $0x38;
	[tilespmem:$0x1F800] =	vst v63  }
0x1cf: {  	s11 =	rddreg [dreg:$0x1b]  }
0x1d0: {  	[tilespmem:s26], [sflag:$0x1] =	stream.linear.gather [hbm4b:s11+s2], $0xE00, $0x38;
	[tilespmem:$0x1F800] =	vst v63  }
0x1d1: {  	s8 =	rddreg [dreg:$0x1c]  }
0x1d2: {  	[tilespmem:s28], [sflag:$0x1] =	stream.linear.gather [hbm4b:s8+s2], $0xE00, $0x38;
	[tilespmem:$0x1F800] =	vst v63  }
0x1d3: {  	_ =	swait.ge [sflag:s3], $0xE00  }
0x1d4: {  	[sflag:s3] =	ssyncset.done $0x0  }
0x1d5: {  	[sflag:s3] =	ssyncadd.s32 $0xFFFFF200  }
0x1d6: {  	_ =	swait.ge [sflag:s3], $0xE00  }
0x1d7: {  	[sflag:s3] =	ssyncset.done $0x0  }
0x1d8: {  	[sflag:s3] =	ssyncadd.s32 $0xFFFFF200  }
0x1d9: {  	_ =	swait.ge [sflag:s3], $0xE00  }
0x1da: {  	[sflag:s3] =	ssyncset.done $0x0  }
0x1db: {  	[sflag:s3] =	ssyncadd.s32 $0xFFFFF200  }
0x1dc: {  	_ =	swait.ge [sflag:s3], $0xE00  }
0x1dd: {  	[sflag:s3] =	ssyncset.done $0x0  }
0x1de: {  	s9 =	simm.s32 $0x1EA10;
	[sflag:s3] =	ssyncadd.s32 $0xFFFFF200  }
0x1df: {  	v2 =	vld [tilespmem:s9+$0x0];
	_ =	sdelay $0x1  }
0x1e0: {  	s8 =	simm.s32 $0x1C010;
	v3 =	vld [tilespmem:s9+$0xFFFFFFF0]  }
0x1e1: {  	s10 =	simm.s32 $0x1CE10;
	v4 =	vld [tilespmem:s8+$0x0]  }
0x1e2: {  	v5 =	vld [tilespmem:s10+$0x0]  }
0x1e3: {  	s9 =	simm.s32 $0x1DC10;
	v7 =	vld [tilespmem:s10+$0xFFFFFFF0];
	v2 =	vmul.f32 $1.000000000e+05, v2  }
0x1e4: {  	s11 =	simm.s32 $0x1EA30;
	v6 =	vld [tilespmem:s9+$0x0]  }
0x1e5: {  	v9 =	vld [tilespmem:s11+$0x0];
	v2 =	vtrunc.f32 v2  }
0x1e6: {  	v10 =	vld [tilespmem:s11+$0xFFFFFFF0];
	v2 =	vcvt.f32.s32 v2  }
0x1e7: {  	v12 =	vld [tilespmem:s8+$0xFFFFFFF0]  }
0x1e8: {  	v8 =	vld [tilespmem:s9+$0xFFFFFFF0];
	v3 =	vmul.f32 $1.000000000e+05, v3;
	vm13 =	vlt.s32 v2, $0x1869F  }
0x1e9: {  	v4 =	vsub.f32 v4, v5;
	vm14 =	vgt.f32 v6, $5.000000000e-01;
	v11 =	vnsel vm13, $0x1869F, v2  }
0x1ea: {  	s8 =	simm.s32 $0x1CE30;
	v2 =	vtrunc.f32 v3;
	v3 =	vsel vm14, $0x3532F4FC, v1  }
0x1eb: {  	s9 =	simm.s32 $0x1DC30;
	v5 =	vld [tilespmem:s8+$0x0];
	v13 =	vcvt.f32.s32 v2;
	v3 =	vmul.f32 v3, v4  }
0x1ec: {  	s7 =	simm.s32 $0x1C030;
	v6 =	vld [tilespmem:s9+$0x0];
	v4 =	vmul.f32 $1.000000000e+05, v9;
	v9 =	vmul.f32 $1.000000000e+05, v10  }
0x1ed: {  	vm1 =	vgt.f32 v8, $5.000000000e-01;
	v8 =	vsub.f32 v12, v7;
	v2 =	vld [tilespmem:s7+$0x0]  }
0x1ee: {  	vm15 =	vlt.s32 v13, $0x1869F;
	v10 =	vtrunc.f32 v9;
	[tilespmem:v11+s2+$0x0] =	vst.idx.add.f32.msk $0xffff, v3;
	v3 =	vtrunc.f32 v4  }
0x1ef: {  	v7 =	vld [tilespmem:s9+$0xFFFFFFF0];
	v11 =	vsel vm1, $0x3532F4FC, v1;
	v9 =	vcvt.f32.s32 v3;
	v3 =	vnsel vm15, $0x1869F, v13  }
0x1f0: {  	s10 =	simm.s32 $0x20;
	s11 =	simm.s32 $0x1EA50;
	v10 =	vcvt.f32.s32 v10;
	v4 =	vld [tilespmem:s8+$0xFFFFFFF0];
	v8 =	vmul.f32 v11, v8  }
.LBB2_14:
0x1f1: {  	v11 =	vld [tilespmem:s11+$0x0];
	s10 =	sadd.s32 $0x20, s10;
	vm0 =	vlt.s32 v9, $0x1869F  }
0x1f2: {  	v12 =	vld [tilespmem:s11+$0xFFFFFFF0];
	p1 =	slt.u32 s10, $0xDE0;
	vm1 =	vlt.s32 v10, $0x1869F;
	v9 =	vnsel vm0, $0x1869F, v9  }
0x1f3: {  	v5 =	vsub.f32 v2, v5;
	v13 =	vld [tilespmem:s7+$0xFFFFFFF0];
	v10 =	vnsel vm1, $0x1869F, v10;
	vm0 =	vgt.f32 v6, $5.000000000e-01  }
0x1f4: {  	s7 =	sadd.s32 $0x20, s7;
	v6 =	vsel vm0, $0x3532F4FC, v1;
	[tilespmem:v3+s2+$0x0] =	vst.idx.add.f32.msk $0xffff, v8;
	v3 =	vmov v10  }
0x1f5: {  	s8 =	sadd.s32 $0x20, s8;
	v2 =	vld [tilespmem:s7+$0x0];
	vm0 =	vgt.f32 v7, $5.000000000e-01;
	v6 =	vmul.f32 v6, v5  }
.Ltmp8:
0x1f6: {  	v5 =	vld [tilespmem:s8+$0x0];
	v7 =	vmul.f32 $1.000000000e+05, v11;
	v8 =	vsel vm0, $0x3532F4FC, v1;
	(pc) =	sbr.rel @p1 .LBB2_14-.Ltmp8, $4  }
0x1f7: {  	s9 =	sadd.s32 $0x20, s9;
	v10 =	vmul.f32 $1.000000000e+05, v12;
	[tilespmem:v9+s2+$0x0] =	vst.idx.add.f32.msk $0xffff, v6  }
0x1f8: {  	v6 =	vld [tilespmem:s9+$0x0];
	v7 =	vtrunc.f32 v7;
	v11 =	vsub.f32 v13, v4  }
0x1f9: {  	v4 =	vld [tilespmem:s8+$0xFFFFFFF0];
	v10 =	vtrunc.f32 v10;
	v9 =	vcvt.f32.s32 v7  }
0x1fa: {  	s11 =	sadd.s32 $0x20, s11;
	v7 =	vld [tilespmem:s9+$0xFFFFFFF0];
	v10 =	vcvt.f32.s32 v10;
	v8 =	vmul.f32 v8, v11  }
0x1fb: {  	v11 =	vld [tilespmem:s7+$0xFFFFFFF0];
	_ =	sdelay $0x1  }
0x1fc: {  	vm0 =	vlt.s32 v9, $0x1869F  }
0x1fd: {  	v9 =	vnsel vm0, $0x1869F, v9;
	vm10 =	vlt.s32 v10, $0x1869F  }
0x1fe: {  	v2 =	vsub.f32 v2, v5;
	v10 =	vnsel vm10, $0x1869F, v10;
	vm11 =	vgt.f32 v6, $5.000000000e-01  }
0x1ff: {  	v5 =	vsel vm11, $0x3532F4FC, v1;
	vm12 =	vgt.f32 v7, $5.000000000e-01;
	v4 =	vsub.f32 v11, v4  }
0x200: {  	v2 =	vmul.f32 v5, v2;
	v5 =	vsel vm12, $0x3532F4FC, v1  }
0x201: {  	[tilespmem:v3+s2+$0x0] =	vst.idx.add.f32.msk $0xffff, v8;
	v3 =	vmul.f32 v5, v4  }
0x202: {  	[tilespmem:v9+s2+$0x0] =	vst.idx.add.f32.msk $0xffff, v2  }
0x203: {  	[tilespmem:v10+s2+$0x0] =	vst.idx.add.f32.msk $0xffff, v3  }
0x204: {  	s9 =	rddreg [dreg:$0x1d]  }
0x205: {  	s10 =	rddreg [dreg:$0x1e]  }
0x206: {  	[tilespmem:s29], [sflag:$0x2] =	stream.linear.gather [hbm4b:s9+s2], $0xE00, $0x38;
	[tilespmem:$0x1F800] =	vst v63  }
0x207: {  	s11 =	rddreg [dreg:$0x1f]  }
0x208: {  	[tilespmem:s30], [sflag:$0x2] =	stream.linear.gather [hbm4b:s10+s2], $0xE00, $0x38;
	[tilespmem:$0x1F800] =	vst v63  }
0x209: {  	s8 =	sld [smem:$0x7D0]  }
0x20a: {  	[tilespmem:s31], [sflag:$0x2] =	stream.linear.gather [hbm4b:s11+s2], $0xE00, $0x38;
	[tilespmem:$0x1F800] =	vst v63  }
0x20b: {  	_ = 	snop  }
0x20c: {  	[tilespmem:s0], [sflag:$0x2] =	stream.linear.gather [hbm4b:s8+s2], $0xE00, $0x38;
	[tilespmem:$0x1F800] =	vst v63  }
0x20d: {  	_ =	swait.ge [sflag:s1], $0xE00  }
0x20e: {  	[sflag:s1] =	ssyncset.done $0x0  }
0x20f: {  	[sflag:s1] =	ssyncadd.s32 $0xFFFFF200  }
0x210: {  	_ =	swait.ge [sflag:s1], $0xE00  }
0x211: {  	[sflag:s1] =	ssyncset.done $0x0  }
0x212: {  	[sflag:s1] =	ssyncadd.s32 $0xFFFFF200  }
0x213: {  	_ =	swait.ge [sflag:s1], $0xE00  }
0x214: {  	[sflag:s1] =	ssyncset.done $0x0  }
0x215: {  	[sflag:s1] =	ssyncadd.s32 $0xFFFFF200  }
0x216: {  	_ =	swait.ge [sflag:s1], $0xE00  }
0x217: {  	[sflag:s1] =	ssyncset.done $0x0  }
0x218: {  	s9 =	simm.s32 $0x1B210;
	[sflag:s1] =	ssyncadd.s32 $0xFFFFF200  }
0x219: {  	v2 =	vld [tilespmem:s9+$0x0];
	_ =	sdelay $0x1  }
0x21a: {  	s8 =	simm.s32 $0x18810;
	v3 =	vld [tilespmem:s9+$0xFFFFFFF0]  }
0x21b: {  	s10 =	simm.s32 $0x19610;
	v4 =	vld [tilespmem:s8+$0x0]  }
0x21c: {  	v5 =	vld [tilespmem:s10+$0x0]  }
0x21d: {  	s9 =	simm.s32 $0x1A410;
	v7 =	vld [tilespmem:s10+$0xFFFFFFF0];
	v2 =	vmul.f32 $1.000000000e+05, v2  }
0x21e: {  	s11 =	simm.s32 $0x1B230;
	v6 =	vld [tilespmem:s9+$0x0]  }
0x21f: {  	v9 =	vld [tilespmem:s11+$0x0];
	v2 =	vtrunc.f32 v2  }
0x220: {  	v10 =	vld [tilespmem:s11+$0xFFFFFFF0];
	v2 =	vcvt.f32.s32 v2  }
0x221: {  	v12 =	vld [tilespmem:s8+$0xFFFFFFF0]  }
0x222: {  	v8 =	vld [tilespmem:s9+$0xFFFFFFF0];
	v3 =	vmul.f32 $1.000000000e+05, v3;
	vm13 =	vlt.s32 v2, $0x1869F  }
0x223: {  	v4 =	vsub.f32 v4, v5;
	vm14 =	vgt.f32 v6, $5.000000000e-01;
	v11 =	vnsel vm13, $0x1869F, v2  }
0x224: {  	s8 =	simm.s32 $0x19630;
	v2 =	vtrunc.f32 v3;
	v3 =	vsel vm14, $0x3532F4FC, v1  }
0x225: {  	s9 =	simm.s32 $0x1A430;
	v5 =	vld [tilespmem:s8+$0x0];
	v13 =	vcvt.f32.s32 v2;
	v3 =	vmul.f32 v3, v4  }
0x226: {  	s7 =	simm.s32 $0x18830;
	v6 =	vld [tilespmem:s9+$0x0];
	v4 =	vmul.f32 $1.000000000e+05, v9;
	v9 =	vmul.f32 $1.000000000e+05, v10  }
0x227: {  	vm1 =	vgt.f32 v8, $5.000000000e-01;
	v8 =	vsub.f32 v12, v7;
	v2 =	vld [tilespmem:s7+$0x0]  }
0x228: {  	vm15 =	vlt.s32 v13, $0x1869F;
	v10 =	vtrunc.f32 v9;
	[tilespmem:v11+s2+$0x0] =	vst.idx.add.f32.msk $0xffff, v3;
	v3 =	vtrunc.f32 v4  }
0x229: {  	v7 =	vld [tilespmem:s9+$0xFFFFFFF0];
	v11 =	vsel vm1, $0x3532F4FC, v1;
	v9 =	vcvt.f32.s32 v3;
	v3 =	vnsel vm15, $0x1869F, v13  }
0x22a: {  	s10 =	simm.s32 $0x20;
	s11 =	simm.s32 $0x1B250;
	v10 =	vcvt.f32.s32 v10;
	v4 =	vld [tilespmem:s8+$0xFFFFFFF0];
	v8 =	vmul.f32 v11, v8  }
.LBB2_16:
0x22b: {  	v11 =	vld [tilespmem:s11+$0x0];
	s10 =	sadd.s32 $0x20, s10;
	vm0 =	vlt.s32 v9, $0x1869F  }
0x22c: {  	v12 =	vld [tilespmem:s11+$0xFFFFFFF0];
	p1 =	slt.u32 s10, $0xDE0;
	vm1 =	vlt.s32 v10, $0x1869F;
	v9 =	vnsel vm0, $0x1869F, v9  }
0x22d: {  	v5 =	vsub.f32 v2, v5;
	v13 =	vld [tilespmem:s7+$0xFFFFFFF0];
	v10 =	vnsel vm1, $0x1869F, v10;
	vm0 =	vgt.f32 v6, $5.000000000e-01  }
0x22e: {  	s7 =	sadd.s32 $0x20, s7;
	v6 =	vsel vm0, $0x3532F4FC, v1;
	[tilespmem:v3+s2+$0x0] =	vst.idx.add.f32.msk $0xffff, v8;
	v3 =	vmov v10  }
0x22f: {  	s8 =	sadd.s32 $0x20, s8;
	v2 =	vld [tilespmem:s7+$0x0];
	vm0 =	vgt.f32 v7, $5.000000000e-01;
	v6 =	vmul.f32 v6, v5  }
.Ltmp9:
0x230: {  	v5 =	vld [tilespmem:s8+$0x0];
	v7 =	vmul.f32 $1.000000000e+05, v11;
	v8 =	vsel vm0, $0x3532F4FC, v1;
	(pc) =	sbr.rel @p1 .LBB2_16-.Ltmp9, $4  }
0x231: {  	s9 =	sadd.s32 $0x20, s9;
	v10 =	vmul.f32 $1.000000000e+05, v12;
	[tilespmem:v9+s2+$0x0] =	vst.idx.add.f32.msk $0xffff, v6  }
0x232: {  	v6 =	vld [tilespmem:s9+$0x0];
	v7 =	vtrunc.f32 v7;
	v11 =	vsub.f32 v13, v4  }
0x233: {  	v4 =	vld [tilespmem:s8+$0xFFFFFFF0];
	v10 =	vtrunc.f32 v10;
	v9 =	vcvt.f32.s32 v7  }
0x234: {  	s11 =	sadd.s32 $0x20, s11;
	v7 =	vld [tilespmem:s9+$0xFFFFFFF0];
	v10 =	vcvt.f32.s32 v10;
	v8 =	vmul.f32 v8, v11  }
0x235: {  	v11 =	vld [tilespmem:s7+$0xFFFFFFF0];
	_ =	sdelay $0x1  }
0x236: {  	vm0 =	vlt.s32 v9, $0x1869F  }
0x237: {  	v9 =	vnsel vm0, $0x1869F, v9;
	vm10 =	vlt.s32 v10, $0x1869F  }
0x238: {  	v2 =	vsub.f32 v2, v5;
	v10 =	vnsel vm10, $0x1869F, v10;
	vm11 =	vgt.f32 v6, $5.000000000e-01  }
0x239: {  	v5 =	vsel vm11, $0x3532F4FC, v1;
	vm12 =	vgt.f32 v7, $5.000000000e-01;
	v4 =	vsub.f32 v11, v4  }
0x23a: {  	v2 =	vmul.f32 v5, v2;
	v5 =	vsel vm12, $0x3532F4FC, v1  }
0x23b: {  	[tilespmem:v3+s2+$0x0] =	vst.idx.add.f32.msk $0xffff, v8;
	v3 =	vmul.f32 v5, v4  }
0x23c: {  	[tilespmem:v9+s2+$0x0] =	vst.idx.add.f32.msk $0xffff, v2  }
0x23d: {  	[tilespmem:v10+s2+$0x0] =	vst.idx.add.f32.msk $0xffff, v3  }
0x23e: {  	s9 =	sld [smem:$0x7D1];
	_ =	sdelay $0x1  }
0x23f: {  	s10 =	sld [smem:$0x7D2]  }
0x240: {  	[tilespmem:s24], [sflag:$0x1] =	stream.linear.gather [hbm4b:s9+s2], $0xE00, $0x38;
	[tilespmem:$0x1F800] =	vst v63  }
0x241: {  	s11 =	sld [smem:$0x7D3]  }
0x242: {  	[tilespmem:s25], [sflag:$0x1] =	stream.linear.gather [hbm4b:s10+s2], $0xE00, $0x38;
	[tilespmem:$0x1F800] =	vst v63  }
0x243: {  	s8 =	sld [smem:$0x7D4]  }
0x244: {  	[tilespmem:s26], [sflag:$0x1] =	stream.linear.gather [hbm4b:s11+s2], $0xE00, $0x38;
	[tilespmem:$0x1F800] =	vst v63  }
0x245: {  	_ = 	snop  }
0x246: {  	[tilespmem:s28], [sflag:$0x1] =	stream.linear.gather [hbm4b:s8+s2], $0xE00, $0x38;
	[tilespmem:$0x1F800] =	vst v63  }
0x247: {  	_ =	swait.ge [sflag:s3], $0xE00  }
0x248: {  	[sflag:s3] =	ssyncset.done $0x0  }
0x249: {  	[sflag:s3] =	ssyncadd.s32 $0xFFFFF200  }
0x24a: {  	_ =	swait.ge [sflag:s3], $0xE00  }
0x24b: {  	[sflag:s3] =	ssyncset.done $0x0  }
0x24c: {  	[sflag:s3] =	ssyncadd.s32 $0xFFFFF200  }
0x24d: {  	_ =	swait.ge [sflag:s3], $0xE00  }
0x24e: {  	[sflag:s3] =	ssyncset.done $0x0  }
0x24f: {  	[sflag:s3] =	ssyncadd.s32 $0xFFFFF200  }
0x250: {  	_ =	swait.ge [sflag:s3], $0xE00  }
0x251: {  	[sflag:s3] =	ssyncset.done $0x0  }
0x252: {  	s9 =	simm.s32 $0x1EA10;
	[sflag:s3] =	ssyncadd.s32 $0xFFFFF200  }
0x253: {  	v2 =	vld [tilespmem:s9+$0x0];
	_ =	sdelay $0x1  }
0x254: {  	s8 =	simm.s32 $0x1C010;
	v3 =	vld [tilespmem:s9+$0xFFFFFFF0]  }
0x255: {  	s10 =	simm.s32 $0x1CE10;
	v4 =	vld [tilespmem:s8+$0x0]  }
0x256: {  	v5 =	vld [tilespmem:s10+$0x0]  }
0x257: {  	s9 =	simm.s32 $0x1DC10;
	v7 =	vld [tilespmem:s10+$0xFFFFFFF0];
	v2 =	vmul.f32 $1.000000000e+05, v2  }
0x258: {  	s11 =	simm.s32 $0x1EA30;
	v6 =	vld [tilespmem:s9+$0x0]  }
0x259: {  	v9 =	vld [tilespmem:s11+$0x0];
	v2 =	vtrunc.f32 v2  }
0x25a: {  	v10 =	vld [tilespmem:s11+$0xFFFFFFF0];
	v2 =	vcvt.f32.s32 v2  }
0x25b: {  	v12 =	vld [tilespmem:s8+$0xFFFFFFF0]  }
0x25c: {  	v8 =	vld [tilespmem:s9+$0xFFFFFFF0];
	v3 =	vmul.f32 $1.000000000e+05, v3;
	vm13 =	vlt.s32 v2, $0x1869F  }
0x25d: {  	v4 =	vsub.f32 v4, v5;
	vm14 =	vgt.f32 v6, $5.000000000e-01;
	v11 =	vnsel vm13, $0x1869F, v2  }
0x25e: {  	s8 =	simm.s32 $0x1CE30;
	v2 =	vtrunc.f32 v3;
	v3 =	vsel vm14, $0x3532F4FC, v1  }
0x25f: {  	s9 =	simm.s32 $0x1DC30;
	v5 =	vld [tilespmem:s8+$0x0];
	v13 =	vcvt.f32.s32 v2;
	v3 =	vmul.f32 v3, v4  }
0x260: {  	s7 =	simm.s32 $0x1C030;
	v6 =	vld [tilespmem:s9+$0x0];
	v4 =	vmul.f32 $1.000000000e+05, v9;
	v9 =	vmul.f32 $1.000000000e+05, v10  }
0x261: {  	vm1 =	vgt.f32 v8, $5.000000000e-01;
	v8 =	vsub.f32 v12, v7;
	v2 =	vld [tilespmem:s7+$0x0]  }
0x262: {  	vm15 =	vlt.s32 v13, $0x1869F;
	v10 =	vtrunc.f32 v9;
	[tilespmem:v11+s2+$0x0] =	vst.idx.add.f32.msk $0xffff, v3;
	v3 =	vtrunc.f32 v4  }
0x263: {  	v7 =	vld [tilespmem:s9+$0xFFFFFFF0];
	v11 =	vsel vm1, $0x3532F4FC, v1;
	v9 =	vcvt.f32.s32 v3;
	v3 =	vnsel vm15, $0x1869F, v13  }
0x264: {  	s10 =	simm.s32 $0x20;
	s11 =	simm.s32 $0x1EA50;
	v10 =	vcvt.f32.s32 v10;
	v4 =	vld [tilespmem:s8+$0xFFFFFFF0];
	v8 =	vmul.f32 v11, v8  }
.LBB2_18:
0x265: {  	v11 =	vld [tilespmem:s11+$0x0];
	s10 =	sadd.s32 $0x20, s10;
	vm0 =	vlt.s32 v9, $0x1869F  }
0x266: {  	v12 =	vld [tilespmem:s11+$0xFFFFFFF0];
	p1 =	slt.u32 s10, $0xDE0;
	vm1 =	vlt.s32 v10, $0x1869F;
	v9 =	vnsel vm0, $0x1869F, v9  }
0x267: {  	v5 =	vsub.f32 v2, v5;
	v13 =	vld [tilespmem:s7+$0xFFFFFFF0];
	v10 =	vnsel vm1, $0x1869F, v10;
	vm0 =	vgt.f32 v6, $5.000000000e-01  }
0x268: {  	s7 =	sadd.s32 $0x20, s7;
	v6 =	vsel vm0, $0x3532F4FC, v1;
	[tilespmem:v3+s2+$0x0] =	vst.idx.add.f32.msk $0xffff, v8;
	v3 =	vmov v10  }
0x269: {  	s8 =	sadd.s32 $0x20, s8;
	v2 =	vld [tilespmem:s7+$0x0];
	vm0 =	vgt.f32 v7, $5.000000000e-01;
	v6 =	vmul.f32 v6, v5  }
.Ltmp10:
0x26a: {  	v5 =	vld [tilespmem:s8+$0x0];
	v7 =	vmul.f32 $1.000000000e+05, v11;
	v8 =	vsel vm0, $0x3532F4FC, v1;
	(pc) =	sbr.rel @p1 .LBB2_18-.Ltmp10, $4  }
0x26b: {  	s9 =	sadd.s32 $0x20, s9;
	v10 =	vmul.f32 $1.000000000e+05, v12;
	[tilespmem:v9+s2+$0x0] =	vst.idx.add.f32.msk $0xffff, v6  }
0x26c: {  	v6 =	vld [tilespmem:s9+$0x0];
	v7 =	vtrunc.f32 v7;
	v11 =	vsub.f32 v13, v4  }
0x26d: {  	v4 =	vld [tilespmem:s8+$0xFFFFFFF0];
	v10 =	vtrunc.f32 v10;
	v9 =	vcvt.f32.s32 v7  }
0x26e: {  	s11 =	sadd.s32 $0x20, s11;
	v7 =	vld [tilespmem:s9+$0xFFFFFFF0];
	v10 =	vcvt.f32.s32 v10;
	v8 =	vmul.f32 v8, v11  }
0x26f: {  	v11 =	vld [tilespmem:s7+$0xFFFFFFF0];
	_ =	sdelay $0x1  }
0x270: {  	vm0 =	vlt.s32 v9, $0x1869F  }
0x271: {  	v9 =	vnsel vm0, $0x1869F, v9;
	vm10 =	vlt.s32 v10, $0x1869F  }
0x272: {  	v2 =	vsub.f32 v2, v5;
	v10 =	vnsel vm10, $0x1869F, v10;
	vm11 =	vgt.f32 v6, $5.000000000e-01  }
0x273: {  	v5 =	vsel vm11, $0x3532F4FC, v1;
	vm12 =	vgt.f32 v7, $5.000000000e-01;
	v4 =	vsub.f32 v11, v4  }
0x274: {  	v2 =	vmul.f32 v5, v2;
	v5 =	vsel vm12, $0x3532F4FC, v1  }
0x275: {  	[tilespmem:v3+s2+$0x0] =	vst.idx.add.f32.msk $0xffff, v8;
	v3 =	vmul.f32 v5, v4  }
0x276: {  	[tilespmem:v9+s2+$0x0] =	vst.idx.add.f32.msk $0xffff, v2  }
0x277: {  	[tilespmem:v10+s2+$0x0] =	vst.idx.add.f32.msk $0xffff, v3  }
0x278: {  	s9 =	sld [smem:$0x7D5];
	_ =	sdelay $0x1  }
0x279: {  	s10 =	sld [smem:$0x7D6]  }
0x27a: {  	[tilespmem:s29], [sflag:$0x2] =	stream.linear.gather [hbm4b:s9+s2], $0xE00, $0x38;
	[tilespmem:$0x1F800] =	vst v63  }
0x27b: {  	s11 =	sld [smem:$0x7D7]  }
0x27c: {  	[tilespmem:s30], [sflag:$0x2] =	stream.linear.gather [hbm4b:s10+s2], $0xE00, $0x38;
	[tilespmem:$0x1F800] =	vst v63  }
0x27d: {  	s8 =	sld [smem:$0x7D8]  }
0x27e: {  	[tilespmem:s31], [sflag:$0x2] =	stream.linear.gather [hbm4b:s11+s2], $0xE00, $0x38;
	[tilespmem:$0x1F800] =	vst v63  }
0x27f: {  	_ = 	snop  }
0x280: {  	[tilespmem:s0], [sflag:$0x2] =	stream.linear.gather [hbm4b:s8+s2], $0xE00, $0x38;
	[tilespmem:$0x1F800] =	vst v63  }
0x281: {  	_ =	swait.ge [sflag:s1], $0xE00  }
0x282: {  	[sflag:s1] =	ssyncset.done $0x0  }
0x283: {  	[sflag:s1] =	ssyncadd.s32 $0xFFFFF200  }
0x284: {  	_ =	swait.ge [sflag:s1], $0xE00  }
0x285: {  	[sflag:s1] =	ssyncset.done $0x0  }
0x286: {  	[sflag:s1] =	ssyncadd.s32 $0xFFFFF200  }
0x287: {  	_ =	swait.ge [sflag:s1], $0xE00  }
0x288: {  	[sflag:s1] =	ssyncset.done $0x0  }
0x289: {  	[sflag:s1] =	ssyncadd.s32 $0xFFFFF200  }
0x28a: {  	_ =	swait.ge [sflag:s1], $0xE00  }
0x28b: {  	[sflag:s1] =	ssyncset.done $0x0  }
0x28c: {  	s9 =	simm.s32 $0x1B210;
	[sflag:s1] =	ssyncadd.s32 $0xFFFFF200  }
0x28d: {  	v2 =	vld [tilespmem:s9+$0x0];
	_ =	sdelay $0x1  }
0x28e: {  	s8 =	simm.s32 $0x18810;
	v3 =	vld [tilespmem:s9+$0xFFFFFFF0]  }
0x28f: {  	s10 =	simm.s32 $0x19610;
	v4 =	vld [tilespmem:s8+$0x0]  }
0x290: {  	v5 =	vld [tilespmem:s10+$0x0]  }
0x291: {  	s9 =	simm.s32 $0x1A410;
	v7 =	vld [tilespmem:s10+$0xFFFFFFF0];
	v2 =	vmul.f32 $1.000000000e+05, v2  }
0x292: {  	s11 =	simm.s32 $0x1B230;
	v6 =	vld [tilespmem:s9+$0x0]  }
0x293: {  	v9 =	vld [tilespmem:s11+$0x0];
	v2 =	vtrunc.f32 v2  }
0x294: {  	v10 =	vld [tilespmem:s11+$0xFFFFFFF0];
	v2 =	vcvt.f32.s32 v2  }
0x295: {  	v12 =	vld [tilespmem:s8+$0xFFFFFFF0]  }
0x296: {  	v8 =	vld [tilespmem:s9+$0xFFFFFFF0];
	v3 =	vmul.f32 $1.000000000e+05, v3;
	vm13 =	vlt.s32 v2, $0x1869F  }
0x297: {  	v4 =	vsub.f32 v4, v5;
	vm14 =	vgt.f32 v6, $5.000000000e-01;
	v11 =	vnsel vm13, $0x1869F, v2  }
0x298: {  	s8 =	simm.s32 $0x19630;
	v2 =	vtrunc.f32 v3;
	v3 =	vsel vm14, $0x3532F4FC, v1  }
0x299: {  	s9 =	simm.s32 $0x1A430;
	v5 =	vld [tilespmem:s8+$0x0];
	v13 =	vcvt.f32.s32 v2;
	v3 =	vmul.f32 v3, v4  }
0x29a: {  	s7 =	simm.s32 $0x18830;
	v6 =	vld [tilespmem:s9+$0x0];
	v4 =	vmul.f32 $1.000000000e+05, v9;
	v9 =	vmul.f32 $1.000000000e+05, v10  }
0x29b: {  	vm1 =	vgt.f32 v8, $5.000000000e-01;
	v8 =	vsub.f32 v12, v7;
	v2 =	vld [tilespmem:s7+$0x0]  }
0x29c: {  	vm15 =	vlt.s32 v13, $0x1869F;
	v10 =	vtrunc.f32 v9;
	[tilespmem:v11+s2+$0x0] =	vst.idx.add.f32.msk $0xffff, v3;
	v3 =	vtrunc.f32 v4  }
0x29d: {  	v7 =	vld [tilespmem:s9+$0xFFFFFFF0];
	v11 =	vsel vm1, $0x3532F4FC, v1;
	v9 =	vcvt.f32.s32 v3;
	v3 =	vnsel vm15, $0x1869F, v13  }
0x29e: {  	s10 =	simm.s32 $0x20;
	s11 =	simm.s32 $0x1B250;
	v10 =	vcvt.f32.s32 v10;
	v4 =	vld [tilespmem:s8+$0xFFFFFFF0];
	v8 =	vmul.f32 v11, v8  }
.LBB2_20:
0x29f: {  	v11 =	vld [tilespmem:s11+$0x0];
	s10 =	sadd.s32 $0x20, s10;
	vm0 =	vlt.s32 v9, $0x1869F  }
0x2a0: {  	v12 =	vld [tilespmem:s11+$0xFFFFFFF0];
	p1 =	slt.u32 s10, $0xDE0;
	vm1 =	vlt.s32 v10, $0x1869F;
	v9 =	vnsel vm0, $0x1869F, v9  }
0x2a1: {  	v5 =	vsub.f32 v2, v5;
	v13 =	vld [tilespmem:s7+$0xFFFFFFF0];
	v10 =	vnsel vm1, $0x1869F, v10;
	vm0 =	vgt.f32 v6, $5.000000000e-01  }
0x2a2: {  	s7 =	sadd.s32 $0x20, s7;
	v6 =	vsel vm0, $0x3532F4FC, v1;
	[tilespmem:v3+s2+$0x0] =	vst.idx.add.f32.msk $0xffff, v8;
	v3 =	vmov v10  }
0x2a3: {  	s8 =	sadd.s32 $0x20, s8;
	v2 =	vld [tilespmem:s7+$0x0];
	vm0 =	vgt.f32 v7, $5.000000000e-01;
	v6 =	vmul.f32 v6, v5  }
.Ltmp11:
0x2a4: {  	v5 =	vld [tilespmem:s8+$0x0];
	v7 =	vmul.f32 $1.000000000e+05, v11;
	v8 =	vsel vm0, $0x3532F4FC, v1;
	(pc) =	sbr.rel @p1 .LBB2_20-.Ltmp11, $4  }
0x2a5: {  	s9 =	sadd.s32 $0x20, s9;
	v10 =	vmul.f32 $1.000000000e+05, v12;
	[tilespmem:v9+s2+$0x0] =	vst.idx.add.f32.msk $0xffff, v6  }
0x2a6: {  	v6 =	vld [tilespmem:s9+$0x0];
	v7 =	vtrunc.f32 v7;
	v11 =	vsub.f32 v13, v4  }
0x2a7: {  	v4 =	vld [tilespmem:s8+$0xFFFFFFF0];
	v10 =	vtrunc.f32 v10;
	v9 =	vcvt.f32.s32 v7  }
0x2a8: {  	s11 =	sadd.s32 $0x20, s11;
	v7 =	vld [tilespmem:s9+$0xFFFFFFF0];
	v10 =	vcvt.f32.s32 v10;
	v8 =	vmul.f32 v8, v11  }
0x2a9: {  	v11 =	vld [tilespmem:s7+$0xFFFFFFF0];
	_ =	sdelay $0x1  }
0x2aa: {  	vm0 =	vlt.s32 v9, $0x1869F  }
0x2ab: {  	v9 =	vnsel vm0, $0x1869F, v9;
	vm10 =	vlt.s32 v10, $0x1869F  }
0x2ac: {  	v2 =	vsub.f32 v2, v5;
	v10 =	vnsel vm10, $0x1869F, v10;
	vm11 =	vgt.f32 v6, $5.000000000e-01  }
0x2ad: {  	v5 =	vsel vm11, $0x3532F4FC, v1;
	vm12 =	vgt.f32 v7, $5.000000000e-01;
	v4 =	vsub.f32 v11, v4  }
0x2ae: {  	v2 =	vmul.f32 v5, v2;
	v5 =	vsel vm12, $0x3532F4FC, v1  }
0x2af: {  	[tilespmem:v3+s2+$0x0] =	vst.idx.add.f32.msk $0xffff, v8;
	v3 =	vmul.f32 v5, v4  }
0x2b0: {  	[tilespmem:v9+s2+$0x0] =	vst.idx.add.f32.msk $0xffff, v2  }
0x2b1: {  	[tilespmem:v10+s2+$0x0] =	vst.idx.add.f32.msk $0xffff, v3  }
0x2b2: {  	s9 =	sld [smem:$0x7D9];
	_ =	sdelay $0x1  }
0x2b3: {  	s10 =	sld [smem:$0x7DA]  }
0x2b4: {  	[tilespmem:s24], [sflag:$0x1] =	stream.linear.gather [hbm4b:s9+s2], $0xE00, $0x38;
	[tilespmem:$0x1F800] =	vst v63  }
0x2b5: {  	s11 =	sld [smem:$0x7DB]  }
0x2b6: {  	[tilespmem:s25], [sflag:$0x1] =	stream.linear.gather [hbm4b:s10+s2], $0xE00, $0x38;
	[tilespmem:$0x1F800] =	vst v63  }
0x2b7: {  	s8 =	sld [smem:$0x7DC]  }
0x2b8: {  	[tilespmem:s26], [sflag:$0x1] =	stream.linear.gather [hbm4b:s11+s2], $0xE00, $0x38;
	[tilespmem:$0x1F800] =	vst v63  }
0x2b9: {  	_ = 	snop  }
0x2ba: {  	[tilespmem:s28], [sflag:$0x1] =	stream.linear.gather [hbm4b:s8+s2], $0xE00, $0x38;
	[tilespmem:$0x1F800] =	vst v63  }
0x2bb: {  	_ =	swait.ge [sflag:s3], $0xE00  }
0x2bc: {  	[sflag:s3] =	ssyncset.done $0x0  }
0x2bd: {  	[sflag:s3] =	ssyncadd.s32 $0xFFFFF200  }
0x2be: {  	_ =	swait.ge [sflag:s3], $0xE00  }
0x2bf: {  	[sflag:s3] =	ssyncset.done $0x0  }
0x2c0: {  	[sflag:s3] =	ssyncadd.s32 $0xFFFFF200  }
0x2c1: {  	_ =	swait.ge [sflag:s3], $0xE00  }
0x2c2: {  	[sflag:s3] =	ssyncset.done $0x0  }
0x2c3: {  	[sflag:s3] =	ssyncadd.s32 $0xFFFFF200  }
0x2c4: {  	_ =	swait.ge [sflag:s3], $0xE00  }
0x2c5: {  	[sflag:s3] =	ssyncset.done $0x0  }
0x2c6: {  	s9 =	simm.s32 $0x1EA10;
	[sflag:s3] =	ssyncadd.s32 $0xFFFFF200  }
0x2c7: {  	v2 =	vld [tilespmem:s9+$0x0];
	_ =	sdelay $0x1  }
0x2c8: {  	s8 =	simm.s32 $0x1C010;
	v3 =	vld [tilespmem:s9+$0xFFFFFFF0]  }
0x2c9: {  	s10 =	simm.s32 $0x1CE10;
	v4 =	vld [tilespmem:s8+$0x0]  }
0x2ca: {  	v5 =	vld [tilespmem:s10+$0x0]  }
0x2cb: {  	s9 =	simm.s32 $0x1DC10;
	v7 =	vld [tilespmem:s10+$0xFFFFFFF0];
	v2 =	vmul.f32 $1.000000000e+05, v2  }
0x2cc: {  	s11 =	simm.s32 $0x1EA30;
	v6 =	vld [tilespmem:s9+$0x0]  }
0x2cd: {  	v9 =	vld [tilespmem:s11+$0x0];
	v2 =	vtrunc.f32 v2  }
0x2ce: {  	v10 =	vld [tilespmem:s11+$0xFFFFFFF0];
	v2 =	vcvt.f32.s32 v2  }
0x2cf: {  	v12 =	vld [tilespmem:s8+$0xFFFFFFF0]  }
0x2d0: {  	v8 =	vld [tilespmem:s9+$0xFFFFFFF0];
	v3 =	vmul.f32 $1.000000000e+05, v3;
	vm13 =	vlt.s32 v2, $0x1869F  }
0x2d1: {  	v4 =	vsub.f32 v4, v5;
	vm14 =	vgt.f32 v6, $5.000000000e-01;
	v11 =	vnsel vm13, $0x1869F, v2  }
0x2d2: {  	s8 =	simm.s32 $0x1CE30;
	v2 =	vtrunc.f32 v3;
	v3 =	vsel vm14, $0x3532F4FC, v1  }
0x2d3: {  	s9 =	simm.s32 $0x1DC30;
	v5 =	vld [tilespmem:s8+$0x0];
	v13 =	vcvt.f32.s32 v2;
	v3 =	vmul.f32 v3, v4  }
0x2d4: {  	s7 =	simm.s32 $0x1C030;
	v6 =	vld [tilespmem:s9+$0x0];
	v4 =	vmul.f32 $1.000000000e+05, v9;
	v9 =	vmul.f32 $1.000000000e+05, v10  }
0x2d5: {  	vm1 =	vgt.f32 v8, $5.000000000e-01;
	v8 =	vsub.f32 v12, v7;
	v2 =	vld [tilespmem:s7+$0x0]  }
0x2d6: {  	vm15 =	vlt.s32 v13, $0x1869F;
	v10 =	vtrunc.f32 v9;
	[tilespmem:v11+s2+$0x0] =	vst.idx.add.f32.msk $0xffff, v3;
	v3 =	vtrunc.f32 v4  }
0x2d7: {  	v7 =	vld [tilespmem:s9+$0xFFFFFFF0];
	v11 =	vsel vm1, $0x3532F4FC, v1;
	v9 =	vcvt.f32.s32 v3;
	v3 =	vnsel vm15, $0x1869F, v13  }
0x2d8: {  	s10 =	simm.s32 $0x20;
	s11 =	simm.s32 $0x1EA50;
	v10 =	vcvt.f32.s32 v10;
	v4 =	vld [tilespmem:s8+$0xFFFFFFF0];
	v8 =	vmul.f32 v11, v8  }
.LBB2_22:
0x2d9: {  	v11 =	vld [tilespmem:s11+$0x0];
	s10 =	sadd.s32 $0x20, s10;
	vm0 =	vlt.s32 v9, $0x1869F  }
0x2da: {  	v12 =	vld [tilespmem:s11+$0xFFFFFFF0];
	p1 =	slt.u32 s10, $0xDE0;
	vm1 =	vlt.s32 v10, $0x1869F;
	v9 =	vnsel vm0, $0x1869F, v9  }
0x2db: {  	v5 =	vsub.f32 v2, v5;
	v13 =	vld [tilespmem:s7+$0xFFFFFFF0];
	v10 =	vnsel vm1, $0x1869F, v10;
	vm0 =	vgt.f32 v6, $5.000000000e-01  }
0x2dc: {  	s7 =	sadd.s32 $0x20, s7;
	v6 =	vsel vm0, $0x3532F4FC, v1;
	[tilespmem:v3+s2+$0x0] =	vst.idx.add.f32.msk $0xffff, v8;
	v3 =	vmov v10  }
0x2dd: {  	s8 =	sadd.s32 $0x20, s8;
	v2 =	vld [tilespmem:s7+$0x0];
	vm0 =	vgt.f32 v7, $5.000000000e-01;
	v6 =	vmul.f32 v6, v5  }
.Ltmp12:
0x2de: {  	v5 =	vld [tilespmem:s8+$0x0];
	v7 =	vmul.f32 $1.000000000e+05, v11;
	v8 =	vsel vm0, $0x3532F4FC, v1;
	(pc) =	sbr.rel @p1 .LBB2_22-.Ltmp12, $4  }
0x2df: {  	s9 =	sadd.s32 $0x20, s9;
	v10 =	vmul.f32 $1.000000000e+05, v12;
	[tilespmem:v9+s2+$0x0] =	vst.idx.add.f32.msk $0xffff, v6  }
0x2e0: {  	v6 =	vld [tilespmem:s9+$0x0];
	v7 =	vtrunc.f32 v7;
	v11 =	vsub.f32 v13, v4  }
0x2e1: {  	v4 =	vld [tilespmem:s8+$0xFFFFFFF0];
	v10 =	vtrunc.f32 v10;
	v9 =	vcvt.f32.s32 v7  }
0x2e2: {  	s11 =	sadd.s32 $0x20, s11;
	v7 =	vld [tilespmem:s9+$0xFFFFFFF0];
	v10 =	vcvt.f32.s32 v10;
	v8 =	vmul.f32 v8, v11  }
0x2e3: {  	v11 =	vld [tilespmem:s7+$0xFFFFFFF0];
	_ =	sdelay $0x1  }
0x2e4: {  	vm0 =	vlt.s32 v9, $0x1869F  }
0x2e5: {  	v9 =	vnsel vm0, $0x1869F, v9;
	vm10 =	vlt.s32 v10, $0x1869F  }
0x2e6: {  	v2 =	vsub.f32 v2, v5;
	v10 =	vnsel vm10, $0x1869F, v10;
	vm11 =	vgt.f32 v6, $5.000000000e-01  }
0x2e7: {  	v5 =	vsel vm11, $0x3532F4FC, v1;
	vm12 =	vgt.f32 v7, $5.000000000e-01;
	v4 =	vsub.f32 v11, v4  }
0x2e8: {  	v2 =	vmul.f32 v5, v2;
	v5 =	vsel vm12, $0x3532F4FC, v1  }
0x2e9: {  	[tilespmem:v3+s2+$0x0] =	vst.idx.add.f32.msk $0xffff, v8;
	v3 =	vmul.f32 v5, v4  }
0x2ea: {  	[tilespmem:v9+s2+$0x0] =	vst.idx.add.f32.msk $0xffff, v2  }
0x2eb: {  	[tilespmem:v10+s2+$0x0] =	vst.idx.add.f32.msk $0xffff, v3  }
0x2ec: {  	s9 =	sld [smem:$0x7DD];
	_ =	sdelay $0x1  }
0x2ed: {  	s10 =	sld [smem:$0x7DE]  }
0x2ee: {  	[tilespmem:s29], [sflag:$0x2] =	stream.linear.gather [hbm4b:s9+s2], $0xE00, $0x38;
	[tilespmem:$0x1F800] =	vst v63  }
0x2ef: {  	s11 =	sld [smem:$0x7DF]  }
0x2f0: {  	[tilespmem:s30], [sflag:$0x2] =	stream.linear.gather [hbm4b:s10+s2], $0xE00, $0x38;
	[tilespmem:$0x1F800] =	vst v63  }
0x2f1: {  	s8 =	sld [smem:$0x7E0]  }
0x2f2: {  	[tilespmem:s31], [sflag:$0x2] =	stream.linear.gather [hbm4b:s11+s2], $0xE00, $0x38;
	[tilespmem:$0x1F800] =	vst v63  }
0x2f3: {  	_ = 	snop  }
0x2f4: {  	[tilespmem:s0], [sflag:$0x2] =	stream.linear.gather [hbm4b:s8+s2], $0xE00, $0x38;
	[tilespmem:$0x1F800] =	vst v63  }
0x2f5: {  	_ =	swait.ge [sflag:s1], $0xE00  }
0x2f6: {  	[sflag:s1] =	ssyncset.done $0x0  }
0x2f7: {  	[sflag:s1] =	ssyncadd.s32 $0xFFFFF200  }
0x2f8: {  	_ =	swait.ge [sflag:s1], $0xE00  }
0x2f9: {  	[sflag:s1] =	ssyncset.done $0x0  }
0x2fa: {  	[sflag:s1] =	ssyncadd.s32 $0xFFFFF200  }
0x2fb: {  	_ =	swait.ge [sflag:s1], $0xE00  }
0x2fc: {  	[sflag:s1] =	ssyncset.done $0x0  }
0x2fd: {  	[sflag:s1] =	ssyncadd.s32 $0xFFFFF200  }
0x2fe: {  	_ =	swait.ge [sflag:s1], $0xE00  }
0x2ff: {  	[sflag:s1] =	ssyncset.done $0x0  }
0x300: {  	s9 =	simm.s32 $0x1B210;
	[sflag:s1] =	ssyncadd.s32 $0xFFFFF200  }
0x301: {  	v2 =	vld [tilespmem:s9+$0x0];
	_ =	sdelay $0x1  }
0x302: {  	s8 =	simm.s32 $0x18810;
	v3 =	vld [tilespmem:s9+$0xFFFFFFF0]  }
0x303: {  	s10 =	simm.s32 $0x19610;
	v4 =	vld [tilespmem:s8+$0x0]  }
0x304: {  	v5 =	vld [tilespmem:s10+$0x0]  }
0x305: {  	s9 =	simm.s32 $0x1A410;
	v7 =	vld [tilespmem:s10+$0xFFFFFFF0];
	v2 =	vmul.f32 $1.000000000e+05, v2  }
0x306: {  	s11 =	simm.s32 $0x1B230;
	v6 =	vld [tilespmem:s9+$0x0]  }
0x307: {  	v9 =	vld [tilespmem:s11+$0x0];
	v2 =	vtrunc.f32 v2  }
0x308: {  	v10 =	vld [tilespmem:s11+$0xFFFFFFF0];
	v2 =	vcvt.f32.s32 v2  }
0x309: {  	v12 =	vld [tilespmem:s8+$0xFFFFFFF0]  }
0x30a: {  	v8 =	vld [tilespmem:s9+$0xFFFFFFF0];
	v3 =	vmul.f32 $1.000000000e+05, v3;
	vm13 =	vlt.s32 v2, $0x1869F  }
0x30b: {  	v4 =	vsub.f32 v4, v5;
	vm14 =	vgt.f32 v6, $5.000000000e-01;
	v11 =	vnsel vm13, $0x1869F, v2  }
0x30c: {  	s8 =	simm.s32 $0x19630;
	v2 =	vtrunc.f32 v3;
	v3 =	vsel vm14, $0x3532F4FC, v1  }
0x30d: {  	s9 =	simm.s32 $0x1A430;
	v5 =	vld [tilespmem:s8+$0x0];
	v13 =	vcvt.f32.s32 v2;
	v3 =	vmul.f32 v3, v4  }
0x30e: {  	s7 =	simm.s32 $0x18830;
	v6 =	vld [tilespmem:s9+$0x0];
	v4 =	vmul.f32 $1.000000000e+05, v9;
	v9 =	vmul.f32 $1.000000000e+05, v10  }
0x30f: {  	vm1 =	vgt.f32 v8, $5.000000000e-01;
	v8 =	vsub.f32 v12, v7;
	v2 =	vld [tilespmem:s7+$0x0]  }
0x310: {  	vm15 =	vlt.s32 v13, $0x1869F;
	v10 =	vtrunc.f32 v9;
	[tilespmem:v11+s2+$0x0] =	vst.idx.add.f32.msk $0xffff, v3;
	v3 =	vtrunc.f32 v4  }
0x311: {  	v7 =	vld [tilespmem:s9+$0xFFFFFFF0];
	v11 =	vsel vm1, $0x3532F4FC, v1;
	v9 =	vcvt.f32.s32 v3;
	v3 =	vnsel vm15, $0x1869F, v13  }
0x312: {  	s10 =	simm.s32 $0x20;
	s11 =	simm.s32 $0x1B250;
	v10 =	vcvt.f32.s32 v10;
	v4 =	vld [tilespmem:s8+$0xFFFFFFF0];
	v8 =	vmul.f32 v11, v8  }
.LBB2_24:
0x313: {  	v11 =	vld [tilespmem:s11+$0x0];
	s10 =	sadd.s32 $0x20, s10;
	vm0 =	vlt.s32 v9, $0x1869F  }
0x314: {  	v12 =	vld [tilespmem:s11+$0xFFFFFFF0];
	p1 =	slt.u32 s10, $0xDE0;
	vm1 =	vlt.s32 v10, $0x1869F;
	v9 =	vnsel vm0, $0x1869F, v9  }
0x315: {  	v5 =	vsub.f32 v2, v5;
	v13 =	vld [tilespmem:s7+$0xFFFFFFF0];
	v10 =	vnsel vm1, $0x1869F, v10;
	vm0 =	vgt.f32 v6, $5.000000000e-01  }
0x316: {  	s7 =	sadd.s32 $0x20, s7;
	v6 =	vsel vm0, $0x3532F4FC, v1;
	[tilespmem:v3+s2+$0x0] =	vst.idx.add.f32.msk $0xffff, v8;
	v3 =	vmov v10  }
0x317: {  	s8 =	sadd.s32 $0x20, s8;
	v2 =	vld [tilespmem:s7+$0x0];
	vm0 =	vgt.f32 v7, $5.000000000e-01;
	v6 =	vmul.f32 v6, v5  }
.Ltmp13:
0x318: {  	v5 =	vld [tilespmem:s8+$0x0];
	v7 =	vmul.f32 $1.000000000e+05, v11;
	v8 =	vsel vm0, $0x3532F4FC, v1;
	(pc) =	sbr.rel @p1 .LBB2_24-.Ltmp13, $4  }
0x319: {  	s9 =	sadd.s32 $0x20, s9;
	v10 =	vmul.f32 $1.000000000e+05, v12;
	[tilespmem:v9+s2+$0x0] =	vst.idx.add.f32.msk $0xffff, v6  }
0x31a: {  	v6 =	vld [tilespmem:s9+$0x0];
	v7 =	vtrunc.f32 v7;
	v11 =	vsub.f32 v13, v4  }
0x31b: {  	v4 =	vld [tilespmem:s8+$0xFFFFFFF0];
	v10 =	vtrunc.f32 v10;
	v9 =	vcvt.f32.s32 v7  }
0x31c: {  	s11 =	sadd.s32 $0x20, s11;
	v7 =	vld [tilespmem:s9+$0xFFFFFFF0];
	v10 =	vcvt.f32.s32 v10;
	v8 =	vmul.f32 v8, v11  }
0x31d: {  	v11 =	vld [tilespmem:s7+$0xFFFFFFF0];
	_ =	sdelay $0x1  }
0x31e: {  	vm0 =	vlt.s32 v9, $0x1869F  }
0x31f: {  	v9 =	vnsel vm0, $0x1869F, v9;
	vm10 =	vlt.s32 v10, $0x1869F  }
0x320: {  	v2 =	vsub.f32 v2, v5;
	v10 =	vnsel vm10, $0x1869F, v10;
	vm11 =	vgt.f32 v6, $5.000000000e-01  }
0x321: {  	v5 =	vsel vm11, $0x3532F4FC, v1;
	vm12 =	vgt.f32 v7, $5.000000000e-01;
	v4 =	vsub.f32 v11, v4  }
0x322: {  	v2 =	vmul.f32 v5, v2;
	v5 =	vsel vm12, $0x3532F4FC, v1  }
0x323: {  	[tilespmem:v3+s2+$0x0] =	vst.idx.add.f32.msk $0xffff, v8;
	v3 =	vmul.f32 v5, v4  }
0x324: {  	[tilespmem:v9+s2+$0x0] =	vst.idx.add.f32.msk $0xffff, v2  }
0x325: {  	[tilespmem:v10+s2+$0x0] =	vst.idx.add.f32.msk $0xffff, v3  }
0x326: {  	s9 =	sld [smem:$0x7E1];
	_ =	sdelay $0x1  }
0x327: {  	s10 =	sld [smem:$0x7E2]  }
0x328: {  	[tilespmem:s24], [sflag:$0x1] =	stream.linear.gather [hbm4b:s9+s2], $0xE00, $0x38;
	[tilespmem:$0x1F800] =	vst v63  }
0x329: {  	s11 =	sld [smem:$0x7E3]  }
0x32a: {  	[tilespmem:s25], [sflag:$0x1] =	stream.linear.gather [hbm4b:s10+s2], $0xE00, $0x38;
	[tilespmem:$0x1F800] =	vst v63  }
0x32b: {  	s8 =	sld [smem:$0x7E4]  }
0x32c: {  	[tilespmem:s26], [sflag:$0x1] =	stream.linear.gather [hbm4b:s11+s2], $0xE00, $0x38;
	[tilespmem:$0x1F800] =	vst v63  }
0x32d: {  	_ = 	snop  }
0x32e: {  	[tilespmem:s28], [sflag:$0x1] =	stream.linear.gather [hbm4b:s8+s2], $0xE00, $0x38;
	[tilespmem:$0x1F800] =	vst v63  }
0x32f: {  	_ =	swait.ge [sflag:s3], $0xE00  }
0x330: {  	[sflag:s3] =	ssyncset.done $0x0  }
0x331: {  	[sflag:s3] =	ssyncadd.s32 $0xFFFFF200  }
0x332: {  	_ =	swait.ge [sflag:s3], $0xE00  }
0x333: {  	[sflag:s3] =	ssyncset.done $0x0  }
0x334: {  	[sflag:s3] =	ssyncadd.s32 $0xFFFFF200  }
0x335: {  	_ =	swait.ge [sflag:s3], $0xE00  }
0x336: {  	[sflag:s3] =	ssyncset.done $0x0  }
0x337: {  	[sflag:s3] =	ssyncadd.s32 $0xFFFFF200  }
0x338: {  	_ =	swait.ge [sflag:s3], $0xE00  }
0x339: {  	[sflag:s3] =	ssyncset.done $0x0  }
0x33a: {  	s9 =	simm.s32 $0x1EA10;
	[sflag:s3] =	ssyncadd.s32 $0xFFFFF200  }
0x33b: {  	v2 =	vld [tilespmem:s9+$0x0];
	_ =	sdelay $0x1  }
0x33c: {  	s8 =	simm.s32 $0x1C010;
	v3 =	vld [tilespmem:s9+$0xFFFFFFF0]  }
0x33d: {  	s10 =	simm.s32 $0x1CE10;
	v4 =	vld [tilespmem:s8+$0x0]  }
0x33e: {  	v5 =	vld [tilespmem:s10+$0x0]  }
0x33f: {  	s9 =	simm.s32 $0x1DC10;
	v7 =	vld [tilespmem:s10+$0xFFFFFFF0];
	v2 =	vmul.f32 $1.000000000e+05, v2  }
0x340: {  	s11 =	simm.s32 $0x1EA30;
	v6 =	vld [tilespmem:s9+$0x0]  }
0x341: {  	v9 =	vld [tilespmem:s11+$0x0];
	v2 =	vtrunc.f32 v2  }
0x342: {  	v10 =	vld [tilespmem:s11+$0xFFFFFFF0];
	v2 =	vcvt.f32.s32 v2  }
0x343: {  	v12 =	vld [tilespmem:s8+$0xFFFFFFF0]  }
0x344: {  	v8 =	vld [tilespmem:s9+$0xFFFFFFF0];
	v3 =	vmul.f32 $1.000000000e+05, v3;
	vm13 =	vlt.s32 v2, $0x1869F  }
0x345: {  	v4 =	vsub.f32 v4, v5;
	vm14 =	vgt.f32 v6, $5.000000000e-01;
	v11 =	vnsel vm13, $0x1869F, v2  }
0x346: {  	s8 =	simm.s32 $0x1CE30;
	v2 =	vtrunc.f32 v3;
	v3 =	vsel vm14, $0x3532F4FC, v1  }
0x347: {  	s9 =	simm.s32 $0x1DC30;
	v5 =	vld [tilespmem:s8+$0x0];
	v13 =	vcvt.f32.s32 v2;
	v3 =	vmul.f32 v3, v4  }
0x348: {  	s7 =	simm.s32 $0x1C030;
	v6 =	vld [tilespmem:s9+$0x0];
	v4 =	vmul.f32 $1.000000000e+05, v9;
	v9 =	vmul.f32 $1.000000000e+05, v10  }
0x349: {  	vm1 =	vgt.f32 v8, $5.000000000e-01;
	v8 =	vsub.f32 v12, v7;
	v2 =	vld [tilespmem:s7+$0x0]  }
0x34a: {  	vm15 =	vlt.s32 v13, $0x1869F;
	v10 =	vtrunc.f32 v9;
	[tilespmem:v11+s2+$0x0] =	vst.idx.add.f32.msk $0xffff, v3;
	v3 =	vtrunc.f32 v4  }
0x34b: {  	v7 =	vld [tilespmem:s9+$0xFFFFFFF0];
	v11 =	vsel vm1, $0x3532F4FC, v1;
	v9 =	vcvt.f32.s32 v3;
	v3 =	vnsel vm15, $0x1869F, v13  }
0x34c: {  	s10 =	simm.s32 $0x20;
	s11 =	simm.s32 $0x1EA50;
	v10 =	vcvt.f32.s32 v10;
	v4 =	vld [tilespmem:s8+$0xFFFFFFF0];
	v8 =	vmul.f32 v11, v8  }
.LBB2_26:
0x34d: {  	v11 =	vld [tilespmem:s11+$0x0];
	s10 =	sadd.s32 $0x20, s10;
	vm0 =	vlt.s32 v9, $0x1869F  }
0x34e: {  	v12 =	vld [tilespmem:s11+$0xFFFFFFF0];
	p1 =	slt.u32 s10, $0xDE0;
	vm1 =	vlt.s32 v10, $0x1869F;
	v9 =	vnsel vm0, $0x1869F, v9  }
0x34f: {  	v5 =	vsub.f32 v2, v5;
	v13 =	vld [tilespmem:s7+$0xFFFFFFF0];
	v10 =	vnsel vm1, $0x1869F, v10;
	vm0 =	vgt.f32 v6, $5.000000000e-01  }
0x350: {  	s7 =	sadd.s32 $0x20, s7;
	v6 =	vsel vm0, $0x3532F4FC, v1;
	[tilespmem:v3+s2+$0x0] =	vst.idx.add.f32.msk $0xffff, v8;
	v3 =	vmov v10  }
0x351: {  	s8 =	sadd.s32 $0x20, s8;
	v2 =	vld [tilespmem:s7+$0x0];
	vm0 =	vgt.f32 v7, $5.000000000e-01;
	v6 =	vmul.f32 v6, v5  }
.Ltmp14:
0x352: {  	v5 =	vld [tilespmem:s8+$0x0];
	v7 =	vmul.f32 $1.000000000e+05, v11;
	v8 =	vsel vm0, $0x3532F4FC, v1;
	(pc) =	sbr.rel @p1 .LBB2_26-.Ltmp14, $4  }
0x353: {  	s9 =	sadd.s32 $0x20, s9;
	v10 =	vmul.f32 $1.000000000e+05, v12;
	[tilespmem:v9+s2+$0x0] =	vst.idx.add.f32.msk $0xffff, v6  }
0x354: {  	v6 =	vld [tilespmem:s9+$0x0];
	v7 =	vtrunc.f32 v7;
	v11 =	vsub.f32 v13, v4  }
0x355: {  	v4 =	vld [tilespmem:s8+$0xFFFFFFF0];
	v10 =	vtrunc.f32 v10;
	v9 =	vcvt.f32.s32 v7  }
0x356: {  	s11 =	sadd.s32 $0x20, s11;
	v7 =	vld [tilespmem:s9+$0xFFFFFFF0];
	v10 =	vcvt.f32.s32 v10;
	v8 =	vmul.f32 v8, v11  }
0x357: {  	v11 =	vld [tilespmem:s7+$0xFFFFFFF0];
	_ =	sdelay $0x1  }
0x358: {  	vm0 =	vlt.s32 v9, $0x1869F  }
0x359: {  	v9 =	vnsel vm0, $0x1869F, v9;
	vm10 =	vlt.s32 v10, $0x1869F  }
0x35a: {  	v2 =	vsub.f32 v2, v5;
	v10 =	vnsel vm10, $0x1869F, v10;
	vm11 =	vgt.f32 v6, $5.000000000e-01  }
0x35b: {  	v5 =	vsel vm11, $0x3532F4FC, v1;
	vm12 =	vgt.f32 v7, $5.000000000e-01;
	v4 =	vsub.f32 v11, v4  }
0x35c: {  	v2 =	vmul.f32 v5, v2;
	v5 =	vsel vm12, $0x3532F4FC, v1  }
0x35d: {  	[tilespmem:v3+s2+$0x0] =	vst.idx.add.f32.msk $0xffff, v8;
	v3 =	vmul.f32 v5, v4  }
0x35e: {  	[tilespmem:v9+s2+$0x0] =	vst.idx.add.f32.msk $0xffff, v2  }
0x35f: {  	[tilespmem:v10+s2+$0x0] =	vst.idx.add.f32.msk $0xffff, v3  }
0x360: {  	s9 =	sld [smem:$0x7E5];
	_ =	sdelay $0x1  }
0x361: {  	s10 =	sld [smem:$0x7E6]  }
0x362: {  	[tilespmem:s29], [sflag:$0x2] =	stream.linear.gather [hbm4b:s9+s2], $0xE00, $0x38;
	[tilespmem:$0x1F800] =	vst v63  }
0x363: {  	s11 =	sld [smem:$0x7E7]  }
0x364: {  	[tilespmem:s30], [sflag:$0x2] =	stream.linear.gather [hbm4b:s10+s2], $0xE00, $0x38;
	[tilespmem:$0x1F800] =	vst v63  }
0x365: {  	s8 =	sld [smem:$0x7E8]  }
0x366: {  	[tilespmem:s31], [sflag:$0x2] =	stream.linear.gather [hbm4b:s11+s2], $0xE00, $0x38;
	[tilespmem:$0x1F800] =	vst v63  }
0x367: {  	_ = 	snop  }
0x368: {  	[tilespmem:s0], [sflag:$0x2] =	stream.linear.gather [hbm4b:s8+s2], $0xE00, $0x38;
	[tilespmem:$0x1F800] =	vst v63  }
0x369: {  	_ =	swait.ge [sflag:s1], $0xE00  }
0x36a: {  	[sflag:s1] =	ssyncset.done $0x0  }
0x36b: {  	[sflag:s1] =	ssyncadd.s32 $0xFFFFF200  }
0x36c: {  	_ =	swait.ge [sflag:s1], $0xE00  }
0x36d: {  	[sflag:s1] =	ssyncset.done $0x0  }
0x36e: {  	[sflag:s1] =	ssyncadd.s32 $0xFFFFF200  }
0x36f: {  	_ =	swait.ge [sflag:s1], $0xE00  }
0x370: {  	[sflag:s1] =	ssyncset.done $0x0  }
0x371: {  	[sflag:s1] =	ssyncadd.s32 $0xFFFFF200  }
0x372: {  	_ =	swait.ge [sflag:s1], $0xE00  }
0x373: {  	[sflag:s1] =	ssyncset.done $0x0  }
0x374: {  	s9 =	simm.s32 $0x1B210;
	[sflag:s1] =	ssyncadd.s32 $0xFFFFF200  }
0x375: {  	v2 =	vld [tilespmem:s9+$0x0];
	_ =	sdelay $0x1  }
0x376: {  	s8 =	simm.s32 $0x18810;
	v3 =	vld [tilespmem:s9+$0xFFFFFFF0]  }
0x377: {  	s10 =	simm.s32 $0x19610;
	v4 =	vld [tilespmem:s8+$0x0]  }
0x378: {  	v5 =	vld [tilespmem:s10+$0x0]  }
0x379: {  	s9 =	simm.s32 $0x1A410;
	v7 =	vld [tilespmem:s10+$0xFFFFFFF0];
	v2 =	vmul.f32 $1.000000000e+05, v2  }
0x37a: {  	s11 =	simm.s32 $0x1B230;
	v6 =	vld [tilespmem:s9+$0x0]  }
0x37b: {  	v9 =	vld [tilespmem:s11+$0x0];
	v2 =	vtrunc.f32 v2  }
0x37c: {  	v10 =	vld [tilespmem:s11+$0xFFFFFFF0];
	v2 =	vcvt.f32.s32 v2  }
0x37d: {  	v12 =	vld [tilespmem:s8+$0xFFFFFFF0]  }
0x37e: {  	v8 =	vld [tilespmem:s9+$0xFFFFFFF0];
	v3 =	vmul.f32 $1.000000000e+05, v3;
	vm13 =	vlt.s32 v2, $0x1869F  }
0x37f: {  	v4 =	vsub.f32 v4, v5;
	vm14 =	vgt.f32 v6, $5.000000000e-01;
	v11 =	vnsel vm13, $0x1869F, v2  }
0x380: {  	s8 =	simm.s32 $0x19630;
	v2 =	vtrunc.f32 v3;
	v3 =	vsel vm14, $0x3532F4FC, v1  }
0x381: {  	s9 =	simm.s32 $0x1A430;
	v5 =	vld [tilespmem:s8+$0x0];
	v13 =	vcvt.f32.s32 v2;
	v3 =	vmul.f32 v3, v4  }
0x382: {  	s7 =	simm.s32 $0x18830;
	v6 =	vld [tilespmem:s9+$0x0];
	v4 =	vmul.f32 $1.000000000e+05, v9;
	v9 =	vmul.f32 $1.000000000e+05, v10  }
0x383: {  	vm1 =	vgt.f32 v8, $5.000000000e-01;
	v8 =	vsub.f32 v12, v7;
	v2 =	vld [tilespmem:s7+$0x0]  }
0x384: {  	vm15 =	vlt.s32 v13, $0x1869F;
	v10 =	vtrunc.f32 v9;
	[tilespmem:v11+s2+$0x0] =	vst.idx.add.f32.msk $0xffff, v3;
	v3 =	vtrunc.f32 v4  }
0x385: {  	v7 =	vld [tilespmem:s9+$0xFFFFFFF0];
	v11 =	vsel vm1, $0x3532F4FC, v1;
	v9 =	vcvt.f32.s32 v3;
	v3 =	vnsel vm15, $0x1869F, v13  }
0x386: {  	s10 =	simm.s32 $0x20;
	s11 =	simm.s32 $0x1B250;
	v10 =	vcvt.f32.s32 v10;
	v4 =	vld [tilespmem:s8+$0xFFFFFFF0];
	v8 =	vmul.f32 v11, v8  }
.LBB2_28:
0x387: {  	v11 =	vld [tilespmem:s11+$0x0];
	s10 =	sadd.s32 $0x20, s10;
	vm0 =	vlt.s32 v9, $0x1869F  }
0x388: {  	v12 =	vld [tilespmem:s11+$0xFFFFFFF0];
	p1 =	slt.u32 s10, $0xDE0;
	vm1 =	vlt.s32 v10, $0x1869F;
	v9 =	vnsel vm0, $0x1869F, v9  }
0x389: {  	v5 =	vsub.f32 v2, v5;
	v13 =	vld [tilespmem:s7+$0xFFFFFFF0];
	v10 =	vnsel vm1, $0x1869F, v10;
	vm0 =	vgt.f32 v6, $5.000000000e-01  }
0x38a: {  	s7 =	sadd.s32 $0x20, s7;
	v6 =	vsel vm0, $0x3532F4FC, v1;
	[tilespmem:v3+s2+$0x0] =	vst.idx.add.f32.msk $0xffff, v8;
	v3 =	vmov v10  }
0x38b: {  	s8 =	sadd.s32 $0x20, s8;
	v2 =	vld [tilespmem:s7+$0x0];
	vm0 =	vgt.f32 v7, $5.000000000e-01;
	v6 =	vmul.f32 v6, v5  }
.Ltmp15:
0x38c: {  	v5 =	vld [tilespmem:s8+$0x0];
	v7 =	vmul.f32 $1.000000000e+05, v11;
	v8 =	vsel vm0, $0x3532F4FC, v1;
	(pc) =	sbr.rel @p1 .LBB2_28-.Ltmp15, $4  }
0x38d: {  	s9 =	sadd.s32 $0x20, s9;
	v10 =	vmul.f32 $1.000000000e+05, v12;
	[tilespmem:v9+s2+$0x0] =	vst.idx.add.f32.msk $0xffff, v6  }
0x38e: {  	v6 =	vld [tilespmem:s9+$0x0];
	v7 =	vtrunc.f32 v7;
	v11 =	vsub.f32 v13, v4  }
0x38f: {  	v4 =	vld [tilespmem:s8+$0xFFFFFFF0];
	v10 =	vtrunc.f32 v10;
	v9 =	vcvt.f32.s32 v7  }
0x390: {  	s11 =	sadd.s32 $0x20, s11;
	v7 =	vld [tilespmem:s9+$0xFFFFFFF0];
	v10 =	vcvt.f32.s32 v10;
	v8 =	vmul.f32 v8, v11  }
0x391: {  	v11 =	vld [tilespmem:s7+$0xFFFFFFF0];
	_ =	sdelay $0x1  }
0x392: {  	vm0 =	vlt.s32 v9, $0x1869F  }
0x393: {  	v9 =	vnsel vm0, $0x1869F, v9;
	vm10 =	vlt.s32 v10, $0x1869F  }
0x394: {  	v2 =	vsub.f32 v2, v5;
	v10 =	vnsel vm10, $0x1869F, v10;
	vm11 =	vgt.f32 v6, $5.000000000e-01  }
0x395: {  	v5 =	vsel vm11, $0x3532F4FC, v1;
	vm12 =	vgt.f32 v7, $5.000000000e-01;
	v4 =	vsub.f32 v11, v4  }
0x396: {  	v2 =	vmul.f32 v5, v2;
	v5 =	vsel vm12, $0x3532F4FC, v1  }
0x397: {  	[tilespmem:v3+s2+$0x0] =	vst.idx.add.f32.msk $0xffff, v8;
	v3 =	vmul.f32 v5, v4  }
0x398: {  	[tilespmem:v9+s2+$0x0] =	vst.idx.add.f32.msk $0xffff, v2  }
0x399: {  	[tilespmem:v10+s2+$0x0] =	vst.idx.add.f32.msk $0xffff, v3  }
0x39a: {  	s9 =	sld [smem:$0x7E9];
	_ =	sdelay $0x1  }
0x39b: {  	s10 =	sld [smem:$0x7EA]  }
0x39c: {  	[tilespmem:s24], [sflag:$0x1] =	stream.linear.gather [hbm4b:s9+s2], $0xE00, $0x38;
	[tilespmem:$0x1F800] =	vst v63  }
0x39d: {  	s11 =	sld [smem:$0x7EB]  }
0x39e: {  	[tilespmem:s25], [sflag:$0x1] =	stream.linear.gather [hbm4b:s10+s2], $0xE00, $0x38;
	[tilespmem:$0x1F800] =	vst v63  }
0x39f: {  	s8 =	sld [smem:$0x7EC]  }
0x3a0: {  	[tilespmem:s26], [sflag:$0x1] =	stream.linear.gather [hbm4b:s11+s2], $0xE00, $0x38;
	[tilespmem:$0x1F800] =	vst v63  }
0x3a1: {  	_ = 	snop  }
0x3a2: {  	[tilespmem:s28], [sflag:$0x1] =	stream.linear.gather [hbm4b:s8+s2], $0xE00, $0x38;
	[tilespmem:$0x1F800] =	vst v63  }
0x3a3: {  	_ =	swait.ge [sflag:s3], $0xE00  }
0x3a4: {  	[sflag:s3] =	ssyncset.done $0x0  }
0x3a5: {  	[sflag:s3] =	ssyncadd.s32 $0xFFFFF200  }
0x3a6: {  	_ =	swait.ge [sflag:s3], $0xE00  }
0x3a7: {  	[sflag:s3] =	ssyncset.done $0x0  }
0x3a8: {  	[sflag:s3] =	ssyncadd.s32 $0xFFFFF200  }
0x3a9: {  	_ =	swait.ge [sflag:s3], $0xE00  }
0x3aa: {  	[sflag:s3] =	ssyncset.done $0x0  }
0x3ab: {  	[sflag:s3] =	ssyncadd.s32 $0xFFFFF200  }
0x3ac: {  	_ =	swait.ge [sflag:s3], $0xE00  }
0x3ad: {  	[sflag:s3] =	ssyncset.done $0x0  }
0x3ae: {  	s9 =	simm.s32 $0x1EA10;
	[sflag:s3] =	ssyncadd.s32 $0xFFFFF200  }
0x3af: {  	v2 =	vld [tilespmem:s9+$0x0];
	_ =	sdelay $0x1  }
0x3b0: {  	s8 =	simm.s32 $0x1C010;
	v3 =	vld [tilespmem:s9+$0xFFFFFFF0]  }
0x3b1: {  	s10 =	simm.s32 $0x1CE10;
	v4 =	vld [tilespmem:s8+$0x0]  }
0x3b2: {  	v5 =	vld [tilespmem:s10+$0x0]  }
0x3b3: {  	s9 =	simm.s32 $0x1DC10;
	v7 =	vld [tilespmem:s10+$0xFFFFFFF0];
	v2 =	vmul.f32 $1.000000000e+05, v2  }
0x3b4: {  	s11 =	simm.s32 $0x1EA30;
	v6 =	vld [tilespmem:s9+$0x0]  }
0x3b5: {  	v9 =	vld [tilespmem:s11+$0x0];
	v2 =	vtrunc.f32 v2  }
0x3b6: {  	v10 =	vld [tilespmem:s11+$0xFFFFFFF0];
	v2 =	vcvt.f32.s32 v2  }
0x3b7: {  	v12 =	vld [tilespmem:s8+$0xFFFFFFF0]  }
0x3b8: {  	v8 =	vld [tilespmem:s9+$0xFFFFFFF0];
	v3 =	vmul.f32 $1.000000000e+05, v3;
	vm13 =	vlt.s32 v2, $0x1869F  }
0x3b9: {  	v4 =	vsub.f32 v4, v5;
	vm14 =	vgt.f32 v6, $5.000000000e-01;
	v11 =	vnsel vm13, $0x1869F, v2  }
0x3ba: {  	s8 =	simm.s32 $0x1CE30;
	v2 =	vtrunc.f32 v3;
	v3 =	vsel vm14, $0x3532F4FC, v1  }
0x3bb: {  	s9 =	simm.s32 $0x1DC30;
	v5 =	vld [tilespmem:s8+$0x0];
	v13 =	vcvt.f32.s32 v2;
	v3 =	vmul.f32 v3, v4  }
0x3bc: {  	s7 =	simm.s32 $0x1C030;
	v6 =	vld [tilespmem:s9+$0x0];
	v4 =	vmul.f32 $1.000000000e+05, v9;
	v9 =	vmul.f32 $1.000000000e+05, v10  }
0x3bd: {  	vm1 =	vgt.f32 v8, $5.000000000e-01;
	v8 =	vsub.f32 v12, v7;
	v2 =	vld [tilespmem:s7+$0x0]  }
0x3be: {  	vm15 =	vlt.s32 v13, $0x1869F;
	v10 =	vtrunc.f32 v9;
	[tilespmem:v11+s2+$0x0] =	vst.idx.add.f32.msk $0xffff, v3;
	v3 =	vtrunc.f32 v4  }
0x3bf: {  	v7 =	vld [tilespmem:s9+$0xFFFFFFF0];
	v11 =	vsel vm1, $0x3532F4FC, v1;
	v9 =	vcvt.f32.s32 v3;
	v3 =	vnsel vm15, $0x1869F, v13  }
0x3c0: {  	s10 =	simm.s32 $0x20;
	s11 =	simm.s32 $0x1EA50;
	v10 =	vcvt.f32.s32 v10;
	v4 =	vld [tilespmem:s8+$0xFFFFFFF0];
	v8 =	vmul.f32 v11, v8  }
.LBB2_30:
0x3c1: {  	v11 =	vld [tilespmem:s11+$0x0];
	s10 =	sadd.s32 $0x20, s10;
	vm0 =	vlt.s32 v9, $0x1869F  }
0x3c2: {  	v12 =	vld [tilespmem:s11+$0xFFFFFFF0];
	p1 =	slt.u32 s10, $0xDE0;
	vm1 =	vlt.s32 v10, $0x1869F;
	v9 =	vnsel vm0, $0x1869F, v9  }
0x3c3: {  	v5 =	vsub.f32 v2, v5;
	v13 =	vld [tilespmem:s7+$0xFFFFFFF0];
	v10 =	vnsel vm1, $0x1869F, v10;
	vm0 =	vgt.f32 v6, $5.000000000e-01  }
0x3c4: {  	s7 =	sadd.s32 $0x20, s7;
	v6 =	vsel vm0, $0x3532F4FC, v1;
	[tilespmem:v3+s2+$0x0] =	vst.idx.add.f32.msk $0xffff, v8;
	v3 =	vmov v10  }
0x3c5: {  	s8 =	sadd.s32 $0x20, s8;
	v2 =	vld [tilespmem:s7+$0x0];
	vm0 =	vgt.f32 v7, $5.000000000e-01;
	v6 =	vmul.f32 v6, v5  }
.Ltmp16:
0x3c6: {  	v5 =	vld [tilespmem:s8+$0x0];
	v7 =	vmul.f32 $1.000000000e+05, v11;
	v8 =	vsel vm0, $0x3532F4FC, v1;
	(pc) =	sbr.rel @p1 .LBB2_30-.Ltmp16, $4  }
0x3c7: {  	s9 =	sadd.s32 $0x20, s9;
	v10 =	vmul.f32 $1.000000000e+05, v12;
	[tilespmem:v9+s2+$0x0] =	vst.idx.add.f32.msk $0xffff, v6  }
0x3c8: {  	v6 =	vld [tilespmem:s9+$0x0];
	v7 =	vtrunc.f32 v7;
	v11 =	vsub.f32 v13, v4  }
0x3c9: {  	v4 =	vld [tilespmem:s8+$0xFFFFFFF0];
	v10 =	vtrunc.f32 v10;
	v9 =	vcvt.f32.s32 v7  }
0x3ca: {  	s11 =	sadd.s32 $0x20, s11;
	v7 =	vld [tilespmem:s9+$0xFFFFFFF0];
	v10 =	vcvt.f32.s32 v10;
	v8 =	vmul.f32 v8, v11  }
0x3cb: {  	v11 =	vld [tilespmem:s7+$0xFFFFFFF0];
	_ =	sdelay $0x1  }
0x3cc: {  	vm0 =	vlt.s32 v9, $0x1869F  }
0x3cd: {  	v9 =	vnsel vm0, $0x1869F, v9;
	vm10 =	vlt.s32 v10, $0x1869F  }
0x3ce: {  	v2 =	vsub.f32 v2, v5;
	v10 =	vnsel vm10, $0x1869F, v10;
	vm11 =	vgt.f32 v6, $5.000000000e-01  }
0x3cf: {  	v5 =	vsel vm11, $0x3532F4FC, v1;
	vm12 =	vgt.f32 v7, $5.000000000e-01;
	v4 =	vsub.f32 v11, v4  }
0x3d0: {  	v2 =	vmul.f32 v5, v2;
	v5 =	vsel vm12, $0x3532F4FC, v1  }
0x3d1: {  	[tilespmem:v3+s2+$0x0] =	vst.idx.add.f32.msk $0xffff, v8;
	v3 =	vmul.f32 v5, v4  }
0x3d2: {  	[tilespmem:v9+s2+$0x0] =	vst.idx.add.f32.msk $0xffff, v2  }
0x3d3: {  	[tilespmem:v10+s2+$0x0] =	vst.idx.add.f32.msk $0xffff, v3  }
0x3d4: {  	s9 =	sld [smem:$0x7ED];
	_ =	sdelay $0x1  }
0x3d5: {  	s10 =	sld [smem:$0x7EE]  }
0x3d6: {  	[tilespmem:s29], [sflag:$0x2] =	stream.linear.gather [hbm4b:s9+s2], $0xE00, $0x38;
	[tilespmem:$0x1F800] =	vst v63  }
0x3d7: {  	s11 =	sld [smem:$0x7EF]  }
0x3d8: {  	[tilespmem:s30], [sflag:$0x2] =	stream.linear.gather [hbm4b:s10+s2], $0xE00, $0x38;
	[tilespmem:$0x1F800] =	vst v63  }
0x3d9: {  	s8 =	sld [smem:$0x7F0]  }
0x3da: {  	[tilespmem:s31], [sflag:$0x2] =	stream.linear.gather [hbm4b:s11+s2], $0xE00, $0x38;
	[tilespmem:$0x1F800] =	vst v63  }
0x3db: {  	_ = 	snop  }
0x3dc: {  	[tilespmem:s0], [sflag:$0x2] =	stream.linear.gather [hbm4b:s8+s2], $0xE00, $0x38;
	[tilespmem:$0x1F800] =	vst v63  }
0x3dd: {  	_ =	swait.ge [sflag:s1], $0xE00  }
0x3de: {  	[sflag:s1] =	ssyncset.done $0x0  }
0x3df: {  	[sflag:s1] =	ssyncadd.s32 $0xFFFFF200  }
0x3e0: {  	_ =	swait.ge [sflag:s1], $0xE00  }
0x3e1: {  	[sflag:s1] =	ssyncset.done $0x0  }
0x3e2: {  	[sflag:s1] =	ssyncadd.s32 $0xFFFFF200  }
0x3e3: {  	_ =	swait.ge [sflag:s1], $0xE00  }
0x3e4: {  	[sflag:s1] =	ssyncset.done $0x0  }
0x3e5: {  	[sflag:s1] =	ssyncadd.s32 $0xFFFFF200  }
0x3e6: {  	_ =	swait.ge [sflag:s1], $0xE00  }
0x3e7: {  	[sflag:s1] =	ssyncset.done $0x0  }
0x3e8: {  	s9 =	simm.s32 $0x1B210;
	[sflag:s1] =	ssyncadd.s32 $0xFFFFF200  }
0x3e9: {  	v2 =	vld [tilespmem:s9+$0x0];
	_ =	sdelay $0x1  }
0x3ea: {  	s8 =	simm.s32 $0x18810;
	v3 =	vld [tilespmem:s9+$0xFFFFFFF0]  }
0x3eb: {  	s10 =	simm.s32 $0x19610;
	v4 =	vld [tilespmem:s8+$0x0]  }
0x3ec: {  	v5 =	vld [tilespmem:s10+$0x0]  }
0x3ed: {  	s9 =	simm.s32 $0x1A410;
	v7 =	vld [tilespmem:s10+$0xFFFFFFF0];
	v2 =	vmul.f32 $1.000000000e+05, v2  }
0x3ee: {  	s11 =	simm.s32 $0x1B230;
	v6 =	vld [tilespmem:s9+$0x0]  }
0x3ef: {  	v9 =	vld [tilespmem:s11+$0x0];
	v2 =	vtrunc.f32 v2  }
0x3f0: {  	v10 =	vld [tilespmem:s11+$0xFFFFFFF0];
	v2 =	vcvt.f32.s32 v2  }
0x3f1: {  	v12 =	vld [tilespmem:s8+$0xFFFFFFF0]  }
0x3f2: {  	v8 =	vld [tilespmem:s9+$0xFFFFFFF0];
	v3 =	vmul.f32 $1.000000000e+05, v3;
	vm13 =	vlt.s32 v2, $0x1869F  }
0x3f3: {  	v4 =	vsub.f32 v4, v5;
	vm14 =	vgt.f32 v6, $5.000000000e-01;
	v11 =	vnsel vm13, $0x1869F, v2  }
0x3f4: {  	s8 =	simm.s32 $0x19630;
	v2 =	vtrunc.f32 v3;
	v3 =	vsel vm14, $0x3532F4FC, v1  }
0x3f5: {  	s9 =	simm.s32 $0x1A430;
	v5 =	vld [tilespmem:s8+$0x0];
	v13 =	vcvt.f32.s32 v2;
	v3 =	vmul.f32 v3, v4  }
0x3f6: {  	s7 =	simm.s32 $0x18830;
	v6 =	vld [tilespmem:s9+$0x0];
	v4 =	vmul.f32 $1.000000000e+05, v9;
	v9 =	vmul.f32 $1.000000000e+05, v10  }
0x3f7: {  	vm1 =	vgt.f32 v8, $5.000000000e-01;
	v8 =	vsub.f32 v12, v7;
	v2 =	vld [tilespmem:s7+$0x0]  }
0x3f8: {  	vm15 =	vlt.s32 v13, $0x1869F;
	v10 =	vtrunc.f32 v9;
	[tilespmem:v11+s2+$0x0] =	vst.idx.add.f32.msk $0xffff, v3;
	v3 =	vtrunc.f32 v4  }
0x3f9: {  	v7 =	vld [tilespmem:s9+$0xFFFFFFF0];
	v11 =	vsel vm1, $0x3532F4FC, v1;
	v9 =	vcvt.f32.s32 v3;
	v3 =	vnsel vm15, $0x1869F, v13  }
0x3fa: {  	s10 =	simm.s32 $0x20;
	s11 =	simm.s32 $0x1B250;
	v10 =	vcvt.f32.s32 v10;
	v4 =	vld [tilespmem:s8+$0xFFFFFFF0];
	v8 =	vmul.f32 v11, v8  }
.LBB2_32:
0x3fb: {  	v11 =	vld [tilespmem:s11+$0x0];
	s10 =	sadd.s32 $0x20, s10;
	vm0 =	vlt.s32 v9, $0x1869F  }
0x3fc: {  	v12 =	vld [tilespmem:s11+$0xFFFFFFF0];
	p1 =	slt.u32 s10, $0xDE0;
	vm1 =	vlt.s32 v10, $0x1869F;
	v9 =	vnsel vm0, $0x1869F, v9  }
0x3fd: {  	v5 =	vsub.f32 v2, v5;
	v13 =	vld [tilespmem:s7+$0xFFFFFFF0];
	v10 =	vnsel vm1, $0x1869F, v10;
	vm0 =	vgt.f32 v6, $5.000000000e-01  }
0x3fe: {  	s7 =	sadd.s32 $0x20, s7;
	v6 =	vsel vm0, $0x3532F4FC, v1;
	[tilespmem:v3+s2+$0x0] =	vst.idx.add.f32.msk $0xffff, v8;
	v3 =	vmov v10  }
0x3ff: {  	s8 =	sadd.s32 $0x20, s8;
	v2 =	vld [tilespmem:s7+$0x0];
	vm0 =	vgt.f32 v7, $5.000000000e-01;
	v6 =	vmul.f32 v6, v5  }
.Ltmp17:
0x400: {  	v5 =	vld [tilespmem:s8+$0x0];
	v7 =	vmul.f32 $1.000000000e+05, v11;
	v8 =	vsel vm0, $0x3532F4FC, v1;
	(pc) =	sbr.rel @p1 .LBB2_32-.Ltmp17, $4  }
0x401: {  	s9 =	sadd.s32 $0x20, s9;
	v10 =	vmul.f32 $1.000000000e+05, v12;
	[tilespmem:v9+s2+$0x0] =	vst.idx.add.f32.msk $0xffff, v6  }
0x402: {  	v6 =	vld [tilespmem:s9+$0x0];
	v7 =	vtrunc.f32 v7;
	v11 =	vsub.f32 v13, v4  }
0x403: {  	v4 =	vld [tilespmem:s8+$0xFFFFFFF0];
	v10 =	vtrunc.f32 v10;
	v9 =	vcvt.f32.s32 v7  }
0x404: {  	s11 =	sadd.s32 $0x20, s11;
	v7 =	vld [tilespmem:s9+$0xFFFFFFF0];
	v10 =	vcvt.f32.s32 v10;
	v8 =	vmul.f32 v8, v11  }
0x405: {  	v11 =	vld [tilespmem:s7+$0xFFFFFFF0];
	_ =	sdelay $0x1  }
0x406: {  	vm0 =	vlt.s32 v9, $0x1869F  }
0x407: {  	v9 =	vnsel vm0, $0x1869F, v9;
	vm10 =	vlt.s32 v10, $0x1869F  }
0x408: {  	v2 =	vsub.f32 v2, v5;
	v10 =	vnsel vm10, $0x1869F, v10;
	vm11 =	vgt.f32 v6, $5.000000000e-01  }
0x409: {  	v5 =	vsel vm11, $0x3532F4FC, v1;
	vm12 =	vgt.f32 v7, $5.000000000e-01;
	v4 =	vsub.f32 v11, v4  }
0x40a: {  	v2 =	vmul.f32 v5, v2;
	v5 =	vsel vm12, $0x3532F4FC, v1  }
0x40b: {  	[tilespmem:v3+s2+$0x0] =	vst.idx.add.f32.msk $0xffff, v8;
	v3 =	vmul.f32 v5, v4  }
0x40c: {  	[tilespmem:v9+s2+$0x0] =	vst.idx.add.f32.msk $0xffff, v2  }
0x40d: {  	[tilespmem:v10+s2+$0x0] =	vst.idx.add.f32.msk $0xffff, v3  }
0x40e: {  	s9 =	sld [smem:$0x7F5];
	_ =	sdelay $0x1  }
0x40f: {  	s10 =	sld [smem:$0x7F6]  }
0x410: {  	[tilespmem:s24], [sflag:$0x1] =	stream.linear.gather [hbm4b:s9+s2], $0xE00, $0x38;
	[tilespmem:$0x1F800] =	vst v63  }
0x411: {  	s11 =	sld [smem:$0x7F7]  }
0x412: {  	[tilespmem:s25], [sflag:$0x1] =	stream.linear.gather [hbm4b:s10+s2], $0xE00, $0x38;
	[tilespmem:$0x1F800] =	vst v63  }
0x413: {  	s8 =	sld [smem:$0x7F8]  }
0x414: {  	[tilespmem:s26], [sflag:$0x1] =	stream.linear.gather [hbm4b:s11+s2], $0xE00, $0x38;
	[tilespmem:$0x1F800] =	vst v63  }
0x415: {  	_ = 	snop  }
0x416: {  	[tilespmem:s28], [sflag:$0x1] =	stream.linear.gather [hbm4b:s8+s2], $0xE00, $0x38;
	[tilespmem:$0x1F800] =	vst v63  }
0x417: {  	_ =	swait.ge [sflag:s3], $0xE00  }
0x418: {  	[sflag:s3] =	ssyncset.done $0x0  }
0x419: {  	[sflag:s3] =	ssyncadd.s32 $0xFFFFF200  }
0x41a: {  	_ =	swait.ge [sflag:s3], $0xE00  }
0x41b: {  	[sflag:s3] =	ssyncset.done $0x0  }
0x41c: {  	[sflag:s3] =	ssyncadd.s32 $0xFFFFF200  }
0x41d: {  	_ =	swait.ge [sflag:s3], $0xE00  }
0x41e: {  	[sflag:s3] =	ssyncset.done $0x0  }
0x41f: {  	[sflag:s3] =	ssyncadd.s32 $0xFFFFF200  }
0x420: {  	_ =	swait.ge [sflag:s3], $0xE00  }
0x421: {  	[sflag:s3] =	ssyncset.done $0x0  }
0x422: {  	s9 =	simm.s32 $0x1EA10;
	[sflag:s3] =	ssyncadd.s32 $0xFFFFF200  }
0x423: {  	v2 =	vld [tilespmem:s9+$0x0];
	_ =	sdelay $0x1  }
0x424: {  	s8 =	simm.s32 $0x1C010;
	v3 =	vld [tilespmem:s9+$0xFFFFFFF0]  }
0x425: {  	s10 =	simm.s32 $0x1CE10;
	v4 =	vld [tilespmem:s8+$0x0]  }
0x426: {  	v5 =	vld [tilespmem:s10+$0x0]  }
0x427: {  	s9 =	simm.s32 $0x1DC10;
	v7 =	vld [tilespmem:s10+$0xFFFFFFF0];
	v2 =	vmul.f32 $1.000000000e+05, v2  }
0x428: {  	s11 =	simm.s32 $0x1EA30;
	v6 =	vld [tilespmem:s9+$0x0]  }
0x429: {  	v9 =	vld [tilespmem:s11+$0x0];
	v2 =	vtrunc.f32 v2  }
0x42a: {  	v10 =	vld [tilespmem:s11+$0xFFFFFFF0];
	v2 =	vcvt.f32.s32 v2  }
0x42b: {  	v12 =	vld [tilespmem:s8+$0xFFFFFFF0]  }
0x42c: {  	v8 =	vld [tilespmem:s9+$0xFFFFFFF0];
	v3 =	vmul.f32 $1.000000000e+05, v3;
	vm13 =	vlt.s32 v2, $0x1869F  }
0x42d: {  	v4 =	vsub.f32 v4, v5;
	vm14 =	vgt.f32 v6, $5.000000000e-01;
	v11 =	vnsel vm13, $0x1869F, v2  }
0x42e: {  	s8 =	simm.s32 $0x1CE30;
	v2 =	vtrunc.f32 v3;
	v3 =	vsel vm14, $0x3532F4FC, v1  }
0x42f: {  	s9 =	simm.s32 $0x1DC30;
	v5 =	vld [tilespmem:s8+$0x0];
	v13 =	vcvt.f32.s32 v2;
	v3 =	vmul.f32 v3, v4  }
0x430: {  	s7 =	simm.s32 $0x1C030;
	v6 =	vld [tilespmem:s9+$0x0];
	v4 =	vmul.f32 $1.000000000e+05, v9;
	v9 =	vmul.f32 $1.000000000e+05, v10  }
0x431: {  	vm1 =	vgt.f32 v8, $5.000000000e-01;
	v8 =	vsub.f32 v12, v7;
	v2 =	vld [tilespmem:s7+$0x0]  }
0x432: {  	vm15 =	vlt.s32 v13, $0x1869F;
	v10 =	vtrunc.f32 v9;
	[tilespmem:v11+s2+$0x0] =	vst.idx.add.f32.msk $0xffff, v3;
	v3 =	vtrunc.f32 v4  }
0x433: {  	v7 =	vld [tilespmem:s9+$0xFFFFFFF0];
	v11 =	vsel vm1, $0x3532F4FC, v1;
	v9 =	vcvt.f32.s32 v3;
	v3 =	vnsel vm15, $0x1869F, v13  }
0x434: {  	s10 =	simm.s32 $0x20;
	s11 =	simm.s32 $0x1EA50;
	v10 =	vcvt.f32.s32 v10;
	v4 =	vld [tilespmem:s8+$0xFFFFFFF0];
	v8 =	vmul.f32 v11, v8  }
.LBB2_34:
0x435: {  	v11 =	vld [tilespmem:s11+$0x0];
	s10 =	sadd.s32 $0x20, s10;
	vm0 =	vlt.s32 v9, $0x1869F  }
0x436: {  	v12 =	vld [tilespmem:s11+$0xFFFFFFF0];
	p1 =	slt.u32 s10, $0xDE0;
	vm1 =	vlt.s32 v10, $0x1869F;
	v9 =	vnsel vm0, $0x1869F, v9  }
0x437: {  	v5 =	vsub.f32 v2, v5;
	v13 =	vld [tilespmem:s7+$0xFFFFFFF0];
	v10 =	vnsel vm1, $0x1869F, v10;
	vm0 =	vgt.f32 v6, $5.000000000e-01  }
0x438: {  	s7 =	sadd.s32 $0x20, s7;
	v6 =	vsel vm0, $0x3532F4FC, v1;
	[tilespmem:v3+s2+$0x0] =	vst.idx.add.f32.msk $0xffff, v8;
	v3 =	vmov v10  }
0x439: {  	s8 =	sadd.s32 $0x20, s8;
	v2 =	vld [tilespmem:s7+$0x0];
	vm0 =	vgt.f32 v7, $5.000000000e-01;
	v6 =	vmul.f32 v6, v5  }
.Ltmp18:
0x43a: {  	v5 =	vld [tilespmem:s8+$0x0];
	v7 =	vmul.f32 $1.000000000e+05, v11;
	v8 =	vsel vm0, $0x3532F4FC, v1;
	(pc) =	sbr.rel @p1 .LBB2_34-.Ltmp18, $4  }
0x43b: {  	s9 =	sadd.s32 $0x20, s9;
	v10 =	vmul.f32 $1.000000000e+05, v12;
	[tilespmem:v9+s2+$0x0] =	vst.idx.add.f32.msk $0xffff, v6  }
0x43c: {  	v6 =	vld [tilespmem:s9+$0x0];
	v7 =	vtrunc.f32 v7;
	v11 =	vsub.f32 v13, v4  }
0x43d: {  	v4 =	vld [tilespmem:s8+$0xFFFFFFF0];
	v10 =	vtrunc.f32 v10;
	v9 =	vcvt.f32.s32 v7  }
0x43e: {  	s11 =	sadd.s32 $0x20, s11;
	v7 =	vld [tilespmem:s9+$0xFFFFFFF0];
	v10 =	vcvt.f32.s32 v10;
	v8 =	vmul.f32 v8, v11  }
0x43f: {  	v11 =	vld [tilespmem:s7+$0xFFFFFFF0];
	_ =	sdelay $0x1  }
0x440: {  	vm0 =	vlt.s32 v9, $0x1869F  }
0x441: {  	v9 =	vnsel vm0, $0x1869F, v9;
	vm10 =	vlt.s32 v10, $0x1869F  }
0x442: {  	v2 =	vsub.f32 v2, v5;
	v10 =	vnsel vm10, $0x1869F, v10;
	vm11 =	vgt.f32 v6, $5.000000000e-01  }
0x443: {  	v5 =	vsel vm11, $0x3532F4FC, v1;
	vm12 =	vgt.f32 v7, $5.000000000e-01;
	v4 =	vsub.f32 v11, v4  }
0x444: {  	v2 =	vmul.f32 v5, v2;
	v5 =	vsel vm12, $0x3532F4FC, v1  }
0x445: {  	[tilespmem:v3+s2+$0x0] =	vst.idx.add.f32.msk $0xffff, v8;
	v3 =	vmul.f32 v5, v4  }
0x446: {  	[tilespmem:v9+s2+$0x0] =	vst.idx.add.f32.msk $0xffff, v2  }
0x447: {  	[tilespmem:v10+s2+$0x0] =	vst.idx.add.f32.msk $0xffff, v3  }
0x448: {  	[tilespmem:s29], [sflag:$0x2] =	stream.linear.gather [hbm4b:s12+s2], $0x620, $0x38;
	[tilespmem:$0x1F800] =	vst v63  }
0x449: {  	s8 =	sld [smem:$0x7F9]  }
0x44a: {  	[tilespmem:s30], [sflag:$0x2] =	stream.linear.gather [hbm4b:s13+s2], $0x620, $0x38;
	[tilespmem:$0x1F800] =	vst v63  }
0x44b: {  	_ = 	snop  }
0x44c: {  	[tilespmem:s31], [sflag:$0x2] =	stream.linear.gather [hbm4b:s8+s2], $0x620, $0x38;
	[tilespmem:$0x1F800] =	vst v63  }
0x44d: {  	_ = 	snop  }
0x44e: {  	[tilespmem:s0], [sflag:$0x2] =	stream.linear.gather [hbm4b:s14+s2], $0x620, $0x38;
	[tilespmem:$0x1F800] =	vst v63  }
0x44f: {  	_ =	swait.ge [sflag:s1], $0xE00  }
0x450: {  	[sflag:s1] =	ssyncset.done $0x0  }
0x451: {  	[sflag:s1] =	ssyncadd.s32 $0xFFFFF200  }
0x452: {  	_ =	swait.ge [sflag:s1], $0xE00  }
0x453: {  	[sflag:s1] =	ssyncset.done $0x0  }
0x454: {  	[sflag:s1] =	ssyncadd.s32 $0xFFFFF200  }
0x455: {  	_ =	swait.ge [sflag:s1], $0xE00  }
0x456: {  	[sflag:s1] =	ssyncset.done $0x0  }
0x457: {  	[sflag:s1] =	ssyncadd.s32 $0xFFFFF200  }
0x458: {  	_ =	swait.ge [sflag:s1], $0xE00  }
0x459: {  	[sflag:s1] =	ssyncset.done $0x0  }
0x45a: {  	s9 =	simm.s32 $0x1B210;
	[sflag:s1] =	ssyncadd.s32 $0xFFFFF200  }
0x45b: {  	v2 =	vld [tilespmem:s9+$0x0];
	_ =	sdelay $0x1  }
0x45c: {  	s8 =	simm.s32 $0x18810;
	v3 =	vld [tilespmem:s9+$0xFFFFFFF0]  }
0x45d: {  	s10 =	simm.s32 $0x19610;
	v4 =	vld [tilespmem:s8+$0x0]  }
0x45e: {  	v5 =	vld [tilespmem:s10+$0x0]  }
0x45f: {  	s9 =	simm.s32 $0x1A410;
	v7 =	vld [tilespmem:s10+$0xFFFFFFF0];
	v2 =	vmul.f32 $1.000000000e+05, v2  }
0x460: {  	s11 =	simm.s32 $0x1B230;
	v6 =	vld [tilespmem:s9+$0x0]  }
0x461: {  	v9 =	vld [tilespmem:s11+$0x0];
	v2 =	vtrunc.f32 v2  }
0x462: {  	v10 =	vld [tilespmem:s11+$0xFFFFFFF0];
	v2 =	vcvt.f32.s32 v2  }
0x463: {  	v12 =	vld [tilespmem:s8+$0xFFFFFFF0]  }
0x464: {  	v8 =	vld [tilespmem:s9+$0xFFFFFFF0];
	v3 =	vmul.f32 $1.000000000e+05, v3;
	vm13 =	vlt.s32 v2, $0x1869F  }
0x465: {  	v4 =	vsub.f32 v4, v5;
	vm14 =	vgt.f32 v6, $5.000000000e-01;
	v11 =	vnsel vm13, $0x1869F, v2  }
0x466: {  	s8 =	simm.s32 $0x19630;
	v2 =	vtrunc.f32 v3;
	v3 =	vsel vm14, $0x3532F4FC, v1  }
0x467: {  	s9 =	simm.s32 $0x1A430;
	v5 =	vld [tilespmem:s8+$0x0];
	v13 =	vcvt.f32.s32 v2;
	v3 =	vmul.f32 v3, v4  }
0x468: {  	s7 =	simm.s32 $0x18830;
	v6 =	vld [tilespmem:s9+$0x0];
	v4 =	vmul.f32 $1.000000000e+05, v9;
	v9 =	vmul.f32 $1.000000000e+05, v10  }
0x469: {  	vm1 =	vgt.f32 v8, $5.000000000e-01;
	v8 =	vsub.f32 v12, v7;
	v2 =	vld [tilespmem:s7+$0x0]  }
0x46a: {  	vm15 =	vlt.s32 v13, $0x1869F;
	v10 =	vtrunc.f32 v9;
	[tilespmem:v11+s2+$0x0] =	vst.idx.add.f32.msk $0xffff, v3;
	v3 =	vtrunc.f32 v4  }
0x46b: {  	v7 =	vld [tilespmem:s9+$0xFFFFFFF0];
	v11 =	vsel vm1, $0x3532F4FC, v1;
	v9 =	vcvt.f32.s32 v3;
	v3 =	vnsel vm15, $0x1869F, v13  }
0x46c: {  	s10 =	simm.s32 $0x20;
	s11 =	simm.s32 $0x1B250;
	v10 =	vcvt.f32.s32 v10;
	v4 =	vld [tilespmem:s8+$0xFFFFFFF0];
	v8 =	vmul.f32 v11, v8  }
.LBB2_36:
0x46d: {  	v11 =	vld [tilespmem:s11+$0x0];
	s10 =	sadd.s32 $0x20, s10;
	vm0 =	vlt.s32 v9, $0x1869F  }
0x46e: {  	v12 =	vld [tilespmem:s11+$0xFFFFFFF0];
	p1 =	slt.u32 s10, $0xDE0;
	vm1 =	vlt.s32 v10, $0x1869F;
	v9 =	vnsel vm0, $0x1869F, v9  }
0x46f: {  	v5 =	vsub.f32 v2, v5;
	v13 =	vld [tilespmem:s7+$0xFFFFFFF0];
	v10 =	vnsel vm1, $0x1869F, v10;
	vm0 =	vgt.f32 v6, $5.000000000e-01  }
0x470: {  	s7 =	sadd.s32 $0x20, s7;
	v6 =	vsel vm0, $0x3532F4FC, v1;
	[tilespmem:v3+s2+$0x0] =	vst.idx.add.f32.msk $0xffff, v8;
	v3 =	vmov v10  }
0x471: {  	s8 =	sadd.s32 $0x20, s8;
	v2 =	vld [tilespmem:s7+$0x0];
	vm0 =	vgt.f32 v7, $5.000000000e-01;
	v6 =	vmul.f32 v6, v5  }
.Ltmp19:
0x472: {  	v5 =	vld [tilespmem:s8+$0x0];
	v7 =	vmul.f32 $1.000000000e+05, v11;
	v8 =	vsel vm0, $0x3532F4FC, v1;
	(pc) =	sbr.rel @p1 .LBB2_36-.Ltmp19, $4  }
0x473: {  	s9 =	sadd.s32 $0x20, s9;
	v10 =	vmul.f32 $1.000000000e+05, v12;
	[tilespmem:v9+s2+$0x0] =	vst.idx.add.f32.msk $0xffff, v6  }
0x474: {  	v6 =	vld [tilespmem:s9+$0x0];
	v7 =	vtrunc.f32 v7;
	v11 =	vsub.f32 v13, v4  }
0x475: {  	v4 =	vld [tilespmem:s8+$0xFFFFFFF0];
	v10 =	vtrunc.f32 v10;
	v9 =	vcvt.f32.s32 v7  }
0x476: {  	s11 =	sadd.s32 $0x20, s11;
	v7 =	vld [tilespmem:s9+$0xFFFFFFF0];
	v10 =	vcvt.f32.s32 v10;
	v8 =	vmul.f32 v8, v11  }
0x477: {  	v11 =	vld [tilespmem:s7+$0xFFFFFFF0];
	_ =	sdelay $0x1  }
0x478: {  	vm0 =	vlt.s32 v9, $0x1869F  }
0x479: {  	v9 =	vnsel vm0, $0x1869F, v9;
	vm10 =	vlt.s32 v10, $0x1869F  }
0x47a: {  	v2 =	vsub.f32 v2, v5;
	v10 =	vnsel vm10, $0x1869F, v10;
	vm11 =	vgt.f32 v6, $5.000000000e-01  }
0x47b: {  	v5 =	vsel vm11, $0x3532F4FC, v1;
	vm12 =	vgt.f32 v7, $5.000000000e-01;
	v4 =	vsub.f32 v11, v4  }
0x47c: {  	v2 =	vmul.f32 v5, v2;
	v5 =	vsel vm12, $0x3532F4FC, v1  }
0x47d: {  	[tilespmem:v3+s2+$0x0] =	vst.idx.add.f32.msk $0xffff, v8;
	v3 =	vmul.f32 v5, v4  }
0x47e: {  	[tilespmem:v9+s2+$0x0] =	vst.idx.add.f32.msk $0xffff, v2  }
0x47f: {  	[tilespmem:v10+s2+$0x0] =	vst.idx.add.f32.msk $0xffff, v3  }
0x480: {  	_ =	swait.ge [sflag:s3], $0x620  }
0x481: {  	[sflag:s3] =	ssyncset.done $0x0  }
0x482: {  	[sflag:s3] =	ssyncadd.s32 $0xFFFFF9E0  }
0x483: {  	_ =	swait.ge [sflag:s3], $0x620  }
0x484: {  	[sflag:s3] =	ssyncset.done $0x0  }
0x485: {  	[sflag:s3] =	ssyncadd.s32 $0xFFFFF9E0  }
0x486: {  	_ =	swait.ge [sflag:s3], $0x620  }
0x487: {  	[sflag:s3] =	ssyncset.done $0x0  }
0x488: {  	[sflag:s3] =	ssyncadd.s32 $0xFFFFF9E0  }
0x489: {  	_ =	swait.ge [sflag:s3], $0x620  }
0x48a: {  	[sflag:s3] =	ssyncset.done $0x0  }
0x48b: {  	s9 =	simm.s32 $0x1EA10;
	[sflag:s3] =	ssyncadd.s32 $0xFFFFF9E0  }
0x48c: {  	v2 =	vld [tilespmem:s9+$0x0];
	_ =	sdelay $0x1  }
0x48d: {  	s8 =	simm.s32 $0x1C010;
	v3 =	vld [tilespmem:s9+$0xFFFFFFF0]  }
0x48e: {  	s10 =	simm.s32 $0x1CE10;
	v4 =	vld [tilespmem:s8+$0x0]  }
0x48f: {  	v5 =	vld [tilespmem:s10+$0x0]  }
0x490: {  	s9 =	simm.s32 $0x1DC10;
	v7 =	vld [tilespmem:s10+$0xFFFFFFF0];
	v2 =	vmul.f32 $1.000000000e+05, v2  }
0x491: {  	s11 =	simm.s32 $0x1EA30;
	v6 =	vld [tilespmem:s9+$0x0]  }
0x492: {  	v9 =	vld [tilespmem:s11+$0x0];
	v2 =	vtrunc.f32 v2  }
0x493: {  	v10 =	vld [tilespmem:s11+$0xFFFFFFF0];
	v2 =	vcvt.f32.s32 v2  }
0x494: {  	v12 =	vld [tilespmem:s8+$0xFFFFFFF0]  }
0x495: {  	v8 =	vld [tilespmem:s9+$0xFFFFFFF0];
	v3 =	vmul.f32 $1.000000000e+05, v3;
	vm13 =	vlt.s32 v2, $0x1869F  }
0x496: {  	v4 =	vsub.f32 v4, v5;
	vm14 =	vgt.f32 v6, $5.000000000e-01;
	v11 =	vnsel vm13, $0x1869F, v2  }
0x497: {  	s8 =	simm.s32 $0x1CE30;
	v2 =	vtrunc.f32 v3;
	v3 =	vsel vm14, $0x3532F4FC, v1  }
0x498: {  	s9 =	simm.s32 $0x1DC30;
	v5 =	vld [tilespmem:s8+$0x0];
	v13 =	vcvt.f32.s32 v2;
	v3 =	vmul.f32 v3, v4  }
0x499: {  	s7 =	simm.s32 $0x1C030;
	v6 =	vld [tilespmem:s9+$0x0];
	v4 =	vmul.f32 $1.000000000e+05, v9;
	v9 =	vmul.f32 $1.000000000e+05, v10  }
0x49a: {  	vm1 =	vgt.f32 v8, $5.000000000e-01;
	v8 =	vsub.f32 v12, v7;
	v2 =	vld [tilespmem:s7+$0x0]  }
0x49b: {  	vm15 =	vlt.s32 v13, $0x1869F;
	v10 =	vtrunc.f32 v9;
	[tilespmem:v11+s2+$0x0] =	vst.idx.add.f32.msk $0xffff, v3;
	v3 =	vtrunc.f32 v4  }
0x49c: {  	v7 =	vld [tilespmem:s9+$0xFFFFFFF0];
	v11 =	vsel vm1, $0x3532F4FC, v1;
	v9 =	vcvt.f32.s32 v3;
	v3 =	vnsel vm15, $0x1869F, v13  }
0x49d: {  	s10 =	simm.s32 $0x20;
	s11 =	simm.s32 $0x1EA50;
	v10 =	vcvt.f32.s32 v10;
	v4 =	vld [tilespmem:s8+$0xFFFFFFF0];
	v8 =	vmul.f32 v11, v8  }
.LBB2_38:
0x49e: {  	v11 =	vld [tilespmem:s11+$0x0];
	s10 =	sadd.s32 $0x20, s10;
	vm0 =	vlt.s32 v9, $0x1869F  }
0x49f: {  	v12 =	vld [tilespmem:s11+$0xFFFFFFF0];
	p1 =	slt.u32 s10, $0x600;
	vm1 =	vlt.s32 v10, $0x1869F;
	v9 =	vnsel vm0, $0x1869F, v9  }
0x4a0: {  	v5 =	vsub.f32 v2, v5;
	v13 =	vld [tilespmem:s7+$0xFFFFFFF0];
	v10 =	vnsel vm1, $0x1869F, v10;
	vm0 =	vgt.f32 v6, $5.000000000e-01  }
0x4a1: {  	s7 =	sadd.s32 $0x20, s7;
	v6 =	vsel vm0, $0x3532F4FC, v1;
	[tilespmem:v3+s2+$0x0] =	vst.idx.add.f32.msk $0xffff, v8;
	v3 =	vmov v10  }
0x4a2: {  	s8 =	sadd.s32 $0x20, s8;
	v2 =	vld [tilespmem:s7+$0x0];
	vm0 =	vgt.f32 v7, $5.000000000e-01;
	v6 =	vmul.f32 v6, v5  }
.Ltmp20:
0x4a3: {  	v5 =	vld [tilespmem:s8+$0x0];
	v7 =	vmul.f32 $1.000000000e+05, v11;
	v8 =	vsel vm0, $0x3532F4FC, v1;
	(pc) =	sbr.rel @p1 .LBB2_38-.Ltmp20, $4  }
0x4a4: {  	s9 =	sadd.s32 $0x20, s9;
	v10 =	vmul.f32 $1.000000000e+05, v12;
	[tilespmem:v9+s2+$0x0] =	vst.idx.add.f32.msk $0xffff, v6  }
0x4a5: {  	v6 =	vld [tilespmem:s9+$0x0];
	v7 =	vtrunc.f32 v7;
	v11 =	vsub.f32 v13, v4  }
0x4a6: {  	v4 =	vld [tilespmem:s8+$0xFFFFFFF0];
	v10 =	vtrunc.f32 v10;
	v9 =	vcvt.f32.s32 v7  }
0x4a7: {  	s11 =	sadd.s32 $0x20, s11;
	v7 =	vld [tilespmem:s9+$0xFFFFFFF0];
	v10 =	vcvt.f32.s32 v10;
	v8 =	vmul.f32 v8, v11  }
0x4a8: {  	v11 =	vld [tilespmem:s7+$0xFFFFFFF0];
	_ =	sdelay $0x1  }
0x4a9: {  	vm0 =	vlt.s32 v9, $0x1869F  }
0x4aa: {  	v9 =	vnsel vm0, $0x1869F, v9;
	vm13 =	vlt.s32 v10, $0x1869F  }
0x4ab: {  	v2 =	vsub.f32 v2, v5;
	v10 =	vnsel vm13, $0x1869F, v10;
	vm14 =	vgt.f32 v6, $5.000000000e-01  }
.Ltmp21:
0x4ac: {  	v62 =	vsel vm14, $0x3532F4FC, v1;
	vm15 =	vgt.f32 v7, $5.000000000e-01;
	v4 =	vsub.f32 v11, v4;
	(pc) =	sbr.rel @p0 .LBB2_43-.Ltmp21, $4  }
0x4ad: {  	v2 =	vmul.f32 v62, v2;
	v63 =	vsel vm15, $0x3532F4FC, v1  }
0x4ae: {  	[tilespmem:v3+s2+$0x0] =	vst.idx.add.f32.msk $0xffff, v8;
	v3 =	vmul.f32 v63, v4  }
0x4af: {  	[tilespmem:v9+s2+$0x0] =	vst.idx.add.f32.msk $0xffff, v2  }
0x4b0: {  	[tilespmem:v10+s2+$0x0] =	vst.idx.add.f32.msk $0xffff, v3  }
0x4b1: {  	s7 =	sld [smem:$0x7FA];
	_ =	sdelay $0x1  }
0x4b2: {  	s10 =	sld [smem:$0x7FB]  }
0x4b3: {  	[tilespmem:s24], [sflag:$0x1] =	stream.linear.gather [hbm4b:s7+s2], $0x80, $0x38;
	[tilespmem:$0x1F800] =	vst v63  }
0x4b4: {  	s11 =	sld [smem:$0x7FC]  }
0x4b5: {  	[tilespmem:s25], [sflag:$0x1] =	stream.linear.gather [hbm4b:s10+s2], $0x80, $0x38;
	[tilespmem:$0x1F800] =	vst v63  }
0x4b6: {  	s8 =	sld [smem:$0x7FD]  }
0x4b7: {  	[tilespmem:s26], [sflag:$0x1] =	stream.linear.gather [hbm4b:s11+s2], $0x80, $0x38;
	[tilespmem:$0x1F800] =	vst v63  }
0x4b8: {  	_ = 	snop  }
0x4b9: {  	[tilespmem:s28], [sflag:$0x1] =	stream.linear.gather [hbm4b:s8+s2], $0x80, $0x38;
	[tilespmem:$0x1F800] =	vst v63  }
0x4ba: {  	_ =	swait.ge [sflag:s1], $0x80  }
0x4bb: {  	[sflag:s1] =	ssyncset.done $0x0  }
0x4bc: {  	[sflag:s1] =	ssyncadd.s32 $0xFFFFFF80  }
0x4bd: {  	_ =	swait.ge [sflag:s1], $0x80  }
0x4be: {  	[sflag:s1] =	ssyncset.done $0x0  }
0x4bf: {  	[sflag:s1] =	ssyncadd.s32 $0xFFFFFF80  }
0x4c0: {  	_ =	swait.ge [sflag:s1], $0x80  }
0x4c1: {  	[sflag:s1] =	ssyncset.done $0x0  }
0x4c2: {  	[sflag:s1] =	ssyncadd.s32 $0xFFFFFF80  }
0x4c3: {  	_ =	swait.ge [sflag:s1], $0x80  }
0x4c4: {  	[sflag:s1] =	ssyncset.done $0x0  }
0x4c5: {  	s9 =	simm.s32 $0x1B210;
	[sflag:s1] =	ssyncadd.s32 $0xFFFFFF80  }
0x4c6: {  	v2 =	vld [tilespmem:s9+$0x0];
	_ =	sdelay $0x1  }
0x4c7: {  	s8 =	simm.s32 $0x18810;
	v3 =	vld [tilespmem:s9+$0xFFFFFFF0]  }
0x4c8: {  	s10 =	simm.s32 $0x19610;
	v4 =	vld [tilespmem:s8+$0x0]  }
0x4c9: {  	v5 =	vld [tilespmem:s10+$0x0]  }
0x4ca: {  	s9 =	simm.s32 $0x1A410;
	v7 =	vld [tilespmem:s10+$0xFFFFFFF0];
	v2 =	vmul.f32 $1.000000000e+05, v2  }
0x4cb: {  	s11 =	simm.s32 $0x1B230;
	v6 =	vld [tilespmem:s9+$0x0]  }
0x4cc: {  	v9 =	vld [tilespmem:s11+$0x0];
	v2 =	vtrunc.f32 v2  }
0x4cd: {  	v10 =	vld [tilespmem:s11+$0xFFFFFFF0];
	v2 =	vcvt.f32.s32 v2  }
0x4ce: {  	v12 =	vld [tilespmem:s8+$0xFFFFFFF0]  }
0x4cf: {  	v8 =	vld [tilespmem:s9+$0xFFFFFFF0];
	v3 =	vmul.f32 $1.000000000e+05, v3;
	vm0 =	vlt.s32 v2, $0x1869F  }
0x4d0: {  	v4 =	vsub.f32 v4, v5;
	vm14 =	vgt.f32 v6, $5.000000000e-01;
	v11 =	vnsel vm0, $0x1869F, v2  }
0x4d1: {  	s8 =	simm.s32 $0x19630;
	v2 =	vtrunc.f32 v3;
	v3 =	vsel vm14, $0x3532F4FC, v1  }
0x4d2: {  	s9 =	simm.s32 $0x1A430;
	v5 =	vld [tilespmem:s8+$0x0];
	v13 =	vcvt.f32.s32 v2;
	v3 =	vmul.f32 v3, v4  }
0x4d3: {  	s7 =	simm.s32 $0x18830;
	v6 =	vld [tilespmem:s9+$0x0];
	v4 =	vmul.f32 $1.000000000e+05, v9;
	v9 =	vmul.f32 $1.000000000e+05, v10  }
0x4d4: {  	vm1 =	vgt.f32 v8, $5.000000000e-01;
	v8 =	vsub.f32 v12, v7;
	v2 =	vld [tilespmem:s7+$0x0]  }
0x4d5: {  	vm15 =	vlt.s32 v13, $0x1869F;
	v10 =	vtrunc.f32 v9;
	[tilespmem:v11+s2+$0x0] =	vst.idx.add.f32.msk $0xffff, v3;
	v3 =	vtrunc.f32 v4  }
0x4d6: {  	v7 =	vld [tilespmem:s9+$0xFFFFFFF0];
	v11 =	vsel vm1, $0x3532F4FC, v1;
	v9 =	vcvt.f32.s32 v3;
	v3 =	vnsel vm15, $0x1869F, v13  }
0x4d7: {  	s10 =	simm.s32 $0x20;
	s11 =	simm.s32 $0x1B250;
	v10 =	vcvt.f32.s32 v10;
	v4 =	vld [tilespmem:s8+$0xFFFFFFF0];
	v8 =	vmul.f32 v11, v8  }
.LBB2_41:
0x4d8: {  	v11 =	vld [tilespmem:s11+$0x0];
	s10 =	sadd.s32 $0x20, s10;
	vm0 =	vlt.s32 v9, $0x1869F  }
0x4d9: {  	vm1 =	vlt.s32 v10, $0x1869F;
	v12 =	vld [tilespmem:s11+$0xFFFFFFF0];
	p1 =	slt.u32 s10, $0x60;
	v9 =	vnsel vm0, $0x1869F, v9  }
0x4da: {  	v5 =	vsub.f32 v2, v5;
	v10 =	vnsel vm1, $0x1869F, v10;
	vm0 =	vgt.f32 v6, $5.000000000e-01;
	v13 =	vld [tilespmem:s7+$0xFFFFFFF0]  }
0x4db: {  	v6 =	vsel vm0, $0x3532F4FC, v1;
	s7 =	sadd.s32 $0x20, s7;
	[tilespmem:v3+s2+$0x0] =	vst.idx.add.f32.msk $0xffff, v8;
	v3 =	vmov v10  }
0x4dc: {  	s8 =	sadd.s32 $0x20, s8;
	vm0 =	vgt.f32 v7, $5.000000000e-01;
	v6 =	vmul.f32 v6, v5;
	v2 =	vld [tilespmem:s7+$0x0]  }
.Ltmp22:
0x4dd: {  	v8 =	vsel vm0, $0x3532F4FC, v1;
	v5 =	vld [tilespmem:s8+$0x0];
	v7 =	vmul.f32 $1.000000000e+05, v11;
	(pc) =	sbr.rel @p1 .LBB2_41-.Ltmp22, $4  }
0x4de: {  	s9 =	sadd.s32 $0x20, s9;
	v10 =	vmul.f32 $1.000000000e+05, v12;
	[tilespmem:v9+s2+$0x0] =	vst.idx.add.f32.msk $0xffff, v6  }
0x4df: {  	v6 =	vld [tilespmem:s9+$0x0];
	v7 =	vtrunc.f32 v7;
	v11 =	vsub.f32 v13, v4  }
0x4e0: {  	v4 =	vld [tilespmem:s8+$0xFFFFFFF0];
	v10 =	vtrunc.f32 v10;
	v9 =	vcvt.f32.s32 v7  }
0x4e1: {  	s11 =	sadd.s32 $0x20, s11;
	v7 =	vld [tilespmem:s9+$0xFFFFFFF0];
	v10 =	vcvt.f32.s32 v10;
	v8 =	vmul.f32 v8, v11  }
.Ltmp23:
0x4e2: {  	_ = 	snop;
	(pc) =	sbr.rel .LBB2_42-.Ltmp23, $1  }
0x4e3: {  	_ =	sdelay $0x3  }
.LBB2_44:
0x4e4: {  	_ =	sfence.sel $0x180000  }
0x4e5: {  	[bflag:$0x0] =	sbarrier.arrive $0xFFFF  }
0x4e6: {  	_ =	strace $0x90000047  }
0x4e7: {  	s0 =	stileid.u32;
	[bflag:$0x2] =	sbarrier.arrive $0xFFFF  }
0x4e8: {  	p0 =	sne.s32 s0, $0x0;
	s0 =	rddreg [dreg:$0x4]  }
0x4e9: {  	s0 =	sadd.s32 @!p0 $0x100000, s0  }
0x4ea: {  	[sflag:s0] =	ssyncadd.tile.s32 @!p0 $0x1;
	_ =	shalt  }
.Lfunc_end2:
_tile_overlayer_lowered:
.L_overlay_start_2:
0x4eb: {  	(tag) =	ssettag $0x2  }
0x4ec: {  	s0 =	rddreg [dreg:$0x0];
	s2 =	stileid.u32  }
0x4ed: {  	s1 =	rddreg [dreg:$0x1];
	p0 =	sne.s32 s2, $0x0  }
0x4ee: {  	s3 =	rddreg [dreg:$0x2];
	[bflag:$0x3] =	sbarrier.arrive $0xFFFF;
	s2 =	simm.s32 @!p0 $0x1C03  }
0x4ef: {  	[timem:s3], [sflag:s2] =	dma.local @!p0 [hbm:s0], s1  }
0x4f0: {  	s0 =	simm.s32 @!p0 $0x3  }
0x4f1: {  	_ =	swait.ge @!p0 [sflag:s0], s1  }
0x4f2: {  	s1 =	ssub.s32 @!p0 $0x0, s1;
	[sflag:s0] =	ssyncset.done @!p0 $0x0  }
0x4f3: {  	[sflag:s0] =	ssyncadd.s32 @!p0 s1  }
0x4f4: {  	[bflag:$0x3] =	sbarrier.arrive $0xFFFF  }
0x4f5: {  	_ =	shalt  }

</sc_bundles>
